<compile_context>
chip_gen: v7x
topology: tpu7x:2x2x1
jax: 0.10.2.dev20260603
libtpu: 0.0.44.dev20260713+nightly
codegen_flags: <defaults>
</compile_context>

<pallas_src>
import functools

import jax
import jax.numpy as jnp
from jax import lax
from jax.experimental import pallas as pl
from jax.experimental.pallas import tpu as pltpu
from jax.experimental.pallas import tpu_sc as plsc

N = 10000
E = 320000
D = 128
DF = 144
SEED_NUM = 2000

NC = 2
NS = 16
NW = NC * NS
EPW = E // NW
W = 80
NWIN = EPW // W
NPAD = 10240
RPS = NPAD // NS

SR, SC_ = 128, 128
NSORT = SR * SC_


def _spmm144(row3, col3, src, zeros):
    mesh = plsc.VectorSubcoreMesh(core_axis_name="c", subcore_axis_name="s")

    @functools.partial(
        pl.kernel,
        mesh=mesh,
        compiler_params=pltpu.CompilerParams(use_tc_tiling_on_sc=False),
        out_type=jax.ShapeDtypeStruct((NC, NPAD, DF), jnp.float32),
        scratch_types=[
            pltpu.VMEM((NWIN, W), jnp.int32),
            pltpu.VMEM((NWIN, W), jnp.int32),
            pltpu.VMEM((W, DF), jnp.float32),
            pltpu.VMEM_SHARED((NPAD, DF), jnp.float32),
            pltpu.SemaphoreType.DMA,
        ],
    )
    def k(row_hbm, col_hbm, src_hbm, zero_hbm, out_hbm, rowv, colv, buf, acc,
          sem):
        c = lax.axis_index("c")
        s = lax.axis_index("s")
        wid = c * NS + s
        pltpu.sync_copy(zero_hbm.at[pl.ds(s * RPS, RPS)],
                        acc.at[pl.ds(s * RPS, RPS)])
        pltpu.sync_copy(row_hbm.at[wid], rowv)
        pltpu.sync_copy(col_hbm.at[wid], colv)
        plsc.subcore_barrier()

        @pl.loop(0, NWIN)
        def _(j):
            pltpu.async_copy(src_hbm.at[colv.at[j]], buf, sem).wait()
            pltpu.sync_copy(buf, acc.at[rowv.at[j]], add=True)

        plsc.subcore_barrier()
        pltpu.sync_copy(acc.at[pl.ds(s * RPS, RPS)],
                        out_hbm.at[c, pl.ds(s * RPS, RPS)])

    return k(row3, col3, src, zeros)


BR = 2000


def _mid_body(p_ref, x_ref, o_ref):
    ssum = p_ref[0] + p_ref[1]
    o_ref[:, :D] = ssum[:, :D] - x_ref[...]
    o_ref[:, D:] = ssum[:, D:]


def _mid(p1, x):
    return pl.pallas_call(
        _mid_body,
        grid=(N // BR,),
        in_specs=[
            pl.BlockSpec((2, BR, DF), lambda i: (0, i, 0)),
            pl.BlockSpec((BR, D), lambda i: (i, 0)),
        ],
        out_specs=pl.BlockSpec((BR, DF), lambda i: (i, 0)),
        out_shape=jax.ShapeDtypeStruct((N, DF), jnp.float32),
    )(p1, x)


def _rowsum(a):
    acc = jnp.zeros((a.shape[0], 8), jnp.float32)
    for i in range(16):
        acc = acc + a[:, 8 * i:8 * i + 8]
    c4 = acc[:, :4] + acc[:, 4:]
    c2 = c4[:, :2] + c4[:, 2:]
    return c2[:, 0:1] + c2[:, 1:2]


def _final_body(p_ref, s2_ref, x_ref, n_ref, o_ref):
    ssum = p_ref[0] + p_ref[1]
    zv = ssum[:, :D]
    wv = ssum[:, D:D + 1]
    yv = s2_ref[:, :D]
    dv = s2_ref[:, D:D + 1]
    xv = x_ref[...]
    scd = (zv - yv) - dv * xv
    num = yv + scd
    den = (dv + ((wv - dv) - dv)) + 1e-8
    sub = num / den
    sn = _rowsum(sub * sub)
    subn = sub / jnp.maximum(jnp.sqrt(sn), 1e-12)
    tn = _rowsum(xv * xv)
    xu = xv / jnp.maximum(jnp.sqrt(tn), 1e-12)
    dot = _rowsum(subn * xu)
    o_ref[...] = jnp.log(jax.nn.sigmoid(dot)) + n_ref[...]


def _final(p2, src2, x, noise_col):
    return pl.pallas_call(
        _final_body,
        grid=(N // BR,),
        in_specs=[
            pl.BlockSpec((2, BR, DF), lambda i: (0, i, 0)),
            pl.BlockSpec((BR, DF), lambda i: (i, 0)),
            pl.BlockSpec((BR, D), lambda i: (i, 0)),
            pl.BlockSpec((BR, 1), lambda i: (i, 0)),
        ],
        out_specs=pl.BlockSpec((BR, 1), lambda i: (i, 0)),
        out_shape=jax.ShapeDtypeStruct((N, 1), jnp.float32),
    )(p2, src2, x, noise_col)


def _sort_partner(a, d):
    if d >= SC_:
        dr = d // SC_
        lo = jnp.roll(a, -dr, axis=0)
        hi = jnp.roll(a, dr, axis=0)
        bit = (lax.broadcasted_iota(jnp.int32, (SR, SC_), 0) & dr) != 0
    else:
        lo = jnp.roll(a, -d, axis=1)
        hi = jnp.roll(a, d, axis=1)
        bit = (lax.broadcasted_iota(jnp.int32, (SR, SC_), 1) & d) != 0
    return jnp.where(bit, hi, lo)


def _sort_body(k_ref, oi_ref):
    K = k_ref[...]
    r = lax.broadcasted_iota(jnp.int32, (SR, SC_), 0)
    c = lax.broadcasted_iota(jnp.int32, (SR, SC_), 1)
    g = r * SC_ + c
    I = g
    for m in range(1, 15):
        blk = 1 << m
        flip = (g & blk) != 0
        for p in range(m - 1, -1, -1):
            d = 1 << p
            PK = _sort_partner(K, d)
            PI = _sort_partner(I, d)
            upper = (g & d) != 0
            better = (PK > K) | ((PK == K) & (PI < I))
            take = better ^ upper ^ flip
            K = jnp.where(take, PK, K)
            I = jnp.where(take, PI, I)
    oi_ref[...] = I


def _sort(keys):
    return pl.pallas_call(
        _sort_body,
        out_shape=jax.ShapeDtypeStruct((SR, SC_), jnp.int32),
    )(keys)


def kernel(edge_index, embeds):
    row3 = edge_index[0].reshape(NW, NWIN, W)
    col3 = edge_index[1].reshape(NW, NWIN, W)
    ones16 = jnp.ones((N, 16), jnp.float32)
    src1 = jnp.concatenate([embeds, ones16], axis=1)
    zeros = jnp.zeros((NPAD, DF), jnp.float32)

    p1 = _spmm144(row3, col3, src1, zeros)
    src2 = _mid(p1, embeds)
    p2 = _spmm144(row3, col3, src2, zeros)

    u = jax.random.uniform(jax.random.key(1), (N,), dtype=jnp.float32)
    u = jnp.where(u == 0, 1e-8, u)
    noise = -jnp.log(-jnp.log(u))

    scores = _final(p2, src2, embeds, noise.reshape(N, 1)).reshape(N)

    pad = jnp.full((NSORT - N,), -jnp.inf, dtype=jnp.float32)
    keys = jnp.concatenate([scores, pad]).reshape(SR, SC_)
    sidx = _sort(keys)
    seeds = sidx.reshape(-1)[:SEED_NUM]
    return scores, seeds

# --- scband reference (transcript-rebuilt; emitter-appended) ---
"""Pipeline reference for scband-local-graph-3599182594506 (READ-ONLY COPY).

The authoritative reference and input builder live on the scoring server;
editing this copy changes nothing except your own understanding.
"""

import jax, jax.numpy as jnp
import numpy as np

N = 10000
E = 320000
D = 128
SEED_NUM = 2000


def setup_inputs(seed: int = 0) -> dict:
    key = jax.random.key(seed)
    k1, k2 = jax.random.split(key)
    edge_index = jax.random.randint(k1, (2, E), 0, N, dtype=jnp.int32)
    embeds = jax.random.normal(k2, (N, D), dtype=jnp.float32)
    return {"edge_index": edge_index, "embeds": embeds}


def _spmm(edge_index, x):
    # torch.spmm(allOneAdj, x): row i sums x[j] over edges (i, j)
    row = edge_index[0]
    col = edge_index[1]
    return jax.ops.segment_sum(x[col], row, num_segments=N)


def _l2norm(v):
    # F.normalize(v, p=2, dim=1) with eps=1e-12
    n = jnp.sqrt(jnp.sum(v * v, axis=1, keepdims=True))
    return v / jnp.maximum(n, 1e-12)


def reference(edge_index, embeds):
    row = edge_index[0]
    ones = jnp.ones((edge_index.shape[1],), dtype=jnp.float32)
    # order = t.sparse.sum(allOneAdj, dim=-1).to_dense().view([-1, 1])
    order = jax.ops.segment_sum(ones, row, num_segments=N).reshape(-1, 1)
    fstEmbeds = _spmm(edge_index, embeds) - embeds
    fstNum = order
    scdEmbeds = _spmm(edge_index, fstEmbeds) - fstEmbeds - order * embeds
    scdNum = _spmm(edge_index, fstNum) - fstNum - order
    subgraphEmbeds = (fstEmbeds + scdEmbeds) / (fstNum + scdNum + 1e-08)
    subgraphEmbeds = _l2norm(subgraphEmbeds)
    embeds_n = _l2norm(embeds)
    scores = jax.nn.sigmoid(jnp.sum(subgraphEmbeds * embeds_n, axis=-1))
    # makeNoise: gumbel perturbation (fixed key for determinism)
    noise = jax.random.uniform(jax.random.key(1), scores.shape, dtype=jnp.float32)
    noise = jnp.where(noise == 0, 1e-08, noise)
    noise = -jnp.log(-jnp.log(noise))
    scores = jnp.log(scores) + noise
    _, seeds = jax.lax.top_k(scores, SEED_NUM)
    return scores, seeds

if __name__ == "__main__":
    import jax
    _d = setup_inputs()
    print(jax.jit(kernel)(*tuple(_d.values())))

</pallas_src>

<mosaic_0001>
#map = affine_map<(d0, d1) -> (0, 0, 0)>
#map1 = affine_map<(d0, d1) -> (0, 0)>
module attributes {stable_mosaic.version = 14 : i64} {
  func.func @k(%arg0: i32, %arg1: i32, %arg2: memref<32x125x80xi32, #tpu.memory_space<hbm>>, %arg3: memref<32x125x80xi32, #tpu.memory_space<hbm>>, %arg4: memref<10000x144xf32, #tpu.memory_space<hbm>>, %arg5: memref<10240x144xf32, #tpu.memory_space<hbm>>, %arg6: memref<2x10240x144xf32, #tpu.memory_space<hbm>>, %arg7: memref<125x80xi32, #tpu.memory_space<vmem>>, %arg8: memref<125x80xi32, #tpu.memory_space<vmem>>, %arg9: memref<80x144xf32, #tpu.memory_space<vmem>>, %arg10: memref<10240x144xf32, #tpu.memory_space<vmem_shared>>, %arg11: memref<!tpu.dma_semaphore, #tpu.memory_space<semaphore_mem>>) attributes {dimension_semantics = [#tpu.dimension_semantics<core_parallel>, #tpu.dimension_semantics<subcore_parallel>], iteration_bounds = array<i64: 2, 16>, scalar_prefetch = 0 : i64, scratch_operands = 5 : i64, tpu.core_type = #tpu.core_type<sc_vector_subcore>, window_params = [{transform_indices = #map}, {transform_indices = #map}, {transform_indices = #map1}, {transform_indices = #map1}, {transform_indices = #map}]} {
    %mul3A = arith.constant 16 : i32
    %mul3A_0 = arith.muli %arg0, %mul3A : i32
    %add3A = arith.addi %mul3A_0, %arg1 : i32
    %mul3A_1 = arith.constant 640 : i32
    %mul3A_2 = arith.muli %arg1, %mul3A_1 : i32
    %mul3A_3 = arith.constant 640 : i32
    %mul3A_4 = arith.muli %arg1, %mul3A_3 : i32
    "tpu.region"() ({
      %run_scoped3A = tpu.sem_alloc : memref<!tpu.dma_semaphore, #tpu.memory_space<semaphore_mem>>
      %dma_start3A = arith.constant 0 : i32
      %dma_start3A_14 = tpu.memref_slice %arg10[%mul3A_4, %dma_start3A] : memref<10240x144xf32, #tpu.memory_space<vmem_shared>> -> memref<640x144xf32, #tpu.memory_space<vmem_shared>>
      %dma_start3A_15 = arith.constant 0 : i32
      %dma_start3A_16 = tpu.memref_slice %arg5[%mul3A_2, %dma_start3A_15] : memref<10240x144xf32, #tpu.memory_space<hbm>> -> memref<640x144xf32, #tpu.memory_space<hbm>>
      tpu.enqueue_dma source(%dma_start3A_16 : memref<640x144xf32, #tpu.memory_space<hbm>>) target(%dma_start3A_14 : memref<640x144xf32, #tpu.memory_space<vmem_shared>>) target_semaphore(%run_scoped3A : memref<!tpu.dma_semaphore, #tpu.memory_space<semaphore_mem>>)
      %dma_wait3A = arith.constant 0 : i32
      %dma_wait3A_17 = tpu.memref_slice %arg10[%mul3A_4, %dma_wait3A] : memref<10240x144xf32, #tpu.memory_space<vmem_shared>> -> memref<640x144xf32, #tpu.memory_space<vmem_shared>>
      %dma_wait3A_18 = arith.constant 0 : i32
      %dma_wait3A_19 = tpu.memref_slice %arg5[%mul3A_2, %dma_wait3A_18] : memref<10240x144xf32, #tpu.memory_space<hbm>> -> memref<640x144xf32, #tpu.memory_space<hbm>>
      tpu.wait_dma2 semaphore(%run_scoped3A : memref<!tpu.dma_semaphore, #tpu.memory_space<semaphore_mem>>) src(%dma_wait3A_19 : memref<640x144xf32, #tpu.memory_space<hbm>>) dst(%dma_wait3A_17 : memref<640x144xf32, #tpu.memory_space<vmem_shared>>)
      tpu.yield
    }) : () -> ()
    "tpu.region"() ({
      %run_scoped3A = tpu.sem_alloc : memref<!tpu.dma_semaphore, #tpu.memory_space<semaphore_mem>>
      %dma_start3A = arith.constant 0 : i32
      %dma_start3A_14 = arith.constant 0 : i32
      %dma_start3A_15 = tpu.memref_slice %arg2[%add3A, %dma_start3A, %dma_start3A_14] : memref<32x125x80xi32, #tpu.memory_space<hbm>> -> memref<1x125x80xi32, #tpu.memory_space<hbm>>
      %dma_start3A_16 = tpu.memref_squeeze %dma_start3A_15 : memref<1x125x80xi32, #tpu.memory_space<hbm>> -> memref<125x80xi32, #tpu.memory_space<hbm>>
      %dma_start3A_17 = arith.constant 0 : i32
      %dma_start3A_18 = arith.constant 0 : i32
      %dma_start3A_19 = tpu.memref_slice %arg2[%add3A, %dma_start3A_17, %dma_start3A_18] : memref<32x125x80xi32, #tpu.memory_space<hbm>> -> memref<1x125x80xi32, #tpu.memory_space<hbm>>
      %dma_start3A_20 = tpu.memref_squeeze %dma_start3A_19 : memref<1x125x80xi32, #tpu.memory_space<hbm>> -> memref<125x80xi32, #tpu.memory_space<hbm>>
      tpu.enqueue_dma source(%dma_start3A_20 : memref<125x80xi32, #tpu.memory_space<hbm>>) target(%arg7 : memref<125x80xi32, #tpu.memory_space<vmem>>) target_semaphore(%run_scoped3A : memref<!tpu.dma_semaphore, #tpu.memory_space<semaphore_mem>>)
      %dma_wait3A = arith.constant 0 : i32
      %dma_wait3A_21 = arith.constant 0 : i32
      %dma_wait3A_22 = tpu.memref_slice %arg2[%add3A, %dma_wait3A, %dma_wait3A_21] : memref<32x125x80xi32, #tpu.memory_space<hbm>> -> memref<1x125x80xi32, #tpu.memory_space<hbm>>
      %dma_wait3A_23 = tpu.memref_squeeze %dma_wait3A_22 : memref<1x125x80xi32, #tpu.memory_space<hbm>> -> memref<125x80xi32, #tpu.memory_space<hbm>>
      %dma_wait3A_24 = arith.constant 0 : i32
      %dma_wait3A_25 = arith.constant 0 : i32
      %dma_wait3A_26 = tpu.memref_slice %arg2[%add3A, %dma_wait3A_24, %dma_wait3A_25] : memref<32x125x80xi32, #tpu.memory_space<hbm>> -> memref<1x125x80xi32, #tpu.memory_space<hbm>>
      %dma_wait3A_27 = tpu.memref_squeeze %dma_wait3A_26 : memref<1x125x80xi32, #tpu.memory_space<hbm>> -> memref<125x80xi32, #tpu.memory_space<hbm>>
      tpu.wait_dma2 semaphore(%run_scoped3A : memref<!tpu.dma_semaphore, #tpu.memory_space<semaphore_mem>>) src(%dma_wait3A_27 : memref<125x80xi32, #tpu.memory_space<hbm>>) dst(%arg7 : memref<125x80xi32, #tpu.memory_space<vmem>>)
      tpu.yield
    }) : () -> ()
    "tpu.region"() ({
      %run_scoped3A = tpu.sem_alloc : memref<!tpu.dma_semaphore, #tpu.memory_space<semaphore_mem>>
      %dma_start3A = arith.constant 0 : i32
      %dma_start3A_14 = arith.constant 0 : i32
      %dma_start3A_15 = tpu.memref_slice %arg3[%add3A, %dma_start3A, %dma_start3A_14] : memref<32x125x80xi32, #tpu.memory_space<hbm>> -> memref<1x125x80xi32, #tpu.memory_space<hbm>>
      %dma_start3A_16 = tpu.memref_squeeze %dma_start3A_15 : memref<1x125x80xi32, #tpu.memory_space<hbm>> -> memref<125x80xi32, #tpu.memory_space<hbm>>
      %dma_start3A_17 = arith.constant 0 : i32
      %dma_start3A_18 = arith.constant 0 : i32
      %dma_start3A_19 = tpu.memref_slice %arg3[%add3A, %dma_start3A_17, %dma_start3A_18] : memref<32x125x80xi32, #tpu.memory_space<hbm>> -> memref<1x125x80xi32, #tpu.memory_space<hbm>>
      %dma_start3A_20 = tpu.memref_squeeze %dma_start3A_19 : memref<1x125x80xi32, #tpu.memory_space<hbm>> -> memref<125x80xi32, #tpu.memory_space<hbm>>
      tpu.enqueue_dma source(%dma_start3A_20 : memref<125x80xi32, #tpu.memory_space<hbm>>) target(%arg8 : memref<125x80xi32, #tpu.memory_space<vmem>>) target_semaphore(%run_scoped3A : memref<!tpu.dma_semaphore, #tpu.memory_space<semaphore_mem>>)
      %dma_wait3A = arith.constant 0 : i32
      %dma_wait3A_21 = arith.constant 0 : i32
      %dma_wait3A_22 = tpu.memref_slice %arg3[%add3A, %dma_wait3A, %dma_wait3A_21] : memref<32x125x80xi32, #tpu.memory_space<hbm>> -> memref<1x125x80xi32, #tpu.memory_space<hbm>>
      %dma_wait3A_23 = tpu.memref_squeeze %dma_wait3A_22 : memref<1x125x80xi32, #tpu.memory_space<hbm>> -> memref<125x80xi32, #tpu.memory_space<hbm>>
      %dma_wait3A_24 = arith.constant 0 : i32
      %dma_wait3A_25 = arith.constant 0 : i32
      %dma_wait3A_26 = tpu.memref_slice %arg3[%add3A, %dma_wait3A_24, %dma_wait3A_25] : memref<32x125x80xi32, #tpu.memory_space<hbm>> -> memref<1x125x80xi32, #tpu.memory_space<hbm>>
      %dma_wait3A_27 = tpu.memref_squeeze %dma_wait3A_26 : memref<1x125x80xi32, #tpu.memory_space<hbm>> -> memref<125x80xi32, #tpu.memory_space<hbm>>
      tpu.wait_dma2 semaphore(%run_scoped3A : memref<!tpu.dma_semaphore, #tpu.memory_space<semaphore_mem>>) src(%dma_wait3A_27 : memref<125x80xi32, #tpu.memory_space<hbm>>) dst(%arg8 : memref<125x80xi32, #tpu.memory_space<vmem>>)
      tpu.yield
    }) : () -> ()
    %barrier3A = arith.constant 0 : index
    tpu.barrier barrier_id(%barrier3A)
    %scan3A = arith.constant 0 : i32
    %scan3A_5 = arith.constant 125 : i32
    %scan3A_6 = arith.addi %scan3A, %scan3A_5 : i32
    %scan3A_7 = arith.constant 1 : i32
    scf.for %scan3A_14 = %scan3A to %scan3A_6 step %scan3A_7  : i32 {
      %mul3A_15 = arith.constant 1 : i32
      %mul3A_16 = arith.muli %scan3A_14, %mul3A_15 : i32
      %add3A_17 = arith.constant 0 : i32
      %add3A_18 = arith.addi %add3A_17, %mul3A_16 : i32
      %dma_start3A = arith.constant 0 : i32
      %dma_start3A_19 = tpu.memref_slice %arg8[%add3A_18, %dma_start3A] : memref<125x80xi32, #tpu.memory_space<vmem>> -> memref<1x80xi32, #tpu.memory_space<vmem>>
      %dma_start3A_20 = tpu.memref_squeeze %dma_start3A_19 : memref<1x80xi32, #tpu.memory_space<vmem>> -> memref<80xi32, #tpu.memory_space<vmem>>
      %dma_start3A_21 = arith.constant 0 : i32
      %dma_start3A_22 = arith.constant 0 : i32
      %dma_start3A_23 = tpu.memref_slice %arg4[%dma_start3A_21, %dma_start3A_22] : memref<10000x144xf32, #tpu.memory_space<hbm>> -> memref<10000x144xf32, #tpu.memory_space<hbm>>
      tpu.enqueue_indirect_dma source(%dma_start3A_23 : memref<10000x144xf32, #tpu.memory_space<hbm>>) target(%arg9 : memref<80x144xf32, #tpu.memory_space<vmem>>) offsets(%dma_start3A_20 : memref<80xi32, #tpu.memory_space<vmem>>) semaphore(%arg11 : memref<!tpu.dma_semaphore, #tpu.memory_space<semaphore_mem>>)
      %dma_wait3A = arith.constant 0 : i32
      %dma_wait3A_24 = tpu.memref_slice %arg8[%add3A_18, %dma_wait3A] : memref<125x80xi32, #tpu.memory_space<vmem>> -> memref<1x80xi32, #tpu.memory_space<vmem>>
      %dma_wait3A_25 = tpu.memref_squeeze %dma_wait3A_24 : memref<1x80xi32, #tpu.memory_space<vmem>> -> memref<80xi32, #tpu.memory_space<vmem>>
      %dma_wait3A_26 = arith.constant 0 : i32
      %dma_wait3A_27 = arith.constant 0 : i32
      %dma_wait3A_28 = tpu.memref_slice %arg4[%dma_wait3A_26, %dma_wait3A_27] : memref<10000x144xf32, #tpu.memory_space<hbm>> -> memref<10000x144xf32, #tpu.memory_space<hbm>>
      tpu.wait_indirect_dma semaphore(%arg11 : memref<!tpu.dma_semaphore, #tpu.memory_space<semaphore_mem>>) src(%dma_wait3A_28 : memref<10000x144xf32, #tpu.memory_space<hbm>>) dst(%arg9 : memref<80x144xf32, #tpu.memory_space<vmem>>)
      "tpu.region"() ({
        %run_scoped3A = tpu.sem_alloc : memref<!tpu.dma_semaphore, #tpu.memory_space<semaphore_mem>>
        %dma_start3A_29 = arith.constant 0 : i32
        %dma_start3A_30 = tpu.memref_slice %arg7[%add3A_18, %dma_start3A_29] : memref<125x80xi32, #tpu.memory_space<vmem>> -> memref<1x80xi32, #tpu.memory_space<vmem>>
        %dma_start3A_31 = tpu.memref_squeeze %dma_start3A_30 : memref<1x80xi32, #tpu.memory_space<vmem>> -> memref<80xi32, #tpu.memory_space<vmem>>
        %dma_start3A_32 = arith.constant 0 : i32
        %dma_start3A_33 = arith.constant 0 : i32
        %dma_start3A_34 = tpu.memref_slice %arg10[%dma_start3A_32, %dma_start3A_33] : memref<10240x144xf32, #tpu.memory_space<vmem_shared>> -> memref<10240x144xf32, #tpu.memory_space<vmem_shared>>
        tpu.enqueue_indirect_dma source(%arg9 : memref<80x144xf32, #tpu.memory_space<vmem>>) target(%dma_start3A_34 : memref<10240x144xf32, #tpu.memory_space<vmem_shared>>) offsets(%dma_start3A_31 : memref<80xi32, #tpu.memory_space<vmem>>) semaphore(%run_scoped3A : memref<!tpu.dma_semaphore, #tpu.memory_space<semaphore_mem>>) {add = true}
        %dma_wait3A_35 = arith.constant 0 : i32
        %dma_wait3A_36 = tpu.memref_slice %arg7[%add3A_18, %dma_wait3A_35] : memref<125x80xi32, #tpu.memory_space<vmem>> -> memref<1x80xi32, #tpu.memory_space<vmem>>
        %dma_wait3A_37 = tpu.memref_squeeze %dma_wait3A_36 : memref<1x80xi32, #tpu.memory_space<vmem>> -> memref<80xi32, #tpu.memory_space<vmem>>
        %dma_wait3A_38 = arith.constant 0 : i32
        %dma_wait3A_39 = arith.constant 0 : i32
        %dma_wait3A_40 = tpu.memref_slice %arg10[%dma_wait3A_38, %dma_wait3A_39] : memref<10240x144xf32, #tpu.memory_space<vmem_shared>> -> memref<10240x144xf32, #tpu.memory_space<vmem_shared>>
        tpu.wait_indirect_dma semaphore(%run_scoped3A : memref<!tpu.dma_semaphore, #tpu.memory_space<semaphore_mem>>) src(%arg9 : memref<80x144xf32, #tpu.memory_space<vmem>>) dst(%dma_wait3A_40 : memref<10240x144xf32, #tpu.memory_space<vmem_shared>>)
        tpu.yield
      }) : () -> ()
    }
    %scan3A_8 = arith.constant 125 : i32
    %barrier3A_9 = arith.constant 0 : index
    tpu.barrier barrier_id(%barrier3A_9)
    %mul3A_10 = arith.constant 640 : i32
    %mul3A_11 = arith.muli %arg1, %mul3A_10 : i32
    %mul3A_12 = arith.constant 640 : i32
    %mul3A_13 = arith.muli %arg1, %mul3A_12 : i32
    "tpu.region"() ({
      %run_scoped3A = tpu.sem_alloc : memref<!tpu.dma_semaphore, #tpu.memory_space<semaphore_mem>>
      %dma_start3A = arith.constant 0 : i32
      %dma_start3A_14 = tpu.memref_slice %arg6[%arg0, %mul3A_13, %dma_start3A] : memref<2x10240x144xf32, #tpu.memory_space<hbm>> -> memref<1x640x144xf32, #tpu.memory_space<hbm>>
      %dma_start3A_15 = tpu.memref_squeeze %dma_start3A_14 : memref<1x640x144xf32, #tpu.memory_space<hbm>> -> memref<640x144xf32, #tpu.memory_space<hbm>>
      %dma_start3A_16 = arith.constant 0 : i32
      %dma_start3A_17 = tpu.memref_slice %arg10[%mul3A_11, %dma_start3A_16] : memref<10240x144xf32, #tpu.memory_space<vmem_shared>> -> memref<640x144xf32, #tpu.memory_space<vmem_shared>>
      tpu.enqueue_dma source(%dma_start3A_17 : memref<640x144xf32, #tpu.memory_space<vmem_shared>>) target(%dma_start3A_15 : memref<640x144xf32, #tpu.memory_space<hbm>>) target_semaphore(%run_scoped3A : memref<!tpu.dma_semaphore, #tpu.memory_space<semaphore_mem>>)
      %dma_wait3A = arith.constant 0 : i32
      %dma_wait3A_18 = tpu.memref_slice %arg6[%arg0, %mul3A_13, %dma_wait3A] : memref<2x10240x144xf32, #tpu.memory_space<hbm>> -> memref<1x640x144xf32, #tpu.memory_space<hbm>>
      %dma_wait3A_19 = tpu.memref_squeeze %dma_wait3A_18 : memref<1x640x144xf32, #tpu.memory_space<hbm>> -> memref<640x144xf32, #tpu.memory_space<hbm>>
      %dma_wait3A_20 = arith.constant 0 : i32
      %dma_wait3A_21 = tpu.memref_slice %arg10[%mul3A_11, %dma_wait3A_20] : memref<10240x144xf32, #tpu.memory_space<vmem_shared>> -> memref<640x144xf32, #tpu.memory_space<vmem_shared>>
      tpu.wait_dma2 semaphore(%run_scoped3A : memref<!tpu.dma_semaphore, #tpu.memory_space<semaphore_mem>>) src(%dma_wait3A_21 : memref<640x144xf32, #tpu.memory_space<vmem_shared>>) dst(%dma_wait3A_19 : memref<640x144xf32, #tpu.memory_space<hbm>>)
      tpu.yield
    }) : () -> ()
    return
  }
}

#map = affine_map<(d0, d1) -> (0, 0, 0)>
#map1 = affine_map<(d0, d1) -> (0, 0)>
module attributes {stable_mosaic.version = 14 : i64} {
  func.func @k(%arg0: i32, %arg1: i32, %arg2: memref<32x125x80xi32, #tpu.memory_space<hbm>>, %arg3: memref<32x125x80xi32, #tpu.memory_space<hbm>>, %arg4: memref<10000x144xf32, #tpu.memory_space<hbm>>, %arg5: memref<10240x144xf32, #tpu.memory_space<hbm>>, %arg6: memref<2x10240x144xf32, #tpu.memory_space<hbm>>, %arg7: memref<125x80xi32, #tpu.memory_space<vmem>>, %arg8: memref<125x80xi32, #tpu.memory_space<vmem>>, %arg9: memref<80x144xf32, #tpu.memory_space<vmem>>, %arg10: memref<10240x144xf32, #tpu.memory_space<vmem_shared>>, %arg11: memref<!tpu.dma_semaphore, #tpu.memory_space<semaphore_mem>>) attributes {dimension_semantics = [#tpu.dimension_semantics<core_parallel>, #tpu.dimension_semantics<subcore_parallel>], iteration_bounds = array<i64: 2, 16>, scalar_prefetch = 0 : i64, scratch_operands = 5 : i64, tpu.core_type = #tpu.core_type<sc_vector_subcore>, window_params = [{transform_indices = #map}, {transform_indices = #map}, {transform_indices = #map1}, {transform_indices = #map1}, {transform_indices = #map}]} {
    %mul3A = arith.constant 16 : i32
    %mul3A_0 = arith.muli %arg0, %mul3A : i32
    %add3A = arith.addi %mul3A_0, %arg1 : i32
    %mul3A_1 = arith.constant 640 : i32
    %mul3A_2 = arith.muli %arg1, %mul3A_1 : i32
    %mul3A_3 = arith.constant 640 : i32
    %mul3A_4 = arith.muli %arg1, %mul3A_3 : i32
    "tpu.region"() ({
      %run_scoped3A = tpu.sem_alloc : memref<!tpu.dma_semaphore, #tpu.memory_space<semaphore_mem>>
      %dma_start3A = arith.constant 0 : i32
      %dma_start3A_14 = tpu.memref_slice %arg10[%mul3A_4, %dma_start3A] : memref<10240x144xf32, #tpu.memory_space<vmem_shared>> -> memref<640x144xf32, #tpu.memory_space<vmem_shared>>
      %dma_start3A_15 = arith.constant 0 : i32
      %dma_start3A_16 = tpu.memref_slice %arg5[%mul3A_2, %dma_start3A_15] : memref<10240x144xf32, #tpu.memory_space<hbm>> -> memref<640x144xf32, #tpu.memory_space<hbm>>
      tpu.enqueue_dma source(%dma_start3A_16 : memref<640x144xf32, #tpu.memory_space<hbm>>) target(%dma_start3A_14 : memref<640x144xf32, #tpu.memory_space<vmem_shared>>) target_semaphore(%run_scoped3A : memref<!tpu.dma_semaphore, #tpu.memory_space<semaphore_mem>>)
      %dma_wait3A = arith.constant 0 : i32
      %dma_wait3A_17 = tpu.memref_slice %arg10[%mul3A_4, %dma_wait3A] : memref<10240x144xf32, #tpu.memory_space<vmem_shared>> -> memref<640x144xf32, #tpu.memory_space<vmem_shared>>
      %dma_wait3A_18 = arith.constant 0 : i32
      %dma_wait3A_19 = tpu.memref_slice %arg5[%mul3A_2, %dma_wait3A_18] : memref<10240x144xf32, #tpu.memory_space<hbm>> -> memref<640x144xf32, #tpu.memory_space<hbm>>
      tpu.wait_dma2 semaphore(%run_scoped3A : memref<!tpu.dma_semaphore, #tpu.memory_space<semaphore_mem>>) src(%dma_wait3A_19 : memref<640x144xf32, #tpu.memory_space<hbm>>) dst(%dma_wait3A_17 : memref<640x144xf32, #tpu.memory_space<vmem_shared>>)
      tpu.yield
    }) : () -> ()
    "tpu.region"() ({
      %run_scoped3A = tpu.sem_alloc : memref<!tpu.dma_semaphore, #tpu.memory_space<semaphore_mem>>
      %dma_start3A = arith.constant 0 : i32
      %dma_start3A_14 = arith.constant 0 : i32
      %dma_start3A_15 = tpu.memref_slice %arg2[%add3A, %dma_start3A, %dma_start3A_14] : memref<32x125x80xi32, #tpu.memory_space<hbm>> -> memref<1x125x80xi32, #tpu.memory_space<hbm>>
      %dma_start3A_16 = tpu.memref_squeeze %dma_start3A_15 : memref<1x125x80xi32, #tpu.memory_space<hbm>> -> memref<125x80xi32, #tpu.memory_space<hbm>>
      %dma_start3A_17 = arith.constant 0 : i32
      %dma_start3A_18 = arith.constant 0 : i32
      %dma_start3A_19 = tpu.memref_slice %arg2[%add3A, %dma_start3A_17, %dma_start3A_18] : memref<32x125x80xi32, #tpu.memory_space<hbm>> -> memref<1x125x80xi32, #tpu.memory_space<hbm>>
      %dma_start3A_20 = tpu.memref_squeeze %dma_start3A_19 : memref<1x125x80xi32, #tpu.memory_space<hbm>> -> memref<125x80xi32, #tpu.memory_space<hbm>>
      tpu.enqueue_dma source(%dma_start3A_20 : memref<125x80xi32, #tpu.memory_space<hbm>>) target(%arg7 : memref<125x80xi32, #tpu.memory_space<vmem>>) target_semaphore(%run_scoped3A : memref<!tpu.dma_semaphore, #tpu.memory_space<semaphore_mem>>)
      %dma_wait3A = arith.constant 0 : i32
      %dma_wait3A_21 = arith.constant 0 : i32
      %dma_wait3A_22 = tpu.memref_slice %arg2[%add3A, %dma_wait3A, %dma_wait3A_21] : memref<32x125x80xi32, #tpu.memory_space<hbm>> -> memref<1x125x80xi32, #tpu.memory_space<hbm>>
      %dma_wait3A_23 = tpu.memref_squeeze %dma_wait3A_22 : memref<1x125x80xi32, #tpu.memory_space<hbm>> -> memref<125x80xi32, #tpu.memory_space<hbm>>
      %dma_wait3A_24 = arith.constant 0 : i32
      %dma_wait3A_25 = arith.constant 0 : i32
      %dma_wait3A_26 = tpu.memref_slice %arg2[%add3A, %dma_wait3A_24, %dma_wait3A_25] : memref<32x125x80xi32, #tpu.memory_space<hbm>> -> memref<1x125x80xi32, #tpu.memory_space<hbm>>
      %dma_wait3A_27 = tpu.memref_squeeze %dma_wait3A_26 : memref<1x125x80xi32, #tpu.memory_space<hbm>> -> memref<125x80xi32, #tpu.memory_space<hbm>>
      tpu.wait_dma2 semaphore(%run_scoped3A : memref<!tpu.dma_semaphore, #tpu.memory_space<semaphore_mem>>) src(%dma_wait3A_27 : memref<125x80xi32, #tpu.memory_space<hbm>>) dst(%arg7 : memref<125x80xi32, #tpu.memory_space<vmem>>)
      tpu.yield
    }) : () -> ()
    "tpu.region"() ({
      %run_scoped3A = tpu.sem_alloc : memref<!tpu.dma_semaphore, #tpu.memory_space<semaphore_mem>>
      %dma_start3A = arith.constant 0 : i32
      %dma_start3A_14 = arith.constant 0 : i32
      %dma_start3A_15 = tpu.memref_slice %arg3[%add3A, %dma_start3A, %dma_start3A_14] : memref<32x125x80xi32, #tpu.memory_space<hbm>> -> memref<1x125x80xi32, #tpu.memory_space<hbm>>
      %dma_start3A_16 = tpu.memref_squeeze %dma_start3A_15 : memref<1x125x80xi32, #tpu.memory_space<hbm>> -> memref<125x80xi32, #tpu.memory_space<hbm>>
      %dma_start3A_17 = arith.constant 0 : i32
      %dma_start3A_18 = arith.constant 0 : i32
      %dma_start3A_19 = tpu.memref_slice %arg3[%add3A, %dma_start3A_17, %dma_start3A_18] : memref<32x125x80xi32, #tpu.memory_space<hbm>> -> memref<1x125x80xi32, #tpu.memory_space<hbm>>
      %dma_start3A_20 = tpu.memref_squeeze %dma_start3A_19 : memref<1x125x80xi32, #tpu.memory_space<hbm>> -> memref<125x80xi32, #tpu.memory_space<hbm>>
      tpu.enqueue_dma source(%dma_start3A_20 : memref<125x80xi32, #tpu.memory_space<hbm>>) target(%arg8 : memref<125x80xi32, #tpu.memory_space<vmem>>) target_semaphore(%run_scoped3A : memref<!tpu.dma_semaphore, #tpu.memory_space<semaphore_mem>>)
      %dma_wait3A = arith.constant 0 : i32
      %dma_wait3A_21 = arith.constant 0 : i32
      %dma_wait3A_22 = tpu.memref_slice %arg3[%add3A, %dma_wait3A, %dma_wait3A_21] : memref<32x125x80xi32, #tpu.memory_space<hbm>> -> memref<1x125x80xi32, #tpu.memory_space<hbm>>
      %dma_wait3A_23 = tpu.memref_squeeze %dma_wait3A_22 : memref<1x125x80xi32, #tpu.memory_space<hbm>> -> memref<125x80xi32, #tpu.memory_space<hbm>>
      %dma_wait3A_24 = arith.constant 0 : i32
      %dma_wait3A_25 = arith.constant 0 : i32
      %dma_wait3A_26 = tpu.memref_slice %arg3[%add3A, %dma_wait3A_24, %dma_wait3A_25] : memref<32x125x80xi32, #tpu.memory_space<hbm>> -> memref<1x125x80xi32, #tpu.memory_space<hbm>>
      %dma_wait3A_27 = tpu.memref_squeeze %dma_wait3A_26 : memref<1x125x80xi32, #tpu.memory_space<hbm>> -> memref<125x80xi32, #tpu.memory_space<hbm>>
      tpu.wait_dma2 semaphore(%run_scoped3A : memref<!tpu.dma_semaphore, #tpu.memory_space<semaphore_mem>>) src(%dma_wait3A_27 : memref<125x80xi32, #tpu.memory_space<hbm>>) dst(%arg8 : memref<125x80xi32, #tpu.memory_space<vmem>>)
      tpu.yield
    }) : () -> ()
    %barrier3A = arith.constant 0 : index
    tpu.barrier barrier_id(%barrier3A)
    %scan3A = arith.constant 0 : i32
    %scan3A_5 = arith.constant 125 : i32
    %scan3A_6 = arith.addi %scan3A, %scan3A_5 : i32
    %scan3A_7 = arith.constant 1 : i32
    scf.for %scan3A_14 = %scan3A to %scan3A_6 step %scan3A_7  : i32 {
      %mul3A_15 = arith.constant 1 : i32
      %mul3A_16 = arith.muli %scan3A_14, %mul3A_15 : i32
      %add3A_17 = arith.constant 0 : i32
      %add3A_18 = arith.addi %add3A_17, %mul3A_16 : i32
      %dma_start3A = arith.constant 0 : i32
      %dma_start3A_19 = tpu.memref_slice %arg8[%add3A_18, %dma_start3A] : memref<125x80xi32, #tpu.memory_space<vmem>> -> memref<1x80xi32, #tpu.memory_space<vmem>>
      %dma_start3A_20 = tpu.memref_squeeze %dma_start3A_19 : memref<1x80xi32, #tpu.memory_space<vmem>> -> memref<80xi32, #tpu.memory_space<vmem>>
      %dma_start3A_21 = arith.constant 0 : i32
      %dma_start3A_22 = arith.constant 0 : i32
      %dma_start3A_23 = tpu.memref_slice %arg4[%dma_start3A_21, %dma_start3A_22] : memref<10000x144xf32, #tpu.memory_space<hbm>> -> memref<10000x144xf32, #tpu.memory_space<hbm>>
      tpu.enqueue_indirect_dma source(%dma_start3A_23 : memref<10000x144xf32, #tpu.memory_space<hbm>>) target(%arg9 : memref<80x144xf32, #tpu.memory_space<vmem>>) offsets(%dma_start3A_20 : memref<80xi32, #tpu.memory_space<vmem>>) semaphore(%arg11 : memref<!tpu.dma_semaphore, #tpu.memory_space<semaphore_mem>>)
      %dma_wait3A = arith.constant 0 : i32
      %dma_wait3A_24 = tpu.memref_slice %arg8[%add3A_18, %dma_wait3A] : memref<125x80xi32, #tpu.memory_space<vmem>> -> memref<1x80xi32, #tpu.memory_space<vmem>>
      %dma_wait3A_25 = tpu.memref_squeeze %dma_wait3A_24 : memref<1x80xi32, #tpu.memory_space<vmem>> -> memref<80xi32, #tpu.memory_space<vmem>>
      %dma_wait3A_26 = arith.constant 0 : i32
      %dma_wait3A_27 = arith.constant 0 : i32
      %dma_wait3A_28 = tpu.memref_slice %arg4[%dma_wait3A_26, %dma_wait3A_27] : memref<10000x144xf32, #tpu.memory_space<hbm>> -> memref<10000x144xf32, #tpu.memory_space<hbm>>
      tpu.wait_indirect_dma semaphore(%arg11 : memref<!tpu.dma_semaphore, #tpu.memory_space<semaphore_mem>>) src(%dma_wait3A_28 : memref<10000x144xf32, #tpu.memory_space<hbm>>) dst(%arg9 : memref<80x144xf32, #tpu.memory_space<vmem>>)
      "tpu.region"() ({
        %run_scoped3A = tpu.sem_alloc : memref<!tpu.dma_semaphore, #tpu.memory_space<semaphore_mem>>
        %dma_start3A_29 = arith.constant 0 : i32
        %dma_start3A_30 = tpu.memref_slice %arg7[%add3A_18, %dma_start3A_29] : memref<125x80xi32, #tpu.memory_space<vmem>> -> memref<1x80xi32, #tpu.memory_space<vmem>>
        %dma_start3A_31 = tpu.memref_squeeze %dma_start3A_30 : memref<1x80xi32, #tpu.memory_space<vmem>> -> memref<80xi32, #tpu.memory_space<vmem>>
        %dma_start3A_32 = arith.constant 0 : i32
        %dma_start3A_33 = arith.constant 0 : i32
        %dma_start3A_34 = tpu.memref_slice %arg10[%dma_start3A_32, %dma_start3A_33] : memref<10240x144xf32, #tpu.memory_space<vmem_shared>> -> memref<10240x144xf32, #tpu.memory_space<vmem_shared>>
        tpu.enqueue_indirect_dma source(%arg9 : memref<80x144xf32, #tpu.memory_space<vmem>>) target(%dma_start3A_34 : memref<10240x144xf32, #tpu.memory_space<vmem_shared>>) offsets(%dma_start3A_31 : memref<80xi32, #tpu.memory_space<vmem>>) semaphore(%run_scoped3A : memref<!tpu.dma_semaphore, #tpu.memory_space<semaphore_mem>>) {add = true}
        %dma_wait3A_35 = arith.constant 0 : i32
        %dma_wait3A_36 = tpu.memref_slice %arg7[%add3A_18, %dma_wait3A_35] : memref<125x80xi32, #tpu.memory_space<vmem>> -> memref<1x80xi32, #tpu.memory_space<vmem>>
        %dma_wait3A_37 = tpu.memref_squeeze %dma_wait3A_36 : memref<1x80xi32, #tpu.memory_space<vmem>> -> memref<80xi32, #tpu.memory_space<vmem>>
        %dma_wait3A_38 = arith.constant 0 : i32
        %dma_wait3A_39 = arith.constant 0 : i32
        %dma_wait3A_40 = tpu.memref_slice %arg10[%dma_wait3A_38, %dma_wait3A_39] : memref<10240x144xf32, #tpu.memory_space<vmem_shared>> -> memref<10240x144xf32, #tpu.memory_space<vmem_shared>>
        tpu.wait_indirect_dma semaphore(%run_scoped3A : memref<!tpu.dma_semaphore, #tpu.memory_space<semaphore_mem>>) src(%arg9 : memref<80x144xf32, #tpu.memory_space<vmem>>) dst(%dma_wait3A_40 : memref<10240x144xf32, #tpu.memory_space<vmem_shared>>)
        tpu.yield
      }) : () -> ()
    }
    %scan3A_8 = arith.constant 125 : i32
    %barrier3A_9 = arith.constant 0 : index
    tpu.barrier barrier_id(%barrier3A_9)
    %mul3A_10 = arith.constant 640 : i32
    %mul3A_11 = arith.muli %arg1, %mul3A_10 : i32
    %mul3A_12 = arith.constant 640 : i32
    %mul3A_13 = arith.muli %arg1, %mul3A_12 : i32
    "tpu.region"() ({
      %run_scoped3A = tpu.sem_alloc : memref<!tpu.dma_semaphore, #tpu.memory_space<semaphore_mem>>
      %dma_start3A = arith.constant 0 : i32
      %dma_start3A_14 = tpu.memref_slice %arg6[%arg0, %mul3A_13, %dma_start3A] : memref<2x10240x144xf32, #tpu.memory_space<hbm>> -> memref<1x640x144xf32, #tpu.memory_space<hbm>>
      %dma_start3A_15 = tpu.memref_squeeze %dma_start3A_14 : memref<1x640x144xf32, #tpu.memory_space<hbm>> -> memref<640x144xf32, #tpu.memory_space<hbm>>
      %dma_start3A_16 = arith.constant 0 : i32
      %dma_start3A_17 = tpu.memref_slice %arg10[%mul3A_11, %dma_start3A_16] : memref<10240x144xf32, #tpu.memory_space<vmem_shared>> -> memref<640x144xf32, #tpu.memory_space<vmem_shared>>
      tpu.enqueue_dma source(%dma_start3A_17 : memref<640x144xf32, #tpu.memory_space<vmem_shared>>) target(%dma_start3A_15 : memref<640x144xf32, #tpu.memory_space<hbm>>) target_semaphore(%run_scoped3A : memref<!tpu.dma_semaphore, #tpu.memory_space<semaphore_mem>>)
      %dma_wait3A = arith.constant 0 : i32
      %dma_wait3A_18 = tpu.memref_slice %arg6[%arg0, %mul3A_13, %dma_wait3A] : memref<2x10240x144xf32, #tpu.memory_space<hbm>> -> memref<1x640x144xf32, #tpu.memory_space<hbm>>
      %dma_wait3A_19 = tpu.memref_squeeze %dma_wait3A_18 : memref<1x640x144xf32, #tpu.memory_space<hbm>> -> memref<640x144xf32, #tpu.memory_space<hbm>>
      %dma_wait3A_20 = arith.constant 0 : i32
      %dma_wait3A_21 = tpu.memref_slice %arg10[%mul3A_11, %dma_wait3A_20] : memref<10240x144xf32, #tpu.memory_space<vmem_shared>> -> memref<640x144xf32, #tpu.memory_space<vmem_shared>>
      tpu.wait_dma2 semaphore(%run_scoped3A : memref<!tpu.dma_semaphore, #tpu.memory_space<semaphore_mem>>) src(%dma_wait3A_21 : memref<640x144xf32, #tpu.memory_space<vmem_shared>>) dst(%dma_wait3A_19 : memref<640x144xf32, #tpu.memory_space<hbm>>)
      tpu.yield
    }) : () -> ()
    return
  }
}

module attributes {stable_mosaic.version = 14 : i64} {
  func.func @_mid_body(%arg0: i32, %arg1: memref<2x2000x144xf32, #tpu.memory_space<vmem>>, %arg2: memref<2000x128xf32, #tpu.memory_space<vmem>>, %arg3: memref<2000x144xf32, #tpu.memory_space<vmem>>) attributes {dimension_semantics = [#tpu.dimension_semantics<arbitrary>], iteration_bounds = array<i64: 5>, scalar_prefetch = 0 : i64, scratch_operands = 0 : i64, tpu.core_type = #tpu.core_type<tc>, window_params = [{transform_indices = @transform_0, window_bounds = array<i64: 2, 2000, 144>}, {transform_indices = @transform_1, window_bounds = array<i64: 2000, 128>}, {transform_indices = @transform_2, window_bounds = array<i64: 2000, 144>}]} {
    %get3A = arith.constant 0 : index
    %get3A_0 = arith.constant 0 : index
    %get3A_1 = arith.constant 0 : index
    %get3A_2 = vector.load %arg1[%get3A, %get3A_0, %get3A_1] : memref<2x2000x144xf32, #tpu.memory_space<vmem>>, vector<1x2000x144xf32>
    %get3A_3 = vector.shape_cast %get3A_2 : vector<1x2000x144xf32> to vector<2000x144xf32>
    %get3A_4 = arith.constant 1 : index
    %get3A_5 = arith.constant 0 : index
    %get3A_6 = arith.constant 0 : index
    %get3A_7 = vector.load %arg1[%get3A_4, %get3A_5, %get3A_6] : memref<2x2000x144xf32, #tpu.memory_space<vmem>>, vector<1x2000x144xf32>
    %get3A_8 = vector.shape_cast %get3A_7 : vector<1x2000x144xf32> to vector<2000x144xf32>
    %add3A = arith.addf %get3A_3, %get3A_8 : vector<2000x144xf32>
    %slice3A = vector.extract_strided_slice %add3A {offsets = [0, 0], sizes = [2000, 128], strides = [1, 1]} : vector<2000x144xf32> to vector<2000x128xf32>
    %get3A_9 = arith.constant 0 : index
    %get3A_10 = arith.constant 0 : index
    %get3A_11 = vector.load %arg2[%get3A_9, %get3A_10] : memref<2000x128xf32, #tpu.memory_space<vmem>>, vector<2000x128xf32>
    %sub3A = arith.subf %slice3A, %get3A_11 : vector<2000x128xf32>
    %swap3A = arith.constant 0 : index
    %swap3A_12 = arith.constant 0 : index
    %swap3A_13 = vector.load %arg3[%swap3A, %swap3A_12] : memref<2000x144xf32, #tpu.memory_space<vmem>>, vector<2000x128xf32>
    tpu.vector_store %arg3[%swap3A, %swap3A_12], %sub3A {strides = array<i32>} : memref<2000x144xf32, #tpu.memory_space<vmem>>, vector<2000x128xf32>,
    %slice3A_14 = vector.extract_strided_slice %add3A {offsets = [0, 128], sizes = [2000, 16], strides = [1, 1]} : vector<2000x144xf32> to vector<2000x16xf32>
    %swap3A_15 = arith.constant 0 : index
    %swap3A_16 = arith.constant 128 : index
    %swap3A_17 = vector.load %arg3[%swap3A_15, %swap3A_16] : memref<2000x144xf32, #tpu.memory_space<vmem>>, vector<2000x16xf32>
    tpu.vector_store %arg3[%swap3A_15, %swap3A_16], %slice3A_14 {strides = array<i32>} : memref<2000x144xf32, #tpu.memory_space<vmem>>, vector<2000x16xf32>,
    return
  }
  func.func @transform_0(%arg0: i32) -> (i32, i32, i32) {
    %c0_i32 = arith.constant 0 : i32
    %c0_i32_0 = arith.constant 0 : i32
    %c0_i32_1 = arith.constant 0 : i32
    return %c0_i32, %arg0, %c0_i32_0 : i32, i32, i32
  }
  func.func @transform_1(%arg0: i32) -> (i32, i32) {
    %c0_i32 = arith.constant 0 : i32
    %c0_i32_0 = arith.constant 0 : i32
    return %arg0, %c0_i32 : i32, i32
  }
  func.func @transform_2(%arg0: i32) -> (i32, i32) {
    %c0_i32 = arith.constant 0 : i32
    %c0_i32_0 = arith.constant 0 : i32
    return %arg0, %c0_i32 : i32, i32
  }
}

module attributes {stable_mosaic.version = 14 : i64} {
  func.func @_final_body(%arg0: i32, %arg1: memref<2x2000x144xf32, #tpu.memory_space<vmem>>, %arg2: memref<2000x144xf32, #tpu.memory_space<vmem>>, %arg3: memref<2000x128xf32, #tpu.memory_space<vmem>>, %arg4: memref<2000x1xf32, #tpu.memory_space<vmem>>, %arg5: memref<2000x1xf32, #tpu.memory_space<vmem>>) attributes {dimension_semantics = [#tpu.dimension_semantics<arbitrary>], iteration_bounds = array<i64: 5>, scalar_prefetch = 0 : i64, scratch_operands = 0 : i64, tpu.core_type = #tpu.core_type<tc>, window_params = [{transform_indices = @transform_0, window_bounds = array<i64: 2, 2000, 144>}, {transform_indices = @transform_1, window_bounds = array<i64: 2000, 144>}, {transform_indices = @transform_2, window_bounds = array<i64: 2000, 128>}, {transform_indices = @transform_3, window_bounds = array<i64: 2000, 1>}, {transform_indices = @transform_4, window_bounds = array<i64: 2000, 1>}]} {
    %get3A = arith.constant 0 : index
    %get3A_0 = arith.constant 0 : index
    %get3A_1 = arith.constant 0 : index
    %get3A_2 = vector.load %arg1[%get3A, %get3A_0, %get3A_1] : memref<2x2000x144xf32, #tpu.memory_space<vmem>>, vector<1x2000x144xf32>
    %get3A_3 = vector.shape_cast %get3A_2 : vector<1x2000x144xf32> to vector<2000x144xf32>
    %get3A_4 = arith.constant 1 : index
    %get3A_5 = arith.constant 0 : index
    %get3A_6 = arith.constant 0 : index
    %get3A_7 = vector.load %arg1[%get3A_4, %get3A_5, %get3A_6] : memref<2x2000x144xf32, #tpu.memory_space<vmem>>, vector<1x2000x144xf32>
    %get3A_8 = vector.shape_cast %get3A_7 : vector<1x2000x144xf32> to vector<2000x144xf32>
    %add3A = arith.addf %get3A_3, %get3A_8 : vector<2000x144xf32>
    %slice3A = vector.extract_strided_slice %add3A {offsets = [0, 0], sizes = [2000, 128], strides = [1, 1]} : vector<2000x144xf32> to vector<2000x128xf32>
    %slice3A_9 = vector.extract_strided_slice %add3A {offsets = [0, 128], sizes = [2000, 1], strides = [1, 1]} : vector<2000x144xf32> to vector<2000x1xf32>
    %get3A_10 = arith.constant 0 : index
    %get3A_11 = arith.constant 0 : index
    %get3A_12 = vector.load %arg2[%get3A_10, %get3A_11] : memref<2000x144xf32, #tpu.memory_space<vmem>>, vector<2000x128xf32>
    %get3A_13 = arith.constant 0 : index
    %get3A_14 = arith.constant 128 : index
    %get3A_15 = vector.load %arg2[%get3A_13, %get3A_14] : memref<2000x144xf32, #tpu.memory_space<vmem>>, vector<2000x1xf32>
    %get3A_16 = arith.constant 0 : index
    %get3A_17 = arith.constant 0 : index
    %get3A_18 = vector.load %arg3[%get3A_16, %get3A_17] : memref<2000x128xf32, #tpu.memory_space<vmem>>, vector<2000x128xf32>
    %sub3A = arith.subf %slice3A, %get3A_12 : vector<2000x128xf32>
    %mul3A = vector.broadcast %get3A_15 : vector<2000x1xf32> to vector<2000x128xf32>
    %mul3A_19 = arith.mulf %mul3A, %get3A_18 : vector<2000x128xf32>
    %sub3A_20 = arith.subf %sub3A, %mul3A_19 : vector<2000x128xf32>
    %add3A_21 = arith.addf %get3A_12, %sub3A_20 : vector<2000x128xf32>
    %sub3A_22 = arith.subf %slice3A_9, %get3A_15 : vector<2000x1xf32>
    %sub3A_23 = arith.subf %sub3A_22, %get3A_15 : vector<2000x1xf32>
    %add3A_24 = arith.addf %get3A_15, %sub3A_23 : vector<2000x1xf32>
    %add3A_25 = arith.constant 9.99999993E-9 : f32
    %add3A_26 = vector.broadcast %add3A_25 : f32 to vector<2000x1xf32>
    %add3A_27 = arith.addf %add3A_24, %add3A_26 : vector<2000x1xf32>
    %div3A = vector.broadcast %add3A_27 : vector<2000x1xf32> to vector<2000x128xf32>
    %div3A_28 = arith.divf %add3A_21, %div3A : vector<2000x128xf32>
    %mul3A_29 = arith.mulf %div3A_28, %div3A_28 : vector<2000x128xf32>
    %broadcast_in_dim3A = arith.constant 0.000000e+00 : f32
    %broadcast_in_dim3A_30 = vector.broadcast %broadcast_in_dim3A : f32 to vector<2000x8xf32>
    %slice3A_31 = vector.extract_strided_slice %mul3A_29 {offsets = [0, 0], sizes = [2000, 8], strides = [1, 1]} : vector<2000x128xf32> to vector<2000x8xf32>
    %add3A_32 = arith.addf %broadcast_in_dim3A_30, %slice3A_31 : vector<2000x8xf32>
    %slice3A_33 = vector.extract_strided_slice %mul3A_29 {offsets = [0, 8], sizes = [2000, 8], strides = [1, 1]} : vector<2000x128xf32> to vector<2000x8xf32>
    %add3A_34 = arith.addf %add3A_32, %slice3A_33 : vector<2000x8xf32>
    %slice3A_35 = vector.extract_strided_slice %mul3A_29 {offsets = [0, 16], sizes = [2000, 8], strides = [1, 1]} : vector<2000x128xf32> to vector<2000x8xf32>
    %add3A_36 = arith.addf %add3A_34, %slice3A_35 : vector<2000x8xf32>
    %slice3A_37 = vector.extract_strided_slice %mul3A_29 {offsets = [0, 24], sizes = [2000, 8], strides = [1, 1]} : vector<2000x128xf32> to vector<2000x8xf32>
    %add3A_38 = arith.addf %add3A_36, %slice3A_37 : vector<2000x8xf32>
    %slice3A_39 = vector.extract_strided_slice %mul3A_29 {offsets = [0, 32], sizes = [2000, 8], strides = [1, 1]} : vector<2000x128xf32> to vector<2000x8xf32>
    %add3A_40 = arith.addf %add3A_38, %slice3A_39 : vector<2000x8xf32>
    %slice3A_41 = vector.extract_strided_slice %mul3A_29 {offsets = [0, 40], sizes = [2000, 8], strides = [1, 1]} : vector<2000x128xf32> to vector<2000x8xf32>
    %add3A_42 = arith.addf %add3A_40, %slice3A_41 : vector<2000x8xf32>
    %slice3A_43 = vector.extract_strided_slice %mul3A_29 {offsets = [0, 48], sizes = [2000, 8], strides = [1, 1]} : vector<2000x128xf32> to vector<2000x8xf32>
    %add3A_44 = arith.addf %add3A_42, %slice3A_43 : vector<2000x8xf32>
    %slice3A_45 = vector.extract_strided_slice %mul3A_29 {offsets = [0, 56], sizes = [2000, 8], strides = [1, 1]} : vector<2000x128xf32> to vector<2000x8xf32>
    %add3A_46 = arith.addf %add3A_44, %slice3A_45 : vector<2000x8xf32>
    %slice3A_47 = vector.extract_strided_slice %mul3A_29 {offsets = [0, 64], sizes = [2000, 8], strides = [1, 1]} : vector<2000x128xf32> to vector<2000x8xf32>
    %add3A_48 = arith.addf %add3A_46, %slice3A_47 : vector<2000x8xf32>
    %slice3A_49 = vector.extract_strided_slice %mul3A_29 {offsets = [0, 72], sizes = [2000, 8], strides = [1, 1]} : vector<2000x128xf32> to vector<2000x8xf32>
    %add3A_50 = arith.addf %add3A_48, %slice3A_49 : vector<2000x8xf32>
    %slice3A_51 = vector.extract_strided_slice %mul3A_29 {offsets = [0, 80], sizes = [2000, 8], strides = [1, 1]} : vector<2000x128xf32> to vector<2000x8xf32>
    %add3A_52 = arith.addf %add3A_50, %slice3A_51 : vector<2000x8xf32>
    %slice3A_53 = vector.extract_strided_slice %mul3A_29 {offsets = [0, 88], sizes = [2000, 8], strides = [1, 1]} : vector<2000x128xf32> to vector<2000x8xf32>
    %add3A_54 = arith.addf %add3A_52, %slice3A_53 : vector<2000x8xf32>
    %slice3A_55 = vector.extract_strided_slice %mul3A_29 {offsets = [0, 96], sizes = [2000, 8], strides = [1, 1]} : vector<2000x128xf32> to vector<2000x8xf32>
    %add3A_56 = arith.addf %add3A_54, %slice3A_55 : vector<2000x8xf32>
    %slice3A_57 = vector.extract_strided_slice %mul3A_29 {offsets = [0, 104], sizes = [2000, 8], strides = [1, 1]} : vector<2000x128xf32> to vector<2000x8xf32>
    %add3A_58 = arith.addf %add3A_56, %slice3A_57 : vector<2000x8xf32>
    %slice3A_59 = vector.extract_strided_slice %mul3A_29 {offsets = [0, 112], sizes = [2000, 8], strides = [1, 1]} : vector<2000x128xf32> to vector<2000x8xf32>
    %add3A_60 = arith.addf %add3A_58, %slice3A_59 : vector<2000x8xf32>
    %slice3A_61 = vector.extract_strided_slice %mul3A_29 {offsets = [0, 120], sizes = [2000, 8], strides = [1, 1]} : vector<2000x128xf32> to vector<2000x8xf32>
    %add3A_62 = arith.addf %add3A_60, %slice3A_61 : vector<2000x8xf32>
    %slice3A_63 = vector.extract_strided_slice %add3A_62 {offsets = [0, 0], sizes = [2000, 4], strides = [1, 1]} : vector<2000x8xf32> to vector<2000x4xf32>
    %slice3A_64 = vector.extract_strided_slice %add3A_62 {offsets = [0, 4], sizes = [2000, 4], strides = [1, 1]} : vector<2000x8xf32> to vector<2000x4xf32>
    %add3A_65 = arith.addf %slice3A_63, %slice3A_64 : vector<2000x4xf32>
    %slice3A_66 = vector.extract_strided_slice %add3A_65 {offsets = [0, 0], sizes = [2000, 2], strides = [1, 1]} : vector<2000x4xf32> to vector<2000x2xf32>
    %slice3A_67 = vector.extract_strided_slice %add3A_65 {offsets = [0, 2], sizes = [2000, 2], strides = [1, 1]} : vector<2000x4xf32> to vector<2000x2xf32>
    %add3A_68 = arith.addf %slice3A_66, %slice3A_67 : vector<2000x2xf32>
    %slice3A_69 = vector.extract_strided_slice %add3A_68 {offsets = [0, 0], sizes = [2000, 1], strides = [1, 1]} : vector<2000x2xf32> to vector<2000x1xf32>
    %slice3A_70 = vector.extract_strided_slice %add3A_68 {offsets = [0, 1], sizes = [2000, 1], strides = [1, 1]} : vector<2000x2xf32> to vector<2000x1xf32>
    %add3A_71 = arith.addf %slice3A_69, %slice3A_70 : vector<2000x1xf32>
    %sqrt3A = math.sqrt %add3A_71 : vector<2000x1xf32>
    %max3A = arith.constant 9.99999996E-13 : f32
    %max3A_72 = vector.broadcast %max3A : f32 to vector<2000x1xf32>
    %max3A_73 = arith.maximumf %sqrt3A, %max3A_72 : vector<2000x1xf32>
    %div3A_74 = vector.broadcast %max3A_73 : vector<2000x1xf32> to vector<2000x128xf32>
    %div3A_75 = arith.divf %div3A_28, %div3A_74 : vector<2000x128xf32>
    %mul3A_76 = arith.mulf %get3A_18, %get3A_18 : vector<2000x128xf32>
    %broadcast_in_dim3A_77 = arith.constant 0.000000e+00 : f32
    %broadcast_in_dim3A_78 = vector.broadcast %broadcast_in_dim3A_77 : f32 to vector<2000x8xf32>
    %slice3A_79 = vector.extract_strided_slice %mul3A_76 {offsets = [0, 0], sizes = [2000, 8], strides = [1, 1]} : vector<2000x128xf32> to vector<2000x8xf32>
    %add3A_80 = arith.addf %broadcast_in_dim3A_78, %slice3A_79 : vector<2000x8xf32>
    %slice3A_81 = vector.extract_strided_slice %mul3A_76 {offsets = [0, 8], sizes = [2000, 8], strides = [1, 1]} : vector<2000x128xf32> to vector<2000x8xf32>
    %add3A_82 = arith.addf %add3A_80, %slice3A_81 : vector<2000x8xf32>
    %slice3A_83 = vector.extract_strided_slice %mul3A_76 {offsets = [0, 16], sizes = [2000, 8], strides = [1, 1]} : vector<2000x128xf32> to vector<2000x8xf32>
    %add3A_84 = arith.addf %add3A_82, %slice3A_83 : vector<2000x8xf32>
    %slice3A_85 = vector.extract_strided_slice %mul3A_76 {offsets = [0, 24], sizes = [2000, 8], strides = [1, 1]} : vector<2000x128xf32> to vector<2000x8xf32>
    %add3A_86 = arith.addf %add3A_84, %slice3A_85 : vector<2000x8xf32>
    %slice3A_87 = vector.extract_strided_slice %mul3A_76 {offsets = [0, 32], sizes = [2000, 8], strides = [1, 1]} : vector<2000x128xf32> to vector<2000x8xf32>
    %add3A_88 = arith.addf %add3A_86, %slice3A_87 : vector<2000x8xf32>
    %slice3A_89 = vector.extract_strided_slice %mul3A_76 {offsets = [0, 40], sizes = [2000, 8], strides = [1, 1]} : vector<2000x128xf32> to vector<2000x8xf32>
    %add3A_90 = arith.addf %add3A_88, %slice3A_89 : vector<2000x8xf32>
    %slice3A_91 = vector.extract_strided_slice %mul3A_76 {offsets = [0, 48], sizes = [2000, 8], strides = [1, 1]} : vector<2000x128xf32> to vector<2000x8xf32>
    %add3A_92 = arith.addf %add3A_90, %slice3A_91 : vector<2000x8xf32>
    %slice3A_93 = vector.extract_strided_slice %mul3A_76 {offsets = [0, 56], sizes = [2000, 8], strides = [1, 1]} : vector<2000x128xf32> to vector<2000x8xf32>
    %add3A_94 = arith.addf %add3A_92, %slice3A_93 : vector<2000x8xf32>
    %slice3A_95 = vector.extract_strided_slice %mul3A_76 {offsets = [0, 64], sizes = [2000, 8], strides = [1, 1]} : vector<2000x128xf32> to vector<2000x8xf32>
    %add3A_96 = arith.addf %add3A_94, %slice3A_95 : vector<2000x8xf32>
    %slice3A_97 = vector.extract_strided_slice %mul3A_76 {offsets = [0, 72], sizes = [2000, 8], strides = [1, 1]} : vector<2000x128xf32> to vector<2000x8xf32>
    %add3A_98 = arith.addf %add3A_96, %slice3A_97 : vector<2000x8xf32>
    %slice3A_99 = vector.extract_strided_slice %mul3A_76 {offsets = [0, 80], sizes = [2000, 8], strides = [1, 1]} : vector<2000x128xf32> to vector<2000x8xf32>
    %add3A_100 = arith.addf %add3A_98, %slice3A_99 : vector<2000x8xf32>
    %slice3A_101 = vector.extract_strided_slice %mul3A_76 {offsets = [0, 88], sizes = [2000, 8], strides = [1, 1]} : vector<2000x128xf32> to vector<2000x8xf32>
    %add3A_102 = arith.addf %add3A_100, %slice3A_101 : vector<2000x8xf32>
    %slice3A_103 = vector.extract_strided_slice %mul3A_76 {offsets = [0, 96], sizes = [2000, 8], strides = [1, 1]} : vector<2000x128xf32> to vector<2000x8xf32>
    %add3A_104 = arith.addf %add3A_102, %slice3A_103 : vector<2000x8xf32>
    %slice3A_105 = vector.extract_strided_slice %mul3A_76 {offsets = [0, 104], sizes = [2000, 8], strides = [1, 1]} : vector<2000x128xf32> to vector<2000x8xf32>
    %add3A_106 = arith.addf %add3A_104, %slice3A_105 : vector<2000x8xf32>
    %slice3A_107 = vector.extract_strided_slice %mul3A_76 {offsets = [0, 112], sizes = [2000, 8], strides = [1, 1]} : vector<2000x128xf32> to vector<2000x8xf32>
    %add3A_108 = arith.addf %add3A_106, %slice3A_107 : vector<2000x8xf32>
    %slice3A_109 = vector.extract_strided_slice %mul3A_76 {offsets = [0, 120], sizes = [2000, 8], strides = [1, 1]} : vector<2000x128xf32> to vector<2000x8xf32>
    %add3A_110 = arith.addf %add3A_108, %slice3A_109 : vector<2000x8xf32>
    %slice3A_111 = vector.extract_strided_slice %add3A_110 {offsets = [0, 0], sizes = [2000, 4], strides = [1, 1]} : vector<2000x8xf32> to vector<2000x4xf32>
    %slice3A_112 = vector.extract_strided_slice %add3A_110 {offsets = [0, 4], sizes = [2000, 4], strides = [1, 1]} : vector<2000x8xf32> to vector<2000x4xf32>
    %add3A_113 = arith.addf %slice3A_111, %slice3A_112 : vector<2000x4xf32>
    %slice3A_114 = vector.extract_strided_slice %add3A_113 {offsets = [0, 0], sizes = [2000, 2], strides = [1, 1]} : vector<2000x4xf32> to vector<2000x2xf32>
    %slice3A_115 = vector.extract_strided_slice %add3A_113 {offsets = [0, 2], sizes = [2000, 2], strides = [1, 1]} : vector<2000x4xf32> to vector<2000x2xf32>
    %add3A_116 = arith.addf %slice3A_114, %slice3A_115 : vector<2000x2xf32>
    %slice3A_117 = vector.extract_strided_slice %add3A_116 {offsets = [0, 0], sizes = [2000, 1], strides = [1, 1]} : vector<2000x2xf32> to vector<2000x1xf32>
    %slice3A_118 = vector.extract_strided_slice %add3A_116 {offsets = [0, 1], sizes = [2000, 1], strides = [1, 1]} : vector<2000x2xf32> to vector<2000x1xf32>
    %add3A_119 = arith.addf %slice3A_117, %slice3A_118 : vector<2000x1xf32>
    %sqrt3A_120 = math.sqrt %add3A_119 : vector<2000x1xf32>
    %max3A_121 = arith.constant 9.99999996E-13 : f32
    %max3A_122 = vector.broadcast %max3A_121 : f32 to vector<2000x1xf32>
    %max3A_123 = arith.maximumf %sqrt3A_120, %max3A_122 : vector<2000x1xf32>
    %div3A_124 = vector.broadcast %max3A_123 : vector<2000x1xf32> to vector<2000x128xf32>
    %div3A_125 = arith.divf %get3A_18, %div3A_124 : vector<2000x128xf32>
    %mul3A_126 = arith.mulf %div3A_75, %div3A_125 : vector<2000x128xf32>
    %broadcast_in_dim3A_127 = arith.constant 0.000000e+00 : f32
    %broadcast_in_dim3A_128 = vector.broadcast %broadcast_in_dim3A_127 : f32 to vector<2000x8xf32>
    %slice3A_129 = vector.extract_strided_slice %mul3A_126 {offsets = [0, 0], sizes = [2000, 8], strides = [1, 1]} : vector<2000x128xf32> to vector<2000x8xf32>
    %add3A_130 = arith.addf %broadcast_in_dim3A_128, %slice3A_129 : vector<2000x8xf32>
    %slice3A_131 = vector.extract_strided_slice %mul3A_126 {offsets = [0, 8], sizes = [2000, 8], strides = [1, 1]} : vector<2000x128xf32> to vector<2000x8xf32>
    %add3A_132 = arith.addf %add3A_130, %slice3A_131 : vector<2000x8xf32>
    %slice3A_133 = vector.extract_strided_slice %mul3A_126 {offsets = [0, 16], sizes = [2000, 8], strides = [1, 1]} : vector<2000x128xf32> to vector<2000x8xf32>
    %add3A_134 = arith.addf %add3A_132, %slice3A_133 : vector<2000x8xf32>
    %slice3A_135 = vector.extract_strided_slice %mul3A_126 {offsets = [0, 24], sizes = [2000, 8], strides = [1, 1]} : vector<2000x128xf32> to vector<2000x8xf32>
    %add3A_136 = arith.addf %add3A_134, %slice3A_135 : vector<2000x8xf32>
    %slice3A_137 = vector.extract_strided_slice %mul3A_126 {offsets = [0, 32], sizes = [2000, 8], strides = [1, 1]} : vector<2000x128xf32> to vector<2000x8xf32>
    %add3A_138 = arith.addf %add3A_136, %slice3A_137 : vector<2000x8xf32>
    %slice3A_139 = vector.extract_strided_slice %mul3A_126 {offsets = [0, 40], sizes = [2000, 8], strides = [1, 1]} : vector<2000x128xf32> to vector<2000x8xf32>
    %add3A_140 = arith.addf %add3A_138, %slice3A_139 : vector<2000x8xf32>
    %slice3A_141 = vector.extract_strided_slice %mul3A_126 {offsets = [0, 48], sizes = [2000, 8], strides = [1, 1]} : vector<2000x128xf32> to vector<2000x8xf32>
    %add3A_142 = arith.addf %add3A_140, %slice3A_141 : vector<2000x8xf32>
    %slice3A_143 = vector.extract_strided_slice %mul3A_126 {offsets = [0, 56], sizes = [2000, 8], strides = [1, 1]} : vector<2000x128xf32> to vector<2000x8xf32>
    %add3A_144 = arith.addf %add3A_142, %slice3A_143 : vector<2000x8xf32>
    %slice3A_145 = vector.extract_strided_slice %mul3A_126 {offsets = [0, 64], sizes = [2000, 8], strides = [1, 1]} : vector<2000x128xf32> to vector<2000x8xf32>
    %add3A_146 = arith.addf %add3A_144, %slice3A_145 : vector<2000x8xf32>
    %slice3A_147 = vector.extract_strided_slice %mul3A_126 {offsets = [0, 72], sizes = [2000, 8], strides = [1, 1]} : vector<2000x128xf32> to vector<2000x8xf32>
    %add3A_148 = arith.addf %add3A_146, %slice3A_147 : vector<2000x8xf32>
    %slice3A_149 = vector.extract_strided_slice %mul3A_126 {offsets = [0, 80], sizes = [2000, 8], strides = [1, 1]} : vector<2000x128xf32> to vector<2000x8xf32>
    %add3A_150 = arith.addf %add3A_148, %slice3A_149 : vector<2000x8xf32>
    %slice3A_151 = vector.extract_strided_slice %mul3A_126 {offsets = [0, 88], sizes = [2000, 8], strides = [1, 1]} : vector<2000x128xf32> to vector<2000x8xf32>
    %add3A_152 = arith.addf %add3A_150, %slice3A_151 : vector<2000x8xf32>
    %slice3A_153 = vector.extract_strided_slice %mul3A_126 {offsets = [0, 96], sizes = [2000, 8], strides = [1, 1]} : vector<2000x128xf32> to vector<2000x8xf32>
    %add3A_154 = arith.addf %add3A_152, %slice3A_153 : vector<2000x8xf32>
    %slice3A_155 = vector.extract_strided_slice %mul3A_126 {offsets = [0, 104], sizes = [2000, 8], strides = [1, 1]} : vector<2000x128xf32> to vector<2000x8xf32>
    %add3A_156 = arith.addf %add3A_154, %slice3A_155 : vector<2000x8xf32>
    %slice3A_157 = vector.extract_strided_slice %mul3A_126 {offsets = [0, 112], sizes = [2000, 8], strides = [1, 1]} : vector<2000x128xf32> to vector<2000x8xf32>
    %add3A_158 = arith.addf %add3A_156, %slice3A_157 : vector<2000x8xf32>
    %slice3A_159 = vector.extract_strided_slice %mul3A_126 {offsets = [0, 120], sizes = [2000, 8], strides = [1, 1]} : vector<2000x128xf32> to vector<2000x8xf32>
    %add3A_160 = arith.addf %add3A_158, %slice3A_159 : vector<2000x8xf32>
    %slice3A_161 = vector.extract_strided_slice %add3A_160 {offsets = [0, 0], sizes = [2000, 4], strides = [1, 1]} : vector<2000x8xf32> to vector<2000x4xf32>
    %slice3A_162 = vector.extract_strided_slice %add3A_160 {offsets = [0, 4], sizes = [2000, 4], strides = [1, 1]} : vector<2000x8xf32> to vector<2000x4xf32>
    %add3A_163 = arith.addf %slice3A_161, %slice3A_162 : vector<2000x4xf32>
    %slice3A_164 = vector.extract_strided_slice %add3A_163 {offsets = [0, 0], sizes = [2000, 2], strides = [1, 1]} : vector<2000x4xf32> to vector<2000x2xf32>
    %slice3A_165 = vector.extract_strided_slice %add3A_163 {offsets = [0, 2], sizes = [2000, 2], strides = [1, 1]} : vector<2000x4xf32> to vector<2000x2xf32>
    %add3A_166 = arith.addf %slice3A_164, %slice3A_165 : vector<2000x2xf32>
    %slice3A_167 = vector.extract_strided_slice %add3A_166 {offsets = [0, 0], sizes = [2000, 1], strides = [1, 1]} : vector<2000x2xf32> to vector<2000x1xf32>
    %slice3A_168 = vector.extract_strided_slice %add3A_166 {offsets = [0, 1], sizes = [2000, 1], strides = [1, 1]} : vector<2000x2xf32> to vector<2000x1xf32>
    %add3A_169 = arith.addf %slice3A_167, %slice3A_168 : vector<2000x1xf32>
    %logistic3A = arith.negf %add3A_169 : vector<2000x1xf32>
    %logistic3A_170 = math.exp %logistic3A : vector<2000x1xf32>
    %logistic3A_171 = arith.constant 1.000000e+00 : f32
    %logistic3A_172 = vector.broadcast %logistic3A_171 : f32 to vector<2000x1xf32>
    %logistic3A_173 = arith.addf %logistic3A_172, %logistic3A_170 : vector<2000x1xf32>
    %logistic3A_174 = arith.divf %logistic3A_172, %logistic3A_173 : vector<2000x1xf32>
    %log3A = math.log %logistic3A_174 : vector<2000x1xf32>
    %get3A_175 = arith.constant 0 : index
    %get3A_176 = arith.constant 0 : index
    %get3A_177 = vector.load %arg4[%get3A_175, %get3A_176] : memref<2000x1xf32, #tpu.memory_space<vmem>>, vector<2000x1xf32>
    %add3A_178 = arith.addf %log3A, %get3A_177 : vector<2000x1xf32>
    %swap3A = arith.constant 0 : index
    %swap3A_179 = arith.constant 0 : index
    %swap3A_180 = vector.load %arg5[%swap3A, %swap3A_179] : memref<2000x1xf32, #tpu.memory_space<vmem>>, vector<2000x1xf32>
    tpu.vector_store %arg5[%swap3A, %swap3A_179], %add3A_178 {strides = array<i32>} : memref<2000x1xf32, #tpu.memory_space<vmem>>, vector<2000x1xf32>,
    return
  }
  func.func @transform_0(%arg0: i32) -> (i32, i32, i32) {
    %c0_i32 = arith.constant 0 : i32
    %c0_i32_0 = arith.constant 0 : i32
    %c0_i32_1 = arith.constant 0 : i32
    return %c0_i32, %arg0, %c0_i32_0 : i32, i32, i32
  }
  func.func @transform_1(%arg0: i32) -> (i32, i32) {
    %c0_i32 = arith.constant 0 : i32
    %c0_i32_0 = arith.constant 0 : i32
    return %arg0, %c0_i32 : i32, i32
  }
  func.func @transform_2(%arg0: i32) -> (i32, i32) {
    %c0_i32 = arith.constant 0 : i32
    %c0_i32_0 = arith.constant 0 : i32
    return %arg0, %c0_i32 : i32, i32
  }
  func.func @transform_3(%arg0: i32) -> (i32, i32) {
    %c0_i32 = arith.constant 0 : i32
    %c0_i32_0 = arith.constant 0 : i32
    return %arg0, %c0_i32 : i32, i32
  }
  func.func @transform_4(%arg0: i32) -> (i32, i32) {
    %c0_i32 = arith.constant 0 : i32
    %c0_i32_0 = arith.constant 0 : i32
    return %arg0, %c0_i32 : i32, i32
  }
}

module attributes {stable_mosaic.version = 14 : i64} {
  func.func @_sort_body(%arg0: memref<128x128xf32, #tpu.memory_space<vmem>>, %arg1: memref<128x128xi32, #tpu.memory_space<vmem>>) attributes {dimension_semantics = [], scalar_prefetch = 0 : i64, scratch_operands = 0 : i64, tpu.core_type = #tpu.core_type<tc>} {
    %get3A = arith.constant 0 : index
    %get3A_0 = arith.constant 0 : index
    %get3A_1 = vector.load %arg0[%get3A, %get3A_0] : memref<128x128xf32, #tpu.memory_space<vmem>>, vector<128x128xf32>
    %iota3A = tpu.iota {dimensions = array<i32: 0>} : vector<128x128xi32>
    %iota3A_2 = tpu.iota {dimensions = array<i32: 1>} : vector<128x128xi32>
    %mul3A = arith.constant 128 : i32
    %mul3A_3 = vector.broadcast %mul3A : i32 to vector<128x128xi32>
    %mul3A_4 = arith.muli %iota3A, %mul3A_3 : vector<128x128xi32>
    %add3A = arith.addi %mul3A_4, %iota3A_2 : vector<128x128xi32>
    %and3A = arith.constant 2 : i32
    %and3A_5 = vector.broadcast %and3A : i32 to vector<128x128xi32>
    %and3A_6 = arith.andi %add3A, %and3A_5 : vector<128x128xi32>
    %ne3A = arith.constant 0 : i32
    %ne3A_7 = vector.broadcast %ne3A : i32 to vector<128x128xi32>
    %ne3A_8 = arith.cmpi ne, %and3A_6, %ne3A_7 : vector<128x128xi32>
    %slice3A = vector.extract_strided_slice %get3A_1 {offsets = [0, 1], sizes = [128, 127], strides = [1, 1]} : vector<128x128xf32> to vector<128x127xf32>
    %slice3A_9 = vector.extract_strided_slice %get3A_1 {offsets = [0, 0], sizes = [128, 1], strides = [1, 1]} : vector<128x128xf32> to vector<128x1xf32>
    %concatenate3A = tpu.concatenate %slice3A, %slice3A_9 in 1 : vector<128x127xf32>, vector<128x1xf32> -> vector<128x128xf32>
    %slice3A_10 = vector.extract_strided_slice %get3A_1 {offsets = [0, 127], sizes = [128, 1], strides = [1, 1]} : vector<128x128xf32> to vector<128x1xf32>
    %slice3A_11 = vector.extract_strided_slice %get3A_1 {offsets = [0, 0], sizes = [128, 127], strides = [1, 1]} : vector<128x128xf32> to vector<128x127xf32>
    %concatenate3A_12 = tpu.concatenate %slice3A_10, %slice3A_11 in 1 : vector<128x1xf32>, vector<128x127xf32> -> vector<128x128xf32>
    %iota3A_13 = tpu.iota {dimensions = array<i32: 1>} : vector<128x128xi32>
    %and3A_14 = arith.constant 1 : i32
    %and3A_15 = vector.broadcast %and3A_14 : i32 to vector<128x128xi32>
    %and3A_16 = arith.andi %iota3A_13, %and3A_15 : vector<128x128xi32>
    %ne3A_17 = arith.constant 0 : i32
    %ne3A_18 = vector.broadcast %ne3A_17 : i32 to vector<128x128xi32>
    %ne3A_19 = arith.cmpi ne, %and3A_16, %ne3A_18 : vector<128x128xi32>
    %select_n3A = arith.select %ne3A_19, %concatenate3A_12, %concatenate3A : vector<128x128xi1>, vector<128x128xf32>
    %slice3A_20 = vector.extract_strided_slice %add3A {offsets = [0, 1], sizes = [128, 127], strides = [1, 1]} : vector<128x128xi32> to vector<128x127xi32>
    %slice3A_21 = vector.extract_strided_slice %add3A {offsets = [0, 0], sizes = [128, 1], strides = [1, 1]} : vector<128x128xi32> to vector<128x1xi32>
    %concatenate3A_22 = tpu.concatenate %slice3A_20, %slice3A_21 in 1 : vector<128x127xi32>, vector<128x1xi32> -> vector<128x128xi32>
    %slice3A_23 = vector.extract_strided_slice %add3A {offsets = [0, 127], sizes = [128, 1], strides = [1, 1]} : vector<128x128xi32> to vector<128x1xi32>
    %slice3A_24 = vector.extract_strided_slice %add3A {offsets = [0, 0], sizes = [128, 127], strides = [1, 1]} : vector<128x128xi32> to vector<128x127xi32>
    %concatenate3A_25 = tpu.concatenate %slice3A_23, %slice3A_24 in 1 : vector<128x1xi32>, vector<128x127xi32> -> vector<128x128xi32>
    %iota3A_26 = tpu.iota {dimensions = array<i32: 1>} : vector<128x128xi32>
    %and3A_27 = arith.constant 1 : i32
    %and3A_28 = vector.broadcast %and3A_27 : i32 to vector<128x128xi32>
    %and3A_29 = arith.andi %iota3A_26, %and3A_28 : vector<128x128xi32>
    %ne3A_30 = arith.constant 0 : i32
    %ne3A_31 = vector.broadcast %ne3A_30 : i32 to vector<128x128xi32>
    %ne3A_32 = arith.cmpi ne, %and3A_29, %ne3A_31 : vector<128x128xi32>
    %select_n3A_33 = arith.select %ne3A_32, %concatenate3A_25, %concatenate3A_22 : vector<128x128xi1>, vector<128x128xi32>
    %and3A_34 = arith.constant 1 : i32
    %and3A_35 = vector.broadcast %and3A_34 : i32 to vector<128x128xi32>
    %and3A_36 = arith.andi %add3A, %and3A_35 : vector<128x128xi32>
    %ne3A_37 = arith.constant 0 : i32
    %ne3A_38 = vector.broadcast %ne3A_37 : i32 to vector<128x128xi32>
    %ne3A_39 = arith.cmpi ne, %and3A_36, %ne3A_38 : vector<128x128xi32>
    %gt3A = arith.cmpf ogt, %select_n3A, %get3A_1 : vector<128x128xf32>
    %eq3A = arith.cmpf oeq, %select_n3A, %get3A_1 : vector<128x128xf32>
    %lt3A = arith.cmpi slt, %select_n3A_33, %add3A : vector<128x128xi32>
    %and3A_40 = arith.andi %eq3A, %lt3A : vector<128x128xi1>
    %or3A = arith.ori %gt3A, %and3A_40 : vector<128x128xi1>
    %xor3A = arith.xori %or3A, %ne3A_39 : vector<128x128xi1>
    %xor3A_41 = arith.xori %xor3A, %ne3A_8 : vector<128x128xi1>
    %select_n3A_42 = arith.select %xor3A_41, %select_n3A, %get3A_1 : vector<128x128xi1>, vector<128x128xf32>
    %select_n3A_43 = arith.select %xor3A_41, %select_n3A_33, %add3A : vector<128x128xi1>, vector<128x128xi32>
    %and3A_44 = arith.constant 4 : i32
    %and3A_45 = vector.broadcast %and3A_44 : i32 to vector<128x128xi32>
    %and3A_46 = arith.andi %add3A, %and3A_45 : vector<128x128xi32>
    %ne3A_47 = arith.constant 0 : i32
    %ne3A_48 = vector.broadcast %ne3A_47 : i32 to vector<128x128xi32>
    %ne3A_49 = arith.cmpi ne, %and3A_46, %ne3A_48 : vector<128x128xi32>
    %slice3A_50 = vector.extract_strided_slice %select_n3A_42 {offsets = [0, 2], sizes = [128, 126], strides = [1, 1]} : vector<128x128xf32> to vector<128x126xf32>
    %slice3A_51 = vector.extract_strided_slice %select_n3A_42 {offsets = [0, 0], sizes = [128, 2], strides = [1, 1]} : vector<128x128xf32> to vector<128x2xf32>
    %concatenate3A_52 = tpu.concatenate %slice3A_50, %slice3A_51 in 1 : vector<128x126xf32>, vector<128x2xf32> -> vector<128x128xf32>
    %slice3A_53 = vector.extract_strided_slice %select_n3A_42 {offsets = [0, 126], sizes = [128, 2], strides = [1, 1]} : vector<128x128xf32> to vector<128x2xf32>
    %slice3A_54 = vector.extract_strided_slice %select_n3A_42 {offsets = [0, 0], sizes = [128, 126], strides = [1, 1]} : vector<128x128xf32> to vector<128x126xf32>
    %concatenate3A_55 = tpu.concatenate %slice3A_53, %slice3A_54 in 1 : vector<128x2xf32>, vector<128x126xf32> -> vector<128x128xf32>
    %iota3A_56 = tpu.iota {dimensions = array<i32: 1>} : vector<128x128xi32>
    %and3A_57 = arith.constant 2 : i32
    %and3A_58 = vector.broadcast %and3A_57 : i32 to vector<128x128xi32>
    %and3A_59 = arith.andi %iota3A_56, %and3A_58 : vector<128x128xi32>
    %ne3A_60 = arith.constant 0 : i32
    %ne3A_61 = vector.broadcast %ne3A_60 : i32 to vector<128x128xi32>
    %ne3A_62 = arith.cmpi ne, %and3A_59, %ne3A_61 : vector<128x128xi32>
    %select_n3A_63 = arith.select %ne3A_62, %concatenate3A_55, %concatenate3A_52 : vector<128x128xi1>, vector<128x128xf32>
    %slice3A_64 = vector.extract_strided_slice %select_n3A_43 {offsets = [0, 2], sizes = [128, 126], strides = [1, 1]} : vector<128x128xi32> to vector<128x126xi32>
    %slice3A_65 = vector.extract_strided_slice %select_n3A_43 {offsets = [0, 0], sizes = [128, 2], strides = [1, 1]} : vector<128x128xi32> to vector<128x2xi32>
    %concatenate3A_66 = tpu.concatenate %slice3A_64, %slice3A_65 in 1 : vector<128x126xi32>, vector<128x2xi32> -> vector<128x128xi32>
    %slice3A_67 = vector.extract_strided_slice %select_n3A_43 {offsets = [0, 126], sizes = [128, 2], strides = [1, 1]} : vector<128x128xi32> to vector<128x2xi32>
    %slice3A_68 = vector.extract_strided_slice %select_n3A_43 {offsets = [0, 0], sizes = [128, 126], strides = [1, 1]} : vector<128x128xi32> to vector<128x126xi32>
    %concatenate3A_69 = tpu.concatenate %slice3A_67, %slice3A_68 in 1 : vector<128x2xi32>, vector<128x126xi32> -> vector<128x128xi32>
    %iota3A_70 = tpu.iota {dimensions = array<i32: 1>} : vector<128x128xi32>
    %and3A_71 = arith.constant 2 : i32
    %and3A_72 = vector.broadcast %and3A_71 : i32 to vector<128x128xi32>
    %and3A_73 = arith.andi %iota3A_70, %and3A_72 : vector<128x128xi32>
    %ne3A_74 = arith.constant 0 : i32
    %ne3A_75 = vector.broadcast %ne3A_74 : i32 to vector<128x128xi32>
    %ne3A_76 = arith.cmpi ne, %and3A_73, %ne3A_75 : vector<128x128xi32>
    %select_n3A_77 = arith.select %ne3A_76, %concatenate3A_69, %concatenate3A_66 : vector<128x128xi1>, vector<128x128xi32>
    %and3A_78 = arith.constant 2 : i32
    %and3A_79 = vector.broadcast %and3A_78 : i32 to vector<128x128xi32>
    %and3A_80 = arith.andi %add3A, %and3A_79 : vector<128x128xi32>
    %ne3A_81 = arith.constant 0 : i32
    %ne3A_82 = vector.broadcast %ne3A_81 : i32 to vector<128x128xi32>
    %ne3A_83 = arith.cmpi ne, %and3A_80, %ne3A_82 : vector<128x128xi32>
    %gt3A_84 = arith.cmpf ogt, %select_n3A_63, %select_n3A_42 : vector<128x128xf32>
    %eq3A_85 = arith.cmpf oeq, %select_n3A_63, %select_n3A_42 : vector<128x128xf32>
    %lt3A_86 = arith.cmpi slt, %select_n3A_77, %select_n3A_43 : vector<128x128xi32>
    %and3A_87 = arith.andi %eq3A_85, %lt3A_86 : vector<128x128xi1>
    %or3A_88 = arith.ori %gt3A_84, %and3A_87 : vector<128x128xi1>
    %xor3A_89 = arith.xori %or3A_88, %ne3A_83 : vector<128x128xi1>
    %xor3A_90 = arith.xori %xor3A_89, %ne3A_49 : vector<128x128xi1>
    %select_n3A_91 = arith.select %xor3A_90, %select_n3A_63, %select_n3A_42 : vector<128x128xi1>, vector<128x128xf32>
    %select_n3A_92 = arith.select %xor3A_90, %select_n3A_77, %select_n3A_43 : vector<128x128xi1>, vector<128x128xi32>
    %slice3A_93 = vector.extract_strided_slice %select_n3A_91 {offsets = [0, 1], sizes = [128, 127], strides = [1, 1]} : vector<128x128xf32> to vector<128x127xf32>
    %slice3A_94 = vector.extract_strided_slice %select_n3A_91 {offsets = [0, 0], sizes = [128, 1], strides = [1, 1]} : vector<128x128xf32> to vector<128x1xf32>
    %concatenate3A_95 = tpu.concatenate %slice3A_93, %slice3A_94 in 1 : vector<128x127xf32>, vector<128x1xf32> -> vector<128x128xf32>
    %slice3A_96 = vector.extract_strided_slice %select_n3A_91 {offsets = [0, 127], sizes = [128, 1], strides = [1, 1]} : vector<128x128xf32> to vector<128x1xf32>
    %slice3A_97 = vector.extract_strided_slice %select_n3A_91 {offsets = [0, 0], sizes = [128, 127], strides = [1, 1]} : vector<128x128xf32> to vector<128x127xf32>
    %concatenate3A_98 = tpu.concatenate %slice3A_96, %slice3A_97 in 1 : vector<128x1xf32>, vector<128x127xf32> -> vector<128x128xf32>
    %iota3A_99 = tpu.iota {dimensions = array<i32: 1>} : vector<128x128xi32>
    %and3A_100 = arith.constant 1 : i32
    %and3A_101 = vector.broadcast %and3A_100 : i32 to vector<128x128xi32>
    %and3A_102 = arith.andi %iota3A_99, %and3A_101 : vector<128x128xi32>
    %ne3A_103 = arith.constant 0 : i32
    %ne3A_104 = vector.broadcast %ne3A_103 : i32 to vector<128x128xi32>
    %ne3A_105 = arith.cmpi ne, %and3A_102, %ne3A_104 : vector<128x128xi32>
    %select_n3A_106 = arith.select %ne3A_105, %concatenate3A_98, %concatenate3A_95 : vector<128x128xi1>, vector<128x128xf32>
    %slice3A_107 = vector.extract_strided_slice %select_n3A_92 {offsets = [0, 1], sizes = [128, 127], strides = [1, 1]} : vector<128x128xi32> to vector<128x127xi32>
    %slice3A_108 = vector.extract_strided_slice %select_n3A_92 {offsets = [0, 0], sizes = [128, 1], strides = [1, 1]} : vector<128x128xi32> to vector<128x1xi32>
    %concatenate3A_109 = tpu.concatenate %slice3A_107, %slice3A_108 in 1 : vector<128x127xi32>, vector<128x1xi32> -> vector<128x128xi32>
    %slice3A_110 = vector.extract_strided_slice %select_n3A_92 {offsets = [0, 127], sizes = [128, 1], strides = [1, 1]} : vector<128x128xi32> to vector<128x1xi32>
    %slice3A_111 = vector.extract_strided_slice %select_n3A_92 {offsets = [0, 0], sizes = [128, 127], strides = [1, 1]} : vector<128x128xi32> to vector<128x127xi32>
    %concatenate3A_112 = tpu.concatenate %slice3A_110, %slice3A_111 in 1 : vector<128x1xi32>, vector<128x127xi32> -> vector<128x128xi32>
    %iota3A_113 = tpu.iota {dimensions = array<i32: 1>} : vector<128x128xi32>
    %and3A_114 = arith.constant 1 : i32
    %and3A_115 = vector.broadcast %and3A_114 : i32 to vector<128x128xi32>
    %and3A_116 = arith.andi %iota3A_113, %and3A_115 : vector<128x128xi32>
    %ne3A_117 = arith.constant 0 : i32
    %ne3A_118 = vector.broadcast %ne3A_117 : i32 to vector<128x128xi32>
    %ne3A_119 = arith.cmpi ne, %and3A_116, %ne3A_118 : vector<128x128xi32>
    %select_n3A_120 = arith.select %ne3A_119, %concatenate3A_112, %concatenate3A_109 : vector<128x128xi1>, vector<128x128xi32>
    %and3A_121 = arith.constant 1 : i32
    %and3A_122 = vector.broadcast %and3A_121 : i32 to vector<128x128xi32>
    %and3A_123 = arith.andi %add3A, %and3A_122 : vector<128x128xi32>
    %ne3A_124 = arith.constant 0 : i32
    %ne3A_125 = vector.broadcast %ne3A_124 : i32 to vector<128x128xi32>
    %ne3A_126 = arith.cmpi ne, %and3A_123, %ne3A_125 : vector<128x128xi32>
    %gt3A_127 = arith.cmpf ogt, %select_n3A_106, %select_n3A_91 : vector<128x128xf32>
    %eq3A_128 = arith.cmpf oeq, %select_n3A_106, %select_n3A_91 : vector<128x128xf32>
    %lt3A_129 = arith.cmpi slt, %select_n3A_120, %select_n3A_92 : vector<128x128xi32>
    %and3A_130 = arith.andi %eq3A_128, %lt3A_129 : vector<128x128xi1>
    %or3A_131 = arith.ori %gt3A_127, %and3A_130 : vector<128x128xi1>
    %xor3A_132 = arith.xori %or3A_131, %ne3A_126 : vector<128x128xi1>
    %xor3A_133 = arith.xori %xor3A_132, %ne3A_49 : vector<128x128xi1>
    %select_n3A_134 = arith.select %xor3A_133, %select_n3A_106, %select_n3A_91 : vector<128x128xi1>, vector<128x128xf32>
    %select_n3A_135 = arith.select %xor3A_133, %select_n3A_120, %select_n3A_92 : vector<128x128xi1>, vector<128x128xi32>
    %and3A_136 = arith.constant 8 : i32
    %and3A_137 = vector.broadcast %and3A_136 : i32 to vector<128x128xi32>
    %and3A_138 = arith.andi %add3A, %and3A_137 : vector<128x128xi32>
    %ne3A_139 = arith.constant 0 : i32
    %ne3A_140 = vector.broadcast %ne3A_139 : i32 to vector<128x128xi32>
    %ne3A_141 = arith.cmpi ne, %and3A_138, %ne3A_140 : vector<128x128xi32>
    %slice3A_142 = vector.extract_strided_slice %select_n3A_134 {offsets = [0, 4], sizes = [128, 124], strides = [1, 1]} : vector<128x128xf32> to vector<128x124xf32>
    %slice3A_143 = vector.extract_strided_slice %select_n3A_134 {offsets = [0, 0], sizes = [128, 4], strides = [1, 1]} : vector<128x128xf32> to vector<128x4xf32>
    %concatenate3A_144 = tpu.concatenate %slice3A_142, %slice3A_143 in 1 : vector<128x124xf32>, vector<128x4xf32> -> vector<128x128xf32>
    %slice3A_145 = vector.extract_strided_slice %select_n3A_134 {offsets = [0, 124], sizes = [128, 4], strides = [1, 1]} : vector<128x128xf32> to vector<128x4xf32>
    %slice3A_146 = vector.extract_strided_slice %select_n3A_134 {offsets = [0, 0], sizes = [128, 124], strides = [1, 1]} : vector<128x128xf32> to vector<128x124xf32>
    %concatenate3A_147 = tpu.concatenate %slice3A_145, %slice3A_146 in 1 : vector<128x4xf32>, vector<128x124xf32> -> vector<128x128xf32>
    %iota3A_148 = tpu.iota {dimensions = array<i32: 1>} : vector<128x128xi32>
    %and3A_149 = arith.constant 4 : i32
    %and3A_150 = vector.broadcast %and3A_149 : i32 to vector<128x128xi32>
    %and3A_151 = arith.andi %iota3A_148, %and3A_150 : vector<128x128xi32>
    %ne3A_152 = arith.constant 0 : i32
    %ne3A_153 = vector.broadcast %ne3A_152 : i32 to vector<128x128xi32>
    %ne3A_154 = arith.cmpi ne, %and3A_151, %ne3A_153 : vector<128x128xi32>
    %select_n3A_155 = arith.select %ne3A_154, %concatenate3A_147, %concatenate3A_144 : vector<128x128xi1>, vector<128x128xf32>
    %slice3A_156 = vector.extract_strided_slice %select_n3A_135 {offsets = [0, 4], sizes = [128, 124], strides = [1, 1]} : vector<128x128xi32> to vector<128x124xi32>
    %slice3A_157 = vector.extract_strided_slice %select_n3A_135 {offsets = [0, 0], sizes = [128, 4], strides = [1, 1]} : vector<128x128xi32> to vector<128x4xi32>
    %concatenate3A_158 = tpu.concatenate %slice3A_156, %slice3A_157 in 1 : vector<128x124xi32>, vector<128x4xi32> -> vector<128x128xi32>
    %slice3A_159 = vector.extract_strided_slice %select_n3A_135 {offsets = [0, 124], sizes = [128, 4], strides = [1, 1]} : vector<128x128xi32> to vector<128x4xi32>
    %slice3A_160 = vector.extract_strided_slice %select_n3A_135 {offsets = [0, 0], sizes = [128, 124], strides = [1, 1]} : vector<128x128xi32> to vector<128x124xi32>
    %concatenate3A_161 = tpu.concatenate %slice3A_159, %slice3A_160 in 1 : vector<128x4xi32>, vector<128x124xi32> -> vector<128x128xi32>
    %iota3A_162 = tpu.iota {dimensions = array<i32: 1>} : vector<128x128xi32>
    %and3A_163 = arith.constant 4 : i32
    %and3A_164 = vector.broadcast %and3A_163 : i32 to vector<128x128xi32>
    %and3A_165 = arith.andi %iota3A_162, %and3A_164 : vector<128x128xi32>
    %ne3A_166 = arith.constant 0 : i32
    %ne3A_167 = vector.broadcast %ne3A_166 : i32 to vector<128x128xi32>
    %ne3A_168 = arith.cmpi ne, %and3A_165, %ne3A_167 : vector<128x128xi32>
    %select_n3A_169 = arith.select %ne3A_168, %concatenate3A_161, %concatenate3A_158 : vector<128x128xi1>, vector<128x128xi32>
    %and3A_170 = arith.constant 4 : i32
    %and3A_171 = vector.broadcast %and3A_170 : i32 to vector<128x128xi32>
    %and3A_172 = arith.andi %add3A, %and3A_171 : vector<128x128xi32>
    %ne3A_173 = arith.constant 0 : i32
    %ne3A_174 = vector.broadcast %ne3A_173 : i32 to vector<128x128xi32>
    %ne3A_175 = arith.cmpi ne, %and3A_172, %ne3A_174 : vector<128x128xi32>
    %gt3A_176 = arith.cmpf ogt, %select_n3A_155, %select_n3A_134 : vector<128x128xf32>
    %eq3A_177 = arith.cmpf oeq, %select_n3A_155, %select_n3A_134 : vector<128x128xf32>
    %lt3A_178 = arith.cmpi slt, %select_n3A_169, %select_n3A_135 : vector<128x128xi32>
    %and3A_179 = arith.andi %eq3A_177, %lt3A_178 : vector<128x128xi1>
    %or3A_180 = arith.ori %gt3A_176, %and3A_179 : vector<128x128xi1>
    %xor3A_181 = arith.xori %or3A_180, %ne3A_175 : vector<128x128xi1>
    %xor3A_182 = arith.xori %xor3A_181, %ne3A_141 : vector<128x128xi1>
    %select_n3A_183 = arith.select %xor3A_182, %select_n3A_155, %select_n3A_134 : vector<128x128xi1>, vector<128x128xf32>
    %select_n3A_184 = arith.select %xor3A_182, %select_n3A_169, %select_n3A_135 : vector<128x128xi1>, vector<128x128xi32>
    %slice3A_185 = vector.extract_strided_slice %select_n3A_183 {offsets = [0, 2], sizes = [128, 126], strides = [1, 1]} : vector<128x128xf32> to vector<128x126xf32>
    %slice3A_186 = vector.extract_strided_slice %select_n3A_183 {offsets = [0, 0], sizes = [128, 2], strides = [1, 1]} : vector<128x128xf32> to vector<128x2xf32>
    %concatenate3A_187 = tpu.concatenate %slice3A_185, %slice3A_186 in 1 : vector<128x126xf32>, vector<128x2xf32> -> vector<128x128xf32>
    %slice3A_188 = vector.extract_strided_slice %select_n3A_183 {offsets = [0, 126], sizes = [128, 2], strides = [1, 1]} : vector<128x128xf32> to vector<128x2xf32>
    %slice3A_189 = vector.extract_strided_slice %select_n3A_183 {offsets = [0, 0], sizes = [128, 126], strides = [1, 1]} : vector<128x128xf32> to vector<128x126xf32>
    %concatenate3A_190 = tpu.concatenate %slice3A_188, %slice3A_189 in 1 : vector<128x2xf32>, vector<128x126xf32> -> vector<128x128xf32>
    %iota3A_191 = tpu.iota {dimensions = array<i32: 1>} : vector<128x128xi32>
    %and3A_192 = arith.constant 2 : i32
    %and3A_193 = vector.broadcast %and3A_192 : i32 to vector<128x128xi32>
    %and3A_194 = arith.andi %iota3A_191, %and3A_193 : vector<128x128xi32>
    %ne3A_195 = arith.constant 0 : i32
    %ne3A_196 = vector.broadcast %ne3A_195 : i32 to vector<128x128xi32>
    %ne3A_197 = arith.cmpi ne, %and3A_194, %ne3A_196 : vector<128x128xi32>
    %select_n3A_198 = arith.select %ne3A_197, %concatenate3A_190, %concatenate3A_187 : vector<128x128xi1>, vector<128x128xf32>
    %slice3A_199 = vector.extract_strided_slice %select_n3A_184 {offsets = [0, 2], sizes = [128, 126], strides = [1, 1]} : vector<128x128xi32> to vector<128x126xi32>
    %slice3A_200 = vector.extract_strided_slice %select_n3A_184 {offsets = [0, 0], sizes = [128, 2], strides = [1, 1]} : vector<128x128xi32> to vector<128x2xi32>
    %concatenate3A_201 = tpu.concatenate %slice3A_199, %slice3A_200 in 1 : vector<128x126xi32>, vector<128x2xi32> -> vector<128x128xi32>
    %slice3A_202 = vector.extract_strided_slice %select_n3A_184 {offsets = [0, 126], sizes = [128, 2], strides = [1, 1]} : vector<128x128xi32> to vector<128x2xi32>
    %slice3A_203 = vector.extract_strided_slice %select_n3A_184 {offsets = [0, 0], sizes = [128, 126], strides = [1, 1]} : vector<128x128xi32> to vector<128x126xi32>
    %concatenate3A_204 = tpu.concatenate %slice3A_202, %slice3A_203 in 1 : vector<128x2xi32>, vector<128x126xi32> -> vector<128x128xi32>
    %iota3A_205 = tpu.iota {dimensions = array<i32: 1>} : vector<128x128xi32>
    %and3A_206 = arith.constant 2 : i32
    %and3A_207 = vector.broadcast %and3A_206 : i32 to vector<128x128xi32>
    %and3A_208 = arith.andi %iota3A_205, %and3A_207 : vector<128x128xi32>
    %ne3A_209 = arith.constant 0 : i32
    %ne3A_210 = vector.broadcast %ne3A_209 : i32 to vector<128x128xi32>
    %ne3A_211 = arith.cmpi ne, %and3A_208, %ne3A_210 : vector<128x128xi32>
    %select_n3A_212 = arith.select %ne3A_211, %concatenate3A_204, %concatenate3A_201 : vector<128x128xi1>, vector<128x128xi32>
    %and3A_213 = arith.constant 2 : i32
    %and3A_214 = vector.broadcast %and3A_213 : i32 to vector<128x128xi32>
    %and3A_215 = arith.andi %add3A, %and3A_214 : vector<128x128xi32>
    %ne3A_216 = arith.constant 0 : i32
    %ne3A_217 = vector.broadcast %ne3A_216 : i32 to vector<128x128xi32>
    %ne3A_218 = arith.cmpi ne, %and3A_215, %ne3A_217 : vector<128x128xi32>
    %gt3A_219 = arith.cmpf ogt, %select_n3A_198, %select_n3A_183 : vector<128x128xf32>
    %eq3A_220 = arith.cmpf oeq, %select_n3A_198, %select_n3A_183 : vector<128x128xf32>
    %lt3A_221 = arith.cmpi slt, %select_n3A_212, %select_n3A_184 : vector<128x128xi32>
    %and3A_222 = arith.andi %eq3A_220, %lt3A_221 : vector<128x128xi1>
    %or3A_223 = arith.ori %gt3A_219, %and3A_222 : vector<128x128xi1>
    %xor3A_224 = arith.xori %or3A_223, %ne3A_218 : vector<128x128xi1>
    %xor3A_225 = arith.xori %xor3A_224, %ne3A_141 : vector<128x128xi1>
    %select_n3A_226 = arith.select %xor3A_225, %select_n3A_198, %select_n3A_183 : vector<128x128xi1>, vector<128x128xf32>
    %select_n3A_227 = arith.select %xor3A_225, %select_n3A_212, %select_n3A_184 : vector<128x128xi1>, vector<128x128xi32>
    %slice3A_228 = vector.extract_strided_slice %select_n3A_226 {offsets = [0, 1], sizes = [128, 127], strides = [1, 1]} : vector<128x128xf32> to vector<128x127xf32>
    %slice3A_229 = vector.extract_strided_slice %select_n3A_226 {offsets = [0, 0], sizes = [128, 1], strides = [1, 1]} : vector<128x128xf32> to vector<128x1xf32>
    %concatenate3A_230 = tpu.concatenate %slice3A_228, %slice3A_229 in 1 : vector<128x127xf32>, vector<128x1xf32> -> vector<128x128xf32>
    %slice3A_231 = vector.extract_strided_slice %select_n3A_226 {offsets = [0, 127], sizes = [128, 1], strides = [1, 1]} : vector<128x128xf32> to vector<128x1xf32>
    %slice3A_232 = vector.extract_strided_slice %select_n3A_226 {offsets = [0, 0], sizes = [128, 127], strides = [1, 1]} : vector<128x128xf32> to vector<128x127xf32>
    %concatenate3A_233 = tpu.concatenate %slice3A_231, %slice3A_232 in 1 : vector<128x1xf32>, vector<128x127xf32> -> vector<128x128xf32>
    %iota3A_234 = tpu.iota {dimensions = array<i32: 1>} : vector<128x128xi32>
    %and3A_235 = arith.constant 1 : i32
    %and3A_236 = vector.broadcast %and3A_235 : i32 to vector<128x128xi32>
    %and3A_237 = arith.andi %iota3A_234, %and3A_236 : vector<128x128xi32>
    %ne3A_238 = arith.constant 0 : i32
    %ne3A_239 = vector.broadcast %ne3A_238 : i32 to vector<128x128xi32>
    %ne3A_240 = arith.cmpi ne, %and3A_237, %ne3A_239 : vector<128x128xi32>
    %select_n3A_241 = arith.select %ne3A_240, %concatenate3A_233, %concatenate3A_230 : vector<128x128xi1>, vector<128x128xf32>
    %slice3A_242 = vector.extract_strided_slice %select_n3A_227 {offsets = [0, 1], sizes = [128, 127], strides = [1, 1]} : vector<128x128xi32> to vector<128x127xi32>
    %slice3A_243 = vector.extract_strided_slice %select_n3A_227 {offsets = [0, 0], sizes = [128, 1], strides = [1, 1]} : vector<128x128xi32> to vector<128x1xi32>
    %concatenate3A_244 = tpu.concatenate %slice3A_242, %slice3A_243 in 1 : vector<128x127xi32>, vector<128x1xi32> -> vector<128x128xi32>
    %slice3A_245 = vector.extract_strided_slice %select_n3A_227 {offsets = [0, 127], sizes = [128, 1], strides = [1, 1]} : vector<128x128xi32> to vector<128x1xi32>
    %slice3A_246 = vector.extract_strided_slice %select_n3A_227 {offsets = [0, 0], sizes = [128, 127], strides = [1, 1]} : vector<128x128xi32> to vector<128x127xi32>
    %concatenate3A_247 = tpu.concatenate %slice3A_245, %slice3A_246 in 1 : vector<128x1xi32>, vector<128x127xi32> -> vector<128x128xi32>
    %iota3A_248 = tpu.iota {dimensions = array<i32: 1>} : vector<128x128xi32>
    %and3A_249 = arith.constant 1 : i32
    %and3A_250 = vector.broadcast %and3A_249 : i32 to vector<128x128xi32>
    %and3A_251 = arith.andi %iota3A_248, %and3A_250 : vector<128x128xi32>
    %ne3A_252 = arith.constant 0 : i32
    %ne3A_253 = vector.broadcast %ne3A_252 : i32 to vector<128x128xi32>
    %ne3A_254 = arith.cmpi ne, %and3A_251, %ne3A_253 : vector<128x128xi32>
    %select_n3A_255 = arith.select %ne3A_254, %concatenate3A_247, %concatenate3A_244 : vector<128x128xi1>, vector<128x128xi32>
    %and3A_256 = arith.constant 1 : i32
    %and3A_257 = vector.broadcast %and3A_256 : i32 to vector<128x128xi32>
    %and3A_258 = arith.andi %add3A, %and3A_257 : vector<128x128xi32>
    %ne3A_259 = arith.constant 0 : i32
    %ne3A_260 = vector.broadcast %ne3A_259 : i32 to vector<128x128xi32>
    %ne3A_261 = arith.cmpi ne, %and3A_258, %ne3A_260 : vector<128x128xi32>
    %gt3A_262 = arith.cmpf ogt, %select_n3A_241, %select_n3A_226 : vector<128x128xf32>
    %eq3A_263 = arith.cmpf oeq, %select_n3A_241, %select_n3A_226 : vector<128x128xf32>
    %lt3A_264 = arith.cmpi slt, %select_n3A_255, %select_n3A_227 : vector<128x128xi32>
    %and3A_265 = arith.andi %eq3A_263, %lt3A_264 : vector<128x128xi1>
    %or3A_266 = arith.ori %gt3A_262, %and3A_265 : vector<128x128xi1>
    %xor3A_267 = arith.xori %or3A_266, %ne3A_261 : vector<128x128xi1>
    %xor3A_268 = arith.xori %xor3A_267, %ne3A_141 : vector<128x128xi1>
    %select_n3A_269 = arith.select %xor3A_268, %select_n3A_241, %select_n3A_226 : vector<128x128xi1>, vector<128x128xf32>
    %select_n3A_270 = arith.select %xor3A_268, %select_n3A_255, %select_n3A_227 : vector<128x128xi1>, vector<128x128xi32>
    %and3A_271 = arith.constant 16 : i32
    %and3A_272 = vector.broadcast %and3A_271 : i32 to vector<128x128xi32>
    %and3A_273 = arith.andi %add3A, %and3A_272 : vector<128x128xi32>
    %ne3A_274 = arith.constant 0 : i32
    %ne3A_275 = vector.broadcast %ne3A_274 : i32 to vector<128x128xi32>
    %ne3A_276 = arith.cmpi ne, %and3A_273, %ne3A_275 : vector<128x128xi32>
    %slice3A_277 = vector.extract_strided_slice %select_n3A_269 {offsets = [0, 8], sizes = [128, 120], strides = [1, 1]} : vector<128x128xf32> to vector<128x120xf32>
    %slice3A_278 = vector.extract_strided_slice %select_n3A_269 {offsets = [0, 0], sizes = [128, 8], strides = [1, 1]} : vector<128x128xf32> to vector<128x8xf32>
    %concatenate3A_279 = tpu.concatenate %slice3A_277, %slice3A_278 in 1 : vector<128x120xf32>, vector<128x8xf32> -> vector<128x128xf32>
    %slice3A_280 = vector.extract_strided_slice %select_n3A_269 {offsets = [0, 120], sizes = [128, 8], strides = [1, 1]} : vector<128x128xf32> to vector<128x8xf32>
    %slice3A_281 = vector.extract_strided_slice %select_n3A_269 {offsets = [0, 0], sizes = [128, 120], strides = [1, 1]} : vector<128x128xf32> to vector<128x120xf32>
    %concatenate3A_282 = tpu.concatenate %slice3A_280, %slice3A_281 in 1 : vector<128x8xf32>, vector<128x120xf32> -> vector<128x128xf32>
    %iota3A_283 = tpu.iota {dimensions = array<i32: 1>} : vector<128x128xi32>
    %and3A_284 = arith.constant 8 : i32
    %and3A_285 = vector.broadcast %and3A_284 : i32 to vector<128x128xi32>
    %and3A_286 = arith.andi %iota3A_283, %and3A_285 : vector<128x128xi32>
    %ne3A_287 = arith.constant 0 : i32
    %ne3A_288 = vector.broadcast %ne3A_287 : i32 to vector<128x128xi32>
    %ne3A_289 = arith.cmpi ne, %and3A_286, %ne3A_288 : vector<128x128xi32>
    %select_n3A_290 = arith.select %ne3A_289, %concatenate3A_282, %concatenate3A_279 : vector<128x128xi1>, vector<128x128xf32>
    %slice3A_291 = vector.extract_strided_slice %select_n3A_270 {offsets = [0, 8], sizes = [128, 120], strides = [1, 1]} : vector<128x128xi32> to vector<128x120xi32>
    %slice3A_292 = vector.extract_strided_slice %select_n3A_270 {offsets = [0, 0], sizes = [128, 8], strides = [1, 1]} : vector<128x128xi32> to vector<128x8xi32>
    %concatenate3A_293 = tpu.concatenate %slice3A_291, %slice3A_292 in 1 : vector<128x120xi32>, vector<128x8xi32> -> vector<128x128xi32>
    %slice3A_294 = vector.extract_strided_slice %select_n3A_270 {offsets = [0, 120], sizes = [128, 8], strides = [1, 1]} : vector<128x128xi32> to vector<128x8xi32>
    %slice3A_295 = vector.extract_strided_slice %select_n3A_270 {offsets = [0, 0], sizes = [128, 120], strides = [1, 1]} : vector<128x128xi32> to vector<128x120xi32>
    %concatenate3A_296 = tpu.concatenate %slice3A_294, %slice3A_295 in 1 : vector<128x8xi32>, vector<128x120xi32> -> vector<128x128xi32>
    %iota3A_297 = tpu.iota {dimensions = array<i32: 1>} : vector<128x128xi32>
    %and3A_298 = arith.constant 8 : i32
    %and3A_299 = vector.broadcast %and3A_298 : i32 to vector<128x128xi32>
    %and3A_300 = arith.andi %iota3A_297, %and3A_299 : vector<128x128xi32>
    %ne3A_301 = arith.constant 0 : i32
    %ne3A_302 = vector.broadcast %ne3A_301 : i32 to vector<128x128xi32>
    %ne3A_303 = arith.cmpi ne, %and3A_300, %ne3A_302 : vector<128x128xi32>
    %select_n3A_304 = arith.select %ne3A_303, %concatenate3A_296, %concatenate3A_293 : vector<128x128xi1>, vector<128x128xi32>
    %and3A_305 = arith.constant 8 : i32
    %and3A_306 = vector.broadcast %and3A_305 : i32 to vector<128x128xi32>
    %and3A_307 = arith.andi %add3A, %and3A_306 : vector<128x128xi32>
    %ne3A_308 = arith.constant 0 : i32
    %ne3A_309 = vector.broadcast %ne3A_308 : i32 to vector<128x128xi32>
    %ne3A_310 = arith.cmpi ne, %and3A_307, %ne3A_309 : vector<128x128xi32>
    %gt3A_311 = arith.cmpf ogt, %select_n3A_290, %select_n3A_269 : vector<128x128xf32>
    %eq3A_312 = arith.cmpf oeq, %select_n3A_290, %select_n3A_269 : vector<128x128xf32>
    %lt3A_313 = arith.cmpi slt, %select_n3A_304, %select_n3A_270 : vector<128x128xi32>
    %and3A_314 = arith.andi %eq3A_312, %lt3A_313 : vector<128x128xi1>
    %or3A_315 = arith.ori %gt3A_311, %and3A_314 : vector<128x128xi1>
    %xor3A_316 = arith.xori %or3A_315, %ne3A_310 : vector<128x128xi1>
    %xor3A_317 = arith.xori %xor3A_316, %ne3A_276 : vector<128x128xi1>
    %select_n3A_318 = arith.select %xor3A_317, %select_n3A_290, %select_n3A_269 : vector<128x128xi1>, vector<128x128xf32>
    %select_n3A_319 = arith.select %xor3A_317, %select_n3A_304, %select_n3A_270 : vector<128x128xi1>, vector<128x128xi32>
    %slice3A_320 = vector.extract_strided_slice %select_n3A_318 {offsets = [0, 4], sizes = [128, 124], strides = [1, 1]} : vector<128x128xf32> to vector<128x124xf32>
    %slice3A_321 = vector.extract_strided_slice %select_n3A_318 {offsets = [0, 0], sizes = [128, 4], strides = [1, 1]} : vector<128x128xf32> to vector<128x4xf32>
    %concatenate3A_322 = tpu.concatenate %slice3A_320, %slice3A_321 in 1 : vector<128x124xf32>, vector<128x4xf32> -> vector<128x128xf32>
    %slice3A_323 = vector.extract_strided_slice %select_n3A_318 {offsets = [0, 124], sizes = [128, 4], strides = [1, 1]} : vector<128x128xf32> to vector<128x4xf32>
    %slice3A_324 = vector.extract_strided_slice %select_n3A_318 {offsets = [0, 0], sizes = [128, 124], strides = [1, 1]} : vector<128x128xf32> to vector<128x124xf32>
    %concatenate3A_325 = tpu.concatenate %slice3A_323, %slice3A_324 in 1 : vector<128x4xf32>, vector<128x124xf32> -> vector<128x128xf32>
    %iota3A_326 = tpu.iota {dimensions = array<i32: 1>} : vector<128x128xi32>
    %and3A_327 = arith.constant 4 : i32
    %and3A_328 = vector.broadcast %and3A_327 : i32 to vector<128x128xi32>
    %and3A_329 = arith.andi %iota3A_326, %and3A_328 : vector<128x128xi32>
    %ne3A_330 = arith.constant 0 : i32
    %ne3A_331 = vector.broadcast %ne3A_330 : i32 to vector<128x128xi32>
    %ne3A_332 = arith.cmpi ne, %and3A_329, %ne3A_331 : vector<128x128xi32>
    %select_n3A_333 = arith.select %ne3A_332, %concatenate3A_325, %concatenate3A_322 : vector<128x128xi1>, vector<128x128xf32>
    %slice3A_334 = vector.extract_strided_slice %select_n3A_319 {offsets = [0, 4], sizes = [128, 124], strides = [1, 1]} : vector<128x128xi32> to vector<128x124xi32>
    %slice3A_335 = vector.extract_strided_slice %select_n3A_319 {offsets = [0, 0], sizes = [128, 4], strides = [1, 1]} : vector<128x128xi32> to vector<128x4xi32>
    %concatenate3A_336 = tpu.concatenate %slice3A_334, %slice3A_335 in 1 : vector<128x124xi32>, vector<128x4xi32> -> vector<128x128xi32>
    %slice3A_337 = vector.extract_strided_slice %select_n3A_319 {offsets = [0, 124], sizes = [128, 4], strides = [1, 1]} : vector<128x128xi32> to vector<128x4xi32>
    %slice3A_338 = vector.extract_strided_slice %select_n3A_319 {offsets = [0, 0], sizes = [128, 124], strides = [1, 1]} : vector<128x128xi32> to vector<128x124xi32>
    %concatenate3A_339 = tpu.concatenate %slice3A_337, %slice3A_338 in 1 : vector<128x4xi32>, vector<128x124xi32> -> vector<128x128xi32>
    %iota3A_340 = tpu.iota {dimensions = array<i32: 1>} : vector<128x128xi32>
    %and3A_341 = arith.constant 4 : i32
    %and3A_342 = vector.broadcast %and3A_341 : i32 to vector<128x128xi32>
    %and3A_343 = arith.andi %iota3A_340, %and3A_342 : vector<128x128xi32>
    %ne3A_344 = arith.constant 0 : i32
    %ne3A_345 = vector.broadcast %ne3A_344 : i32 to vector<128x128xi32>
    %ne3A_346 = arith.cmpi ne, %and3A_343, %ne3A_345 : vector<128x128xi32>
    %select_n3A_347 = arith.select %ne3A_346, %concatenate3A_339, %concatenate3A_336 : vector<128x128xi1>, vector<128x128xi32>
    %and3A_348 = arith.constant 4 : i32
    %and3A_349 = vector.broadcast %and3A_348 : i32 to vector<128x128xi32>
    %and3A_350 = arith.andi %add3A, %and3A_349 : vector<128x128xi32>
    %ne3A_351 = arith.constant 0 : i32
    %ne3A_352 = vector.broadcast %ne3A_351 : i32 to vector<128x128xi32>
    %ne3A_353 = arith.cmpi ne, %and3A_350, %ne3A_352 : vector<128x128xi32>
    %gt3A_354 = arith.cmpf ogt, %select_n3A_333, %select_n3A_318 : vector<128x128xf32>
    %eq3A_355 = arith.cmpf oeq, %select_n3A_333, %select_n3A_318 : vector<128x128xf32>
    %lt3A_356 = arith.cmpi slt, %select_n3A_347, %select_n3A_319 : vector<128x128xi32>
    %and3A_357 = arith.andi %eq3A_355, %lt3A_356 : vector<128x128xi1>
    %or3A_358 = arith.ori %gt3A_354, %and3A_357 : vector<128x128xi1>
    %xor3A_359 = arith.xori %or3A_358, %ne3A_353 : vector<128x128xi1>
    %xor3A_360 = arith.xori %xor3A_359, %ne3A_276 : vector<128x128xi1>
    %select_n3A_361 = arith.select %xor3A_360, %select_n3A_333, %select_n3A_318 : vector<128x128xi1>, vector<128x128xf32>
    %select_n3A_362 = arith.select %xor3A_360, %select_n3A_347, %select_n3A_319 : vector<128x128xi1>, vector<128x128xi32>
    %slice3A_363 = vector.extract_strided_slice %select_n3A_361 {offsets = [0, 2], sizes = [128, 126], strides = [1, 1]} : vector<128x128xf32> to vector<128x126xf32>
    %slice3A_364 = vector.extract_strided_slice %select_n3A_361 {offsets = [0, 0], sizes = [128, 2], strides = [1, 1]} : vector<128x128xf32> to vector<128x2xf32>
    %concatenate3A_365 = tpu.concatenate %slice3A_363, %slice3A_364 in 1 : vector<128x126xf32>, vector<128x2xf32> -> vector<128x128xf32>
    %slice3A_366 = vector.extract_strided_slice %select_n3A_361 {offsets = [0, 126], sizes = [128, 2], strides = [1, 1]} : vector<128x128xf32> to vector<128x2xf32>
    %slice3A_367 = vector.extract_strided_slice %select_n3A_361 {offsets = [0, 0], sizes = [128, 126], strides = [1, 1]} : vector<128x128xf32> to vector<128x126xf32>
    %concatenate3A_368 = tpu.concatenate %slice3A_366, %slice3A_367 in 1 : vector<128x2xf32>, vector<128x126xf32> -> vector<128x128xf32>
    %iota3A_369 = tpu.iota {dimensions = array<i32: 1>} : vector<128x128xi32>
    %and3A_370 = arith.constant 2 : i32
    %and3A_371 = vector.broadcast %and3A_370 : i32 to vector<128x128xi32>
    %and3A_372 = arith.andi %iota3A_369, %and3A_371 : vector<128x128xi32>
    %ne3A_373 = arith.constant 0 : i32
    %ne3A_374 = vector.broadcast %ne3A_373 : i32 to vector<128x128xi32>
    %ne3A_375 = arith.cmpi ne, %and3A_372, %ne3A_374 : vector<128x128xi32>
    %select_n3A_376 = arith.select %ne3A_375, %concatenate3A_368, %concatenate3A_365 : vector<128x128xi1>, vector<128x128xf32>
    %slice3A_377 = vector.extract_strided_slice %select_n3A_362 {offsets = [0, 2], sizes = [128, 126], strides = [1, 1]} : vector<128x128xi32> to vector<128x126xi32>
    %slice3A_378 = vector.extract_strided_slice %select_n3A_362 {offsets = [0, 0], sizes = [128, 2], strides = [1, 1]} : vector<128x128xi32> to vector<128x2xi32>
    %concatenate3A_379 = tpu.concatenate %slice3A_377, %slice3A_378 in 1 : vector<128x126xi32>, vector<128x2xi32> -> vector<128x128xi32>
    %slice3A_380 = vector.extract_strided_slice %select_n3A_362 {offsets = [0, 126], sizes = [128, 2], strides = [1, 1]} : vector<128x128xi32> to vector<128x2xi32>
    %slice3A_381 = vector.extract_strided_slice %select_n3A_362 {offsets = [0, 0], sizes = [128, 126], strides = [1, 1]} : vector<128x128xi32> to vector<128x126xi32>
    %concatenate3A_382 = tpu.concatenate %slice3A_380, %slice3A_381 in 1 : vector<128x2xi32>, vector<128x126xi32> -> vector<128x128xi32>
    %iota3A_383 = tpu.iota {dimensions = array<i32: 1>} : vector<128x128xi32>
    %and3A_384 = arith.constant 2 : i32
    %and3A_385 = vector.broadcast %and3A_384 : i32 to vector<128x128xi32>
    %and3A_386 = arith.andi %iota3A_383, %and3A_385 : vector<128x128xi32>
    %ne3A_387 = arith.constant 0 : i32
    %ne3A_388 = vector.broadcast %ne3A_387 : i32 to vector<128x128xi32>
    %ne3A_389 = arith.cmpi ne, %and3A_386, %ne3A_388 : vector<128x128xi32>
    %select_n3A_390 = arith.select %ne3A_389, %concatenate3A_382, %concatenate3A_379 : vector<128x128xi1>, vector<128x128xi32>
    %and3A_391 = arith.constant 2 : i32
    %and3A_392 = vector.broadcast %and3A_391 : i32 to vector<128x128xi32>
    %and3A_393 = arith.andi %add3A, %and3A_392 : vector<128x128xi32>
    %ne3A_394 = arith.constant 0 : i32
    %ne3A_395 = vector.broadcast %ne3A_394 : i32 to vector<128x128xi32>
    %ne3A_396 = arith.cmpi ne, %and3A_393, %ne3A_395 : vector<128x128xi32>
    %gt3A_397 = arith.cmpf ogt, %select_n3A_376, %select_n3A_361 : vector<128x128xf32>
    %eq3A_398 = arith.cmpf oeq, %select_n3A_376, %select_n3A_361 : vector<128x128xf32>
    %lt3A_399 = arith.cmpi slt, %select_n3A_390, %select_n3A_362 : vector<128x128xi32>
    %and3A_400 = arith.andi %eq3A_398, %lt3A_399 : vector<128x128xi1>
    %or3A_401 = arith.ori %gt3A_397, %and3A_400 : vector<128x128xi1>
    %xor3A_402 = arith.xori %or3A_401, %ne3A_396 : vector<128x128xi1>
    %xor3A_403 = arith.xori %xor3A_402, %ne3A_276 : vector<128x128xi1>
    %select_n3A_404 = arith.select %xor3A_403, %select_n3A_376, %select_n3A_361 : vector<128x128xi1>, vector<128x128xf32>
    %select_n3A_405 = arith.select %xor3A_403, %select_n3A_390, %select_n3A_362 : vector<128x128xi1>, vector<128x128xi32>
    %slice3A_406 = vector.extract_strided_slice %select_n3A_404 {offsets = [0, 1], sizes = [128, 127], strides = [1, 1]} : vector<128x128xf32> to vector<128x127xf32>
    %slice3A_407 = vector.extract_strided_slice %select_n3A_404 {offsets = [0, 0], sizes = [128, 1], strides = [1, 1]} : vector<128x128xf32> to vector<128x1xf32>
    %concatenate3A_408 = tpu.concatenate %slice3A_406, %slice3A_407 in 1 : vector<128x127xf32>, vector<128x1xf32> -> vector<128x128xf32>
    %slice3A_409 = vector.extract_strided_slice %select_n3A_404 {offsets = [0, 127], sizes = [128, 1], strides = [1, 1]} : vector<128x128xf32> to vector<128x1xf32>
    %slice3A_410 = vector.extract_strided_slice %select_n3A_404 {offsets = [0, 0], sizes = [128, 127], strides = [1, 1]} : vector<128x128xf32> to vector<128x127xf32>
    %concatenate3A_411 = tpu.concatenate %slice3A_409, %slice3A_410 in 1 : vector<128x1xf32>, vector<128x127xf32> -> vector<128x128xf32>
    %iota3A_412 = tpu.iota {dimensions = array<i32: 1>} : vector<128x128xi32>
    %and3A_413 = arith.constant 1 : i32
    %and3A_414 = vector.broadcast %and3A_413 : i32 to vector<128x128xi32>
    %and3A_415 = arith.andi %iota3A_412, %and3A_414 : vector<128x128xi32>
    %ne3A_416 = arith.constant 0 : i32
    %ne3A_417 = vector.broadcast %ne3A_416 : i32 to vector<128x128xi32>
    %ne3A_418 = arith.cmpi ne, %and3A_415, %ne3A_417 : vector<128x128xi32>
    %select_n3A_419 = arith.select %ne3A_418, %concatenate3A_411, %concatenate3A_408 : vector<128x128xi1>, vector<128x128xf32>
    %slice3A_420 = vector.extract_strided_slice %select_n3A_405 {offsets = [0, 1], sizes = [128, 127], strides = [1, 1]} : vector<128x128xi32> to vector<128x127xi32>
    %slice3A_421 = vector.extract_strided_slice %select_n3A_405 {offsets = [0, 0], sizes = [128, 1], strides = [1, 1]} : vector<128x128xi32> to vector<128x1xi32>
    %concatenate3A_422 = tpu.concatenate %slice3A_420, %slice3A_421 in 1 : vector<128x127xi32>, vector<128x1xi32> -> vector<128x128xi32>
    %slice3A_423 = vector.extract_strided_slice %select_n3A_405 {offsets = [0, 127], sizes = [128, 1], strides = [1, 1]} : vector<128x128xi32> to vector<128x1xi32>
    %slice3A_424 = vector.extract_strided_slice %select_n3A_405 {offsets = [0, 0], sizes = [128, 127], strides = [1, 1]} : vector<128x128xi32> to vector<128x127xi32>
    %concatenate3A_425 = tpu.concatenate %slice3A_423, %slice3A_424 in 1 : vector<128x1xi32>, vector<128x127xi32> -> vector<128x128xi32>
    %iota3A_426 = tpu.iota {dimensions = array<i32: 1>} : vector<128x128xi32>
    %and3A_427 = arith.constant 1 : i32
    %and3A_428 = vector.broadcast %and3A_427 : i32 to vector<128x128xi32>
    %and3A_429 = arith.andi %iota3A_426, %and3A_428 : vector<128x128xi32>
    %ne3A_430 = arith.constant 0 : i32
    %ne3A_431 = vector.broadcast %ne3A_430 : i32 to vector<128x128xi32>
    %ne3A_432 = arith.cmpi ne, %and3A_429, %ne3A_431 : vector<128x128xi32>
    %select_n3A_433 = arith.select %ne3A_432, %concatenate3A_425, %concatenate3A_422 : vector<128x128xi1>, vector<128x128xi32>
    %and3A_434 = arith.constant 1 : i32
    %and3A_435 = vector.broadcast %and3A_434 : i32 to vector<128x128xi32>
    %and3A_436 = arith.andi %add3A, %and3A_435 : vector<128x128xi32>
    %ne3A_437 = arith.constant 0 : i32
    %ne3A_438 = vector.broadcast %ne3A_437 : i32 to vector<128x128xi32>
    %ne3A_439 = arith.cmpi ne, %and3A_436, %ne3A_438 : vector<128x128xi32>
    %gt3A_440 = arith.cmpf ogt, %select_n3A_419, %select_n3A_404 : vector<128x128xf32>
    %eq3A_441 = arith.cmpf oeq, %select_n3A_419, %select_n3A_404 : vector<128x128xf32>
    %lt3A_442 = arith.cmpi slt, %select_n3A_433, %select_n3A_405 : vector<128x128xi32>
    %and3A_443 = arith.andi %eq3A_441, %lt3A_442 : vector<128x128xi1>
    %or3A_444 = arith.ori %gt3A_440, %and3A_443 : vector<128x128xi1>
    %xor3A_445 = arith.xori %or3A_444, %ne3A_439 : vector<128x128xi1>
    %xor3A_446 = arith.xori %xor3A_445, %ne3A_276 : vector<128x128xi1>
    %select_n3A_447 = arith.select %xor3A_446, %select_n3A_419, %select_n3A_404 : vector<128x128xi1>, vector<128x128xf32>
    %select_n3A_448 = arith.select %xor3A_446, %select_n3A_433, %select_n3A_405 : vector<128x128xi1>, vector<128x128xi32>
    %and3A_449 = arith.constant 32 : i32
    %and3A_450 = vector.broadcast %and3A_449 : i32 to vector<128x128xi32>
    %and3A_451 = arith.andi %add3A, %and3A_450 : vector<128x128xi32>
    %ne3A_452 = arith.constant 0 : i32
    %ne3A_453 = vector.broadcast %ne3A_452 : i32 to vector<128x128xi32>
    %ne3A_454 = arith.cmpi ne, %and3A_451, %ne3A_453 : vector<128x128xi32>
    %slice3A_455 = vector.extract_strided_slice %select_n3A_447 {offsets = [0, 16], sizes = [128, 112], strides = [1, 1]} : vector<128x128xf32> to vector<128x112xf32>
    %slice3A_456 = vector.extract_strided_slice %select_n3A_447 {offsets = [0, 0], sizes = [128, 16], strides = [1, 1]} : vector<128x128xf32> to vector<128x16xf32>
    %concatenate3A_457 = tpu.concatenate %slice3A_455, %slice3A_456 in 1 : vector<128x112xf32>, vector<128x16xf32> -> vector<128x128xf32>
    %slice3A_458 = vector.extract_strided_slice %select_n3A_447 {offsets = [0, 112], sizes = [128, 16], strides = [1, 1]} : vector<128x128xf32> to vector<128x16xf32>
    %slice3A_459 = vector.extract_strided_slice %select_n3A_447 {offsets = [0, 0], sizes = [128, 112], strides = [1, 1]} : vector<128x128xf32> to vector<128x112xf32>
    %concatenate3A_460 = tpu.concatenate %slice3A_458, %slice3A_459 in 1 : vector<128x16xf32>, vector<128x112xf32> -> vector<128x128xf32>
    %iota3A_461 = tpu.iota {dimensions = array<i32: 1>} : vector<128x128xi32>
    %and3A_462 = arith.constant 16 : i32
    %and3A_463 = vector.broadcast %and3A_462 : i32 to vector<128x128xi32>
    %and3A_464 = arith.andi %iota3A_461, %and3A_463 : vector<128x128xi32>
    %ne3A_465 = arith.constant 0 : i32
    %ne3A_466 = vector.broadcast %ne3A_465 : i32 to vector<128x128xi32>
    %ne3A_467 = arith.cmpi ne, %and3A_464, %ne3A_466 : vector<128x128xi32>
    %select_n3A_468 = arith.select %ne3A_467, %concatenate3A_460, %concatenate3A_457 : vector<128x128xi1>, vector<128x128xf32>
    %slice3A_469 = vector.extract_strided_slice %select_n3A_448 {offsets = [0, 16], sizes = [128, 112], strides = [1, 1]} : vector<128x128xi32> to vector<128x112xi32>
    %slice3A_470 = vector.extract_strided_slice %select_n3A_448 {offsets = [0, 0], sizes = [128, 16], strides = [1, 1]} : vector<128x128xi32> to vector<128x16xi32>
    %concatenate3A_471 = tpu.concatenate %slice3A_469, %slice3A_470 in 1 : vector<128x112xi32>, vector<128x16xi32> -> vector<128x128xi32>
    %slice3A_472 = vector.extract_strided_slice %select_n3A_448 {offsets = [0, 112], sizes = [128, 16], strides = [1, 1]} : vector<128x128xi32> to vector<128x16xi32>
    %slice3A_473 = vector.extract_strided_slice %select_n3A_448 {offsets = [0, 0], sizes = [128, 112], strides = [1, 1]} : vector<128x128xi32> to vector<128x112xi32>
    %concatenate3A_474 = tpu.concatenate %slice3A_472, %slice3A_473 in 1 : vector<128x16xi32>, vector<128x112xi32> -> vector<128x128xi32>
    %iota3A_475 = tpu.iota {dimensions = array<i32: 1>} : vector<128x128xi32>
    %and3A_476 = arith.constant 16 : i32
    %and3A_477 = vector.broadcast %and3A_476 : i32 to vector<128x128xi32>
    %and3A_478 = arith.andi %iota3A_475, %and3A_477 : vector<128x128xi32>
    %ne3A_479 = arith.constant 0 : i32
    %ne3A_480 = vector.broadcast %ne3A_479 : i32 to vector<128x128xi32>
    %ne3A_481 = arith.cmpi ne, %and3A_478, %ne3A_480 : vector<128x128xi32>
    %select_n3A_482 = arith.select %ne3A_481, %concatenate3A_474, %concatenate3A_471 : vector<128x128xi1>, vector<128x128xi32>
    %and3A_483 = arith.constant 16 : i32
    %and3A_484 = vector.broadcast %and3A_483 : i32 to vector<128x128xi32>
    %and3A_485 = arith.andi %add3A, %and3A_484 : vector<128x128xi32>
    %ne3A_486 = arith.constant 0 : i32
    %ne3A_487 = vector.broadcast %ne3A_486 : i32 to vector<128x128xi32>
    %ne3A_488 = arith.cmpi ne, %and3A_485, %ne3A_487 : vector<128x128xi32>
    %gt3A_489 = arith.cmpf ogt, %select_n3A_468, %select_n3A_447 : vector<128x128xf32>
    %eq3A_490 = arith.cmpf oeq, %select_n3A_468, %select_n3A_447 : vector<128x128xf32>
    %lt3A_491 = arith.cmpi slt, %select_n3A_482, %select_n3A_448 : vector<128x128xi32>
    %and3A_492 = arith.andi %eq3A_490, %lt3A_491 : vector<128x128xi1>
    %or3A_493 = arith.ori %gt3A_489, %and3A_492 : vector<128x128xi1>
    %xor3A_494 = arith.xori %or3A_493, %ne3A_488 : vector<128x128xi1>
    %xor3A_495 = arith.xori %xor3A_494, %ne3A_454 : vector<128x128xi1>
    %select_n3A_496 = arith.select %xor3A_495, %select_n3A_468, %select_n3A_447 : vector<128x128xi1>, vector<128x128xf32>
    %select_n3A_497 = arith.select %xor3A_495, %select_n3A_482, %select_n3A_448 : vector<128x128xi1>, vector<128x128xi32>
    %slice3A_498 = vector.extract_strided_slice %select_n3A_496 {offsets = [0, 8], sizes = [128, 120], strides = [1, 1]} : vector<128x128xf32> to vector<128x120xf32>
    %slice3A_499 = vector.extract_strided_slice %select_n3A_496 {offsets = [0, 0], sizes = [128, 8], strides = [1, 1]} : vector<128x128xf32> to vector<128x8xf32>
    %concatenate3A_500 = tpu.concatenate %slice3A_498, %slice3A_499 in 1 : vector<128x120xf32>, vector<128x8xf32> -> vector<128x128xf32>
    %slice3A_501 = vector.extract_strided_slice %select_n3A_496 {offsets = [0, 120], sizes = [128, 8], strides = [1, 1]} : vector<128x128xf32> to vector<128x8xf32>
    %slice3A_502 = vector.extract_strided_slice %select_n3A_496 {offsets = [0, 0], sizes = [128, 120], strides = [1, 1]} : vector<128x128xf32> to vector<128x120xf32>
    %concatenate3A_503 = tpu.concatenate %slice3A_501, %slice3A_502 in 1 : vector<128x8xf32>, vector<128x120xf32> -> vector<128x128xf32>
    %iota3A_504 = tpu.iota {dimensions = array<i32: 1>} : vector<128x128xi32>
    %and3A_505 = arith.constant 8 : i32
    %and3A_506 = vector.broadcast %and3A_505 : i32 to vector<128x128xi32>
    %and3A_507 = arith.andi %iota3A_504, %and3A_506 : vector<128x128xi32>
    %ne3A_508 = arith.constant 0 : i32
    %ne3A_509 = vector.broadcast %ne3A_508 : i32 to vector<128x128xi32>
    %ne3A_510 = arith.cmpi ne, %and3A_507, %ne3A_509 : vector<128x128xi32>
    %select_n3A_511 = arith.select %ne3A_510, %concatenate3A_503, %concatenate3A_500 : vector<128x128xi1>, vector<128x128xf32>
    %slice3A_512 = vector.extract_strided_slice %select_n3A_497 {offsets = [0, 8], sizes = [128, 120], strides = [1, 1]} : vector<128x128xi32> to vector<128x120xi32>
    %slice3A_513 = vector.extract_strided_slice %select_n3A_497 {offsets = [0, 0], sizes = [128, 8], strides = [1, 1]} : vector<128x128xi32> to vector<128x8xi32>
    %concatenate3A_514 = tpu.concatenate %slice3A_512, %slice3A_513 in 1 : vector<128x120xi32>, vector<128x8xi32> -> vector<128x128xi32>
    %slice3A_515 = vector.extract_strided_slice %select_n3A_497 {offsets = [0, 120], sizes = [128, 8], strides = [1, 1]} : vector<128x128xi32> to vector<128x8xi32>
    %slice3A_516 = vector.extract_strided_slice %select_n3A_497 {offsets = [0, 0], sizes = [128, 120], strides = [1, 1]} : vector<128x128xi32> to vector<128x120xi32>
    %concatenate3A_517 = tpu.concatenate %slice3A_515, %slice3A_516 in 1 : vector<128x8xi32>, vector<128x120xi32> -> vector<128x128xi32>
    %iota3A_518 = tpu.iota {dimensions = array<i32: 1>} : vector<128x128xi32>
    %and3A_519 = arith.constant 8 : i32
    %and3A_520 = vector.broadcast %and3A_519 : i32 to vector<128x128xi32>
    %and3A_521 = arith.andi %iota3A_518, %and3A_520 : vector<128x128xi32>
    %ne3A_522 = arith.constant 0 : i32
    %ne3A_523 = vector.broadcast %ne3A_522 : i32 to vector<128x128xi32>
    %ne3A_524 = arith.cmpi ne, %and3A_521, %ne3A_523 : vector<128x128xi32>
    %select_n3A_525 = arith.select %ne3A_524, %concatenate3A_517, %concatenate3A_514 : vector<128x128xi1>, vector<128x128xi32>
    %and3A_526 = arith.constant 8 : i32
    %and3A_527 = vector.broadcast %and3A_526 : i32 to vector<128x128xi32>
    %and3A_528 = arith.andi %add3A, %and3A_527 : vector<128x128xi32>
    %ne3A_529 = arith.constant 0 : i32
    %ne3A_530 = vector.broadcast %ne3A_529 : i32 to vector<128x128xi32>
    %ne3A_531 = arith.cmpi ne, %and3A_528, %ne3A_530 : vector<128x128xi32>
    %gt3A_532 = arith.cmpf ogt, %select_n3A_511, %select_n3A_496 : vector<128x128xf32>
    %eq3A_533 = arith.cmpf oeq, %select_n3A_511, %select_n3A_496 : vector<128x128xf32>
    %lt3A_534 = arith.cmpi slt, %select_n3A_525, %select_n3A_497 : vector<128x128xi32>
    %and3A_535 = arith.andi %eq3A_533, %lt3A_534 : vector<128x128xi1>
    %or3A_536 = arith.ori %gt3A_532, %and3A_535 : vector<128x128xi1>
    %xor3A_537 = arith.xori %or3A_536, %ne3A_531 : vector<128x128xi1>
    %xor3A_538 = arith.xori %xor3A_537, %ne3A_454 : vector<128x128xi1>
    %select_n3A_539 = arith.select %xor3A_538, %select_n3A_511, %select_n3A_496 : vector<128x128xi1>, vector<128x128xf32>
    %select_n3A_540 = arith.select %xor3A_538, %select_n3A_525, %select_n3A_497 : vector<128x128xi1>, vector<128x128xi32>
    %slice3A_541 = vector.extract_strided_slice %select_n3A_539 {offsets = [0, 4], sizes = [128, 124], strides = [1, 1]} : vector<128x128xf32> to vector<128x124xf32>
    %slice3A_542 = vector.extract_strided_slice %select_n3A_539 {offsets = [0, 0], sizes = [128, 4], strides = [1, 1]} : vector<128x128xf32> to vector<128x4xf32>
    %concatenate3A_543 = tpu.concatenate %slice3A_541, %slice3A_542 in 1 : vector<128x124xf32>, vector<128x4xf32> -> vector<128x128xf32>
    %slice3A_544 = vector.extract_strided_slice %select_n3A_539 {offsets = [0, 124], sizes = [128, 4], strides = [1, 1]} : vector<128x128xf32> to vector<128x4xf32>
    %slice3A_545 = vector.extract_strided_slice %select_n3A_539 {offsets = [0, 0], sizes = [128, 124], strides = [1, 1]} : vector<128x128xf32> to vector<128x124xf32>
    %concatenate3A_546 = tpu.concatenate %slice3A_544, %slice3A_545 in 1 : vector<128x4xf32>, vector<128x124xf32> -> vector<128x128xf32>
    %iota3A_547 = tpu.iota {dimensions = array<i32: 1>} : vector<128x128xi32>
    %and3A_548 = arith.constant 4 : i32
    %and3A_549 = vector.broadcast %and3A_548 : i32 to vector<128x128xi32>
    %and3A_550 = arith.andi %iota3A_547, %and3A_549 : vector<128x128xi32>
    %ne3A_551 = arith.constant 0 : i32
    %ne3A_552 = vector.broadcast %ne3A_551 : i32 to vector<128x128xi32>
    %ne3A_553 = arith.cmpi ne, %and3A_550, %ne3A_552 : vector<128x128xi32>
    %select_n3A_554 = arith.select %ne3A_553, %concatenate3A_546, %concatenate3A_543 : vector<128x128xi1>, vector<128x128xf32>
    %slice3A_555 = vector.extract_strided_slice %select_n3A_540 {offsets = [0, 4], sizes = [128, 124], strides = [1, 1]} : vector<128x128xi32> to vector<128x124xi32>
    %slice3A_556 = vector.extract_strided_slice %select_n3A_540 {offsets = [0, 0], sizes = [128, 4], strides = [1, 1]} : vector<128x128xi32> to vector<128x4xi32>
    %concatenate3A_557 = tpu.concatenate %slice3A_555, %slice3A_556 in 1 : vector<128x124xi32>, vector<128x4xi32> -> vector<128x128xi32>
    %slice3A_558 = vector.extract_strided_slice %select_n3A_540 {offsets = [0, 124], sizes = [128, 4], strides = [1, 1]} : vector<128x128xi32> to vector<128x4xi32>
    %slice3A_559 = vector.extract_strided_slice %select_n3A_540 {offsets = [0, 0], sizes = [128, 124], strides = [1, 1]} : vector<128x128xi32> to vector<128x124xi32>
    %concatenate3A_560 = tpu.concatenate %slice3A_558, %slice3A_559 in 1 : vector<128x4xi32>, vector<128x124xi32> -> vector<128x128xi32>
    %iota3A_561 = tpu.iota {dimensions = array<i32: 1>} : vector<128x128xi32>
    %and3A_562 = arith.constant 4 : i32
    %and3A_563 = vector.broadcast %and3A_562 : i32 to vector<128x128xi32>
    %and3A_564 = arith.andi %iota3A_561, %and3A_563 : vector<128x128xi32>
    %ne3A_565 = arith.constant 0 : i32
    %ne3A_566 = vector.broadcast %ne3A_565 : i32 to vector<128x128xi32>
    %ne3A_567 = arith.cmpi ne, %and3A_564, %ne3A_566 : vector<128x128xi32>
    %select_n3A_568 = arith.select %ne3A_567, %concatenate3A_560, %concatenate3A_557 : vector<128x128xi1>, vector<128x128xi32>
    %and3A_569 = arith.constant 4 : i32
    %and3A_570 = vector.broadcast %and3A_569 : i32 to vector<128x128xi32>
    %and3A_571 = arith.andi %add3A, %and3A_570 : vector<128x128xi32>
    %ne3A_572 = arith.constant 0 : i32
    %ne3A_573 = vector.broadcast %ne3A_572 : i32 to vector<128x128xi32>
    %ne3A_574 = arith.cmpi ne, %and3A_571, %ne3A_573 : vector<128x128xi32>
    %gt3A_575 = arith.cmpf ogt, %select_n3A_554, %select_n3A_539 : vector<128x128xf32>
    %eq3A_576 = arith.cmpf oeq, %select_n3A_554, %select_n3A_539 : vector<128x128xf32>
    %lt3A_577 = arith.cmpi slt, %select_n3A_568, %select_n3A_540 : vector<128x128xi32>
    %and3A_578 = arith.andi %eq3A_576, %lt3A_577 : vector<128x128xi1>
    %or3A_579 = arith.ori %gt3A_575, %and3A_578 : vector<128x128xi1>
    %xor3A_580 = arith.xori %or3A_579, %ne3A_574 : vector<128x128xi1>
    %xor3A_581 = arith.xori %xor3A_580, %ne3A_454 : vector<128x128xi1>
    %select_n3A_582 = arith.select %xor3A_581, %select_n3A_554, %select_n3A_539 : vector<128x128xi1>, vector<128x128xf32>
    %select_n3A_583 = arith.select %xor3A_581, %select_n3A_568, %select_n3A_540 : vector<128x128xi1>, vector<128x128xi32>
    %slice3A_584 = vector.extract_strided_slice %select_n3A_582 {offsets = [0, 2], sizes = [128, 126], strides = [1, 1]} : vector<128x128xf32> to vector<128x126xf32>
    %slice3A_585 = vector.extract_strided_slice %select_n3A_582 {offsets = [0, 0], sizes = [128, 2], strides = [1, 1]} : vector<128x128xf32> to vector<128x2xf32>
    %concatenate3A_586 = tpu.concatenate %slice3A_584, %slice3A_585 in 1 : vector<128x126xf32>, vector<128x2xf32> -> vector<128x128xf32>
    %slice3A_587 = vector.extract_strided_slice %select_n3A_582 {offsets = [0, 126], sizes = [128, 2], strides = [1, 1]} : vector<128x128xf32> to vector<128x2xf32>
    %slice3A_588 = vector.extract_strided_slice %select_n3A_582 {offsets = [0, 0], sizes = [128, 126], strides = [1, 1]} : vector<128x128xf32> to vector<128x126xf32>
    %concatenate3A_589 = tpu.concatenate %slice3A_587, %slice3A_588 in 1 : vector<128x2xf32>, vector<128x126xf32> -> vector<128x128xf32>
    %iota3A_590 = tpu.iota {dimensions = array<i32: 1>} : vector<128x128xi32>
    %and3A_591 = arith.constant 2 : i32
    %and3A_592 = vector.broadcast %and3A_591 : i32 to vector<128x128xi32>
    %and3A_593 = arith.andi %iota3A_590, %and3A_592 : vector<128x128xi32>
    %ne3A_594 = arith.constant 0 : i32
    %ne3A_595 = vector.broadcast %ne3A_594 : i32 to vector<128x128xi32>
    %ne3A_596 = arith.cmpi ne, %and3A_593, %ne3A_595 : vector<128x128xi32>
    %select_n3A_597 = arith.select %ne3A_596, %concatenate3A_589, %concatenate3A_586 : vector<128x128xi1>, vector<128x128xf32>
    %slice3A_598 = vector.extract_strided_slice %select_n3A_583 {offsets = [0, 2], sizes = [128, 126], strides = [1, 1]} : vector<128x128xi32> to vector<128x126xi32>
    %slice3A_599 = vector.extract_strided_slice %select_n3A_583 {offsets = [0, 0], sizes = [128, 2], strides = [1, 1]} : vector<128x128xi32> to vector<128x2xi32>
    %concatenate3A_600 = tpu.concatenate %slice3A_598, %slice3A_599 in 1 : vector<128x126xi32>, vector<128x2xi32> -> vector<128x128xi32>
    %slice3A_601 = vector.extract_strided_slice %select_n3A_583 {offsets = [0, 126], sizes = [128, 2], strides = [1, 1]} : vector<128x128xi32> to vector<128x2xi32>
    %slice3A_602 = vector.extract_strided_slice %select_n3A_583 {offsets = [0, 0], sizes = [128, 126], strides = [1, 1]} : vector<128x128xi32> to vector<128x126xi32>
    %concatenate3A_603 = tpu.concatenate %slice3A_601, %slice3A_602 in 1 : vector<128x2xi32>, vector<128x126xi32> -> vector<128x128xi32>
    %iota3A_604 = tpu.iota {dimensions = array<i32: 1>} : vector<128x128xi32>
    %and3A_605 = arith.constant 2 : i32
    %and3A_606 = vector.broadcast %and3A_605 : i32 to vector<128x128xi32>
    %and3A_607 = arith.andi %iota3A_604, %and3A_606 : vector<128x128xi32>
    %ne3A_608 = arith.constant 0 : i32
    %ne3A_609 = vector.broadcast %ne3A_608 : i32 to vector<128x128xi32>
    %ne3A_610 = arith.cmpi ne, %and3A_607, %ne3A_609 : vector<128x128xi32>
    %select_n3A_611 = arith.select %ne3A_610, %concatenate3A_603, %concatenate3A_600 : vector<128x128xi1>, vector<128x128xi32>
    %and3A_612 = arith.constant 2 : i32
    %and3A_613 = vector.broadcast %and3A_612 : i32 to vector<128x128xi32>
    %and3A_614 = arith.andi %add3A, %and3A_613 : vector<128x128xi32>
    %ne3A_615 = arith.constant 0 : i32
    %ne3A_616 = vector.broadcast %ne3A_615 : i32 to vector<128x128xi32>
    %ne3A_617 = arith.cmpi ne, %and3A_614, %ne3A_616 : vector<128x128xi32>
    %gt3A_618 = arith.cmpf ogt, %select_n3A_597, %select_n3A_582 : vector<128x128xf32>
    %eq3A_619 = arith.cmpf oeq, %select_n3A_597, %select_n3A_582 : vector<128x128xf32>
    %lt3A_620 = arith.cmpi slt, %select_n3A_611, %select_n3A_583 : vector<128x128xi32>
    %and3A_621 = arith.andi %eq3A_619, %lt3A_620 : vector<128x128xi1>
    %or3A_622 = arith.ori %gt3A_618, %and3A_621 : vector<128x128xi1>
    %xor3A_623 = arith.xori %or3A_622, %ne3A_617 : vector<128x128xi1>
    %xor3A_624 = arith.xori %xor3A_623, %ne3A_454 : vector<128x128xi1>
    %select_n3A_625 = arith.select %xor3A_624, %select_n3A_597, %select_n3A_582 : vector<128x128xi1>, vector<128x128xf32>
    %select_n3A_626 = arith.select %xor3A_624, %select_n3A_611, %select_n3A_583 : vector<128x128xi1>, vector<128x128xi32>
    %slice3A_627 = vector.extract_strided_slice %select_n3A_625 {offsets = [0, 1], sizes = [128, 127], strides = [1, 1]} : vector<128x128xf32> to vector<128x127xf32>
    %slice3A_628 = vector.extract_strided_slice %select_n3A_625 {offsets = [0, 0], sizes = [128, 1], strides = [1, 1]} : vector<128x128xf32> to vector<128x1xf32>
    %concatenate3A_629 = tpu.concatenate %slice3A_627, %slice3A_628 in 1 : vector<128x127xf32>, vector<128x1xf32> -> vector<128x128xf32>
    %slice3A_630 = vector.extract_strided_slice %select_n3A_625 {offsets = [0, 127], sizes = [128, 1], strides = [1, 1]} : vector<128x128xf32> to vector<128x1xf32>
    %slice3A_631 = vector.extract_strided_slice %select_n3A_625 {offsets = [0, 0], sizes = [128, 127], strides = [1, 1]} : vector<128x128xf32> to vector<128x127xf32>
    %concatenate3A_632 = tpu.concatenate %slice3A_630, %slice3A_631 in 1 : vector<128x1xf32>, vector<128x127xf32> -> vector<128x128xf32>
    %iota3A_633 = tpu.iota {dimensions = array<i32: 1>} : vector<128x128xi32>
    %and3A_634 = arith.constant 1 : i32
    %and3A_635 = vector.broadcast %and3A_634 : i32 to vector<128x128xi32>
    %and3A_636 = arith.andi %iota3A_633, %and3A_635 : vector<128x128xi32>
    %ne3A_637 = arith.constant 0 : i32
    %ne3A_638 = vector.broadcast %ne3A_637 : i32 to vector<128x128xi32>
    %ne3A_639 = arith.cmpi ne, %and3A_636, %ne3A_638 : vector<128x128xi32>
    %select_n3A_640 = arith.select %ne3A_639, %concatenate3A_632, %concatenate3A_629 : vector<128x128xi1>, vector<128x128xf32>
    %slice3A_641 = vector.extract_strided_slice %select_n3A_626 {offsets = [0, 1], sizes = [128, 127], strides = [1, 1]} : vector<128x128xi32> to vector<128x127xi32>
    %slice3A_642 = vector.extract_strided_slice %select_n3A_626 {offsets = [0, 0], sizes = [128, 1], strides = [1, 1]} : vector<128x128xi32> to vector<128x1xi32>
    %concatenate3A_643 = tpu.concatenate %slice3A_641, %slice3A_642 in 1 : vector<128x127xi32>, vector<128x1xi32> -> vector<128x128xi32>
    %slice3A_644 = vector.extract_strided_slice %select_n3A_626 {offsets = [0, 127], sizes = [128, 1], strides = [1, 1]} : vector<128x128xi32> to vector<128x1xi32>
    %slice3A_645 = vector.extract_strided_slice %select_n3A_626 {offsets = [0, 0], sizes = [128, 127], strides = [1, 1]} : vector<128x128xi32> to vector<128x127xi32>
    %concatenate3A_646 = tpu.concatenate %slice3A_644, %slice3A_645 in 1 : vector<128x1xi32>, vector<128x127xi32> -> vector<128x128xi32>
    %iota3A_647 = tpu.iota {dimensions = array<i32: 1>} : vector<128x128xi32>
    %and3A_648 = arith.constant 1 : i32
    %and3A_649 = vector.broadcast %and3A_648 : i32 to vector<128x128xi32>
    %and3A_650 = arith.andi %iota3A_647, %and3A_649 : vector<128x128xi32>
    %ne3A_651 = arith.constant 0 : i32
    %ne3A_652 = vector.broadcast %ne3A_651 : i32 to vector<128x128xi32>
    %ne3A_653 = arith.cmpi ne, %and3A_650, %ne3A_652 : vector<128x128xi32>
    %select_n3A_654 = arith.select %ne3A_653, %concatenate3A_646, %concatenate3A_643 : vector<128x128xi1>, vector<128x128xi32>
    %and3A_655 = arith.constant 1 : i32
    %and3A_656 = vector.broadcast %and3A_655 : i32 to vector<128x128xi32>
    %and3A_657 = arith.andi %add3A, %and3A_656 : vector<128x128xi32>
    %ne3A_658 = arith.constant 0 : i32
    %ne3A_659 = vector.broadcast %ne3A_658 : i32 to vector<128x128xi32>
    %ne3A_660 = arith.cmpi ne, %and3A_657, %ne3A_659 : vector<128x128xi32>
    %gt3A_661 = arith.cmpf ogt, %select_n3A_640, %select_n3A_625 : vector<128x128xf32>
    %eq3A_662 = arith.cmpf oeq, %select_n3A_640, %select_n3A_625 : vector<128x128xf32>
    %lt3A_663 = arith.cmpi slt, %select_n3A_654, %select_n3A_626 : vector<128x128xi32>
    %and3A_664 = arith.andi %eq3A_662, %lt3A_663 : vector<128x128xi1>
    %or3A_665 = arith.ori %gt3A_661, %and3A_664 : vector<128x128xi1>
    %xor3A_666 = arith.xori %or3A_665, %ne3A_660 : vector<128x128xi1>
    %xor3A_667 = arith.xori %xor3A_666, %ne3A_454 : vector<128x128xi1>
    %select_n3A_668 = arith.select %xor3A_667, %select_n3A_640, %select_n3A_625 : vector<128x128xi1>, vector<128x128xf32>
    %select_n3A_669 = arith.select %xor3A_667, %select_n3A_654, %select_n3A_626 : vector<128x128xi1>, vector<128x128xi32>
    %and3A_670 = arith.constant 64 : i32
    %and3A_671 = vector.broadcast %and3A_670 : i32 to vector<128x128xi32>
    %and3A_672 = arith.andi %add3A, %and3A_671 : vector<128x128xi32>
    %ne3A_673 = arith.constant 0 : i32
    %ne3A_674 = vector.broadcast %ne3A_673 : i32 to vector<128x128xi32>
    %ne3A_675 = arith.cmpi ne, %and3A_672, %ne3A_674 : vector<128x128xi32>
    %slice3A_676 = vector.extract_strided_slice %select_n3A_668 {offsets = [0, 32], sizes = [128, 96], strides = [1, 1]} : vector<128x128xf32> to vector<128x96xf32>
    %slice3A_677 = vector.extract_strided_slice %select_n3A_668 {offsets = [0, 0], sizes = [128, 32], strides = [1, 1]} : vector<128x128xf32> to vector<128x32xf32>
    %concatenate3A_678 = tpu.concatenate %slice3A_676, %slice3A_677 in 1 : vector<128x96xf32>, vector<128x32xf32> -> vector<128x128xf32>
    %slice3A_679 = vector.extract_strided_slice %select_n3A_668 {offsets = [0, 96], sizes = [128, 32], strides = [1, 1]} : vector<128x128xf32> to vector<128x32xf32>
    %slice3A_680 = vector.extract_strided_slice %select_n3A_668 {offsets = [0, 0], sizes = [128, 96], strides = [1, 1]} : vector<128x128xf32> to vector<128x96xf32>
    %concatenate3A_681 = tpu.concatenate %slice3A_679, %slice3A_680 in 1 : vector<128x32xf32>, vector<128x96xf32> -> vector<128x128xf32>
    %iota3A_682 = tpu.iota {dimensions = array<i32: 1>} : vector<128x128xi32>
    %and3A_683 = arith.constant 32 : i32
    %and3A_684 = vector.broadcast %and3A_683 : i32 to vector<128x128xi32>
    %and3A_685 = arith.andi %iota3A_682, %and3A_684 : vector<128x128xi32>
    %ne3A_686 = arith.constant 0 : i32
    %ne3A_687 = vector.broadcast %ne3A_686 : i32 to vector<128x128xi32>
    %ne3A_688 = arith.cmpi ne, %and3A_685, %ne3A_687 : vector<128x128xi32>
    %select_n3A_689 = arith.select %ne3A_688, %concatenate3A_681, %concatenate3A_678 : vector<128x128xi1>, vector<128x128xf32>
    %slice3A_690 = vector.extract_strided_slice %select_n3A_669 {offsets = [0, 32], sizes = [128, 96], strides = [1, 1]} : vector<128x128xi32> to vector<128x96xi32>
    %slice3A_691 = vector.extract_strided_slice %select_n3A_669 {offsets = [0, 0], sizes = [128, 32], strides = [1, 1]} : vector<128x128xi32> to vector<128x32xi32>
    %concatenate3A_692 = tpu.concatenate %slice3A_690, %slice3A_691 in 1 : vector<128x96xi32>, vector<128x32xi32> -> vector<128x128xi32>
    %slice3A_693 = vector.extract_strided_slice %select_n3A_669 {offsets = [0, 96], sizes = [128, 32], strides = [1, 1]} : vector<128x128xi32> to vector<128x32xi32>
    %slice3A_694 = vector.extract_strided_slice %select_n3A_669 {offsets = [0, 0], sizes = [128, 96], strides = [1, 1]} : vector<128x128xi32> to vector<128x96xi32>
    %concatenate3A_695 = tpu.concatenate %slice3A_693, %slice3A_694 in 1 : vector<128x32xi32>, vector<128x96xi32> -> vector<128x128xi32>
    %iota3A_696 = tpu.iota {dimensions = array<i32: 1>} : vector<128x128xi32>
    %and3A_697 = arith.constant 32 : i32
    %and3A_698 = vector.broadcast %and3A_697 : i32 to vector<128x128xi32>
    %and3A_699 = arith.andi %iota3A_696, %and3A_698 : vector<128x128xi32>
    %ne3A_700 = arith.constant 0 : i32
    %ne3A_701 = vector.broadcast %ne3A_700 : i32 to vector<128x128xi32>
    %ne3A_702 = arith.cmpi ne, %and3A_699, %ne3A_701 : vector<128x128xi32>
    %select_n3A_703 = arith.select %ne3A_702, %concatenate3A_695, %concatenate3A_692 : vector<128x128xi1>, vector<128x128xi32>
    %and3A_704 = arith.constant 32 : i32
    %and3A_705 = vector.broadcast %and3A_704 : i32 to vector<128x128xi32>
    %and3A_706 = arith.andi %add3A, %and3A_705 : vector<128x128xi32>
    %ne3A_707 = arith.constant 0 : i32
    %ne3A_708 = vector.broadcast %ne3A_707 : i32 to vector<128x128xi32>
    %ne3A_709 = arith.cmpi ne, %and3A_706, %ne3A_708 : vector<128x128xi32>
    %gt3A_710 = arith.cmpf ogt, %select_n3A_689, %select_n3A_668 : vector<128x128xf32>
    %eq3A_711 = arith.cmpf oeq, %select_n3A_689, %select_n3A_668 : vector<128x128xf32>
    %lt3A_712 = arith.cmpi slt, %select_n3A_703, %select_n3A_669 : vector<128x128xi32>
    %and3A_713 = arith.andi %eq3A_711, %lt3A_712 : vector<128x128xi1>
    %or3A_714 = arith.ori %gt3A_710, %and3A_713 : vector<128x128xi1>
    %xor3A_715 = arith.xori %or3A_714, %ne3A_709 : vector<128x128xi1>
    %xor3A_716 = arith.xori %xor3A_715, %ne3A_675 : vector<128x128xi1>
    %select_n3A_717 = arith.select %xor3A_716, %select_n3A_689, %select_n3A_668 : vector<128x128xi1>, vector<128x128xf32>
    %select_n3A_718 = arith.select %xor3A_716, %select_n3A_703, %select_n3A_669 : vector<128x128xi1>, vector<128x128xi32>
    %slice3A_719 = vector.extract_strided_slice %select_n3A_717 {offsets = [0, 16], sizes = [128, 112], strides = [1, 1]} : vector<128x128xf32> to vector<128x112xf32>
    %slice3A_720 = vector.extract_strided_slice %select_n3A_717 {offsets = [0, 0], sizes = [128, 16], strides = [1, 1]} : vector<128x128xf32> to vector<128x16xf32>
    %concatenate3A_721 = tpu.concatenate %slice3A_719, %slice3A_720 in 1 : vector<128x112xf32>, vector<128x16xf32> -> vector<128x128xf32>
    %slice3A_722 = vector.extract_strided_slice %select_n3A_717 {offsets = [0, 112], sizes = [128, 16], strides = [1, 1]} : vector<128x128xf32> to vector<128x16xf32>
    %slice3A_723 = vector.extract_strided_slice %select_n3A_717 {offsets = [0, 0], sizes = [128, 112], strides = [1, 1]} : vector<128x128xf32> to vector<128x112xf32>
    %concatenate3A_724 = tpu.concatenate %slice3A_722, %slice3A_723 in 1 : vector<128x16xf32>, vector<128x112xf32> -> vector<128x128xf32>
    %iota3A_725 = tpu.iota {dimensions = array<i32: 1>} : vector<128x128xi32>
    %and3A_726 = arith.constant 16 : i32
    %and3A_727 = vector.broadcast %and3A_726 : i32 to vector<128x128xi32>
    %and3A_728 = arith.andi %iota3A_725, %and3A_727 : vector<128x128xi32>
    %ne3A_729 = arith.constant 0 : i32
    %ne3A_730 = vector.broadcast %ne3A_729 : i32 to vector<128x128xi32>
    %ne3A_731 = arith.cmpi ne, %and3A_728, %ne3A_730 : vector<128x128xi32>
    %select_n3A_732 = arith.select %ne3A_731, %concatenate3A_724, %concatenate3A_721 : vector<128x128xi1>, vector<128x128xf32>
    %slice3A_733 = vector.extract_strided_slice %select_n3A_718 {offsets = [0, 16], sizes = [128, 112], strides = [1, 1]} : vector<128x128xi32> to vector<128x112xi32>
    %slice3A_734 = vector.extract_strided_slice %select_n3A_718 {offsets = [0, 0], sizes = [128, 16], strides = [1, 1]} : vector<128x128xi32> to vector<128x16xi32>
    %concatenate3A_735 = tpu.concatenate %slice3A_733, %slice3A_734 in 1 : vector<128x112xi32>, vector<128x16xi32> -> vector<128x128xi32>
    %slice3A_736 = vector.extract_strided_slice %select_n3A_718 {offsets = [0, 112], sizes = [128, 16], strides = [1, 1]} : vector<128x128xi32> to vector<128x16xi32>
    %slice3A_737 = vector.extract_strided_slice %select_n3A_718 {offsets = [0, 0], sizes = [128, 112], strides = [1, 1]} : vector<128x128xi32> to vector<128x112xi32>
    %concatenate3A_738 = tpu.concatenate %slice3A_736, %slice3A_737 in 1 : vector<128x16xi32>, vector<128x112xi32> -> vector<128x128xi32>
    %iota3A_739 = tpu.iota {dimensions = array<i32: 1>} : vector<128x128xi32>
    %and3A_740 = arith.constant 16 : i32
    %and3A_741 = vector.broadcast %and3A_740 : i32 to vector<128x128xi32>
    %and3A_742 = arith.andi %iota3A_739, %and3A_741 : vector<128x128xi32>
    %ne3A_743 = arith.constant 0 : i32
    %ne3A_744 = vector.broadcast %ne3A_743 : i32 to vector<128x128xi32>
    %ne3A_745 = arith.cmpi ne, %and3A_742, %ne3A_744 : vector<128x128xi32>
    %select_n3A_746 = arith.select %ne3A_745, %concatenate3A_738, %concatenate3A_735 : vector<128x128xi1>, vector<128x128xi32>
    %and3A_747 = arith.constant 16 : i32
    %and3A_748 = vector.broadcast %and3A_747 : i32 to vector<128x128xi32>
    %and3A_749 = arith.andi %add3A, %and3A_748 : vector<128x128xi32>
    %ne3A_750 = arith.constant 0 : i32
    %ne3A_751 = vector.broadcast %ne3A_750 : i32 to vector<128x128xi32>
    %ne3A_752 = arith.cmpi ne, %and3A_749, %ne3A_751 : vector<128x128xi32>
    %gt3A_753 = arith.cmpf ogt, %select_n3A_732, %select_n3A_717 : vector<128x128xf32>
    %eq3A_754 = arith.cmpf oeq, %select_n3A_732, %select_n3A_717 : vector<128x128xf32>
    %lt3A_755 = arith.cmpi slt, %select_n3A_746, %select_n3A_718 : vector<128x128xi32>
    %and3A_756 = arith.andi %eq3A_754, %lt3A_755 : vector<128x128xi1>
    %or3A_757 = arith.ori %gt3A_753, %and3A_756 : vector<128x128xi1>
    %xor3A_758 = arith.xori %or3A_757, %ne3A_752 : vector<128x128xi1>
    %xor3A_759 = arith.xori %xor3A_758, %ne3A_675 : vector<128x128xi1>
    %select_n3A_760 = arith.select %xor3A_759, %select_n3A_732, %select_n3A_717 : vector<128x128xi1>, vector<128x128xf32>
    %select_n3A_761 = arith.select %xor3A_759, %select_n3A_746, %select_n3A_718 : vector<128x128xi1>, vector<128x128xi32>
    %slice3A_762 = vector.extract_strided_slice %select_n3A_760 {offsets = [0, 8], sizes = [128, 120], strides = [1, 1]} : vector<128x128xf32> to vector<128x120xf32>
    %slice3A_763 = vector.extract_strided_slice %select_n3A_760 {offsets = [0, 0], sizes = [128, 8], strides = [1, 1]} : vector<128x128xf32> to vector<128x8xf32>
    %concatenate3A_764 = tpu.concatenate %slice3A_762, %slice3A_763 in 1 : vector<128x120xf32>, vector<128x8xf32> -> vector<128x128xf32>
    %slice3A_765 = vector.extract_strided_slice %select_n3A_760 {offsets = [0, 120], sizes = [128, 8], strides = [1, 1]} : vector<128x128xf32> to vector<128x8xf32>
    %slice3A_766 = vector.extract_strided_slice %select_n3A_760 {offsets = [0, 0], sizes = [128, 120], strides = [1, 1]} : vector<128x128xf32> to vector<128x120xf32>
    %concatenate3A_767 = tpu.concatenate %slice3A_765, %slice3A_766 in 1 : vector<128x8xf32>, vector<128x120xf32> -> vector<128x128xf32>
    %iota3A_768 = tpu.iota {dimensions = array<i32: 1>} : vector<128x128xi32>
    %and3A_769 = arith.constant 8 : i32
    %and3A_770 = vector.broadcast %and3A_769 : i32 to vector<128x128xi32>
    %and3A_771 = arith.andi %iota3A_768, %and3A_770 : vector<128x128xi32>
    %ne3A_772 = arith.constant 0 : i32
    %ne3A_773 = vector.broadcast %ne3A_772 : i32 to vector<128x128xi32>
    %ne3A_774 = arith.cmpi ne, %and3A_771, %ne3A_773 : vector<128x128xi32>
    %select_n3A_775 = arith.select %ne3A_774, %concatenate3A_767, %concatenate3A_764 : vector<128x128xi1>, vector<128x128xf32>
    %slice3A_776 = vector.extract_strided_slice %select_n3A_761 {offsets = [0, 8], sizes = [128, 120], strides = [1, 1]} : vector<128x128xi32> to vector<128x120xi32>
    %slice3A_777 = vector.extract_strided_slice %select_n3A_761 {offsets = [0, 0], sizes = [128, 8], strides = [1, 1]} : vector<128x128xi32> to vector<128x8xi32>
    %concatenate3A_778 = tpu.concatenate %slice3A_776, %slice3A_777 in 1 : vector<128x120xi32>, vector<128x8xi32> -> vector<128x128xi32>
    %slice3A_779 = vector.extract_strided_slice %select_n3A_761 {offsets = [0, 120], sizes = [128, 8], strides = [1, 1]} : vector<128x128xi32> to vector<128x8xi32>
    %slice3A_780 = vector.extract_strided_slice %select_n3A_761 {offsets = [0, 0], sizes = [128, 120], strides = [1, 1]} : vector<128x128xi32> to vector<128x120xi32>
    %concatenate3A_781 = tpu.concatenate %slice3A_779, %slice3A_780 in 1 : vector<128x8xi32>, vector<128x120xi32> -> vector<128x128xi32>
    %iota3A_782 = tpu.iota {dimensions = array<i32: 1>} : vector<128x128xi32>
    %and3A_783 = arith.constant 8 : i32
    %and3A_784 = vector.broadcast %and3A_783 : i32 to vector<128x128xi32>
    %and3A_785 = arith.andi %iota3A_782, %and3A_784 : vector<128x128xi32>
    %ne3A_786 = arith.constant 0 : i32
    %ne3A_787 = vector.broadcast %ne3A_786 : i32 to vector<128x128xi32>
    %ne3A_788 = arith.cmpi ne, %and3A_785, %ne3A_787 : vector<128x128xi32>
    %select_n3A_789 = arith.select %ne3A_788, %concatenate3A_781, %concatenate3A_778 : vector<128x128xi1>, vector<128x128xi32>
    %and3A_790 = arith.constant 8 : i32
    %and3A_791 = vector.broadcast %and3A_790 : i32 to vector<128x128xi32>
    %and3A_792 = arith.andi %add3A, %and3A_791 : vector<128x128xi32>
    %ne3A_793 = arith.constant 0 : i32
    %ne3A_794 = vector.broadcast %ne3A_793 : i32 to vector<128x128xi32>
    %ne3A_795 = arith.cmpi ne, %and3A_792, %ne3A_794 : vector<128x128xi32>
    %gt3A_796 = arith.cmpf ogt, %select_n3A_775, %select_n3A_760 : vector<128x128xf32>
    %eq3A_797 = arith.cmpf oeq, %select_n3A_775, %select_n3A_760 : vector<128x128xf32>
    %lt3A_798 = arith.cmpi slt, %select_n3A_789, %select_n3A_761 : vector<128x128xi32>
    %and3A_799 = arith.andi %eq3A_797, %lt3A_798 : vector<128x128xi1>
    %or3A_800 = arith.ori %gt3A_796, %and3A_799 : vector<128x128xi1>
    %xor3A_801 = arith.xori %or3A_800, %ne3A_795 : vector<128x128xi1>
    %xor3A_802 = arith.xori %xor3A_801, %ne3A_675 : vector<128x128xi1>
    %select_n3A_803 = arith.select %xor3A_802, %select_n3A_775, %select_n3A_760 : vector<128x128xi1>, vector<128x128xf32>
    %select_n3A_804 = arith.select %xor3A_802, %select_n3A_789, %select_n3A_761 : vector<128x128xi1>, vector<128x128xi32>
    %slice3A_805 = vector.extract_strided_slice %select_n3A_803 {offsets = [0, 4], sizes = [128, 124], strides = [1, 1]} : vector<128x128xf32> to vector<128x124xf32>
    %slice3A_806 = vector.extract_strided_slice %select_n3A_803 {offsets = [0, 0], sizes = [128, 4], strides = [1, 1]} : vector<128x128xf32> to vector<128x4xf32>
    %concatenate3A_807 = tpu.concatenate %slice3A_805, %slice3A_806 in 1 : vector<128x124xf32>, vector<128x4xf32> -> vector<128x128xf32>
    %slice3A_808 = vector.extract_strided_slice %select_n3A_803 {offsets = [0, 124], sizes = [128, 4], strides = [1, 1]} : vector<128x128xf32> to vector<128x4xf32>
    %slice3A_809 = vector.extract_strided_slice %select_n3A_803 {offsets = [0, 0], sizes = [128, 124], strides = [1, 1]} : vector<128x128xf32> to vector<128x124xf32>
    %concatenate3A_810 = tpu.concatenate %slice3A_808, %slice3A_809 in 1 : vector<128x4xf32>, vector<128x124xf32> -> vector<128x128xf32>
    %iota3A_811 = tpu.iota {dimensions = array<i32: 1>} : vector<128x128xi32>
    %and3A_812 = arith.constant 4 : i32
    %and3A_813 = vector.broadcast %and3A_812 : i32 to vector<128x128xi32>
    %and3A_814 = arith.andi %iota3A_811, %and3A_813 : vector<128x128xi32>
    %ne3A_815 = arith.constant 0 : i32
    %ne3A_816 = vector.broadcast %ne3A_815 : i32 to vector<128x128xi32>
    %ne3A_817 = arith.cmpi ne, %and3A_814, %ne3A_816 : vector<128x128xi32>
    %select_n3A_818 = arith.select %ne3A_817, %concatenate3A_810, %concatenate3A_807 : vector<128x128xi1>, vector<128x128xf32>
    %slice3A_819 = vector.extract_strided_slice %select_n3A_804 {offsets = [0, 4], sizes = [128, 124], strides = [1, 1]} : vector<128x128xi32> to vector<128x124xi32>
    %slice3A_820 = vector.extract_strided_slice %select_n3A_804 {offsets = [0, 0], sizes = [128, 4], strides = [1, 1]} : vector<128x128xi32> to vector<128x4xi32>
    %concatenate3A_821 = tpu.concatenate %slice3A_819, %slice3A_820 in 1 : vector<128x124xi32>, vector<128x4xi32> -> vector<128x128xi32>
    %slice3A_822 = vector.extract_strided_slice %select_n3A_804 {offsets = [0, 124], sizes = [128, 4], strides = [1, 1]} : vector<128x128xi32> to vector<128x4xi32>
    %slice3A_823 = vector.extract_strided_slice %select_n3A_804 {offsets = [0, 0], sizes = [128, 124], strides = [1, 1]} : vector<128x128xi32> to vector<128x124xi32>
    %concatenate3A_824 = tpu.concatenate %slice3A_822, %slice3A_823 in 1 : vector<128x4xi32>, vector<128x124xi32> -> vector<128x128xi32>
    %iota3A_825 = tpu.iota {dimensions = array<i32: 1>} : vector<128x128xi32>
    %and3A_826 = arith.constant 4 : i32
    %and3A_827 = vector.broadcast %and3A_826 : i32 to vector<128x128xi32>
    %and3A_828 = arith.andi %iota3A_825, %and3A_827 : vector<128x128xi32>
    %ne3A_829 = arith.constant 0 : i32
    %ne3A_830 = vector.broadcast %ne3A_829 : i32 to vector<128x128xi32>
    %ne3A_831 = arith.cmpi ne, %and3A_828, %ne3A_830 : vector<128x128xi32>
    %select_n3A_832 = arith.select %ne3A_831, %concatenate3A_824, %concatenate3A_821 : vector<128x128xi1>, vector<128x128xi32>
    %and3A_833 = arith.constant 4 : i32
    %and3A_834 = vector.broadcast %and3A_833 : i32 to vector<128x128xi32>
    %and3A_835 = arith.andi %add3A, %and3A_834 : vector<128x128xi32>
    %ne3A_836 = arith.constant 0 : i32
    %ne3A_837 = vector.broadcast %ne3A_836 : i32 to vector<128x128xi32>
    %ne3A_838 = arith.cmpi ne, %and3A_835, %ne3A_837 : vector<128x128xi32>
    %gt3A_839 = arith.cmpf ogt, %select_n3A_818, %select_n3A_803 : vector<128x128xf32>
    %eq3A_840 = arith.cmpf oeq, %select_n3A_818, %select_n3A_803 : vector<128x128xf32>
    %lt3A_841 = arith.cmpi slt, %select_n3A_832, %select_n3A_804 : vector<128x128xi32>
    %and3A_842 = arith.andi %eq3A_840, %lt3A_841 : vector<128x128xi1>
    %or3A_843 = arith.ori %gt3A_839, %and3A_842 : vector<128x128xi1>
    %xor3A_844 = arith.xori %or3A_843, %ne3A_838 : vector<128x128xi1>
    %xor3A_845 = arith.xori %xor3A_844, %ne3A_675 : vector<128x128xi1>
    %select_n3A_846 = arith.select %xor3A_845, %select_n3A_818, %select_n3A_803 : vector<128x128xi1>, vector<128x128xf32>
    %select_n3A_847 = arith.select %xor3A_845, %select_n3A_832, %select_n3A_804 : vector<128x128xi1>, vector<128x128xi32>
    %slice3A_848 = vector.extract_strided_slice %select_n3A_846 {offsets = [0, 2], sizes = [128, 126], strides = [1, 1]} : vector<128x128xf32> to vector<128x126xf32>
    %slice3A_849 = vector.extract_strided_slice %select_n3A_846 {offsets = [0, 0], sizes = [128, 2], strides = [1, 1]} : vector<128x128xf32> to vector<128x2xf32>
    %concatenate3A_850 = tpu.concatenate %slice3A_848, %slice3A_849 in 1 : vector<128x126xf32>, vector<128x2xf32> -> vector<128x128xf32>
    %slice3A_851 = vector.extract_strided_slice %select_n3A_846 {offsets = [0, 126], sizes = [128, 2], strides = [1, 1]} : vector<128x128xf32> to vector<128x2xf32>
    %slice3A_852 = vector.extract_strided_slice %select_n3A_846 {offsets = [0, 0], sizes = [128, 126], strides = [1, 1]} : vector<128x128xf32> to vector<128x126xf32>
    %concatenate3A_853 = tpu.concatenate %slice3A_851, %slice3A_852 in 1 : vector<128x2xf32>, vector<128x126xf32> -> vector<128x128xf32>
    %iota3A_854 = tpu.iota {dimensions = array<i32: 1>} : vector<128x128xi32>
    %and3A_855 = arith.constant 2 : i32
    %and3A_856 = vector.broadcast %and3A_855 : i32 to vector<128x128xi32>
    %and3A_857 = arith.andi %iota3A_854, %and3A_856 : vector<128x128xi32>
    %ne3A_858 = arith.constant 0 : i32
    %ne3A_859 = vector.broadcast %ne3A_858 : i32 to vector<128x128xi32>
    %ne3A_860 = arith.cmpi ne, %and3A_857, %ne3A_859 : vector<128x128xi32>
    %select_n3A_861 = arith.select %ne3A_860, %concatenate3A_853, %concatenate3A_850 : vector<128x128xi1>, vector<128x128xf32>
    %slice3A_862 = vector.extract_strided_slice %select_n3A_847 {offsets = [0, 2], sizes = [128, 126], strides = [1, 1]} : vector<128x128xi32> to vector<128x126xi32>
    %slice3A_863 = vector.extract_strided_slice %select_n3A_847 {offsets = [0, 0], sizes = [128, 2], strides = [1, 1]} : vector<128x128xi32> to vector<128x2xi32>
    %concatenate3A_864 = tpu.concatenate %slice3A_862, %slice3A_863 in 1 : vector<128x126xi32>, vector<128x2xi32> -> vector<128x128xi32>
    %slice3A_865 = vector.extract_strided_slice %select_n3A_847 {offsets = [0, 126], sizes = [128, 2], strides = [1, 1]} : vector<128x128xi32> to vector<128x2xi32>
    %slice3A_866 = vector.extract_strided_slice %select_n3A_847 {offsets = [0, 0], sizes = [128, 126], strides = [1, 1]} : vector<128x128xi32> to vector<128x126xi32>
    %concatenate3A_867 = tpu.concatenate %slice3A_865, %slice3A_866 in 1 : vector<128x2xi32>, vector<128x126xi32> -> vector<128x128xi32>
    %iota3A_868 = tpu.iota {dimensions = array<i32: 1>} : vector<128x128xi32>
    %and3A_869 = arith.constant 2 : i32
    %and3A_870 = vector.broadcast %and3A_869 : i32 to vector<128x128xi32>
    %and3A_871 = arith.andi %iota3A_868, %and3A_870 : vector<128x128xi32>
    %ne3A_872 = arith.constant 0 : i32
    %ne3A_873 = vector.broadcast %ne3A_872 : i32 to vector<128x128xi32>
    %ne3A_874 = arith.cmpi ne, %and3A_871, %ne3A_873 : vector<128x128xi32>
    %select_n3A_875 = arith.select %ne3A_874, %concatenate3A_867, %concatenate3A_864 : vector<128x128xi1>, vector<128x128xi32>
    %and3A_876 = arith.constant 2 : i32
    %and3A_877 = vector.broadcast %and3A_876 : i32 to vector<128x128xi32>
    %and3A_878 = arith.andi %add3A, %and3A_877 : vector<128x128xi32>
    %ne3A_879 = arith.constant 0 : i32
    %ne3A_880 = vector.broadcast %ne3A_879 : i32 to vector<128x128xi32>
    %ne3A_881 = arith.cmpi ne, %and3A_878, %ne3A_880 : vector<128x128xi32>
    %gt3A_882 = arith.cmpf ogt, %select_n3A_861, %select_n3A_846 : vector<128x128xf32>
    %eq3A_883 = arith.cmpf oeq, %select_n3A_861, %select_n3A_846 : vector<128x128xf32>
    %lt3A_884 = arith.cmpi slt, %select_n3A_875, %select_n3A_847 : vector<128x128xi32>
    %and3A_885 = arith.andi %eq3A_883, %lt3A_884 : vector<128x128xi1>
    %or3A_886 = arith.ori %gt3A_882, %and3A_885 : vector<128x128xi1>
    %xor3A_887 = arith.xori %or3A_886, %ne3A_881 : vector<128x128xi1>
    %xor3A_888 = arith.xori %xor3A_887, %ne3A_675 : vector<128x128xi1>
    %select_n3A_889 = arith.select %xor3A_888, %select_n3A_861, %select_n3A_846 : vector<128x128xi1>, vector<128x128xf32>
    %select_n3A_890 = arith.select %xor3A_888, %select_n3A_875, %select_n3A_847 : vector<128x128xi1>, vector<128x128xi32>
    %slice3A_891 = vector.extract_strided_slice %select_n3A_889 {offsets = [0, 1], sizes = [128, 127], strides = [1, 1]} : vector<128x128xf32> to vector<128x127xf32>
    %slice3A_892 = vector.extract_strided_slice %select_n3A_889 {offsets = [0, 0], sizes = [128, 1], strides = [1, 1]} : vector<128x128xf32> to vector<128x1xf32>
    %concatenate3A_893 = tpu.concatenate %slice3A_891, %slice3A_892 in 1 : vector<128x127xf32>, vector<128x1xf32> -> vector<128x128xf32>
    %slice3A_894 = vector.extract_strided_slice %select_n3A_889 {offsets = [0, 127], sizes = [128, 1], strides = [1, 1]} : vector<128x128xf32> to vector<128x1xf32>
    %slice3A_895 = vector.extract_strided_slice %select_n3A_889 {offsets = [0, 0], sizes = [128, 127], strides = [1, 1]} : vector<128x128xf32> to vector<128x127xf32>
    %concatenate3A_896 = tpu.concatenate %slice3A_894, %slice3A_895 in 1 : vector<128x1xf32>, vector<128x127xf32> -> vector<128x128xf32>
    %iota3A_897 = tpu.iota {dimensions = array<i32: 1>} : vector<128x128xi32>
    %and3A_898 = arith.constant 1 : i32
    %and3A_899 = vector.broadcast %and3A_898 : i32 to vector<128x128xi32>
    %and3A_900 = arith.andi %iota3A_897, %and3A_899 : vector<128x128xi32>
    %ne3A_901 = arith.constant 0 : i32
    %ne3A_902 = vector.broadcast %ne3A_901 : i32 to vector<128x128xi32>
    %ne3A_903 = arith.cmpi ne, %and3A_900, %ne3A_902 : vector<128x128xi32>
    %select_n3A_904 = arith.select %ne3A_903, %concatenate3A_896, %concatenate3A_893 : vector<128x128xi1>, vector<128x128xf32>
    %slice3A_905 = vector.extract_strided_slice %select_n3A_890 {offsets = [0, 1], sizes = [128, 127], strides = [1, 1]} : vector<128x128xi32> to vector<128x127xi32>
    %slice3A_906 = vector.extract_strided_slice %select_n3A_890 {offsets = [0, 0], sizes = [128, 1], strides = [1, 1]} : vector<128x128xi32> to vector<128x1xi32>
    %concatenate3A_907 = tpu.concatenate %slice3A_905, %slice3A_906 in 1 : vector<128x127xi32>, vector<128x1xi32> -> vector<128x128xi32>
    %slice3A_908 = vector.extract_strided_slice %select_n3A_890 {offsets = [0, 127], sizes = [128, 1], strides = [1, 1]} : vector<128x128xi32> to vector<128x1xi32>
    %slice3A_909 = vector.extract_strided_slice %select_n3A_890 {offsets = [0, 0], sizes = [128, 127], strides = [1, 1]} : vector<128x128xi32> to vector<128x127xi32>
    %concatenate3A_910 = tpu.concatenate %slice3A_908, %slice3A_909 in 1 : vector<128x1xi32>, vector<128x127xi32> -> vector<128x128xi32>
    %iota3A_911 = tpu.iota {dimensions = array<i32: 1>} : vector<128x128xi32>
    %and3A_912 = arith.constant 1 : i32
    %and3A_913 = vector.broadcast %and3A_912 : i32 to vector<128x128xi32>
    %and3A_914 = arith.andi %iota3A_911, %and3A_913 : vector<128x128xi32>
    %ne3A_915 = arith.constant 0 : i32
    %ne3A_916 = vector.broadcast %ne3A_915 : i32 to vector<128x128xi32>
    %ne3A_917 = arith.cmpi ne, %and3A_914, %ne3A_916 : vector<128x128xi32>
    %select_n3A_918 = arith.select %ne3A_917, %concatenate3A_910, %concatenate3A_907 : vector<128x128xi1>, vector<128x128xi32>
    %and3A_919 = arith.constant 1 : i32
    %and3A_920 = vector.broadcast %and3A_919 : i32 to vector<128x128xi32>
    %and3A_921 = arith.andi %add3A, %and3A_920 : vector<128x128xi32>
    %ne3A_922 = arith.constant 0 : i32
    %ne3A_923 = vector.broadcast %ne3A_922 : i32 to vector<128x128xi32>
    %ne3A_924 = arith.cmpi ne, %and3A_921, %ne3A_923 : vector<128x128xi32>
    %gt3A_925 = arith.cmpf ogt, %select_n3A_904, %select_n3A_889 : vector<128x128xf32>
    %eq3A_926 = arith.cmpf oeq, %select_n3A_904, %select_n3A_889 : vector<128x128xf32>
    %lt3A_927 = arith.cmpi slt, %select_n3A_918, %select_n3A_890 : vector<128x128xi32>
    %and3A_928 = arith.andi %eq3A_926, %lt3A_927 : vector<128x128xi1>
    %or3A_929 = arith.ori %gt3A_925, %and3A_928 : vector<128x128xi1>
    %xor3A_930 = arith.xori %or3A_929, %ne3A_924 : vector<128x128xi1>
    %xor3A_931 = arith.xori %xor3A_930, %ne3A_675 : vector<128x128xi1>
    %select_n3A_932 = arith.select %xor3A_931, %select_n3A_904, %select_n3A_889 : vector<128x128xi1>, vector<128x128xf32>
    %select_n3A_933 = arith.select %xor3A_931, %select_n3A_918, %select_n3A_890 : vector<128x128xi1>, vector<128x128xi32>
    %and3A_934 = arith.constant 128 : i32
    %and3A_935 = vector.broadcast %and3A_934 : i32 to vector<128x128xi32>
    %and3A_936 = arith.andi %add3A, %and3A_935 : vector<128x128xi32>
    %ne3A_937 = arith.constant 0 : i32
    %ne3A_938 = vector.broadcast %ne3A_937 : i32 to vector<128x128xi32>
    %ne3A_939 = arith.cmpi ne, %and3A_936, %ne3A_938 : vector<128x128xi32>
    %slice3A_940 = vector.extract_strided_slice %select_n3A_932 {offsets = [0, 64], sizes = [128, 64], strides = [1, 1]} : vector<128x128xf32> to vector<128x64xf32>
    %slice3A_941 = vector.extract_strided_slice %select_n3A_932 {offsets = [0, 0], sizes = [128, 64], strides = [1, 1]} : vector<128x128xf32> to vector<128x64xf32>
    %concatenate3A_942 = tpu.concatenate %slice3A_940, %slice3A_941 in 1 : vector<128x64xf32>, vector<128x64xf32> -> vector<128x128xf32>
    %slice3A_943 = vector.extract_strided_slice %select_n3A_932 {offsets = [0, 64], sizes = [128, 64], strides = [1, 1]} : vector<128x128xf32> to vector<128x64xf32>
    %slice3A_944 = vector.extract_strided_slice %select_n3A_932 {offsets = [0, 0], sizes = [128, 64], strides = [1, 1]} : vector<128x128xf32> to vector<128x64xf32>
    %concatenate3A_945 = tpu.concatenate %slice3A_943, %slice3A_944 in 1 : vector<128x64xf32>, vector<128x64xf32> -> vector<128x128xf32>
    %iota3A_946 = tpu.iota {dimensions = array<i32: 1>} : vector<128x128xi32>
    %and3A_947 = arith.constant 64 : i32
    %and3A_948 = vector.broadcast %and3A_947 : i32 to vector<128x128xi32>
    %and3A_949 = arith.andi %iota3A_946, %and3A_948 : vector<128x128xi32>
    %ne3A_950 = arith.constant 0 : i32
    %ne3A_951 = vector.broadcast %ne3A_950 : i32 to vector<128x128xi32>
    %ne3A_952 = arith.cmpi ne, %and3A_949, %ne3A_951 : vector<128x128xi32>
    %select_n3A_953 = arith.select %ne3A_952, %concatenate3A_945, %concatenate3A_942 : vector<128x128xi1>, vector<128x128xf32>
    %slice3A_954 = vector.extract_strided_slice %select_n3A_933 {offsets = [0, 64], sizes = [128, 64], strides = [1, 1]} : vector<128x128xi32> to vector<128x64xi32>
    %slice3A_955 = vector.extract_strided_slice %select_n3A_933 {offsets = [0, 0], sizes = [128, 64], strides = [1, 1]} : vector<128x128xi32> to vector<128x64xi32>
    %concatenate3A_956 = tpu.concatenate %slice3A_954, %slice3A_955 in 1 : vector<128x64xi32>, vector<128x64xi32> -> vector<128x128xi32>
    %slice3A_957 = vector.extract_strided_slice %select_n3A_933 {offsets = [0, 64], sizes = [128, 64], strides = [1, 1]} : vector<128x128xi32> to vector<128x64xi32>
    %slice3A_958 = vector.extract_strided_slice %select_n3A_933 {offsets = [0, 0], sizes = [128, 64], strides = [1, 1]} : vector<128x128xi32> to vector<128x64xi32>
    %concatenate3A_959 = tpu.concatenate %slice3A_957, %slice3A_958 in 1 : vector<128x64xi32>, vector<128x64xi32> -> vector<128x128xi32>
    %iota3A_960 = tpu.iota {dimensions = array<i32: 1>} : vector<128x128xi32>
    %and3A_961 = arith.constant 64 : i32
    %and3A_962 = vector.broadcast %and3A_961 : i32 to vector<128x128xi32>
    %and3A_963 = arith.andi %iota3A_960, %and3A_962 : vector<128x128xi32>
    %ne3A_964 = arith.constant 0 : i32
    %ne3A_965 = vector.broadcast %ne3A_964 : i32 to vector<128x128xi32>
    %ne3A_966 = arith.cmpi ne, %and3A_963, %ne3A_965 : vector<128x128xi32>
    %select_n3A_967 = arith.select %ne3A_966, %concatenate3A_959, %concatenate3A_956 : vector<128x128xi1>, vector<128x128xi32>
    %and3A_968 = arith.constant 64 : i32
    %and3A_969 = vector.broadcast %and3A_968 : i32 to vector<128x128xi32>
    %and3A_970 = arith.andi %add3A, %and3A_969 : vector<128x128xi32>
    %ne3A_971 = arith.constant 0 : i32
    %ne3A_972 = vector.broadcast %ne3A_971 : i32 to vector<128x128xi32>
    %ne3A_973 = arith.cmpi ne, %and3A_970, %ne3A_972 : vector<128x128xi32>
    %gt3A_974 = arith.cmpf ogt, %select_n3A_953, %select_n3A_932 : vector<128x128xf32>
    %eq3A_975 = arith.cmpf oeq, %select_n3A_953, %select_n3A_932 : vector<128x128xf32>
    %lt3A_976 = arith.cmpi slt, %select_n3A_967, %select_n3A_933 : vector<128x128xi32>
    %and3A_977 = arith.andi %eq3A_975, %lt3A_976 : vector<128x128xi1>
    %or3A_978 = arith.ori %gt3A_974, %and3A_977 : vector<128x128xi1>
    %xor3A_979 = arith.xori %or3A_978, %ne3A_973 : vector<128x128xi1>
    %xor3A_980 = arith.xori %xor3A_979, %ne3A_939 : vector<128x128xi1>
    %select_n3A_981 = arith.select %xor3A_980, %select_n3A_953, %select_n3A_932 : vector<128x128xi1>, vector<128x128xf32>
    %select_n3A_982 = arith.select %xor3A_980, %select_n3A_967, %select_n3A_933 : vector<128x128xi1>, vector<128x128xi32>
    %slice3A_983 = vector.extract_strided_slice %select_n3A_981 {offsets = [0, 32], sizes = [128, 96], strides = [1, 1]} : vector<128x128xf32> to vector<128x96xf32>
    %slice3A_984 = vector.extract_strided_slice %select_n3A_981 {offsets = [0, 0], sizes = [128, 32], strides = [1, 1]} : vector<128x128xf32> to vector<128x32xf32>
    %concatenate3A_985 = tpu.concatenate %slice3A_983, %slice3A_984 in 1 : vector<128x96xf32>, vector<128x32xf32> -> vector<128x128xf32>
    %slice3A_986 = vector.extract_strided_slice %select_n3A_981 {offsets = [0, 96], sizes = [128, 32], strides = [1, 1]} : vector<128x128xf32> to vector<128x32xf32>
    %slice3A_987 = vector.extract_strided_slice %select_n3A_981 {offsets = [0, 0], sizes = [128, 96], strides = [1, 1]} : vector<128x128xf32> to vector<128x96xf32>
    %concatenate3A_988 = tpu.concatenate %slice3A_986, %slice3A_987 in 1 : vector<128x32xf32>, vector<128x96xf32> -> vector<128x128xf32>
    %iota3A_989 = tpu.iota {dimensions = array<i32: 1>} : vector<128x128xi32>
    %and3A_990 = arith.constant 32 : i32
    %and3A_991 = vector.broadcast %and3A_990 : i32 to vector<128x128xi32>
    %and3A_992 = arith.andi %iota3A_989, %and3A_991 : vector<128x128xi32>
    %ne3A_993 = arith.constant 0 : i32
    %ne3A_994 = vector.broadcast %ne3A_993 : i32 to vector<128x128xi32>
    %ne3A_995 = arith.cmpi ne, %and3A_992, %ne3A_994 : vector<128x128xi32>
    %select_n3A_996 = arith.select %ne3A_995, %concatenate3A_988, %concatenate3A_985 : vector<128x128xi1>, vector<128x128xf32>
    %slice3A_997 = vector.extract_strided_slice %select_n3A_982 {offsets = [0, 32], sizes = [128, 96], strides = [1, 1]} : vector<128x128xi32> to vector<128x96xi32>
    %slice3A_998 = vector.extract_strided_slice %select_n3A_982 {offsets = [0, 0], sizes = [128, 32], strides = [1, 1]} : vector<128x128xi32> to vector<128x32xi32>
    %concatenate3A_999 = tpu.concatenate %slice3A_997, %slice3A_998 in 1 : vector<128x96xi32>, vector<128x32xi32> -> vector<128x128xi32>
    %slice3A_1000 = vector.extract_strided_slice %select_n3A_982 {offsets = [0, 96], sizes = [128, 32], strides = [1, 1]} : vector<128x128xi32> to vector<128x32xi32>
    %slice3A_1001 = vector.extract_strided_slice %select_n3A_982 {offsets = [0, 0], sizes = [128, 96], strides = [1, 1]} : vector<128x128xi32> to vector<128x96xi32>
    %concatenate3A_1002 = tpu.concatenate %slice3A_1000, %slice3A_1001 in 1 : vector<128x32xi32>, vector<128x96xi32> -> vector<128x128xi32>
    %iota3A_1003 = tpu.iota {dimensions = array<i32: 1>} : vector<128x128xi32>
    %and3A_1004 = arith.constant 32 : i32
    %and3A_1005 = vector.broadcast %and3A_1004 : i32 to vector<128x128xi32>
    %and3A_1006 = arith.andi %iota3A_1003, %and3A_1005 : vector<128x128xi32>
    %ne3A_1007 = arith.constant 0 : i32
    %ne3A_1008 = vector.broadcast %ne3A_1007 : i32 to vector<128x128xi32>
    %ne3A_1009 = arith.cmpi ne, %and3A_1006, %ne3A_1008 : vector<128x128xi32>
    %select_n3A_1010 = arith.select %ne3A_1009, %concatenate3A_1002, %concatenate3A_999 : vector<128x128xi1>, vector<128x128xi32>
    %and3A_1011 = arith.constant 32 : i32
    %and3A_1012 = vector.broadcast %and3A_1011 : i32 to vector<128x128xi32>
    %and3A_1013 = arith.andi %add3A, %and3A_1012 : vector<128x128xi32>
    %ne3A_1014 = arith.constant 0 : i32
    %ne3A_1015 = vector.broadcast %ne3A_1014 : i32 to vector<128x128xi32>
    %ne3A_1016 = arith.cmpi ne, %and3A_1013, %ne3A_1015 : vector<128x128xi32>
    %gt3A_1017 = arith.cmpf ogt, %select_n3A_996, %select_n3A_981 : vector<128x128xf32>
    %eq3A_1018 = arith.cmpf oeq, %select_n3A_996, %select_n3A_981 : vector<128x128xf32>
    %lt3A_1019 = arith.cmpi slt, %select_n3A_1010, %select_n3A_982 : vector<128x128xi32>
    %and3A_1020 = arith.andi %eq3A_1018, %lt3A_1019 : vector<128x128xi1>
    %or3A_1021 = arith.ori %gt3A_1017, %and3A_1020 : vector<128x128xi1>
    %xor3A_1022 = arith.xori %or3A_1021, %ne3A_1016 : vector<128x128xi1>
    %xor3A_1023 = arith.xori %xor3A_1022, %ne3A_939 : vector<128x128xi1>
    %select_n3A_1024 = arith.select %xor3A_1023, %select_n3A_996, %select_n3A_981 : vector<128x128xi1>, vector<128x128xf32>
    %select_n3A_1025 = arith.select %xor3A_1023, %select_n3A_1010, %select_n3A_982 : vector<128x128xi1>, vector<128x128xi32>
    %slice3A_1026 = vector.extract_strided_slice %select_n3A_1024 {offsets = [0, 16], sizes = [128, 112], strides = [1, 1]} : vector<128x128xf32> to vector<128x112xf32>
    %slice3A_1027 = vector.extract_strided_slice %select_n3A_1024 {offsets = [0, 0], sizes = [128, 16], strides = [1, 1]} : vector<128x128xf32> to vector<128x16xf32>
    %concatenate3A_1028 = tpu.concatenate %slice3A_1026, %slice3A_1027 in 1 : vector<128x112xf32>, vector<128x16xf32> -> vector<128x128xf32>
    %slice3A_1029 = vector.extract_strided_slice %select_n3A_1024 {offsets = [0, 112], sizes = [128, 16], strides = [1, 1]} : vector<128x128xf32> to vector<128x16xf32>
    %slice3A_1030 = vector.extract_strided_slice %select_n3A_1024 {offsets = [0, 0], sizes = [128, 112], strides = [1, 1]} : vector<128x128xf32> to vector<128x112xf32>
    %concatenate3A_1031 = tpu.concatenate %slice3A_1029, %slice3A_1030 in 1 : vector<128x16xf32>, vector<128x112xf32> -> vector<128x128xf32>
    %iota3A_1032 = tpu.iota {dimensions = array<i32: 1>} : vector<128x128xi32>
    %and3A_1033 = arith.constant 16 : i32
    %and3A_1034 = vector.broadcast %and3A_1033 : i32 to vector<128x128xi32>
    %and3A_1035 = arith.andi %iota3A_1032, %and3A_1034 : vector<128x128xi32>
    %ne3A_1036 = arith.constant 0 : i32
    %ne3A_1037 = vector.broadcast %ne3A_1036 : i32 to vector<128x128xi32>
    %ne3A_1038 = arith.cmpi ne, %and3A_1035, %ne3A_1037 : vector<128x128xi32>
    %select_n3A_1039 = arith.select %ne3A_1038, %concatenate3A_1031, %concatenate3A_1028 : vector<128x128xi1>, vector<128x128xf32>
    %slice3A_1040 = vector.extract_strided_slice %select_n3A_1025 {offsets = [0, 16], sizes = [128, 112], strides = [1, 1]} : vector<128x128xi32> to vector<128x112xi32>
    %slice3A_1041 = vector.extract_strided_slice %select_n3A_1025 {offsets = [0, 0], sizes = [128, 16], strides = [1, 1]} : vector<128x128xi32> to vector<128x16xi32>
    %concatenate3A_1042 = tpu.concatenate %slice3A_1040, %slice3A_1041 in 1 : vector<128x112xi32>, vector<128x16xi32> -> vector<128x128xi32>
    %slice3A_1043 = vector.extract_strided_slice %select_n3A_1025 {offsets = [0, 112], sizes = [128, 16], strides = [1, 1]} : vector<128x128xi32> to vector<128x16xi32>
    %slice3A_1044 = vector.extract_strided_slice %select_n3A_1025 {offsets = [0, 0], sizes = [128, 112], strides = [1, 1]} : vector<128x128xi32> to vector<128x112xi32>
    %concatenate3A_1045 = tpu.concatenate %slice3A_1043, %slice3A_1044 in 1 : vector<128x16xi32>, vector<128x112xi32> -> vector<128x128xi32>
    %iota3A_1046 = tpu.iota {dimensions = array<i32: 1>} : vector<128x128xi32>
    %and3A_1047 = arith.constant 16 : i32
    %and3A_1048 = vector.broadcast %and3A_1047 : i32 to vector<128x128xi32>
    %and3A_1049 = arith.andi %iota3A_1046, %and3A_1048 : vector<128x128xi32>
    %ne3A_1050 = arith.constant 0 : i32
    %ne3A_1051 = vector.broadcast %ne3A_1050 : i32 to vector<128x128xi32>
    %ne3A_1052 = arith.cmpi ne, %and3A_1049, %ne3A_1051 : vector<128x128xi32>
    %select_n3A_1053 = arith.select %ne3A_1052, %concatenate3A_1045, %concatenate3A_1042 : vector<128x128xi1>, vector<128x128xi32>
    %and3A_1054 = arith.constant 16 : i32
    %and3A_1055 = vector.broadcast %and3A_1054 : i32 to vector<128x128xi32>
    %and3A_1056 = arith.andi %add3A, %and3A_1055 : vector<128x128xi32>
    %ne3A_1057 = arith.constant 0 : i32
    %ne3A_1058 = vector.broadcast %ne3A_1057 : i32 to vector<128x128xi32>
    %ne3A_1059 = arith.cmpi ne, %and3A_1056, %ne3A_1058 : vector<128x128xi32>
    %gt3A_1060 = arith.cmpf ogt, %select_n3A_1039, %select_n3A_1024 : vector<128x128xf32>
    %eq3A_1061 = arith.cmpf oeq, %select_n3A_1039, %select_n3A_1024 : vector<128x128xf32>
    %lt3A_1062 = arith.cmpi slt, %select_n3A_1053, %select_n3A_1025 : vector<128x128xi32>
    %and3A_1063 = arith.andi %eq3A_1061, %lt3A_1062 : vector<128x128xi1>
    %or3A_1064 = arith.ori %gt3A_1060, %and3A_1063 : vector<128x128xi1>
    %xor3A_1065 = arith.xori %or3A_1064, %ne3A_1059 : vector<128x128xi1>
    %xor3A_1066 = arith.xori %xor3A_1065, %ne3A_939 : vector<128x128xi1>
    %select_n3A_1067 = arith.select %xor3A_1066, %select_n3A_1039, %select_n3A_1024 : vector<128x128xi1>, vector<128x128xf32>
    %select_n3A_1068 = arith.select %xor3A_1066, %select_n3A_1053, %select_n3A_1025 : vector<128x128xi1>, vector<128x128xi32>
    %slice3A_1069 = vector.extract_strided_slice %select_n3A_1067 {offsets = [0, 8], sizes = [128, 120], strides = [1, 1]} : vector<128x128xf32> to vector<128x120xf32>
    %slice3A_1070 = vector.extract_strided_slice %select_n3A_1067 {offsets = [0, 0], sizes = [128, 8], strides = [1, 1]} : vector<128x128xf32> to vector<128x8xf32>
    %concatenate3A_1071 = tpu.concatenate %slice3A_1069, %slice3A_1070 in 1 : vector<128x120xf32>, vector<128x8xf32> -> vector<128x128xf32>
    %slice3A_1072 = vector.extract_strided_slice %select_n3A_1067 {offsets = [0, 120], sizes = [128, 8], strides = [1, 1]} : vector<128x128xf32> to vector<128x8xf32>
    %slice3A_1073 = vector.extract_strided_slice %select_n3A_1067 {offsets = [0, 0], sizes = [128, 120], strides = [1, 1]} : vector<128x128xf32> to vector<128x120xf32>
    %concatenate3A_1074 = tpu.concatenate %slice3A_1072, %slice3A_1073 in 1 : vector<128x8xf32>, vector<128x120xf32> -> vector<128x128xf32>
    %iota3A_1075 = tpu.iota {dimensions = array<i32: 1>} : vector<128x128xi32>
    %and3A_1076 = arith.constant 8 : i32
    %and3A_1077 = vector.broadcast %and3A_1076 : i32 to vector<128x128xi32>
    %and3A_1078 = arith.andi %iota3A_1075, %and3A_1077 : vector<128x128xi32>
    %ne3A_1079 = arith.constant 0 : i32
    %ne3A_1080 = vector.broadcast %ne3A_1079 : i32 to vector<128x128xi32>
    %ne3A_1081 = arith.cmpi ne, %and3A_1078, %ne3A_1080 : vector<128x128xi32>
    %select_n3A_1082 = arith.select %ne3A_1081, %concatenate3A_1074, %concatenate3A_1071 : vector<128x128xi1>, vector<128x128xf32>
    %slice3A_1083 = vector.extract_strided_slice %select_n3A_1068 {offsets = [0, 8], sizes = [128, 120], strides = [1, 1]} : vector<128x128xi32> to vector<128x120xi32>
    %slice3A_1084 = vector.extract_strided_slice %select_n3A_1068 {offsets = [0, 0], sizes = [128, 8], strides = [1, 1]} : vector<128x128xi32> to vector<128x8xi32>
    %concatenate3A_1085 = tpu.concatenate %slice3A_1083, %slice3A_1084 in 1 : vector<128x120xi32>, vector<128x8xi32> -> vector<128x128xi32>
    %slice3A_1086 = vector.extract_strided_slice %select_n3A_1068 {offsets = [0, 120], sizes = [128, 8], strides = [1, 1]} : vector<128x128xi32> to vector<128x8xi32>
    %slice3A_1087 = vector.extract_strided_slice %select_n3A_1068 {offsets = [0, 0], sizes = [128, 120], strides = [1, 1]} : vector<128x128xi32> to vector<128x120xi32>
    %concatenate3A_1088 = tpu.concatenate %slice3A_1086, %slice3A_1087 in 1 : vector<128x8xi32>, vector<128x120xi32> -> vector<128x128xi32>
    %iota3A_1089 = tpu.iota {dimensions = array<i32: 1>} : vector<128x128xi32>
    %and3A_1090 = arith.constant 8 : i32
    %and3A_1091 = vector.broadcast %and3A_1090 : i32 to vector<128x128xi32>
    %and3A_1092 = arith.andi %iota3A_1089, %and3A_1091 : vector<128x128xi32>
    %ne3A_1093 = arith.constant 0 : i32
    %ne3A_1094 = vector.broadcast %ne3A_1093 : i32 to vector<128x128xi32>
    %ne3A_1095 = arith.cmpi ne, %and3A_1092, %ne3A_1094 : vector<128x128xi32>
    %select_n3A_1096 = arith.select %ne3A_1095, %concatenate3A_1088, %concatenate3A_1085 : vector<128x128xi1>, vector<128x128xi32>
    %and3A_1097 = arith.constant 8 : i32
    %and3A_1098 = vector.broadcast %and3A_1097 : i32 to vector<128x128xi32>
    %and3A_1099 = arith.andi %add3A, %and3A_1098 : vector<128x128xi32>
    %ne3A_1100 = arith.constant 0 : i32
    %ne3A_1101 = vector.broadcast %ne3A_1100 : i32 to vector<128x128xi32>
    %ne3A_1102 = arith.cmpi ne, %and3A_1099, %ne3A_1101 : vector<128x128xi32>
    %gt3A_1103 = arith.cmpf ogt, %select_n3A_1082, %select_n3A_1067 : vector<128x128xf32>
    %eq3A_1104 = arith.cmpf oeq, %select_n3A_1082, %select_n3A_1067 : vector<128x128xf32>
    %lt3A_1105 = arith.cmpi slt, %select_n3A_1096, %select_n3A_1068 : vector<128x128xi32>
    %and3A_1106 = arith.andi %eq3A_1104, %lt3A_1105 : vector<128x128xi1>
    %or3A_1107 = arith.ori %gt3A_1103, %and3A_1106 : vector<128x128xi1>
    %xor3A_1108 = arith.xori %or3A_1107, %ne3A_1102 : vector<128x128xi1>
    %xor3A_1109 = arith.xori %xor3A_1108, %ne3A_939 : vector<128x128xi1>
    %select_n3A_1110 = arith.select %xor3A_1109, %select_n3A_1082, %select_n3A_1067 : vector<128x128xi1>, vector<128x128xf32>
    %select_n3A_1111 = arith.select %xor3A_1109, %select_n3A_1096, %select_n3A_1068 : vector<128x128xi1>, vector<128x128xi32>
    %slice3A_1112 = vector.extract_strided_slice %select_n3A_1110 {offsets = [0, 4], sizes = [128, 124], strides = [1, 1]} : vector<128x128xf32> to vector<128x124xf32>
    %slice3A_1113 = vector.extract_strided_slice %select_n3A_1110 {offsets = [0, 0], sizes = [128, 4], strides = [1, 1]} : vector<128x128xf32> to vector<128x4xf32>
    %concatenate3A_1114 = tpu.concatenate %slice3A_1112, %slice3A_1113 in 1 : vector<128x124xf32>, vector<128x4xf32> -> vector<128x128xf32>
    %slice3A_1115 = vector.extract_strided_slice %select_n3A_1110 {offsets = [0, 124], sizes = [128, 4], strides = [1, 1]} : vector<128x128xf32> to vector<128x4xf32>
    %slice3A_1116 = vector.extract_strided_slice %select_n3A_1110 {offsets = [0, 0], sizes = [128, 124], strides = [1, 1]} : vector<128x128xf32> to vector<128x124xf32>
    %concatenate3A_1117 = tpu.concatenate %slice3A_1115, %slice3A_1116 in 1 : vector<128x4xf32>, vector<128x124xf32> -> vector<128x128xf32>
    %iota3A_1118 = tpu.iota {dimensions = array<i32: 1>} : vector<128x128xi32>
    %and3A_1119 = arith.constant 4 : i32
    %and3A_1120 = vector.broadcast %and3A_1119 : i32 to vector<128x128xi32>
    %and3A_1121 = arith.andi %iota3A_1118, %and3A_1120 : vector<128x128xi32>
    %ne3A_1122 = arith.constant 0 : i32
    %ne3A_1123 = vector.broadcast %ne3A_1122 : i32 to vector<128x128xi32>
    %ne3A_1124 = arith.cmpi ne, %and3A_1121, %ne3A_1123 : vector<128x128xi32>
    %select_n3A_1125 = arith.select %ne3A_1124, %concatenate3A_1117, %concatenate3A_1114 : vector<128x128xi1>, vector<128x128xf32>
    %slice3A_1126 = vector.extract_strided_slice %select_n3A_1111 {offsets = [0, 4], sizes = [128, 124], strides = [1, 1]} : vector<128x128xi32> to vector<128x124xi32>
    %slice3A_1127 = vector.extract_strided_slice %select_n3A_1111 {offsets = [0, 0], sizes = [128, 4], strides = [1, 1]} : vector<128x128xi32> to vector<128x4xi32>
    %concatenate3A_1128 = tpu.concatenate %slice3A_1126, %slice3A_1127 in 1 : vector<128x124xi32>, vector<128x4xi32> -> vector<128x128xi32>
    %slice3A_1129 = vector.extract_strided_slice %select_n3A_1111 {offsets = [0, 124], sizes = [128, 4], strides = [1, 1]} : vector<128x128xi32> to vector<128x4xi32>
    %slice3A_1130 = vector.extract_strided_slice %select_n3A_1111 {offsets = [0, 0], sizes = [128, 124], strides = [1, 1]} : vector<128x128xi32> to vector<128x124xi32>
    %concatenate3A_1131 = tpu.concatenate %slice3A_1129, %slice3A_1130 in 1 : vector<128x4xi32>, vector<128x124xi32> -> vector<128x128xi32>
    %iota3A_1132 = tpu.iota {dimensions = array<i32: 1>} : vector<128x128xi32>
    %and3A_1133 = arith.constant 4 : i32
    %and3A_1134 = vector.broadcast %and3A_1133 : i32 to vector<128x128xi32>
    %and3A_1135 = arith.andi %iota3A_1132, %and3A_1134 : vector<128x128xi32>
    %ne3A_1136 = arith.constant 0 : i32
    %ne3A_1137 = vector.broadcast %ne3A_1136 : i32 to vector<128x128xi32>
    %ne3A_1138 = arith.cmpi ne, %and3A_1135, %ne3A_1137 : vector<128x128xi32>
    %select_n3A_1139 = arith.select %ne3A_1138, %concatenate3A_1131, %concatenate3A_1128 : vector<128x128xi1>, vector<128x128xi32>
    %and3A_1140 = arith.constant 4 : i32
    %and3A_1141 = vector.broadcast %and3A_1140 : i32 to vector<128x128xi32>
    %and3A_1142 = arith.andi %add3A, %and3A_1141 : vector<128x128xi32>
    %ne3A_1143 = arith.constant 0 : i32
    %ne3A_1144 = vector.broadcast %ne3A_1143 : i32 to vector<128x128xi32>
    %ne3A_1145 = arith.cmpi ne, %and3A_1142, %ne3A_1144 : vector<128x128xi32>
    %gt3A_1146 = arith.cmpf ogt, %select_n3A_1125, %select_n3A_1110 : vector<128x128xf32>
    %eq3A_1147 = arith.cmpf oeq, %select_n3A_1125, %select_n3A_1110 : vector<128x128xf32>
    %lt3A_1148 = arith.cmpi slt, %select_n3A_1139, %select_n3A_1111 : vector<128x128xi32>
    %and3A_1149 = arith.andi %eq3A_1147, %lt3A_1148 : vector<128x128xi1>
    %or3A_1150 = arith.ori %gt3A_1146, %and3A_1149 : vector<128x128xi1>
    %xor3A_1151 = arith.xori %or3A_1150, %ne3A_1145 : vector<128x128xi1>
    %xor3A_1152 = arith.xori %xor3A_1151, %ne3A_939 : vector<128x128xi1>
    %select_n3A_1153 = arith.select %xor3A_1152, %select_n3A_1125, %select_n3A_1110 : vector<128x128xi1>, vector<128x128xf32>
    %select_n3A_1154 = arith.select %xor3A_1152, %select_n3A_1139, %select_n3A_1111 : vector<128x128xi1>, vector<128x128xi32>
    %slice3A_1155 = vector.extract_strided_slice %select_n3A_1153 {offsets = [0, 2], sizes = [128, 126], strides = [1, 1]} : vector<128x128xf32> to vector<128x126xf32>
    %slice3A_1156 = vector.extract_strided_slice %select_n3A_1153 {offsets = [0, 0], sizes = [128, 2], strides = [1, 1]} : vector<128x128xf32> to vector<128x2xf32>
    %concatenate3A_1157 = tpu.concatenate %slice3A_1155, %slice3A_1156 in 1 : vector<128x126xf32>, vector<128x2xf32> -> vector<128x128xf32>
    %slice3A_1158 = vector.extract_strided_slice %select_n3A_1153 {offsets = [0, 126], sizes = [128, 2], strides = [1, 1]} : vector<128x128xf32> to vector<128x2xf32>
    %slice3A_1159 = vector.extract_strided_slice %select_n3A_1153 {offsets = [0, 0], sizes = [128, 126], strides = [1, 1]} : vector<128x128xf32> to vector<128x126xf32>
    %concatenate3A_1160 = tpu.concatenate %slice3A_1158, %slice3A_1159 in 1 : vector<128x2xf32>, vector<128x126xf32> -> vector<128x128xf32>
    %iota3A_1161 = tpu.iota {dimensions = array<i32: 1>} : vector<128x128xi32>
    %and3A_1162 = arith.constant 2 : i32
    %and3A_1163 = vector.broadcast %and3A_1162 : i32 to vector<128x128xi32>
    %and3A_1164 = arith.andi %iota3A_1161, %and3A_1163 : vector<128x128xi32>
    %ne3A_1165 = arith.constant 0 : i32
    %ne3A_1166 = vector.broadcast %ne3A_1165 : i32 to vector<128x128xi32>
    %ne3A_1167 = arith.cmpi ne, %and3A_1164, %ne3A_1166 : vector<128x128xi32>
    %select_n3A_1168 = arith.select %ne3A_1167, %concatenate3A_1160, %concatenate3A_1157 : vector<128x128xi1>, vector<128x128xf32>
    %slice3A_1169 = vector.extract_strided_slice %select_n3A_1154 {offsets = [0, 2], sizes = [128, 126], strides = [1, 1]} : vector<128x128xi32> to vector<128x126xi32>
    %slice3A_1170 = vector.extract_strided_slice %select_n3A_1154 {offsets = [0, 0], sizes = [128, 2], strides = [1, 1]} : vector<128x128xi32> to vector<128x2xi32>
    %concatenate3A_1171 = tpu.concatenate %slice3A_1169, %slice3A_1170 in 1 : vector<128x126xi32>, vector<128x2xi32> -> vector<128x128xi32>
    %slice3A_1172 = vector.extract_strided_slice %select_n3A_1154 {offsets = [0, 126], sizes = [128, 2], strides = [1, 1]} : vector<128x128xi32> to vector<128x2xi32>
    %slice3A_1173 = vector.extract_strided_slice %select_n3A_1154 {offsets = [0, 0], sizes = [128, 126], strides = [1, 1]} : vector<128x128xi32> to vector<128x126xi32>
    %concatenate3A_1174 = tpu.concatenate %slice3A_1172, %slice3A_1173 in 1 : vector<128x2xi32>, vector<128x126xi32> -> vector<128x128xi32>
    %iota3A_1175 = tpu.iota {dimensions = array<i32: 1>} : vector<128x128xi32>
    %and3A_1176 = arith.constant 2 : i32
    %and3A_1177 = vector.broadcast %and3A_1176 : i32 to vector<128x128xi32>
    %and3A_1178 = arith.andi %iota3A_1175, %and3A_1177 : vector<128x128xi32>
    %ne3A_1179 = arith.constant 0 : i32
    %ne3A_1180 = vector.broadcast %ne3A_1179 : i32 to vector<128x128xi32>
    %ne3A_1181 = arith.cmpi ne, %and3A_1178, %ne3A_1180 : vector<128x128xi32>
    %select_n3A_1182 = arith.select %ne3A_1181, %concatenate3A_1174, %concatenate3A_1171 : vector<128x128xi1>, vector<128x128xi32>
    %and3A_1183 = arith.constant 2 : i32
    %and3A_1184 = vector.broadcast %and3A_1183 : i32 to vector<128x128xi32>
    %and3A_1185 = arith.andi %add3A, %and3A_1184 : vector<128x128xi32>
    %ne3A_1186 = arith.constant 0 : i32
    %ne3A_1187 = vector.broadcast %ne3A_1186 : i32 to vector<128x128xi32>
    %ne3A_1188 = arith.cmpi ne, %and3A_1185, %ne3A_1187 : vector<128x128xi32>
    %gt3A_1189 = arith.cmpf ogt, %select_n3A_1168, %select_n3A_1153 : vector<128x128xf32>
    %eq3A_1190 = arith.cmpf oeq, %select_n3A_1168, %select_n3A_1153 : vector<128x128xf32>
    %lt3A_1191 = arith.cmpi slt, %select_n3A_1182, %select_n3A_1154 : vector<128x128xi32>
    %and3A_1192 = arith.andi %eq3A_1190, %lt3A_1191 : vector<128x128xi1>
    %or3A_1193 = arith.ori %gt3A_1189, %and3A_1192 : vector<128x128xi1>
    %xor3A_1194 = arith.xori %or3A_1193, %ne3A_1188 : vector<128x128xi1>
    %xor3A_1195 = arith.xori %xor3A_1194, %ne3A_939 : vector<128x128xi1>
    %select_n3A_1196 = arith.select %xor3A_1195, %select_n3A_1168, %select_n3A_1153 : vector<128x128xi1>, vector<128x128xf32>
    %select_n3A_1197 = arith.select %xor3A_1195, %select_n3A_1182, %select_n3A_1154 : vector<128x128xi1>, vector<128x128xi32>
    %slice3A_1198 = vector.extract_strided_slice %select_n3A_1196 {offsets = [0, 1], sizes = [128, 127], strides = [1, 1]} : vector<128x128xf32> to vector<128x127xf32>
    %slice3A_1199 = vector.extract_strided_slice %select_n3A_1196 {offsets = [0, 0], sizes = [128, 1], strides = [1, 1]} : vector<128x128xf32> to vector<128x1xf32>
    %concatenate3A_1200 = tpu.concatenate %slice3A_1198, %slice3A_1199 in 1 : vector<128x127xf32>, vector<128x1xf32> -> vector<128x128xf32>
    %slice3A_1201 = vector.extract_strided_slice %select_n3A_1196 {offsets = [0, 127], sizes = [128, 1], strides = [1, 1]} : vector<128x128xf32> to vector<128x1xf32>
    %slice3A_1202 = vector.extract_strided_slice %select_n3A_1196 {offsets = [0, 0], sizes = [128, 127], strides = [1, 1]} : vector<128x128xf32> to vector<128x127xf32>
    %concatenate3A_1203 = tpu.concatenate %slice3A_1201, %slice3A_1202 in 1 : vector<128x1xf32>, vector<128x127xf32> -> vector<128x128xf32>
    %iota3A_1204 = tpu.iota {dimensions = array<i32: 1>} : vector<128x128xi32>
    %and3A_1205 = arith.constant 1 : i32
    %and3A_1206 = vector.broadcast %and3A_1205 : i32 to vector<128x128xi32>
    %and3A_1207 = arith.andi %iota3A_1204, %and3A_1206 : vector<128x128xi32>
    %ne3A_1208 = arith.constant 0 : i32
    %ne3A_1209 = vector.broadcast %ne3A_1208 : i32 to vector<128x128xi32>
    %ne3A_1210 = arith.cmpi ne, %and3A_1207, %ne3A_1209 : vector<128x128xi32>
    %select_n3A_1211 = arith.select %ne3A_1210, %concatenate3A_1203, %concatenate3A_1200 : vector<128x128xi1>, vector<128x128xf32>
    %slice3A_1212 = vector.extract_strided_slice %select_n3A_1197 {offsets = [0, 1], sizes = [128, 127], strides = [1, 1]} : vector<128x128xi32> to vector<128x127xi32>
    %slice3A_1213 = vector.extract_strided_slice %select_n3A_1197 {offsets = [0, 0], sizes = [128, 1], strides = [1, 1]} : vector<128x128xi32> to vector<128x1xi32>
    %concatenate3A_1214 = tpu.concatenate %slice3A_1212, %slice3A_1213 in 1 : vector<128x127xi32>, vector<128x1xi32> -> vector<128x128xi32>
    %slice3A_1215 = vector.extract_strided_slice %select_n3A_1197 {offsets = [0, 127], sizes = [128, 1], strides = [1, 1]} : vector<128x128xi32> to vector<128x1xi32>
    %slice3A_1216 = vector.extract_strided_slice %select_n3A_1197 {offsets = [0, 0], sizes = [128, 127], strides = [1, 1]} : vector<128x128xi32> to vector<128x127xi32>
    %concatenate3A_1217 = tpu.concatenate %slice3A_1215, %slice3A_1216 in 1 : vector<128x1xi32>, vector<128x127xi32> -> vector<128x128xi32>
    %iota3A_1218 = tpu.iota {dimensions = array<i32: 1>} : vector<128x128xi32>
    %and3A_1219 = arith.constant 1 : i32
    %and3A_1220 = vector.broadcast %and3A_1219 : i32 to vector<128x128xi32>
    %and3A_1221 = arith.andi %iota3A_1218, %and3A_1220 : vector<128x128xi32>
    %ne3A_1222 = arith.constant 0 : i32
    %ne3A_1223 = vector.broadcast %ne3A_1222 : i32 to vector<128x128xi32>
    %ne3A_1224 = arith.cmpi ne, %and3A_1221, %ne3A_1223 : vector<128x128xi32>
    %select_n3A_1225 = arith.select %ne3A_1224, %concatenate3A_1217, %concatenate3A_1214 : vector<128x128xi1>, vector<128x128xi32>
    %and3A_1226 = arith.constant 1 : i32
    %and3A_1227 = vector.broadcast %and3A_1226 : i32 to vector<128x128xi32>
    %and3A_1228 = arith.andi %add3A, %and3A_1227 : vector<128x128xi32>
    %ne3A_1229 = arith.constant 0 : i32
    %ne3A_1230 = vector.broadcast %ne3A_1229 : i32 to vector<128x128xi32>
    %ne3A_1231 = arith.cmpi ne, %and3A_1228, %ne3A_1230 : vector<128x128xi32>
    %gt3A_1232 = arith.cmpf ogt, %select_n3A_1211, %select_n3A_1196 : vector<128x128xf32>
    %eq3A_1233 = arith.cmpf oeq, %select_n3A_1211, %select_n3A_1196 : vector<128x128xf32>
    %lt3A_1234 = arith.cmpi slt, %select_n3A_1225, %select_n3A_1197 : vector<128x128xi32>
    %and3A_1235 = arith.andi %eq3A_1233, %lt3A_1234 : vector<128x128xi1>
    %or3A_1236 = arith.ori %gt3A_1232, %and3A_1235 : vector<128x128xi1>
    %xor3A_1237 = arith.xori %or3A_1236, %ne3A_1231 : vector<128x128xi1>
    %xor3A_1238 = arith.xori %xor3A_1237, %ne3A_939 : vector<128x128xi1>
    %select_n3A_1239 = arith.select %xor3A_1238, %select_n3A_1211, %select_n3A_1196 : vector<128x128xi1>, vector<128x128xf32>
    %select_n3A_1240 = arith.select %xor3A_1238, %select_n3A_1225, %select_n3A_1197 : vector<128x128xi1>, vector<128x128xi32>
    %and3A_1241 = arith.constant 256 : i32
    %and3A_1242 = vector.broadcast %and3A_1241 : i32 to vector<128x128xi32>
    %and3A_1243 = arith.andi %add3A, %and3A_1242 : vector<128x128xi32>
    %ne3A_1244 = arith.constant 0 : i32
    %ne3A_1245 = vector.broadcast %ne3A_1244 : i32 to vector<128x128xi32>
    %ne3A_1246 = arith.cmpi ne, %and3A_1243, %ne3A_1245 : vector<128x128xi32>
    %slice3A_1247 = vector.extract_strided_slice %select_n3A_1239 {offsets = [1, 0], sizes = [127, 128], strides = [1, 1]} : vector<128x128xf32> to vector<127x128xf32>
    %slice3A_1248 = vector.extract_strided_slice %select_n3A_1239 {offsets = [0, 0], sizes = [1, 128], strides = [1, 1]} : vector<128x128xf32> to vector<1x128xf32>
    %concatenate3A_1249 = tpu.concatenate %slice3A_1247, %slice3A_1248 in 0 : vector<127x128xf32>, vector<1x128xf32> -> vector<128x128xf32>
    %slice3A_1250 = vector.extract_strided_slice %select_n3A_1239 {offsets = [127, 0], sizes = [1, 128], strides = [1, 1]} : vector<128x128xf32> to vector<1x128xf32>
    %slice3A_1251 = vector.extract_strided_slice %select_n3A_1239 {offsets = [0, 0], sizes = [127, 128], strides = [1, 1]} : vector<128x128xf32> to vector<127x128xf32>
    %concatenate3A_1252 = tpu.concatenate %slice3A_1250, %slice3A_1251 in 0 : vector<1x128xf32>, vector<127x128xf32> -> vector<128x128xf32>
    %iota3A_1253 = tpu.iota {dimensions = array<i32: 0>} : vector<128x128xi32>
    %and3A_1254 = arith.constant 1 : i32
    %and3A_1255 = vector.broadcast %and3A_1254 : i32 to vector<128x128xi32>
    %and3A_1256 = arith.andi %iota3A_1253, %and3A_1255 : vector<128x128xi32>
    %ne3A_1257 = arith.constant 0 : i32
    %ne3A_1258 = vector.broadcast %ne3A_1257 : i32 to vector<128x128xi32>
    %ne3A_1259 = arith.cmpi ne, %and3A_1256, %ne3A_1258 : vector<128x128xi32>
    %select_n3A_1260 = arith.select %ne3A_1259, %concatenate3A_1252, %concatenate3A_1249 : vector<128x128xi1>, vector<128x128xf32>
    %slice3A_1261 = vector.extract_strided_slice %select_n3A_1240 {offsets = [1, 0], sizes = [127, 128], strides = [1, 1]} : vector<128x128xi32> to vector<127x128xi32>
    %slice3A_1262 = vector.extract_strided_slice %select_n3A_1240 {offsets = [0, 0], sizes = [1, 128], strides = [1, 1]} : vector<128x128xi32> to vector<1x128xi32>
    %concatenate3A_1263 = tpu.concatenate %slice3A_1261, %slice3A_1262 in 0 : vector<127x128xi32>, vector<1x128xi32> -> vector<128x128xi32>
    %slice3A_1264 = vector.extract_strided_slice %select_n3A_1240 {offsets = [127, 0], sizes = [1, 128], strides = [1, 1]} : vector<128x128xi32> to vector<1x128xi32>
    %slice3A_1265 = vector.extract_strided_slice %select_n3A_1240 {offsets = [0, 0], sizes = [127, 128], strides = [1, 1]} : vector<128x128xi32> to vector<127x128xi32>
    %concatenate3A_1266 = tpu.concatenate %slice3A_1264, %slice3A_1265 in 0 : vector<1x128xi32>, vector<127x128xi32> -> vector<128x128xi32>
    %iota3A_1267 = tpu.iota {dimensions = array<i32: 0>} : vector<128x128xi32>
    %and3A_1268 = arith.constant 1 : i32
    %and3A_1269 = vector.broadcast %and3A_1268 : i32 to vector<128x128xi32>
    %and3A_1270 = arith.andi %iota3A_1267, %and3A_1269 : vector<128x128xi32>
    %ne3A_1271 = arith.constant 0 : i32
    %ne3A_1272 = vector.broadcast %ne3A_1271 : i32 to vector<128x128xi32>
    %ne3A_1273 = arith.cmpi ne, %and3A_1270, %ne3A_1272 : vector<128x128xi32>
    %select_n3A_1274 = arith.select %ne3A_1273, %concatenate3A_1266, %concatenate3A_1263 : vector<128x128xi1>, vector<128x128xi32>
    %and3A_1275 = arith.constant 128 : i32
    %and3A_1276 = vector.broadcast %and3A_1275 : i32 to vector<128x128xi32>
    %and3A_1277 = arith.andi %add3A, %and3A_1276 : vector<128x128xi32>
    %ne3A_1278 = arith.constant 0 : i32
    %ne3A_1279 = vector.broadcast %ne3A_1278 : i32 to vector<128x128xi32>
    %ne3A_1280 = arith.cmpi ne, %and3A_1277, %ne3A_1279 : vector<128x128xi32>
    %gt3A_1281 = arith.cmpf ogt, %select_n3A_1260, %select_n3A_1239 : vector<128x128xf32>
    %eq3A_1282 = arith.cmpf oeq, %select_n3A_1260, %select_n3A_1239 : vector<128x128xf32>
    %lt3A_1283 = arith.cmpi slt, %select_n3A_1274, %select_n3A_1240 : vector<128x128xi32>
    %and3A_1284 = arith.andi %eq3A_1282, %lt3A_1283 : vector<128x128xi1>
    %or3A_1285 = arith.ori %gt3A_1281, %and3A_1284 : vector<128x128xi1>
    %xor3A_1286 = arith.xori %or3A_1285, %ne3A_1280 : vector<128x128xi1>
    %xor3A_1287 = arith.xori %xor3A_1286, %ne3A_1246 : vector<128x128xi1>
    %select_n3A_1288 = arith.select %xor3A_1287, %select_n3A_1260, %select_n3A_1239 : vector<128x128xi1>, vector<128x128xf32>
    %select_n3A_1289 = arith.select %xor3A_1287, %select_n3A_1274, %select_n3A_1240 : vector<128x128xi1>, vector<128x128xi32>
    %slice3A_1290 = vector.extract_strided_slice %select_n3A_1288 {offsets = [0, 64], sizes = [128, 64], strides = [1, 1]} : vector<128x128xf32> to vector<128x64xf32>
    %slice3A_1291 = vector.extract_strided_slice %select_n3A_1288 {offsets = [0, 0], sizes = [128, 64], strides = [1, 1]} : vector<128x128xf32> to vector<128x64xf32>
    %concatenate3A_1292 = tpu.concatenate %slice3A_1290, %slice3A_1291 in 1 : vector<128x64xf32>, vector<128x64xf32> -> vector<128x128xf32>
    %slice3A_1293 = vector.extract_strided_slice %select_n3A_1288 {offsets = [0, 64], sizes = [128, 64], strides = [1, 1]} : vector<128x128xf32> to vector<128x64xf32>
    %slice3A_1294 = vector.extract_strided_slice %select_n3A_1288 {offsets = [0, 0], sizes = [128, 64], strides = [1, 1]} : vector<128x128xf32> to vector<128x64xf32>
    %concatenate3A_1295 = tpu.concatenate %slice3A_1293, %slice3A_1294 in 1 : vector<128x64xf32>, vector<128x64xf32> -> vector<128x128xf32>
    %iota3A_1296 = tpu.iota {dimensions = array<i32: 1>} : vector<128x128xi32>
    %and3A_1297 = arith.constant 64 : i32
    %and3A_1298 = vector.broadcast %and3A_1297 : i32 to vector<128x128xi32>
    %and3A_1299 = arith.andi %iota3A_1296, %and3A_1298 : vector<128x128xi32>
    %ne3A_1300 = arith.constant 0 : i32
    %ne3A_1301 = vector.broadcast %ne3A_1300 : i32 to vector<128x128xi32>
    %ne3A_1302 = arith.cmpi ne, %and3A_1299, %ne3A_1301 : vector<128x128xi32>
    %select_n3A_1303 = arith.select %ne3A_1302, %concatenate3A_1295, %concatenate3A_1292 : vector<128x128xi1>, vector<128x128xf32>
    %slice3A_1304 = vector.extract_strided_slice %select_n3A_1289 {offsets = [0, 64], sizes = [128, 64], strides = [1, 1]} : vector<128x128xi32> to vector<128x64xi32>
    %slice3A_1305 = vector.extract_strided_slice %select_n3A_1289 {offsets = [0, 0], sizes = [128, 64], strides = [1, 1]} : vector<128x128xi32> to vector<128x64xi32>
    %concatenate3A_1306 = tpu.concatenate %slice3A_1304, %slice3A_1305 in 1 : vector<128x64xi32>, vector<128x64xi32> -> vector<128x128xi32>
    %slice3A_1307 = vector.extract_strided_slice %select_n3A_1289 {offsets = [0, 64], sizes = [128, 64], strides = [1, 1]} : vector<128x128xi32> to vector<128x64xi32>
    %slice3A_1308 = vector.extract_strided_slice %select_n3A_1289 {offsets = [0, 0], sizes = [128, 64], strides = [1, 1]} : vector<128x128xi32> to vector<128x64xi32>
    %concatenate3A_1309 = tpu.concatenate %slice3A_1307, %slice3A_1308 in 1 : vector<128x64xi32>, vector<128x64xi32> -> vector<128x128xi32>
    %iota3A_1310 = tpu.iota {dimensions = array<i32: 1>} : vector<128x128xi32>
    %and3A_1311 = arith.constant 64 : i32
    %and3A_1312 = vector.broadcast %and3A_1311 : i32 to vector<128x128xi32>
    %and3A_1313 = arith.andi %iota3A_1310, %and3A_1312 : vector<128x128xi32>
    %ne3A_1314 = arith.constant 0 : i32
    %ne3A_1315 = vector.broadcast %ne3A_1314 : i32 to vector<128x128xi32>
    %ne3A_1316 = arith.cmpi ne, %and3A_1313, %ne3A_1315 : vector<128x128xi32>
    %select_n3A_1317 = arith.select %ne3A_1316, %concatenate3A_1309, %concatenate3A_1306 : vector<128x128xi1>, vector<128x128xi32>
    %and3A_1318 = arith.constant 64 : i32
    %and3A_1319 = vector.broadcast %and3A_1318 : i32 to vector<128x128xi32>
    %and3A_1320 = arith.andi %add3A, %and3A_1319 : vector<128x128xi32>
    %ne3A_1321 = arith.constant 0 : i32
    %ne3A_1322 = vector.broadcast %ne3A_1321 : i32 to vector<128x128xi32>
    %ne3A_1323 = arith.cmpi ne, %and3A_1320, %ne3A_1322 : vector<128x128xi32>
    %gt3A_1324 = arith.cmpf ogt, %select_n3A_1303, %select_n3A_1288 : vector<128x128xf32>
    %eq3A_1325 = arith.cmpf oeq, %select_n3A_1303, %select_n3A_1288 : vector<128x128xf32>
    %lt3A_1326 = arith.cmpi slt, %select_n3A_1317, %select_n3A_1289 : vector<128x128xi32>
    %and3A_1327 = arith.andi %eq3A_1325, %lt3A_1326 : vector<128x128xi1>
    %or3A_1328 = arith.ori %gt3A_1324, %and3A_1327 : vector<128x128xi1>
    %xor3A_1329 = arith.xori %or3A_1328, %ne3A_1323 : vector<128x128xi1>
    %xor3A_1330 = arith.xori %xor3A_1329, %ne3A_1246 : vector<128x128xi1>
    %select_n3A_1331 = arith.select %xor3A_1330, %select_n3A_1303, %select_n3A_1288 : vector<128x128xi1>, vector<128x128xf32>
    %select_n3A_1332 = arith.select %xor3A_1330, %select_n3A_1317, %select_n3A_1289 : vector<128x128xi1>, vector<128x128xi32>
    %slice3A_1333 = vector.extract_strided_slice %select_n3A_1331 {offsets = [0, 32], sizes = [128, 96], strides = [1, 1]} : vector<128x128xf32> to vector<128x96xf32>
    %slice3A_1334 = vector.extract_strided_slice %select_n3A_1331 {offsets = [0, 0], sizes = [128, 32], strides = [1, 1]} : vector<128x128xf32> to vector<128x32xf32>
    %concatenate3A_1335 = tpu.concatenate %slice3A_1333, %slice3A_1334 in 1 : vector<128x96xf32>, vector<128x32xf32> -> vector<128x128xf32>
    %slice3A_1336 = vector.extract_strided_slice %select_n3A_1331 {offsets = [0, 96], sizes = [128, 32], strides = [1, 1]} : vector<128x128xf32> to vector<128x32xf32>
    %slice3A_1337 = vector.extract_strided_slice %select_n3A_1331 {offsets = [0, 0], sizes = [128, 96], strides = [1, 1]} : vector<128x128xf32> to vector<128x96xf32>
    %concatenate3A_1338 = tpu.concatenate %slice3A_1336, %slice3A_1337 in 1 : vector<128x32xf32>, vector<128x96xf32> -> vector<128x128xf32>
    %iota3A_1339 = tpu.iota {dimensions = array<i32: 1>} : vector<128x128xi32>
    %and3A_1340 = arith.constant 32 : i32
    %and3A_1341 = vector.broadcast %and3A_1340 : i32 to vector<128x128xi32>
    %and3A_1342 = arith.andi %iota3A_1339, %and3A_1341 : vector<128x128xi32>
    %ne3A_1343 = arith.constant 0 : i32
    %ne3A_1344 = vector.broadcast %ne3A_1343 : i32 to vector<128x128xi32>
    %ne3A_1345 = arith.cmpi ne, %and3A_1342, %ne3A_1344 : vector<128x128xi32>
    %select_n3A_1346 = arith.select %ne3A_1345, %concatenate3A_1338, %concatenate3A_1335 : vector<128x128xi1>, vector<128x128xf32>
    %slice3A_1347 = vector.extract_strided_slice %select_n3A_1332 {offsets = [0, 32], sizes = [128, 96], strides = [1, 1]} : vector<128x128xi32> to vector<128x96xi32>
    %slice3A_1348 = vector.extract_strided_slice %select_n3A_1332 {offsets = [0, 0], sizes = [128, 32], strides = [1, 1]} : vector<128x128xi32> to vector<128x32xi32>
    %concatenate3A_1349 = tpu.concatenate %slice3A_1347, %slice3A_1348 in 1 : vector<128x96xi32>, vector<128x32xi32> -> vector<128x128xi32>
    %slice3A_1350 = vector.extract_strided_slice %select_n3A_1332 {offsets = [0, 96], sizes = [128, 32], strides = [1, 1]} : vector<128x128xi32> to vector<128x32xi32>
    %slice3A_1351 = vector.extract_strided_slice %select_n3A_1332 {offsets = [0, 0], sizes = [128, 96], strides = [1, 1]} : vector<128x128xi32> to vector<128x96xi32>
    %concatenate3A_1352 = tpu.concatenate %slice3A_1350, %slice3A_1351 in 1 : vector<128x32xi32>, vector<128x96xi32> -> vector<128x128xi32>
    %iota3A_1353 = tpu.iota {dimensions = array<i32: 1>} : vector<128x128xi32>
    %and3A_1354 = arith.constant 32 : i32
    %and3A_1355 = vector.broadcast %and3A_1354 : i32 to vector<128x128xi32>
    %and3A_1356 = arith.andi %iota3A_1353, %and3A_1355 : vector<128x128xi32>
    %ne3A_1357 = arith.constant 0 : i32
    %ne3A_1358 = vector.broadcast %ne3A_1357 : i32 to vector<128x128xi32>
    %ne3A_1359 = arith.cmpi ne, %and3A_1356, %ne3A_1358 : vector<128x128xi32>
    %select_n3A_1360 = arith.select %ne3A_1359, %concatenate3A_1352, %concatenate3A_1349 : vector<128x128xi1>, vector<128x128xi32>
    %and3A_1361 = arith.constant 32 : i32
    %and3A_1362 = vector.broadcast %and3A_1361 : i32 to vector<128x128xi32>
    %and3A_1363 = arith.andi %add3A, %and3A_1362 : vector<128x128xi32>
    %ne3A_1364 = arith.constant 0 : i32
    %ne3A_1365 = vector.broadcast %ne3A_1364 : i32 to vector<128x128xi32>
    %ne3A_1366 = arith.cmpi ne, %and3A_1363, %ne3A_1365 : vector<128x128xi32>
    %gt3A_1367 = arith.cmpf ogt, %select_n3A_1346, %select_n3A_1331 : vector<128x128xf32>
    %eq3A_1368 = arith.cmpf oeq, %select_n3A_1346, %select_n3A_1331 : vector<128x128xf32>
    %lt3A_1369 = arith.cmpi slt, %select_n3A_1360, %select_n3A_1332 : vector<128x128xi32>
    %and3A_1370 = arith.andi %eq3A_1368, %lt3A_1369 : vector<128x128xi1>
    %or3A_1371 = arith.ori %gt3A_1367, %and3A_1370 : vector<128x128xi1>
    %xor3A_1372 = arith.xori %or3A_1371, %ne3A_1366 : vector<128x128xi1>
    %xor3A_1373 = arith.xori %xor3A_1372, %ne3A_1246 : vector<128x128xi1>
    %select_n3A_1374 = arith.select %xor3A_1373, %select_n3A_1346, %select_n3A_1331 : vector<128x128xi1>, vector<128x128xf32>
    %select_n3A_1375 = arith.select %xor3A_1373, %select_n3A_1360, %select_n3A_1332 : vector<128x128xi1>, vector<128x128xi32>
    %slice3A_1376 = vector.extract_strided_slice %select_n3A_1374 {offsets = [0, 16], sizes = [128, 112], strides = [1, 1]} : vector<128x128xf32> to vector<128x112xf32>
    %slice3A_1377 = vector.extract_strided_slice %select_n3A_1374 {offsets = [0, 0], sizes = [128, 16], strides = [1, 1]} : vector<128x128xf32> to vector<128x16xf32>
    %concatenate3A_1378 = tpu.concatenate %slice3A_1376, %slice3A_1377 in 1 : vector<128x112xf32>, vector<128x16xf32> -> vector<128x128xf32>
    %slice3A_1379 = vector.extract_strided_slice %select_n3A_1374 {offsets = [0, 112], sizes = [128, 16], strides = [1, 1]} : vector<128x128xf32> to vector<128x16xf32>
    %slice3A_1380 = vector.extract_strided_slice %select_n3A_1374 {offsets = [0, 0], sizes = [128, 112], strides = [1, 1]} : vector<128x128xf32> to vector<128x112xf32>
    %concatenate3A_1381 = tpu.concatenate %slice3A_1379, %slice3A_1380 in 1 : vector<128x16xf32>, vector<128x112xf32> -> vector<128x128xf32>
    %iota3A_1382 = tpu.iota {dimensions = array<i32: 1>} : vector<128x128xi32>
    %and3A_1383 = arith.constant 16 : i32
    %and3A_1384 = vector.broadcast %and3A_1383 : i32 to vector<128x128xi32>
    %and3A_1385 = arith.andi %iota3A_1382, %and3A_1384 : vector<128x128xi32>
    %ne3A_1386 = arith.constant 0 : i32
    %ne3A_1387 = vector.broadcast %ne3A_1386 : i32 to vector<128x128xi32>
    %ne3A_1388 = arith.cmpi ne, %and3A_1385, %ne3A_1387 : vector<128x128xi32>
    %select_n3A_1389 = arith.select %ne3A_1388, %concatenate3A_1381, %concatenate3A_1378 : vector<128x128xi1>, vector<128x128xf32>
    %slice3A_1390 = vector.extract_strided_slice %select_n3A_1375 {offsets = [0, 16], sizes = [128, 112], strides = [1, 1]} : vector<128x128xi32> to vector<128x112xi32>
    %slice3A_1391 = vector.extract_strided_slice %select_n3A_1375 {offsets = [0, 0], sizes = [128, 16], strides = [1, 1]} : vector<128x128xi32> to vector<128x16xi32>
    %concatenate3A_1392 = tpu.concatenate %slice3A_1390, %slice3A_1391 in 1 : vector<128x112xi32>, vector<128x16xi32> -> vector<128x128xi32>
    %slice3A_1393 = vector.extract_strided_slice %select_n3A_1375 {offsets = [0, 112], sizes = [128, 16], strides = [1, 1]} : vector<128x128xi32> to vector<128x16xi32>
    %slice3A_1394 = vector.extract_strided_slice %select_n3A_1375 {offsets = [0, 0], sizes = [128, 112], strides = [1, 1]} : vector<128x128xi32> to vector<128x112xi32>
    %concatenate3A_1395 = tpu.concatenate %slice3A_1393, %slice3A_1394 in 1 : vector<128x16xi32>, vector<128x112xi32> -> vector<128x128xi32>
    %iota3A_1396 = tpu.iota {dimensions = array<i32: 1>} : vector<128x128xi32>
    %and3A_1397 = arith.constant 16 : i32
    %and3A_1398 = vector.broadcast %and3A_1397 : i32 to vector<128x128xi32>
    %and3A_1399 = arith.andi %iota3A_1396, %and3A_1398 : vector<128x128xi32>
    %ne3A_1400 = arith.constant 0 : i32
    %ne3A_1401 = vector.broadcast %ne3A_1400 : i32 to vector<128x128xi32>
    %ne3A_1402 = arith.cmpi ne, %and3A_1399, %ne3A_1401 : vector<128x128xi32>
    %select_n3A_1403 = arith.select %ne3A_1402, %concatenate3A_1395, %concatenate3A_1392 : vector<128x128xi1>, vector<128x128xi32>
    %and3A_1404 = arith.constant 16 : i32
    %and3A_1405 = vector.broadcast %and3A_1404 : i32 to vector<128x128xi32>
    %and3A_1406 = arith.andi %add3A, %and3A_1405 : vector<128x128xi32>
    %ne3A_1407 = arith.constant 0 : i32
    %ne3A_1408 = vector.broadcast %ne3A_1407 : i32 to vector<128x128xi32>
    %ne3A_1409 = arith.cmpi ne, %and3A_1406, %ne3A_1408 : vector<128x128xi32>
    %gt3A_1410 = arith.cmpf ogt, %select_n3A_1389, %select_n3A_1374 : vector<128x128xf32>
    %eq3A_1411 = arith.cmpf oeq, %select_n3A_1389, %select_n3A_1374 : vector<128x128xf32>
    %lt3A_1412 = arith.cmpi slt, %select_n3A_1403, %select_n3A_1375 : vector<128x128xi32>
    %and3A_1413 = arith.andi %eq3A_1411, %lt3A_1412 : vector<128x128xi1>
    %or3A_1414 = arith.ori %gt3A_1410, %and3A_1413 : vector<128x128xi1>
    %xor3A_1415 = arith.xori %or3A_1414, %ne3A_1409 : vector<128x128xi1>
    %xor3A_1416 = arith.xori %xor3A_1415, %ne3A_1246 : vector<128x128xi1>
    %select_n3A_1417 = arith.select %xor3A_1416, %select_n3A_1389, %select_n3A_1374 : vector<128x128xi1>, vector<128x128xf32>
    %select_n3A_1418 = arith.select %xor3A_1416, %select_n3A_1403, %select_n3A_1375 : vector<128x128xi1>, vector<128x128xi32>
    %slice3A_1419 = vector.extract_strided_slice %select_n3A_1417 {offsets = [0, 8], sizes = [128, 120], strides = [1, 1]} : vector<128x128xf32> to vector<128x120xf32>
    %slice3A_1420 = vector.extract_strided_slice %select_n3A_1417 {offsets = [0, 0], sizes = [128, 8], strides = [1, 1]} : vector<128x128xf32> to vector<128x8xf32>
    %concatenate3A_1421 = tpu.concatenate %slice3A_1419, %slice3A_1420 in 1 : vector<128x120xf32>, vector<128x8xf32> -> vector<128x128xf32>
    %slice3A_1422 = vector.extract_strided_slice %select_n3A_1417 {offsets = [0, 120], sizes = [128, 8], strides = [1, 1]} : vector<128x128xf32> to vector<128x8xf32>
    %slice3A_1423 = vector.extract_strided_slice %select_n3A_1417 {offsets = [0, 0], sizes = [128, 120], strides = [1, 1]} : vector<128x128xf32> to vector<128x120xf32>
    %concatenate3A_1424 = tpu.concatenate %slice3A_1422, %slice3A_1423 in 1 : vector<128x8xf32>, vector<128x120xf32> -> vector<128x128xf32>
    %iota3A_1425 = tpu.iota {dimensions = array<i32: 1>} : vector<128x128xi32>
    %and3A_1426 = arith.constant 8 : i32
    %and3A_1427 = vector.broadcast %and3A_1426 : i32 to vector<128x128xi32>
    %and3A_1428 = arith.andi %iota3A_1425, %and3A_1427 : vector<128x128xi32>
    %ne3A_1429 = arith.constant 0 : i32
    %ne3A_1430 = vector.broadcast %ne3A_1429 : i32 to vector<128x128xi32>
    %ne3A_1431 = arith.cmpi ne, %and3A_1428, %ne3A_1430 : vector<128x128xi32>
    %select_n3A_1432 = arith.select %ne3A_1431, %concatenate3A_1424, %concatenate3A_1421 : vector<128x128xi1>, vector<128x128xf32>
    %slice3A_1433 = vector.extract_strided_slice %select_n3A_1418 {offsets = [0, 8], sizes = [128, 120], strides = [1, 1]} : vector<128x128xi32> to vector<128x120xi32>
    %slice3A_1434 = vector.extract_strided_slice %select_n3A_1418 {offsets = [0, 0], sizes = [128, 8], strides = [1, 1]} : vector<128x128xi32> to vector<128x8xi32>
    %concatenate3A_1435 = tpu.concatenate %slice3A_1433, %slice3A_1434 in 1 : vector<128x120xi32>, vector<128x8xi32> -> vector<128x128xi32>
    %slice3A_1436 = vector.extract_strided_slice %select_n3A_1418 {offsets = [0, 120], sizes = [128, 8], strides = [1, 1]} : vector<128x128xi32> to vector<128x8xi32>
    %slice3A_1437 = vector.extract_strided_slice %select_n3A_1418 {offsets = [0, 0], sizes = [128, 120], strides = [1, 1]} : vector<128x128xi32> to vector<128x120xi32>
    %concatenate3A_1438 = tpu.concatenate %slice3A_1436, %slice3A_1437 in 1 : vector<128x8xi32>, vector<128x120xi32> -> vector<128x128xi32>
    %iota3A_1439 = tpu.iota {dimensions = array<i32: 1>} : vector<128x128xi32>
    %and3A_1440 = arith.constant 8 : i32
    %and3A_1441 = vector.broadcast %and3A_1440 : i32 to vector<128x128xi32>
    %and3A_1442 = arith.andi %iota3A_1439, %and3A_1441 : vector<128x128xi32>
    %ne3A_1443 = arith.constant 0 : i32
    %ne3A_1444 = vector.broadcast %ne3A_1443 : i32 to vector<128x128xi32>
    %ne3A_1445 = arith.cmpi ne, %and3A_1442, %ne3A_1444 : vector<128x128xi32>
    %select_n3A_1446 = arith.select %ne3A_1445, %concatenate3A_1438, %concatenate3A_1435 : vector<128x128xi1>, vector<128x128xi32>
    %and3A_1447 = arith.constant 8 : i32
    %and3A_1448 = vector.broadcast %and3A_1447 : i32 to vector<128x128xi32>
    %and3A_1449 = arith.andi %add3A, %and3A_1448 : vector<128x128xi32>
    %ne3A_1450 = arith.constant 0 : i32
    %ne3A_1451 = vector.broadcast %ne3A_1450 : i32 to vector<128x128xi32>
    %ne3A_1452 = arith.cmpi ne, %and3A_1449, %ne3A_1451 : vector<128x128xi32>
    %gt3A_1453 = arith.cmpf ogt, %select_n3A_1432, %select_n3A_1417 : vector<128x128xf32>
    %eq3A_1454 = arith.cmpf oeq, %select_n3A_1432, %select_n3A_1417 : vector<128x128xf32>
    %lt3A_1455 = arith.cmpi slt, %select_n3A_1446, %select_n3A_1418 : vector<128x128xi32>
    %and3A_1456 = arith.andi %eq3A_1454, %lt3A_1455 : vector<128x128xi1>
    %or3A_1457 = arith.ori %gt3A_1453, %and3A_1456 : vector<128x128xi1>
    %xor3A_1458 = arith.xori %or3A_1457, %ne3A_1452 : vector<128x128xi1>
    %xor3A_1459 = arith.xori %xor3A_1458, %ne3A_1246 : vector<128x128xi1>
    %select_n3A_1460 = arith.select %xor3A_1459, %select_n3A_1432, %select_n3A_1417 : vector<128x128xi1>, vector<128x128xf32>
    %select_n3A_1461 = arith.select %xor3A_1459, %select_n3A_1446, %select_n3A_1418 : vector<128x128xi1>, vector<128x128xi32>
    %slice3A_1462 = vector.extract_strided_slice %select_n3A_1460 {offsets = [0, 4], sizes = [128, 124], strides = [1, 1]} : vector<128x128xf32> to vector<128x124xf32>
    %slice3A_1463 = vector.extract_strided_slice %select_n3A_1460 {offsets = [0, 0], sizes = [128, 4], strides = [1, 1]} : vector<128x128xf32> to vector<128x4xf32>
    %concatenate3A_1464 = tpu.concatenate %slice3A_1462, %slice3A_1463 in 1 : vector<128x124xf32>, vector<128x4xf32> -> vector<128x128xf32>
    %slice3A_1465 = vector.extract_strided_slice %select_n3A_1460 {offsets = [0, 124], sizes = [128, 4], strides = [1, 1]} : vector<128x128xf32> to vector<128x4xf32>
    %slice3A_1466 = vector.extract_strided_slice %select_n3A_1460 {offsets = [0, 0], sizes = [128, 124], strides = [1, 1]} : vector<128x128xf32> to vector<128x124xf32>
    %concatenate3A_1467 = tpu.concatenate %slice3A_1465, %slice3A_1466 in 1 : vector<128x4xf32>, vector<128x124xf32> -> vector<128x128xf32>
    %iota3A_1468 = tpu.iota {dimensions = array<i32: 1>} : vector<128x128xi32>
    %and3A_1469 = arith.constant 4 : i32
    %and3A_1470 = vector.broadcast %and3A_1469 : i32 to vector<128x128xi32>
    %and3A_1471 = arith.andi %iota3A_1468, %and3A_1470 : vector<128x128xi32>
    %ne3A_1472 = arith.constant 0 : i32
    %ne3A_1473 = vector.broadcast %ne3A_1472 : i32 to vector<128x128xi32>
    %ne3A_1474 = arith.cmpi ne, %and3A_1471, %ne3A_1473 : vector<128x128xi32>
    %select_n3A_1475 = arith.select %ne3A_1474, %concatenate3A_1467, %concatenate3A_1464 : vector<128x128xi1>, vector<128x128xf32>
    %slice3A_1476 = vector.extract_strided_slice %select_n3A_1461 {offsets = [0, 4], sizes = [128, 124], strides = [1, 1]} : vector<128x128xi32> to vector<128x124xi32>
    %slice3A_1477 = vector.extract_strided_slice %select_n3A_1461 {offsets = [0, 0], sizes = [128, 4], strides = [1, 1]} : vector<128x128xi32> to vector<128x4xi32>
    %concatenate3A_1478 = tpu.concatenate %slice3A_1476, %slice3A_1477 in 1 : vector<128x124xi32>, vector<128x4xi32> -> vector<128x128xi32>
    %slice3A_1479 = vector.extract_strided_slice %select_n3A_1461 {offsets = [0, 124], sizes = [128, 4], strides = [1, 1]} : vector<128x128xi32> to vector<128x4xi32>
    %slice3A_1480 = vector.extract_strided_slice %select_n3A_1461 {offsets = [0, 0], sizes = [128, 124], strides = [1, 1]} : vector<128x128xi32> to vector<128x124xi32>
    %concatenate3A_1481 = tpu.concatenate %slice3A_1479, %slice3A_1480 in 1 : vector<128x4xi32>, vector<128x124xi32> -> vector<128x128xi32>
    %iota3A_1482 = tpu.iota {dimensions = array<i32: 1>} : vector<128x128xi32>
    %and3A_1483 = arith.constant 4 : i32
    %and3A_1484 = vector.broadcast %and3A_1483 : i32 to vector<128x128xi32>
    %and3A_1485 = arith.andi %iota3A_1482, %and3A_1484 : vector<128x128xi32>
    %ne3A_1486 = arith.constant 0 : i32
    %ne3A_1487 = vector.broadcast %ne3A_1486 : i32 to vector<128x128xi32>
    %ne3A_1488 = arith.cmpi ne, %and3A_1485, %ne3A_1487 : vector<128x128xi32>
    %select_n3A_1489 = arith.select %ne3A_1488, %concatenate3A_1481, %concatenate3A_1478 : vector<128x128xi1>, vector<128x128xi32>
    %and3A_1490 = arith.constant 4 : i32
    %and3A_1491 = vector.broadcast %and3A_1490 : i32 to vector<128x128xi32>
    %and3A_1492 = arith.andi %add3A, %and3A_1491 : vector<128x128xi32>
    %ne3A_1493 = arith.constant 0 : i32
    %ne3A_1494 = vector.broadcast %ne3A_1493 : i32 to vector<128x128xi32>
    %ne3A_1495 = arith.cmpi ne, %and3A_1492, %ne3A_1494 : vector<128x128xi32>
    %gt3A_1496 = arith.cmpf ogt, %select_n3A_1475, %select_n3A_1460 : vector<128x128xf32>
    %eq3A_1497 = arith.cmpf oeq, %select_n3A_1475, %select_n3A_1460 : vector<128x128xf32>
    %lt3A_1498 = arith.cmpi slt, %select_n3A_1489, %select_n3A_1461 : vector<128x128xi32>
    %and3A_1499 = arith.andi %eq3A_1497, %lt3A_1498 : vector<128x128xi1>
    %or3A_1500 = arith.ori %gt3A_1496, %and3A_1499 : vector<128x128xi1>
    %xor3A_1501 = arith.xori %or3A_1500, %ne3A_1495 : vector<128x128xi1>
    %xor3A_1502 = arith.xori %xor3A_1501, %ne3A_1246 : vector<128x128xi1>
    %select_n3A_1503 = arith.select %xor3A_1502, %select_n3A_1475, %select_n3A_1460 : vector<128x128xi1>, vector<128x128xf32>
    %select_n3A_1504 = arith.select %xor3A_1502, %select_n3A_1489, %select_n3A_1461 : vector<128x128xi1>, vector<128x128xi32>
    %slice3A_1505 = vector.extract_strided_slice %select_n3A_1503 {offsets = [0, 2], sizes = [128, 126], strides = [1, 1]} : vector<128x128xf32> to vector<128x126xf32>
    %slice3A_1506 = vector.extract_strided_slice %select_n3A_1503 {offsets = [0, 0], sizes = [128, 2], strides = [1, 1]} : vector<128x128xf32> to vector<128x2xf32>
    %concatenate3A_1507 = tpu.concatenate %slice3A_1505, %slice3A_1506 in 1 : vector<128x126xf32>, vector<128x2xf32> -> vector<128x128xf32>
    %slice3A_1508 = vector.extract_strided_slice %select_n3A_1503 {offsets = [0, 126], sizes = [128, 2], strides = [1, 1]} : vector<128x128xf32> to vector<128x2xf32>
    %slice3A_1509 = vector.extract_strided_slice %select_n3A_1503 {offsets = [0, 0], sizes = [128, 126], strides = [1, 1]} : vector<128x128xf32> to vector<128x126xf32>
    %concatenate3A_1510 = tpu.concatenate %slice3A_1508, %slice3A_1509 in 1 : vector<128x2xf32>, vector<128x126xf32> -> vector<128x128xf32>
    %iota3A_1511 = tpu.iota {dimensions = array<i32: 1>} : vector<128x128xi32>
    %and3A_1512 = arith.constant 2 : i32
    %and3A_1513 = vector.broadcast %and3A_1512 : i32 to vector<128x128xi32>
    %and3A_1514 = arith.andi %iota3A_1511, %and3A_1513 : vector<128x128xi32>
    %ne3A_1515 = arith.constant 0 : i32
    %ne3A_1516 = vector.broadcast %ne3A_1515 : i32 to vector<128x128xi32>
    %ne3A_1517 = arith.cmpi ne, %and3A_1514, %ne3A_1516 : vector<128x128xi32>
    %select_n3A_1518 = arith.select %ne3A_1517, %concatenate3A_1510, %concatenate3A_1507 : vector<128x128xi1>, vector<128x128xf32>
    %slice3A_1519 = vector.extract_strided_slice %select_n3A_1504 {offsets = [0, 2], sizes = [128, 126], strides = [1, 1]} : vector<128x128xi32> to vector<128x126xi32>
    %slice3A_1520 = vector.extract_strided_slice %select_n3A_1504 {offsets = [0, 0], sizes = [128, 2], strides = [1, 1]} : vector<128x128xi32> to vector<128x2xi32>
    %concatenate3A_1521 = tpu.concatenate %slice3A_1519, %slice3A_1520 in 1 : vector<128x126xi32>, vector<128x2xi32> -> vector<128x128xi32>
    %slice3A_1522 = vector.extract_strided_slice %select_n3A_1504 {offsets = [0, 126], sizes = [128, 2], strides = [1, 1]} : vector<128x128xi32> to vector<128x2xi32>
    %slice3A_1523 = vector.extract_strided_slice %select_n3A_1504 {offsets = [0, 0], sizes = [128, 126], strides = [1, 1]} : vector<128x128xi32> to vector<128x126xi32>
    %concatenate3A_1524 = tpu.concatenate %slice3A_1522, %slice3A_1523 in 1 : vector<128x2xi32>, vector<128x126xi32> -> vector<128x128xi32>
    %iota3A_1525 = tpu.iota {dimensions = array<i32: 1>} : vector<128x128xi32>
    %and3A_1526 = arith.constant 2 : i32
    %and3A_1527 = vector.broadcast %and3A_1526 : i32 to vector<128x128xi32>
    %and3A_1528 = arith.andi %iota3A_1525, %and3A_1527 : vector<128x128xi32>
    %ne3A_1529 = arith.constant 0 : i32
    %ne3A_1530 = vector.broadcast %ne3A_1529 : i32 to vector<128x128xi32>
    %ne3A_1531 = arith.cmpi ne, %and3A_1528, %ne3A_1530 : vector<128x128xi32>
    %select_n3A_1532 = arith.select %ne3A_1531, %concatenate3A_1524, %concatenate3A_1521 : vector<128x128xi1>, vector<128x128xi32>
    %and3A_1533 = arith.constant 2 : i32
    %and3A_1534 = vector.broadcast %and3A_1533 : i32 to vector<128x128xi32>
    %and3A_1535 = arith.andi %add3A, %and3A_1534 : vector<128x128xi32>
    %ne3A_1536 = arith.constant 0 : i32
    %ne3A_1537 = vector.broadcast %ne3A_1536 : i32 to vector<128x128xi32>
    %ne3A_1538 = arith.cmpi ne, %and3A_1535, %ne3A_1537 : vector<128x128xi32>
    %gt3A_1539 = arith.cmpf ogt, %select_n3A_1518, %select_n3A_1503 : vector<128x128xf32>
    %eq3A_1540 = arith.cmpf oeq, %select_n3A_1518, %select_n3A_1503 : vector<128x128xf32>
    %lt3A_1541 = arith.cmpi slt, %select_n3A_1532, %select_n3A_1504 : vector<128x128xi32>
    %and3A_1542 = arith.andi %eq3A_1540, %lt3A_1541 : vector<128x128xi1>
    %or3A_1543 = arith.ori %gt3A_1539, %and3A_1542 : vector<128x128xi1>
    %xor3A_1544 = arith.xori %or3A_1543, %ne3A_1538 : vector<128x128xi1>
    %xor3A_1545 = arith.xori %xor3A_1544, %ne3A_1246 : vector<128x128xi1>
    %select_n3A_1546 = arith.select %xor3A_1545, %select_n3A_1518, %select_n3A_1503 : vector<128x128xi1>, vector<128x128xf32>
    %select_n3A_1547 = arith.select %xor3A_1545, %select_n3A_1532, %select_n3A_1504 : vector<128x128xi1>, vector<128x128xi32>
    %slice3A_1548 = vector.extract_strided_slice %select_n3A_1546 {offsets = [0, 1], sizes = [128, 127], strides = [1, 1]} : vector<128x128xf32> to vector<128x127xf32>
    %slice3A_1549 = vector.extract_strided_slice %select_n3A_1546 {offsets = [0, 0], sizes = [128, 1], strides = [1, 1]} : vector<128x128xf32> to vector<128x1xf32>
    %concatenate3A_1550 = tpu.concatenate %slice3A_1548, %slice3A_1549 in 1 : vector<128x127xf32>, vector<128x1xf32> -> vector<128x128xf32>
    %slice3A_1551 = vector.extract_strided_slice %select_n3A_1546 {offsets = [0, 127], sizes = [128, 1], strides = [1, 1]} : vector<128x128xf32> to vector<128x1xf32>
    %slice3A_1552 = vector.extract_strided_slice %select_n3A_1546 {offsets = [0, 0], sizes = [128, 127], strides = [1, 1]} : vector<128x128xf32> to vector<128x127xf32>
    %concatenate3A_1553 = tpu.concatenate %slice3A_1551, %slice3A_1552 in 1 : vector<128x1xf32>, vector<128x127xf32> -> vector<128x128xf32>
    %iota3A_1554 = tpu.iota {dimensions = array<i32: 1>} : vector<128x128xi32>
    %and3A_1555 = arith.constant 1 : i32
    %and3A_1556 = vector.broadcast %and3A_1555 : i32 to vector<128x128xi32>
    %and3A_1557 = arith.andi %iota3A_1554, %and3A_1556 : vector<128x128xi32>
    %ne3A_1558 = arith.constant 0 : i32
    %ne3A_1559 = vector.broadcast %ne3A_1558 : i32 to vector<128x128xi32>
    %ne3A_1560 = arith.cmpi ne, %and3A_1557, %ne3A_1559 : vector<128x128xi32>
    %select_n3A_1561 = arith.select %ne3A_1560, %concatenate3A_1553, %concatenate3A_1550 : vector<128x128xi1>, vector<128x128xf32>
    %slice3A_1562 = vector.extract_strided_slice %select_n3A_1547 {offsets = [0, 1], sizes = [128, 127], strides = [1, 1]} : vector<128x128xi32> to vector<128x127xi32>
    %slice3A_1563 = vector.extract_strided_slice %select_n3A_1547 {offsets = [0, 0], sizes = [128, 1], strides = [1, 1]} : vector<128x128xi32> to vector<128x1xi32>
    %concatenate3A_1564 = tpu.concatenate %slice3A_1562, %slice3A_1563 in 1 : vector<128x127xi32>, vector<128x1xi32> -> vector<128x128xi32>
    %slice3A_1565 = vector.extract_strided_slice %select_n3A_1547 {offsets = [0, 127], sizes = [128, 1], strides = [1, 1]} : vector<128x128xi32> to vector<128x1xi32>
    %slice3A_1566 = vector.extract_strided_slice %select_n3A_1547 {offsets = [0, 0], sizes = [128, 127], strides = [1, 1]} : vector<128x128xi32> to vector<128x127xi32>
    %concatenate3A_1567 = tpu.concatenate %slice3A_1565, %slice3A_1566 in 1 : vector<128x1xi32>, vector<128x127xi32> -> vector<128x128xi32>
    %iota3A_1568 = tpu.iota {dimensions = array<i32: 1>} : vector<128x128xi32>
    %and3A_1569 = arith.constant 1 : i32
    %and3A_1570 = vector.broadcast %and3A_1569 : i32 to vector<128x128xi32>
    %and3A_1571 = arith.andi %iota3A_1568, %and3A_1570 : vector<128x128xi32>
    %ne3A_1572 = arith.constant 0 : i32
    %ne3A_1573 = vector.broadcast %ne3A_1572 : i32 to vector<128x128xi32>
    %ne3A_1574 = arith.cmpi ne, %and3A_1571, %ne3A_1573 : vector<128x128xi32>
    %select_n3A_1575 = arith.select %ne3A_1574, %concatenate3A_1567, %concatenate3A_1564 : vector<128x128xi1>, vector<128x128xi32>
    %and3A_1576 = arith.constant 1 : i32
    %and3A_1577 = vector.broadcast %and3A_1576 : i32 to vector<128x128xi32>
    %and3A_1578 = arith.andi %add3A, %and3A_1577 : vector<128x128xi32>
    %ne3A_1579 = arith.constant 0 : i32
    %ne3A_1580 = vector.broadcast %ne3A_1579 : i32 to vector<128x128xi32>
    %ne3A_1581 = arith.cmpi ne, %and3A_1578, %ne3A_1580 : vector<128x128xi32>
    %gt3A_1582 = arith.cmpf ogt, %select_n3A_1561, %select_n3A_1546 : vector<128x128xf32>
    %eq3A_1583 = arith.cmpf oeq, %select_n3A_1561, %select_n3A_1546 : vector<128x128xf32>
    %lt3A_1584 = arith.cmpi slt, %select_n3A_1575, %select_n3A_1547 : vector<128x128xi32>
    %and3A_1585 = arith.andi %eq3A_1583, %lt3A_1584 : vector<128x128xi1>
    %or3A_1586 = arith.ori %gt3A_1582, %and3A_1585 : vector<128x128xi1>
    %xor3A_1587 = arith.xori %or3A_1586, %ne3A_1581 : vector<128x128xi1>
    %xor3A_1588 = arith.xori %xor3A_1587, %ne3A_1246 : vector<128x128xi1>
    %select_n3A_1589 = arith.select %xor3A_1588, %select_n3A_1561, %select_n3A_1546 : vector<128x128xi1>, vector<128x128xf32>
    %select_n3A_1590 = arith.select %xor3A_1588, %select_n3A_1575, %select_n3A_1547 : vector<128x128xi1>, vector<128x128xi32>
    %and3A_1591 = arith.constant 512 : i32
    %and3A_1592 = vector.broadcast %and3A_1591 : i32 to vector<128x128xi32>
    %and3A_1593 = arith.andi %add3A, %and3A_1592 : vector<128x128xi32>
    %ne3A_1594 = arith.constant 0 : i32
    %ne3A_1595 = vector.broadcast %ne3A_1594 : i32 to vector<128x128xi32>
    %ne3A_1596 = arith.cmpi ne, %and3A_1593, %ne3A_1595 : vector<128x128xi32>
    %slice3A_1597 = vector.extract_strided_slice %select_n3A_1589 {offsets = [2, 0], sizes = [126, 128], strides = [1, 1]} : vector<128x128xf32> to vector<126x128xf32>
    %slice3A_1598 = vector.extract_strided_slice %select_n3A_1589 {offsets = [0, 0], sizes = [2, 128], strides = [1, 1]} : vector<128x128xf32> to vector<2x128xf32>
    %concatenate3A_1599 = tpu.concatenate %slice3A_1597, %slice3A_1598 in 0 : vector<126x128xf32>, vector<2x128xf32> -> vector<128x128xf32>
    %slice3A_1600 = vector.extract_strided_slice %select_n3A_1589 {offsets = [126, 0], sizes = [2, 128], strides = [1, 1]} : vector<128x128xf32> to vector<2x128xf32>
    %slice3A_1601 = vector.extract_strided_slice %select_n3A_1589 {offsets = [0, 0], sizes = [126, 128], strides = [1, 1]} : vector<128x128xf32> to vector<126x128xf32>
    %concatenate3A_1602 = tpu.concatenate %slice3A_1600, %slice3A_1601 in 0 : vector<2x128xf32>, vector<126x128xf32> -> vector<128x128xf32>
    %iota3A_1603 = tpu.iota {dimensions = array<i32: 0>} : vector<128x128xi32>
    %and3A_1604 = arith.constant 2 : i32
    %and3A_1605 = vector.broadcast %and3A_1604 : i32 to vector<128x128xi32>
    %and3A_1606 = arith.andi %iota3A_1603, %and3A_1605 : vector<128x128xi32>
    %ne3A_1607 = arith.constant 0 : i32
    %ne3A_1608 = vector.broadcast %ne3A_1607 : i32 to vector<128x128xi32>
    %ne3A_1609 = arith.cmpi ne, %and3A_1606, %ne3A_1608 : vector<128x128xi32>
    %select_n3A_1610 = arith.select %ne3A_1609, %concatenate3A_1602, %concatenate3A_1599 : vector<128x128xi1>, vector<128x128xf32>
    %slice3A_1611 = vector.extract_strided_slice %select_n3A_1590 {offsets = [2, 0], sizes = [126, 128], strides = [1, 1]} : vector<128x128xi32> to vector<126x128xi32>
    %slice3A_1612 = vector.extract_strided_slice %select_n3A_1590 {offsets = [0, 0], sizes = [2, 128], strides = [1, 1]} : vector<128x128xi32> to vector<2x128xi32>
    %concatenate3A_1613 = tpu.concatenate %slice3A_1611, %slice3A_1612 in 0 : vector<126x128xi32>, vector<2x128xi32> -> vector<128x128xi32>
    %slice3A_1614 = vector.extract_strided_slice %select_n3A_1590 {offsets = [126, 0], sizes = [2, 128], strides = [1, 1]} : vector<128x128xi32> to vector<2x128xi32>
    %slice3A_1615 = vector.extract_strided_slice %select_n3A_1590 {offsets = [0, 0], sizes = [126, 128], strides = [1, 1]} : vector<128x128xi32> to vector<126x128xi32>
    %concatenate3A_1616 = tpu.concatenate %slice3A_1614, %slice3A_1615 in 0 : vector<2x128xi32>, vector<126x128xi32> -> vector<128x128xi32>
    %iota3A_1617 = tpu.iota {dimensions = array<i32: 0>} : vector<128x128xi32>
    %and3A_1618 = arith.constant 2 : i32
    %and3A_1619 = vector.broadcast %and3A_1618 : i32 to vector<128x128xi32>
    %and3A_1620 = arith.andi %iota3A_1617, %and3A_1619 : vector<128x128xi32>
    %ne3A_1621 = arith.constant 0 : i32
    %ne3A_1622 = vector.broadcast %ne3A_1621 : i32 to vector<128x128xi32>
    %ne3A_1623 = arith.cmpi ne, %and3A_1620, %ne3A_1622 : vector<128x128xi32>
    %select_n3A_1624 = arith.select %ne3A_1623, %concatenate3A_1616, %concatenate3A_1613 : vector<128x128xi1>, vector<128x128xi32>
    %and3A_1625 = arith.constant 256 : i32
    %and3A_1626 = vector.broadcast %and3A_1625 : i32 to vector<128x128xi32>
    %and3A_1627 = arith.andi %add3A, %and3A_1626 : vector<128x128xi32>
    %ne3A_1628 = arith.constant 0 : i32
    %ne3A_1629 = vector.broadcast %ne3A_1628 : i32 to vector<128x128xi32>
    %ne3A_1630 = arith.cmpi ne, %and3A_1627, %ne3A_1629 : vector<128x128xi32>
    %gt3A_1631 = arith.cmpf ogt, %select_n3A_1610, %select_n3A_1589 : vector<128x128xf32>
    %eq3A_1632 = arith.cmpf oeq, %select_n3A_1610, %select_n3A_1589 : vector<128x128xf32>
    %lt3A_1633 = arith.cmpi slt, %select_n3A_1624, %select_n3A_1590 : vector<128x128xi32>
    %and3A_1634 = arith.andi %eq3A_1632, %lt3A_1633 : vector<128x128xi1>
    %or3A_1635 = arith.ori %gt3A_1631, %and3A_1634 : vector<128x128xi1>
    %xor3A_1636 = arith.xori %or3A_1635, %ne3A_1630 : vector<128x128xi1>
    %xor3A_1637 = arith.xori %xor3A_1636, %ne3A_1596 : vector<128x128xi1>
    %select_n3A_1638 = arith.select %xor3A_1637, %select_n3A_1610, %select_n3A_1589 : vector<128x128xi1>, vector<128x128xf32>
    %select_n3A_1639 = arith.select %xor3A_1637, %select_n3A_1624, %select_n3A_1590 : vector<128x128xi1>, vector<128x128xi32>
    %slice3A_1640 = vector.extract_strided_slice %select_n3A_1638 {offsets = [1, 0], sizes = [127, 128], strides = [1, 1]} : vector<128x128xf32> to vector<127x128xf32>
    %slice3A_1641 = vector.extract_strided_slice %select_n3A_1638 {offsets = [0, 0], sizes = [1, 128], strides = [1, 1]} : vector<128x128xf32> to vector<1x128xf32>
    %concatenate3A_1642 = tpu.concatenate %slice3A_1640, %slice3A_1641 in 0 : vector<127x128xf32>, vector<1x128xf32> -> vector<128x128xf32>
    %slice3A_1643 = vector.extract_strided_slice %select_n3A_1638 {offsets = [127, 0], sizes = [1, 128], strides = [1, 1]} : vector<128x128xf32> to vector<1x128xf32>
    %slice3A_1644 = vector.extract_strided_slice %select_n3A_1638 {offsets = [0, 0], sizes = [127, 128], strides = [1, 1]} : vector<128x128xf32> to vector<127x128xf32>
    %concatenate3A_1645 = tpu.concatenate %slice3A_1643, %slice3A_1644 in 0 : vector<1x128xf32>, vector<127x128xf32> -> vector<128x128xf32>
    %iota3A_1646 = tpu.iota {dimensions = array<i32: 0>} : vector<128x128xi32>
    %and3A_1647 = arith.constant 1 : i32
    %and3A_1648 = vector.broadcast %and3A_1647 : i32 to vector<128x128xi32>
    %and3A_1649 = arith.andi %iota3A_1646, %and3A_1648 : vector<128x128xi32>
    %ne3A_1650 = arith.constant 0 : i32
    %ne3A_1651 = vector.broadcast %ne3A_1650 : i32 to vector<128x128xi32>
    %ne3A_1652 = arith.cmpi ne, %and3A_1649, %ne3A_1651 : vector<128x128xi32>
    %select_n3A_1653 = arith.select %ne3A_1652, %concatenate3A_1645, %concatenate3A_1642 : vector<128x128xi1>, vector<128x128xf32>
    %slice3A_1654 = vector.extract_strided_slice %select_n3A_1639 {offsets = [1, 0], sizes = [127, 128], strides = [1, 1]} : vector<128x128xi32> to vector<127x128xi32>
    %slice3A_1655 = vector.extract_strided_slice %select_n3A_1639 {offsets = [0, 0], sizes = [1, 128], strides = [1, 1]} : vector<128x128xi32> to vector<1x128xi32>
    %concatenate3A_1656 = tpu.concatenate %slice3A_1654, %slice3A_1655 in 0 : vector<127x128xi32>, vector<1x128xi32> -> vector<128x128xi32>
    %slice3A_1657 = vector.extract_strided_slice %select_n3A_1639 {offsets = [127, 0], sizes = [1, 128], strides = [1, 1]} : vector<128x128xi32> to vector<1x128xi32>
    %slice3A_1658 = vector.extract_strided_slice %select_n3A_1639 {offsets = [0, 0], sizes = [127, 128], strides = [1, 1]} : vector<128x128xi32> to vector<127x128xi32>
    %concatenate3A_1659 = tpu.concatenate %slice3A_1657, %slice3A_1658 in 0 : vector<1x128xi32>, vector<127x128xi32> -> vector<128x128xi32>
    %iota3A_1660 = tpu.iota {dimensions = array<i32: 0>} : vector<128x128xi32>
    %and3A_1661 = arith.constant 1 : i32
    %and3A_1662 = vector.broadcast %and3A_1661 : i32 to vector<128x128xi32>
    %and3A_1663 = arith.andi %iota3A_1660, %and3A_1662 : vector<128x128xi32>
    %ne3A_1664 = arith.constant 0 : i32
    %ne3A_1665 = vector.broadcast %ne3A_1664 : i32 to vector<128x128xi32>
    %ne3A_1666 = arith.cmpi ne, %and3A_1663, %ne3A_1665 : vector<128x128xi32>
    %select_n3A_1667 = arith.select %ne3A_1666, %concatenate3A_1659, %concatenate3A_1656 : vector<128x128xi1>, vector<128x128xi32>
    %and3A_1668 = arith.constant 128 : i32
    %and3A_1669 = vector.broadcast %and3A_1668 : i32 to vector<128x128xi32>
    %and3A_1670 = arith.andi %add3A, %and3A_1669 : vector<128x128xi32>
    %ne3A_1671 = arith.constant 0 : i32
    %ne3A_1672 = vector.broadcast %ne3A_1671 : i32 to vector<128x128xi32>
    %ne3A_1673 = arith.cmpi ne, %and3A_1670, %ne3A_1672 : vector<128x128xi32>
    %gt3A_1674 = arith.cmpf ogt, %select_n3A_1653, %select_n3A_1638 : vector<128x128xf32>
    %eq3A_1675 = arith.cmpf oeq, %select_n3A_1653, %select_n3A_1638 : vector<128x128xf32>
    %lt3A_1676 = arith.cmpi slt, %select_n3A_1667, %select_n3A_1639 : vector<128x128xi32>
    %and3A_1677 = arith.andi %eq3A_1675, %lt3A_1676 : vector<128x128xi1>
    %or3A_1678 = arith.ori %gt3A_1674, %and3A_1677 : vector<128x128xi1>
    %xor3A_1679 = arith.xori %or3A_1678, %ne3A_1673 : vector<128x128xi1>
    %xor3A_1680 = arith.xori %xor3A_1679, %ne3A_1596 : vector<128x128xi1>
    %select_n3A_1681 = arith.select %xor3A_1680, %select_n3A_1653, %select_n3A_1638 : vector<128x128xi1>, vector<128x128xf32>
    %select_n3A_1682 = arith.select %xor3A_1680, %select_n3A_1667, %select_n3A_1639 : vector<128x128xi1>, vector<128x128xi32>
    %slice3A_1683 = vector.extract_strided_slice %select_n3A_1681 {offsets = [0, 64], sizes = [128, 64], strides = [1, 1]} : vector<128x128xf32> to vector<128x64xf32>
    %slice3A_1684 = vector.extract_strided_slice %select_n3A_1681 {offsets = [0, 0], sizes = [128, 64], strides = [1, 1]} : vector<128x128xf32> to vector<128x64xf32>
    %concatenate3A_1685 = tpu.concatenate %slice3A_1683, %slice3A_1684 in 1 : vector<128x64xf32>, vector<128x64xf32> -> vector<128x128xf32>
    %slice3A_1686 = vector.extract_strided_slice %select_n3A_1681 {offsets = [0, 64], sizes = [128, 64], strides = [1, 1]} : vector<128x128xf32> to vector<128x64xf32>
    %slice3A_1687 = vector.extract_strided_slice %select_n3A_1681 {offsets = [0, 0], sizes = [128, 64], strides = [1, 1]} : vector<128x128xf32> to vector<128x64xf32>
    %concatenate3A_1688 = tpu.concatenate %slice3A_1686, %slice3A_1687 in 1 : vector<128x64xf32>, vector<128x64xf32> -> vector<128x128xf32>
    %iota3A_1689 = tpu.iota {dimensions = array<i32: 1>} : vector<128x128xi32>
    %and3A_1690 = arith.constant 64 : i32
    %and3A_1691 = vector.broadcast %and3A_1690 : i32 to vector<128x128xi32>
    %and3A_1692 = arith.andi %iota3A_1689, %and3A_1691 : vector<128x128xi32>
    %ne3A_1693 = arith.constant 0 : i32
    %ne3A_1694 = vector.broadcast %ne3A_1693 : i32 to vector<128x128xi32>
    %ne3A_1695 = arith.cmpi ne, %and3A_1692, %ne3A_1694 : vector<128x128xi32>
    %select_n3A_1696 = arith.select %ne3A_1695, %concatenate3A_1688, %concatenate3A_1685 : vector<128x128xi1>, vector<128x128xf32>
    %slice3A_1697 = vector.extract_strided_slice %select_n3A_1682 {offsets = [0, 64], sizes = [128, 64], strides = [1, 1]} : vector<128x128xi32> to vector<128x64xi32>
    %slice3A_1698 = vector.extract_strided_slice %select_n3A_1682 {offsets = [0, 0], sizes = [128, 64], strides = [1, 1]} : vector<128x128xi32> to vector<128x64xi32>
    %concatenate3A_1699 = tpu.concatenate %slice3A_1697, %slice3A_1698 in 1 : vector<128x64xi32>, vector<128x64xi32> -> vector<128x128xi32>
    %slice3A_1700 = vector.extract_strided_slice %select_n3A_1682 {offsets = [0, 64], sizes = [128, 64], strides = [1, 1]} : vector<128x128xi32> to vector<128x64xi32>
    %slice3A_1701 = vector.extract_strided_slice %select_n3A_1682 {offsets = [0, 0], sizes = [128, 64], strides = [1, 1]} : vector<128x128xi32> to vector<128x64xi32>
    %concatenate3A_1702 = tpu.concatenate %slice3A_1700, %slice3A_1701 in 1 : vector<128x64xi32>, vector<128x64xi32> -> vector<128x128xi32>
    %iota3A_1703 = tpu.iota {dimensions = array<i32: 1>} : vector<128x128xi32>
    %and3A_1704 = arith.constant 64 : i32
    %and3A_1705 = vector.broadcast %and3A_1704 : i32 to vector<128x128xi32>
    %and3A_1706 = arith.andi %iota3A_1703, %and3A_1705 : vector<128x128xi32>
    %ne3A_1707 = arith.constant 0 : i32
    %ne3A_1708 = vector.broadcast %ne3A_1707 : i32 to vector<128x128xi32>
    %ne3A_1709 = arith.cmpi ne, %and3A_1706, %ne3A_1708 : vector<128x128xi32>
    %select_n3A_1710 = arith.select %ne3A_1709, %concatenate3A_1702, %concatenate3A_1699 : vector<128x128xi1>, vector<128x128xi32>
    %and3A_1711 = arith.constant 64 : i32
    %and3A_1712 = vector.broadcast %and3A_1711 : i32 to vector<128x128xi32>
    %and3A_1713 = arith.andi %add3A, %and3A_1712 : vector<128x128xi32>
    %ne3A_1714 = arith.constant 0 : i32
    %ne3A_1715 = vector.broadcast %ne3A_1714 : i32 to vector<128x128xi32>
    %ne3A_1716 = arith.cmpi ne, %and3A_1713, %ne3A_1715 : vector<128x128xi32>
    %gt3A_1717 = arith.cmpf ogt, %select_n3A_1696, %select_n3A_1681 : vector<128x128xf32>
    %eq3A_1718 = arith.cmpf oeq, %select_n3A_1696, %select_n3A_1681 : vector<128x128xf32>
    %lt3A_1719 = arith.cmpi slt, %select_n3A_1710, %select_n3A_1682 : vector<128x128xi32>
    %and3A_1720 = arith.andi %eq3A_1718, %lt3A_1719 : vector<128x128xi1>
    %or3A_1721 = arith.ori %gt3A_1717, %and3A_1720 : vector<128x128xi1>
    %xor3A_1722 = arith.xori %or3A_1721, %ne3A_1716 : vector<128x128xi1>
    %xor3A_1723 = arith.xori %xor3A_1722, %ne3A_1596 : vector<128x128xi1>
    %select_n3A_1724 = arith.select %xor3A_1723, %select_n3A_1696, %select_n3A_1681 : vector<128x128xi1>, vector<128x128xf32>
    %select_n3A_1725 = arith.select %xor3A_1723, %select_n3A_1710, %select_n3A_1682 : vector<128x128xi1>, vector<128x128xi32>
    %slice3A_1726 = vector.extract_strided_slice %select_n3A_1724 {offsets = [0, 32], sizes = [128, 96], strides = [1, 1]} : vector<128x128xf32> to vector<128x96xf32>
    %slice3A_1727 = vector.extract_strided_slice %select_n3A_1724 {offsets = [0, 0], sizes = [128, 32], strides = [1, 1]} : vector<128x128xf32> to vector<128x32xf32>
    %concatenate3A_1728 = tpu.concatenate %slice3A_1726, %slice3A_1727 in 1 : vector<128x96xf32>, vector<128x32xf32> -> vector<128x128xf32>
    %slice3A_1729 = vector.extract_strided_slice %select_n3A_1724 {offsets = [0, 96], sizes = [128, 32], strides = [1, 1]} : vector<128x128xf32> to vector<128x32xf32>
    %slice3A_1730 = vector.extract_strided_slice %select_n3A_1724 {offsets = [0, 0], sizes = [128, 96], strides = [1, 1]} : vector<128x128xf32> to vector<128x96xf32>
    %concatenate3A_1731 = tpu.concatenate %slice3A_1729, %slice3A_1730 in 1 : vector<128x32xf32>, vector<128x96xf32> -> vector<128x128xf32>
    %iota3A_1732 = tpu.iota {dimensions = array<i32: 1>} : vector<128x128xi32>
    %and3A_1733 = arith.constant 32 : i32
    %and3A_1734 = vector.broadcast %and3A_1733 : i32 to vector<128x128xi32>
    %and3A_1735 = arith.andi %iota3A_1732, %and3A_1734 : vector<128x128xi32>
    %ne3A_1736 = arith.constant 0 : i32
    %ne3A_1737 = vector.broadcast %ne3A_1736 : i32 to vector<128x128xi32>
    %ne3A_1738 = arith.cmpi ne, %and3A_1735, %ne3A_1737 : vector<128x128xi32>
    %select_n3A_1739 = arith.select %ne3A_1738, %concatenate3A_1731, %concatenate3A_1728 : vector<128x128xi1>, vector<128x128xf32>
    %slice3A_1740 = vector.extract_strided_slice %select_n3A_1725 {offsets = [0, 32], sizes = [128, 96], strides = [1, 1]} : vector<128x128xi32> to vector<128x96xi32>
    %slice3A_1741 = vector.extract_strided_slice %select_n3A_1725 {offsets = [0, 0], sizes = [128, 32], strides = [1, 1]} : vector<128x128xi32> to vector<128x32xi32>
    %concatenate3A_1742 = tpu.concatenate %slice3A_1740, %slice3A_1741 in 1 : vector<128x96xi32>, vector<128x32xi32> -> vector<128x128xi32>
    %slice3A_1743 = vector.extract_strided_slice %select_n3A_1725 {offsets = [0, 96], sizes = [128, 32], strides = [1, 1]} : vector<128x128xi32> to vector<128x32xi32>
    %slice3A_1744 = vector.extract_strided_slice %select_n3A_1725 {offsets = [0, 0], sizes = [128, 96], strides = [1, 1]} : vector<128x128xi32> to vector<128x96xi32>
    %concatenate3A_1745 = tpu.concatenate %slice3A_1743, %slice3A_1744 in 1 : vector<128x32xi32>, vector<128x96xi32> -> vector<128x128xi32>
    %iota3A_1746 = tpu.iota {dimensions = array<i32: 1>} : vector<128x128xi32>
    %and3A_1747 = arith.constant 32 : i32
    %and3A_1748 = vector.broadcast %and3A_1747 : i32 to vector<128x128xi32>
    %and3A_1749 = arith.andi %iota3A_1746, %and3A_1748 : vector<128x128xi32>
    %ne3A_1750 = arith.constant 0 : i32
    %ne3A_1751 = vector.broadcast %ne3A_1750 : i32 to vector<128x128xi32>
    %ne3A_1752 = arith.cmpi ne, %and3A_1749, %ne3A_1751 : vector<128x128xi32>
    %select_n3A_1753 = arith.select %ne3A_1752, %concatenate3A_1745, %concatenate3A_1742 : vector<128x128xi1>, vector<128x128xi32>
    %and3A_1754 = arith.constant 32 : i32
    %and3A_1755 = vector.broadcast %and3A_1754 : i32 to vector<128x128xi32>
    %and3A_1756 = arith.andi %add3A, %and3A_1755 : vector<128x128xi32>
    %ne3A_1757 = arith.constant 0 : i32
    %ne3A_1758 = vector.broadcast %ne3A_1757 : i32 to vector<128x128xi32>
    %ne3A_1759 = arith.cmpi ne, %and3A_1756, %ne3A_1758 : vector<128x128xi32>
    %gt3A_1760 = arith.cmpf ogt, %select_n3A_1739, %select_n3A_1724 : vector<128x128xf32>
    %eq3A_1761 = arith.cmpf oeq, %select_n3A_1739, %select_n3A_1724 : vector<128x128xf32>
    %lt3A_1762 = arith.cmpi slt, %select_n3A_1753, %select_n3A_1725 : vector<128x128xi32>
    %and3A_1763 = arith.andi %eq3A_1761, %lt3A_1762 : vector<128x128xi1>
    %or3A_1764 = arith.ori %gt3A_1760, %and3A_1763 : vector<128x128xi1>
    %xor3A_1765 = arith.xori %or3A_1764, %ne3A_1759 : vector<128x128xi1>
    %xor3A_1766 = arith.xori %xor3A_1765, %ne3A_1596 : vector<128x128xi1>
    %select_n3A_1767 = arith.select %xor3A_1766, %select_n3A_1739, %select_n3A_1724 : vector<128x128xi1>, vector<128x128xf32>
    %select_n3A_1768 = arith.select %xor3A_1766, %select_n3A_1753, %select_n3A_1725 : vector<128x128xi1>, vector<128x128xi32>
    %slice3A_1769 = vector.extract_strided_slice %select_n3A_1767 {offsets = [0, 16], sizes = [128, 112], strides = [1, 1]} : vector<128x128xf32> to vector<128x112xf32>
    %slice3A_1770 = vector.extract_strided_slice %select_n3A_1767 {offsets = [0, 0], sizes = [128, 16], strides = [1, 1]} : vector<128x128xf32> to vector<128x16xf32>
    %concatenate3A_1771 = tpu.concatenate %slice3A_1769, %slice3A_1770 in 1 : vector<128x112xf32>, vector<128x16xf32> -> vector<128x128xf32>
    %slice3A_1772 = vector.extract_strided_slice %select_n3A_1767 {offsets = [0, 112], sizes = [128, 16], strides = [1, 1]} : vector<128x128xf32> to vector<128x16xf32>
    %slice3A_1773 = vector.extract_strided_slice %select_n3A_1767 {offsets = [0, 0], sizes = [128, 112], strides = [1, 1]} : vector<128x128xf32> to vector<128x112xf32>
    %concatenate3A_1774 = tpu.concatenate %slice3A_1772, %slice3A_1773 in 1 : vector<128x16xf32>, vector<128x112xf32> -> vector<128x128xf32>
    %iota3A_1775 = tpu.iota {dimensions = array<i32: 1>} : vector<128x128xi32>
    %and3A_1776 = arith.constant 16 : i32
    %and3A_1777 = vector.broadcast %and3A_1776 : i32 to vector<128x128xi32>
    %and3A_1778 = arith.andi %iota3A_1775, %and3A_1777 : vector<128x128xi32>
    %ne3A_1779 = arith.constant 0 : i32
    %ne3A_1780 = vector.broadcast %ne3A_1779 : i32 to vector<128x128xi32>
    %ne3A_1781 = arith.cmpi ne, %and3A_1778, %ne3A_1780 : vector<128x128xi32>
    %select_n3A_1782 = arith.select %ne3A_1781, %concatenate3A_1774, %concatenate3A_1771 : vector<128x128xi1>, vector<128x128xf32>
    %slice3A_1783 = vector.extract_strided_slice %select_n3A_1768 {offsets = [0, 16], sizes = [128, 112], strides = [1, 1]} : vector<128x128xi32> to vector<128x112xi32>
    %slice3A_1784 = vector.extract_strided_slice %select_n3A_1768 {offsets = [0, 0], sizes = [128, 16], strides = [1, 1]} : vector<128x128xi32> to vector<128x16xi32>
    %concatenate3A_1785 = tpu.concatenate %slice3A_1783, %slice3A_1784 in 1 : vector<128x112xi32>, vector<128x16xi32> -> vector<128x128xi32>
    %slice3A_1786 = vector.extract_strided_slice %select_n3A_1768 {offsets = [0, 112], sizes = [128, 16], strides = [1, 1]} : vector<128x128xi32> to vector<128x16xi32>
    %slice3A_1787 = vector.extract_strided_slice %select_n3A_1768 {offsets = [0, 0], sizes = [128, 112], strides = [1, 1]} : vector<128x128xi32> to vector<128x112xi32>
    %concatenate3A_1788 = tpu.concatenate %slice3A_1786, %slice3A_1787 in 1 : vector<128x16xi32>, vector<128x112xi32> -> vector<128x128xi32>
    %iota3A_1789 = tpu.iota {dimensions = array<i32: 1>} : vector<128x128xi32>
    %and3A_1790 = arith.constant 16 : i32
    %and3A_1791 = vector.broadcast %and3A_1790 : i32 to vector<128x128xi32>
    %and3A_1792 = arith.andi %iota3A_1789, %and3A_1791 : vector<128x128xi32>
    %ne3A_1793 = arith.constant 0 : i32
    %ne3A_1794 = vector.broadcast %ne3A_1793 : i32 to vector<128x128xi32>
    %ne3A_1795 = arith.cmpi ne, %and3A_1792, %ne3A_1794 : vector<128x128xi32>
    %select_n3A_1796 = arith.select %ne3A_1795, %concatenate3A_1788, %concatenate3A_1785 : vector<128x128xi1>, vector<128x128xi32>
    %and3A_1797 = arith.constant 16 : i32
    %and3A_1798 = vector.broadcast %and3A_1797 : i32 to vector<128x128xi32>
    %and3A_1799 = arith.andi %add3A, %and3A_1798 : vector<128x128xi32>
    %ne3A_1800 = arith.constant 0 : i32
    %ne3A_1801 = vector.broadcast %ne3A_1800 : i32 to vector<128x128xi32>
    %ne3A_1802 = arith.cmpi ne, %and3A_1799, %ne3A_1801 : vector<128x128xi32>
    %gt3A_1803 = arith.cmpf ogt, %select_n3A_1782, %select_n3A_1767 : vector<128x128xf32>
    %eq3A_1804 = arith.cmpf oeq, %select_n3A_1782, %select_n3A_1767 : vector<128x128xf32>
    %lt3A_1805 = arith.cmpi slt, %select_n3A_1796, %select_n3A_1768 : vector<128x128xi32>
    %and3A_1806 = arith.andi %eq3A_1804, %lt3A_1805 : vector<128x128xi1>
    %or3A_1807 = arith.ori %gt3A_1803, %and3A_1806 : vector<128x128xi1>
    %xor3A_1808 = arith.xori %or3A_1807, %ne3A_1802 : vector<128x128xi1>
    %xor3A_1809 = arith.xori %xor3A_1808, %ne3A_1596 : vector<128x128xi1>
    %select_n3A_1810 = arith.select %xor3A_1809, %select_n3A_1782, %select_n3A_1767 : vector<128x128xi1>, vector<128x128xf32>
    %select_n3A_1811 = arith.select %xor3A_1809, %select_n3A_1796, %select_n3A_1768 : vector<128x128xi1>, vector<128x128xi32>
    %slice3A_1812 = vector.extract_strided_slice %select_n3A_1810 {offsets = [0, 8], sizes = [128, 120], strides = [1, 1]} : vector<128x128xf32> to vector<128x120xf32>
    %slice3A_1813 = vector.extract_strided_slice %select_n3A_1810 {offsets = [0, 0], sizes = [128, 8], strides = [1, 1]} : vector<128x128xf32> to vector<128x8xf32>
    %concatenate3A_1814 = tpu.concatenate %slice3A_1812, %slice3A_1813 in 1 : vector<128x120xf32>, vector<128x8xf32> -> vector<128x128xf32>
    %slice3A_1815 = vector.extract_strided_slice %select_n3A_1810 {offsets = [0, 120], sizes = [128, 8], strides = [1, 1]} : vector<128x128xf32> to vector<128x8xf32>
    %slice3A_1816 = vector.extract_strided_slice %select_n3A_1810 {offsets = [0, 0], sizes = [128, 120], strides = [1, 1]} : vector<128x128xf32> to vector<128x120xf32>
    %concatenate3A_1817 = tpu.concatenate %slice3A_1815, %slice3A_1816 in 1 : vector<128x8xf32>, vector<128x120xf32> -> vector<128x128xf32>
    %iota3A_1818 = tpu.iota {dimensions = array<i32: 1>} : vector<128x128xi32>
    %and3A_1819 = arith.constant 8 : i32
    %and3A_1820 = vector.broadcast %and3A_1819 : i32 to vector<128x128xi32>
    %and3A_1821 = arith.andi %iota3A_1818, %and3A_1820 : vector<128x128xi32>
    %ne3A_1822 = arith.constant 0 : i32
    %ne3A_1823 = vector.broadcast %ne3A_1822 : i32 to vector<128x128xi32>
    %ne3A_1824 = arith.cmpi ne, %and3A_1821, %ne3A_1823 : vector<128x128xi32>
    %select_n3A_1825 = arith.select %ne3A_1824, %concatenate3A_1817, %concatenate3A_1814 : vector<128x128xi1>, vector<128x128xf32>
    %slice3A_1826 = vector.extract_strided_slice %select_n3A_1811 {offsets = [0, 8], sizes = [128, 120], strides = [1, 1]} : vector<128x128xi32> to vector<128x120xi32>
    %slice3A_1827 = vector.extract_strided_slice %select_n3A_1811 {offsets = [0, 0], sizes = [128, 8], strides = [1, 1]} : vector<128x128xi32> to vector<128x8xi32>
    %concatenate3A_1828 = tpu.concatenate %slice3A_1826, %slice3A_1827 in 1 : vector<128x120xi32>, vector<128x8xi32> -> vector<128x128xi32>
    %slice3A_1829 = vector.extract_strided_slice %select_n3A_1811 {offsets = [0, 120], sizes = [128, 8], strides = [1, 1]} : vector<128x128xi32> to vector<128x8xi32>
    %slice3A_1830 = vector.extract_strided_slice %select_n3A_1811 {offsets = [0, 0], sizes = [128, 120], strides = [1, 1]} : vector<128x128xi32> to vector<128x120xi32>
    %concatenate3A_1831 = tpu.concatenate %slice3A_1829, %slice3A_1830 in 1 : vector<128x8xi32>, vector<128x120xi32> -> vector<128x128xi32>
    %iota3A_1832 = tpu.iota {dimensions = array<i32: 1>} : vector<128x128xi32>
    %and3A_1833 = arith.constant 8 : i32
    %and3A_1834 = vector.broadcast %and3A_1833 : i32 to vector<128x128xi32>
    %and3A_1835 = arith.andi %iota3A_1832, %and3A_1834 : vector<128x128xi32>
    %ne3A_1836 = arith.constant 0 : i32
    %ne3A_1837 = vector.broadcast %ne3A_1836 : i32 to vector<128x128xi32>
    %ne3A_1838 = arith.cmpi ne, %and3A_1835, %ne3A_1837 : vector<128x128xi32>
    %select_n3A_1839 = arith.select %ne3A_1838, %concatenate3A_1831, %concatenate3A_1828 : vector<128x128xi1>, vector<128x128xi32>
    %and3A_1840 = arith.constant 8 : i32
    %and3A_1841 = vector.broadcast %and3A_1840 : i32 to vector<128x128xi32>
    %and3A_1842 = arith.andi %add3A, %and3A_1841 : vector<128x128xi32>
    %ne3A_1843 = arith.constant 0 : i32
    %ne3A_1844 = vector.broadcast %ne3A_1843 : i32 to vector<128x128xi32>
    %ne3A_1845 = arith.cmpi ne, %and3A_1842, %ne3A_1844 : vector<128x128xi32>
    %gt3A_1846 = arith.cmpf ogt, %select_n3A_1825, %select_n3A_1810 : vector<128x128xf32>
    %eq3A_1847 = arith.cmpf oeq, %select_n3A_1825, %select_n3A_1810 : vector<128x128xf32>
    %lt3A_1848 = arith.cmpi slt, %select_n3A_1839, %select_n3A_1811 : vector<128x128xi32>
    %and3A_1849 = arith.andi %eq3A_1847, %lt3A_1848 : vector<128x128xi1>
    %or3A_1850 = arith.ori %gt3A_1846, %and3A_1849 : vector<128x128xi1>
    %xor3A_1851 = arith.xori %or3A_1850, %ne3A_1845 : vector<128x128xi1>
    %xor3A_1852 = arith.xori %xor3A_1851, %ne3A_1596 : vector<128x128xi1>
    %select_n3A_1853 = arith.select %xor3A_1852, %select_n3A_1825, %select_n3A_1810 : vector<128x128xi1>, vector<128x128xf32>
    %select_n3A_1854 = arith.select %xor3A_1852, %select_n3A_1839, %select_n3A_1811 : vector<128x128xi1>, vector<128x128xi32>
    %slice3A_1855 = vector.extract_strided_slice %select_n3A_1853 {offsets = [0, 4], sizes = [128, 124], strides = [1, 1]} : vector<128x128xf32> to vector<128x124xf32>
    %slice3A_1856 = vector.extract_strided_slice %select_n3A_1853 {offsets = [0, 0], sizes = [128, 4], strides = [1, 1]} : vector<128x128xf32> to vector<128x4xf32>
    %concatenate3A_1857 = tpu.concatenate %slice3A_1855, %slice3A_1856 in 1 : vector<128x124xf32>, vector<128x4xf32> -> vector<128x128xf32>
    %slice3A_1858 = vector.extract_strided_slice %select_n3A_1853 {offsets = [0, 124], sizes = [128, 4], strides = [1, 1]} : vector<128x128xf32> to vector<128x4xf32>
    %slice3A_1859 = vector.extract_strided_slice %select_n3A_1853 {offsets = [0, 0], sizes = [128, 124], strides = [1, 1]} : vector<128x128xf32> to vector<128x124xf32>
    %concatenate3A_1860 = tpu.concatenate %slice3A_1858, %slice3A_1859 in 1 : vector<128x4xf32>, vector<128x124xf32> -> vector<128x128xf32>
    %iota3A_1861 = tpu.iota {dimensions = array<i32: 1>} : vector<128x128xi32>
    %and3A_1862 = arith.constant 4 : i32
    %and3A_1863 = vector.broadcast %and3A_1862 : i32 to vector<128x128xi32>
    %and3A_1864 = arith.andi %iota3A_1861, %and3A_1863 : vector<128x128xi32>
    %ne3A_1865 = arith.constant 0 : i32
    %ne3A_1866 = vector.broadcast %ne3A_1865 : i32 to vector<128x128xi32>
    %ne3A_1867 = arith.cmpi ne, %and3A_1864, %ne3A_1866 : vector<128x128xi32>
    %select_n3A_1868 = arith.select %ne3A_1867, %concatenate3A_1860, %concatenate3A_1857 : vector<128x128xi1>, vector<128x128xf32>
    %slice3A_1869 = vector.extract_strided_slice %select_n3A_1854 {offsets = [0, 4], sizes = [128, 124], strides = [1, 1]} : vector<128x128xi32> to vector<128x124xi32>
    %slice3A_1870 = vector.extract_strided_slice %select_n3A_1854 {offsets = [0, 0], sizes = [128, 4], strides = [1, 1]} : vector<128x128xi32> to vector<128x4xi32>
    %concatenate3A_1871 = tpu.concatenate %slice3A_1869, %slice3A_1870 in 1 : vector<128x124xi32>, vector<128x4xi32> -> vector<128x128xi32>
    %slice3A_1872 = vector.extract_strided_slice %select_n3A_1854 {offsets = [0, 124], sizes = [128, 4], strides = [1, 1]} : vector<128x128xi32> to vector<128x4xi32>
    %slice3A_1873 = vector.extract_strided_slice %select_n3A_1854 {offsets = [0, 0], sizes = [128, 124], strides = [1, 1]} : vector<128x128xi32> to vector<128x124xi32>
    %concatenate3A_1874 = tpu.concatenate %slice3A_1872, %slice3A_1873 in 1 : vector<128x4xi32>, vector<128x124xi32> -> vector<128x128xi32>
    %iota3A_1875 = tpu.iota {dimensions = array<i32: 1>} : vector<128x128xi32>
    %and3A_1876 = arith.constant 4 : i32
    %and3A_1877 = vector.broadcast %and3A_1876 : i32 to vector<128x128xi32>
    %and3A_1878 = arith.andi %iota3A_1875, %and3A_1877 : vector<128x128xi32>
    %ne3A_1879 = arith.constant 0 : i32
    %ne3A_1880 = vector.broadcast %ne3A_1879 : i32 to vector<128x128xi32>
    %ne3A_1881 = arith.cmpi ne, %and3A_1878, %ne3A_1880 : vector<128x128xi32>
    %select_n3A_1882 = arith.select %ne3A_1881, %concatenate3A_1874, %concatenate3A_1871 : vector<128x128xi1>, vector<128x128xi32>
    %and3A_1883 = arith.constant 4 : i32
    %and3A_1884 = vector.broadcast %and3A_1883 : i32 to vector<128x128xi32>
    %and3A_1885 = arith.andi %add3A, %and3A_1884 : vector<128x128xi32>
    %ne3A_1886 = arith.constant 0 : i32
    %ne3A_1887 = vector.broadcast %ne3A_1886 : i32 to vector<128x128xi32>
    %ne3A_1888 = arith.cmpi ne, %and3A_1885, %ne3A_1887 : vector<128x128xi32>
    %gt3A_1889 = arith.cmpf ogt, %select_n3A_1868, %select_n3A_1853 : vector<128x128xf32>
    %eq3A_1890 = arith.cmpf oeq, %select_n3A_1868, %select_n3A_1853 : vector<128x128xf32>
    %lt3A_1891 = arith.cmpi slt, %select_n3A_1882, %select_n3A_1854 : vector<128x128xi32>
    %and3A_1892 = arith.andi %eq3A_1890, %lt3A_1891 : vector<128x128xi1>
    %or3A_1893 = arith.ori %gt3A_1889, %and3A_1892 : vector<128x128xi1>
    %xor3A_1894 = arith.xori %or3A_1893, %ne3A_1888 : vector<128x128xi1>
    %xor3A_1895 = arith.xori %xor3A_1894, %ne3A_1596 : vector<128x128xi1>
    %select_n3A_1896 = arith.select %xor3A_1895, %select_n3A_1868, %select_n3A_1853 : vector<128x128xi1>, vector<128x128xf32>
    %select_n3A_1897 = arith.select %xor3A_1895, %select_n3A_1882, %select_n3A_1854 : vector<128x128xi1>, vector<128x128xi32>
    %slice3A_1898 = vector.extract_strided_slice %select_n3A_1896 {offsets = [0, 2], sizes = [128, 126], strides = [1, 1]} : vector<128x128xf32> to vector<128x126xf32>
    %slice3A_1899 = vector.extract_strided_slice %select_n3A_1896 {offsets = [0, 0], sizes = [128, 2], strides = [1, 1]} : vector<128x128xf32> to vector<128x2xf32>
    %concatenate3A_1900 = tpu.concatenate %slice3A_1898, %slice3A_1899 in 1 : vector<128x126xf32>, vector<128x2xf32> -> vector<128x128xf32>
    %slice3A_1901 = vector.extract_strided_slice %select_n3A_1896 {offsets = [0, 126], sizes = [128, 2], strides = [1, 1]} : vector<128x128xf32> to vector<128x2xf32>
    %slice3A_1902 = vector.extract_strided_slice %select_n3A_1896 {offsets = [0, 0], sizes = [128, 126], strides = [1, 1]} : vector<128x128xf32> to vector<128x126xf32>
    %concatenate3A_1903 = tpu.concatenate %slice3A_1901, %slice3A_1902 in 1 : vector<128x2xf32>, vector<128x126xf32> -> vector<128x128xf32>
    %iota3A_1904 = tpu.iota {dimensions = array<i32: 1>} : vector<128x128xi32>
    %and3A_1905 = arith.constant 2 : i32
    %and3A_1906 = vector.broadcast %and3A_1905 : i32 to vector<128x128xi32>
    %and3A_1907 = arith.andi %iota3A_1904, %and3A_1906 : vector<128x128xi32>
    %ne3A_1908 = arith.constant 0 : i32
    %ne3A_1909 = vector.broadcast %ne3A_1908 : i32 to vector<128x128xi32>
    %ne3A_1910 = arith.cmpi ne, %and3A_1907, %ne3A_1909 : vector<128x128xi32>
    %select_n3A_1911 = arith.select %ne3A_1910, %concatenate3A_1903, %concatenate3A_1900 : vector<128x128xi1>, vector<128x128xf32>
    %slice3A_1912 = vector.extract_strided_slice %select_n3A_1897 {offsets = [0, 2], sizes = [128, 126], strides = [1, 1]} : vector<128x128xi32> to vector<128x126xi32>
    %slice3A_1913 = vector.extract_strided_slice %select_n3A_1897 {offsets = [0, 0], sizes = [128, 2], strides = [1, 1]} : vector<128x128xi32> to vector<128x2xi32>
    %concatenate3A_1914 = tpu.concatenate %slice3A_1912, %slice3A_1913 in 1 : vector<128x126xi32>, vector<128x2xi32> -> vector<128x128xi32>
    %slice3A_1915 = vector.extract_strided_slice %select_n3A_1897 {offsets = [0, 126], sizes = [128, 2], strides = [1, 1]} : vector<128x128xi32> to vector<128x2xi32>
    %slice3A_1916 = vector.extract_strided_slice %select_n3A_1897 {offsets = [0, 0], sizes = [128, 126], strides = [1, 1]} : vector<128x128xi32> to vector<128x126xi32>
    %concatenate3A_1917 = tpu.concatenate %slice3A_1915, %slice3A_1916 in 1 : vector<128x2xi32>, vector<128x126xi32> -> vector<128x128xi32>
    %iota3A_1918 = tpu.iota {dimensions = array<i32: 1>} : vector<128x128xi32>
    %and3A_1919 = arith.constant 2 : i32
    %and3A_1920 = vector.broadcast %and3A_1919 : i32 to vector<128x128xi32>
    %and3A_1921 = arith.andi %iota3A_1918, %and3A_1920 : vector<128x128xi32>
    %ne3A_1922 = arith.constant 0 : i32
    %ne3A_1923 = vector.broadcast %ne3A_1922 : i32 to vector<128x128xi32>
    %ne3A_1924 = arith.cmpi ne, %and3A_1921, %ne3A_1923 : vector<128x128xi32>
    %select_n3A_1925 = arith.select %ne3A_1924, %concatenate3A_1917, %concatenate3A_1914 : vector<128x128xi1>, vector<128x128xi32>
    %and3A_1926 = arith.constant 2 : i32
    %and3A_1927 = vector.broadcast %and3A_1926 : i32 to vector<128x128xi32>
    %and3A_1928 = arith.andi %add3A, %and3A_1927 : vector<128x128xi32>
    %ne3A_1929 = arith.constant 0 : i32
    %ne3A_1930 = vector.broadcast %ne3A_1929 : i32 to vector<128x128xi32>
    %ne3A_1931 = arith.cmpi ne, %and3A_1928, %ne3A_1930 : vector<128x128xi32>
    %gt3A_1932 = arith.cmpf ogt, %select_n3A_1911, %select_n3A_1896 : vector<128x128xf32>
    %eq3A_1933 = arith.cmpf oeq, %select_n3A_1911, %select_n3A_1896 : vector<128x128xf32>
    %lt3A_1934 = arith.cmpi slt, %select_n3A_1925, %select_n3A_1897 : vector<128x128xi32>
    %and3A_1935 = arith.andi %eq3A_1933, %lt3A_1934 : vector<128x128xi1>
    %or3A_1936 = arith.ori %gt3A_1932, %and3A_1935 : vector<128x128xi1>
    %xor3A_1937 = arith.xori %or3A_1936, %ne3A_1931 : vector<128x128xi1>
    %xor3A_1938 = arith.xori %xor3A_1937, %ne3A_1596 : vector<128x128xi1>
    %select_n3A_1939 = arith.select %xor3A_1938, %select_n3A_1911, %select_n3A_1896 : vector<128x128xi1>, vector<128x128xf32>
    %select_n3A_1940 = arith.select %xor3A_1938, %select_n3A_1925, %select_n3A_1897 : vector<128x128xi1>, vector<128x128xi32>
    %slice3A_1941 = vector.extract_strided_slice %select_n3A_1939 {offsets = [0, 1], sizes = [128, 127], strides = [1, 1]} : vector<128x128xf32> to vector<128x127xf32>
    %slice3A_1942 = vector.extract_strided_slice %select_n3A_1939 {offsets = [0, 0], sizes = [128, 1], strides = [1, 1]} : vector<128x128xf32> to vector<128x1xf32>
    %concatenate3A_1943 = tpu.concatenate %slice3A_1941, %slice3A_1942 in 1 : vector<128x127xf32>, vector<128x1xf32> -> vector<128x128xf32>
    %slice3A_1944 = vector.extract_strided_slice %select_n3A_1939 {offsets = [0, 127], sizes = [128, 1], strides = [1, 1]} : vector<128x128xf32> to vector<128x1xf32>
    %slice3A_1945 = vector.extract_strided_slice %select_n3A_1939 {offsets = [0, 0], sizes = [128, 127], strides = [1, 1]} : vector<128x128xf32> to vector<128x127xf32>
    %concatenate3A_1946 = tpu.concatenate %slice3A_1944, %slice3A_1945 in 1 : vector<128x1xf32>, vector<128x127xf32> -> vector<128x128xf32>
    %iota3A_1947 = tpu.iota {dimensions = array<i32: 1>} : vector<128x128xi32>
    %and3A_1948 = arith.constant 1 : i32
    %and3A_1949 = vector.broadcast %and3A_1948 : i32 to vector<128x128xi32>
    %and3A_1950 = arith.andi %iota3A_1947, %and3A_1949 : vector<128x128xi32>
    %ne3A_1951 = arith.constant 0 : i32
    %ne3A_1952 = vector.broadcast %ne3A_1951 : i32 to vector<128x128xi32>
    %ne3A_1953 = arith.cmpi ne, %and3A_1950, %ne3A_1952 : vector<128x128xi32>
    %select_n3A_1954 = arith.select %ne3A_1953, %concatenate3A_1946, %concatenate3A_1943 : vector<128x128xi1>, vector<128x128xf32>
    %slice3A_1955 = vector.extract_strided_slice %select_n3A_1940 {offsets = [0, 1], sizes = [128, 127], strides = [1, 1]} : vector<128x128xi32> to vector<128x127xi32>
    %slice3A_1956 = vector.extract_strided_slice %select_n3A_1940 {offsets = [0, 0], sizes = [128, 1], strides = [1, 1]} : vector<128x128xi32> to vector<128x1xi32>
    %concatenate3A_1957 = tpu.concatenate %slice3A_1955, %slice3A_1956 in 1 : vector<128x127xi32>, vector<128x1xi32> -> vector<128x128xi32>
    %slice3A_1958 = vector.extract_strided_slice %select_n3A_1940 {offsets = [0, 127], sizes = [128, 1], strides = [1, 1]} : vector<128x128xi32> to vector<128x1xi32>
    %slice3A_1959 = vector.extract_strided_slice %select_n3A_1940 {offsets = [0, 0], sizes = [128, 127], strides = [1, 1]} : vector<128x128xi32> to vector<128x127xi32>
    %concatenate3A_1960 = tpu.concatenate %slice3A_1958, %slice3A_1959 in 1 : vector<128x1xi32>, vector<128x127xi32> -> vector<128x128xi32>
    %iota3A_1961 = tpu.iota {dimensions = array<i32: 1>} : vector<128x128xi32>
    %and3A_1962 = arith.constant 1 : i32
    %and3A_1963 = vector.broadcast %and3A_1962 : i32 to vector<128x128xi32>
    %and3A_1964 = arith.andi %iota3A_1961, %and3A_1963 : vector<128x128xi32>
    %ne3A_1965 = arith.constant 0 : i32
    %ne3A_1966 = vector.broadcast %ne3A_1965 : i32 to vector<128x128xi32>
    %ne3A_1967 = arith.cmpi ne, %and3A_1964, %ne3A_1966 : vector<128x128xi32>
    %select_n3A_1968 = arith.select %ne3A_1967, %concatenate3A_1960, %concatenate3A_1957 : vector<128x128xi1>, vector<128x128xi32>
    %and3A_1969 = arith.constant 1 : i32
    %and3A_1970 = vector.broadcast %and3A_1969 : i32 to vector<128x128xi32>
    %and3A_1971 = arith.andi %add3A, %and3A_1970 : vector<128x128xi32>
    %ne3A_1972 = arith.constant 0 : i32
    %ne3A_1973 = vector.broadcast %ne3A_1972 : i32 to vector<128x128xi32>
    %ne3A_1974 = arith.cmpi ne, %and3A_1971, %ne3A_1973 : vector<128x128xi32>
    %gt3A_1975 = arith.cmpf ogt, %select_n3A_1954, %select_n3A_1939 : vector<128x128xf32>
    %eq3A_1976 = arith.cmpf oeq, %select_n3A_1954, %select_n3A_1939 : vector<128x128xf32>
    %lt3A_1977 = arith.cmpi slt, %select_n3A_1968, %select_n3A_1940 : vector<128x128xi32>
    %and3A_1978 = arith.andi %eq3A_1976, %lt3A_1977 : vector<128x128xi1>
    %or3A_1979 = arith.ori %gt3A_1975, %and3A_1978 : vector<128x128xi1>
    %xor3A_1980 = arith.xori %or3A_1979, %ne3A_1974 : vector<128x128xi1>
    %xor3A_1981 = arith.xori %xor3A_1980, %ne3A_1596 : vector<128x128xi1>
    %select_n3A_1982 = arith.select %xor3A_1981, %select_n3A_1954, %select_n3A_1939 : vector<128x128xi1>, vector<128x128xf32>
    %select_n3A_1983 = arith.select %xor3A_1981, %select_n3A_1968, %select_n3A_1940 : vector<128x128xi1>, vector<128x128xi32>
    %and3A_1984 = arith.constant 1024 : i32
    %and3A_1985 = vector.broadcast %and3A_1984 : i32 to vector<128x128xi32>
    %and3A_1986 = arith.andi %add3A, %and3A_1985 : vector<128x128xi32>
    %ne3A_1987 = arith.constant 0 : i32
    %ne3A_1988 = vector.broadcast %ne3A_1987 : i32 to vector<128x128xi32>
    %ne3A_1989 = arith.cmpi ne, %and3A_1986, %ne3A_1988 : vector<128x128xi32>
    %slice3A_1990 = vector.extract_strided_slice %select_n3A_1982 {offsets = [4, 0], sizes = [124, 128], strides = [1, 1]} : vector<128x128xf32> to vector<124x128xf32>
    %slice3A_1991 = vector.extract_strided_slice %select_n3A_1982 {offsets = [0, 0], sizes = [4, 128], strides = [1, 1]} : vector<128x128xf32> to vector<4x128xf32>
    %concatenate3A_1992 = tpu.concatenate %slice3A_1990, %slice3A_1991 in 0 : vector<124x128xf32>, vector<4x128xf32> -> vector<128x128xf32>
    %slice3A_1993 = vector.extract_strided_slice %select_n3A_1982 {offsets = [124, 0], sizes = [4, 128], strides = [1, 1]} : vector<128x128xf32> to vector<4x128xf32>
    %slice3A_1994 = vector.extract_strided_slice %select_n3A_1982 {offsets = [0, 0], sizes = [124, 128], strides = [1, 1]} : vector<128x128xf32> to vector<124x128xf32>
    %concatenate3A_1995 = tpu.concatenate %slice3A_1993, %slice3A_1994 in 0 : vector<4x128xf32>, vector<124x128xf32> -> vector<128x128xf32>
    %iota3A_1996 = tpu.iota {dimensions = array<i32: 0>} : vector<128x128xi32>
    %and3A_1997 = arith.constant 4 : i32
    %and3A_1998 = vector.broadcast %and3A_1997 : i32 to vector<128x128xi32>
    %and3A_1999 = arith.andi %iota3A_1996, %and3A_1998 : vector<128x128xi32>
    %ne3A_2000 = arith.constant 0 : i32
    %ne3A_2001 = vector.broadcast %ne3A_2000 : i32 to vector<128x128xi32>
    %ne3A_2002 = arith.cmpi ne, %and3A_1999, %ne3A_2001 : vector<128x128xi32>
    %select_n3A_2003 = arith.select %ne3A_2002, %concatenate3A_1995, %concatenate3A_1992 : vector<128x128xi1>, vector<128x128xf32>
    %slice3A_2004 = vector.extract_strided_slice %select_n3A_1983 {offsets = [4, 0], sizes = [124, 128], strides = [1, 1]} : vector<128x128xi32> to vector<124x128xi32>
    %slice3A_2005 = vector.extract_strided_slice %select_n3A_1983 {offsets = [0, 0], sizes = [4, 128], strides = [1, 1]} : vector<128x128xi32> to vector<4x128xi32>
    %concatenate3A_2006 = tpu.concatenate %slice3A_2004, %slice3A_2005 in 0 : vector<124x128xi32>, vector<4x128xi32> -> vector<128x128xi32>
    %slice3A_2007 = vector.extract_strided_slice %select_n3A_1983 {offsets = [124, 0], sizes = [4, 128], strides = [1, 1]} : vector<128x128xi32> to vector<4x128xi32>
    %slice3A_2008 = vector.extract_strided_slice %select_n3A_1983 {offsets = [0, 0], sizes = [124, 128], strides = [1, 1]} : vector<128x128xi32> to vector<124x128xi32>
    %concatenate3A_2009 = tpu.concatenate %slice3A_2007, %slice3A_2008 in 0 : vector<4x128xi32>, vector<124x128xi32> -> vector<128x128xi32>
    %iota3A_2010 = tpu.iota {dimensions = array<i32: 0>} : vector<128x128xi32>
    %and3A_2011 = arith.constant 4 : i32
    %and3A_2012 = vector.broadcast %and3A_2011 : i32 to vector<128x128xi32>
    %and3A_2013 = arith.andi %iota3A_2010, %and3A_2012 : vector<128x128xi32>
    %ne3A_2014 = arith.constant 0 : i32
    %ne3A_2015 = vector.broadcast %ne3A_2014 : i32 to vector<128x128xi32>
    %ne3A_2016 = arith.cmpi ne, %and3A_2013, %ne3A_2015 : vector<128x128xi32>
    %select_n3A_2017 = arith.select %ne3A_2016, %concatenate3A_2009, %concatenate3A_2006 : vector<128x128xi1>, vector<128x128xi32>
    %and3A_2018 = arith.constant 512 : i32
    %and3A_2019 = vector.broadcast %and3A_2018 : i32 to vector<128x128xi32>
    %and3A_2020 = arith.andi %add3A, %and3A_2019 : vector<128x128xi32>
    %ne3A_2021 = arith.constant 0 : i32
    %ne3A_2022 = vector.broadcast %ne3A_2021 : i32 to vector<128x128xi32>
    %ne3A_2023 = arith.cmpi ne, %and3A_2020, %ne3A_2022 : vector<128x128xi32>
    %gt3A_2024 = arith.cmpf ogt, %select_n3A_2003, %select_n3A_1982 : vector<128x128xf32>
    %eq3A_2025 = arith.cmpf oeq, %select_n3A_2003, %select_n3A_1982 : vector<128x128xf32>
    %lt3A_2026 = arith.cmpi slt, %select_n3A_2017, %select_n3A_1983 : vector<128x128xi32>
    %and3A_2027 = arith.andi %eq3A_2025, %lt3A_2026 : vector<128x128xi1>
    %or3A_2028 = arith.ori %gt3A_2024, %and3A_2027 : vector<128x128xi1>
    %xor3A_2029 = arith.xori %or3A_2028, %ne3A_2023 : vector<128x128xi1>
    %xor3A_2030 = arith.xori %xor3A_2029, %ne3A_1989 : vector<128x128xi1>
    %select_n3A_2031 = arith.select %xor3A_2030, %select_n3A_2003, %select_n3A_1982 : vector<128x128xi1>, vector<128x128xf32>
    %select_n3A_2032 = arith.select %xor3A_2030, %select_n3A_2017, %select_n3A_1983 : vector<128x128xi1>, vector<128x128xi32>
    %slice3A_2033 = vector.extract_strided_slice %select_n3A_2031 {offsets = [2, 0], sizes = [126, 128], strides = [1, 1]} : vector<128x128xf32> to vector<126x128xf32>
    %slice3A_2034 = vector.extract_strided_slice %select_n3A_2031 {offsets = [0, 0], sizes = [2, 128], strides = [1, 1]} : vector<128x128xf32> to vector<2x128xf32>
    %concatenate3A_2035 = tpu.concatenate %slice3A_2033, %slice3A_2034 in 0 : vector<126x128xf32>, vector<2x128xf32> -> vector<128x128xf32>
    %slice3A_2036 = vector.extract_strided_slice %select_n3A_2031 {offsets = [126, 0], sizes = [2, 128], strides = [1, 1]} : vector<128x128xf32> to vector<2x128xf32>
    %slice3A_2037 = vector.extract_strided_slice %select_n3A_2031 {offsets = [0, 0], sizes = [126, 128], strides = [1, 1]} : vector<128x128xf32> to vector<126x128xf32>
    %concatenate3A_2038 = tpu.concatenate %slice3A_2036, %slice3A_2037 in 0 : vector<2x128xf32>, vector<126x128xf32> -> vector<128x128xf32>
    %iota3A_2039 = tpu.iota {dimensions = array<i32: 0>} : vector<128x128xi32>
    %and3A_2040 = arith.constant 2 : i32
    %and3A_2041 = vector.broadcast %and3A_2040 : i32 to vector<128x128xi32>
    %and3A_2042 = arith.andi %iota3A_2039, %and3A_2041 : vector<128x128xi32>
    %ne3A_2043 = arith.constant 0 : i32
    %ne3A_2044 = vector.broadcast %ne3A_2043 : i32 to vector<128x128xi32>
    %ne3A_2045 = arith.cmpi ne, %and3A_2042, %ne3A_2044 : vector<128x128xi32>
    %select_n3A_2046 = arith.select %ne3A_2045, %concatenate3A_2038, %concatenate3A_2035 : vector<128x128xi1>, vector<128x128xf32>
    %slice3A_2047 = vector.extract_strided_slice %select_n3A_2032 {offsets = [2, 0], sizes = [126, 128], strides = [1, 1]} : vector<128x128xi32> to vector<126x128xi32>
    %slice3A_2048 = vector.extract_strided_slice %select_n3A_2032 {offsets = [0, 0], sizes = [2, 128], strides = [1, 1]} : vector<128x128xi32> to vector<2x128xi32>
    %concatenate3A_2049 = tpu.concatenate %slice3A_2047, %slice3A_2048 in 0 : vector<126x128xi32>, vector<2x128xi32> -> vector<128x128xi32>
    %slice3A_2050 = vector.extract_strided_slice %select_n3A_2032 {offsets = [126, 0], sizes = [2, 128], strides = [1, 1]} : vector<128x128xi32> to vector<2x128xi32>
    %slice3A_2051 = vector.extract_strided_slice %select_n3A_2032 {offsets = [0, 0], sizes = [126, 128], strides = [1, 1]} : vector<128x128xi32> to vector<126x128xi32>
    %concatenate3A_2052 = tpu.concatenate %slice3A_2050, %slice3A_2051 in 0 : vector<2x128xi32>, vector<126x128xi32> -> vector<128x128xi32>
    %iota3A_2053 = tpu.iota {dimensions = array<i32: 0>} : vector<128x128xi32>
    %and3A_2054 = arith.constant 2 : i32
    %and3A_2055 = vector.broadcast %and3A_2054 : i32 to vector<128x128xi32>
    %and3A_2056 = arith.andi %iota3A_2053, %and3A_2055 : vector<128x128xi32>
    %ne3A_2057 = arith.constant 0 : i32
    %ne3A_2058 = vector.broadcast %ne3A_2057 : i32 to vector<128x128xi32>
    %ne3A_2059 = arith.cmpi ne, %and3A_2056, %ne3A_2058 : vector<128x128xi32>
    %select_n3A_2060 = arith.select %ne3A_2059, %concatenate3A_2052, %concatenate3A_2049 : vector<128x128xi1>, vector<128x128xi32>
    %and3A_2061 = arith.constant 256 : i32
    %and3A_2062 = vector.broadcast %and3A_2061 : i32 to vector<128x128xi32>
    %and3A_2063 = arith.andi %add3A, %and3A_2062 : vector<128x128xi32>
    %ne3A_2064 = arith.constant 0 : i32
    %ne3A_2065 = vector.broadcast %ne3A_2064 : i32 to vector<128x128xi32>
    %ne3A_2066 = arith.cmpi ne, %and3A_2063, %ne3A_2065 : vector<128x128xi32>
    %gt3A_2067 = arith.cmpf ogt, %select_n3A_2046, %select_n3A_2031 : vector<128x128xf32>
    %eq3A_2068 = arith.cmpf oeq, %select_n3A_2046, %select_n3A_2031 : vector<128x128xf32>
    %lt3A_2069 = arith.cmpi slt, %select_n3A_2060, %select_n3A_2032 : vector<128x128xi32>
    %and3A_2070 = arith.andi %eq3A_2068, %lt3A_2069 : vector<128x128xi1>
    %or3A_2071 = arith.ori %gt3A_2067, %and3A_2070 : vector<128x128xi1>
    %xor3A_2072 = arith.xori %or3A_2071, %ne3A_2066 : vector<128x128xi1>
    %xor3A_2073 = arith.xori %xor3A_2072, %ne3A_1989 : vector<128x128xi1>
    %select_n3A_2074 = arith.select %xor3A_2073, %select_n3A_2046, %select_n3A_2031 : vector<128x128xi1>, vector<128x128xf32>
    %select_n3A_2075 = arith.select %xor3A_2073, %select_n3A_2060, %select_n3A_2032 : vector<128x128xi1>, vector<128x128xi32>
    %slice3A_2076 = vector.extract_strided_slice %select_n3A_2074 {offsets = [1, 0], sizes = [127, 128], strides = [1, 1]} : vector<128x128xf32> to vector<127x128xf32>
    %slice3A_2077 = vector.extract_strided_slice %select_n3A_2074 {offsets = [0, 0], sizes = [1, 128], strides = [1, 1]} : vector<128x128xf32> to vector<1x128xf32>
    %concatenate3A_2078 = tpu.concatenate %slice3A_2076, %slice3A_2077 in 0 : vector<127x128xf32>, vector<1x128xf32> -> vector<128x128xf32>
    %slice3A_2079 = vector.extract_strided_slice %select_n3A_2074 {offsets = [127, 0], sizes = [1, 128], strides = [1, 1]} : vector<128x128xf32> to vector<1x128xf32>
    %slice3A_2080 = vector.extract_strided_slice %select_n3A_2074 {offsets = [0, 0], sizes = [127, 128], strides = [1, 1]} : vector<128x128xf32> to vector<127x128xf32>
    %concatenate3A_2081 = tpu.concatenate %slice3A_2079, %slice3A_2080 in 0 : vector<1x128xf32>, vector<127x128xf32> -> vector<128x128xf32>
    %iota3A_2082 = tpu.iota {dimensions = array<i32: 0>} : vector<128x128xi32>
    %and3A_2083 = arith.constant 1 : i32
    %and3A_2084 = vector.broadcast %and3A_2083 : i32 to vector<128x128xi32>
    %and3A_2085 = arith.andi %iota3A_2082, %and3A_2084 : vector<128x128xi32>
    %ne3A_2086 = arith.constant 0 : i32
    %ne3A_2087 = vector.broadcast %ne3A_2086 : i32 to vector<128x128xi32>
    %ne3A_2088 = arith.cmpi ne, %and3A_2085, %ne3A_2087 : vector<128x128xi32>
    %select_n3A_2089 = arith.select %ne3A_2088, %concatenate3A_2081, %concatenate3A_2078 : vector<128x128xi1>, vector<128x128xf32>
    %slice3A_2090 = vector.extract_strided_slice %select_n3A_2075 {offsets = [1, 0], sizes = [127, 128], strides = [1, 1]} : vector<128x128xi32> to vector<127x128xi32>
    %slice3A_2091 = vector.extract_strided_slice %select_n3A_2075 {offsets = [0, 0], sizes = [1, 128], strides = [1, 1]} : vector<128x128xi32> to vector<1x128xi32>
    %concatenate3A_2092 = tpu.concatenate %slice3A_2090, %slice3A_2091 in 0 : vector<127x128xi32>, vector<1x128xi32> -> vector<128x128xi32>
    %slice3A_2093 = vector.extract_strided_slice %select_n3A_2075 {offsets = [127, 0], sizes = [1, 128], strides = [1, 1]} : vector<128x128xi32> to vector<1x128xi32>
    %slice3A_2094 = vector.extract_strided_slice %select_n3A_2075 {offsets = [0, 0], sizes = [127, 128], strides = [1, 1]} : vector<128x128xi32> to vector<127x128xi32>
    %concatenate3A_2095 = tpu.concatenate %slice3A_2093, %slice3A_2094 in 0 : vector<1x128xi32>, vector<127x128xi32> -> vector<128x128xi32>
    %iota3A_2096 = tpu.iota {dimensions = array<i32: 0>} : vector<128x128xi32>
    %and3A_2097 = arith.constant 1 : i32
    %and3A_2098 = vector.broadcast %and3A_2097 : i32 to vector<128x128xi32>
    %and3A_2099 = arith.andi %iota3A_2096, %and3A_2098 : vector<128x128xi32>
    %ne3A_2100 = arith.constant 0 : i32
    %ne3A_2101 = vector.broadcast %ne3A_2100 : i32 to vector<128x128xi32>
    %ne3A_2102 = arith.cmpi ne, %and3A_2099, %ne3A_2101 : vector<128x128xi32>
    %select_n3A_2103 = arith.select %ne3A_2102, %concatenate3A_2095, %concatenate3A_2092 : vector<128x128xi1>, vector<128x128xi32>
    %and3A_2104 = arith.constant 128 : i32
    %and3A_2105 = vector.broadcast %and3A_2104 : i32 to vector<128x128xi32>
    %and3A_2106 = arith.andi %add3A, %and3A_2105 : vector<128x128xi32>
    %ne3A_2107 = arith.constant 0 : i32
    %ne3A_2108 = vector.broadcast %ne3A_2107 : i32 to vector<128x128xi32>
    %ne3A_2109 = arith.cmpi ne, %and3A_2106, %ne3A_2108 : vector<128x128xi32>
    %gt3A_2110 = arith.cmpf ogt, %select_n3A_2089, %select_n3A_2074 : vector<128x128xf32>
    %eq3A_2111 = arith.cmpf oeq, %select_n3A_2089, %select_n3A_2074 : vector<128x128xf32>
    %lt3A_2112 = arith.cmpi slt, %select_n3A_2103, %select_n3A_2075 : vector<128x128xi32>
    %and3A_2113 = arith.andi %eq3A_2111, %lt3A_2112 : vector<128x128xi1>
    %or3A_2114 = arith.ori %gt3A_2110, %and3A_2113 : vector<128x128xi1>
    %xor3A_2115 = arith.xori %or3A_2114, %ne3A_2109 : vector<128x128xi1>
    %xor3A_2116 = arith.xori %xor3A_2115, %ne3A_1989 : vector<128x128xi1>
    %select_n3A_2117 = arith.select %xor3A_2116, %select_n3A_2089, %select_n3A_2074 : vector<128x128xi1>, vector<128x128xf32>
    %select_n3A_2118 = arith.select %xor3A_2116, %select_n3A_2103, %select_n3A_2075 : vector<128x128xi1>, vector<128x128xi32>
    %slice3A_2119 = vector.extract_strided_slice %select_n3A_2117 {offsets = [0, 64], sizes = [128, 64], strides = [1, 1]} : vector<128x128xf32> to vector<128x64xf32>
    %slice3A_2120 = vector.extract_strided_slice %select_n3A_2117 {offsets = [0, 0], sizes = [128, 64], strides = [1, 1]} : vector<128x128xf32> to vector<128x64xf32>
    %concatenate3A_2121 = tpu.concatenate %slice3A_2119, %slice3A_2120 in 1 : vector<128x64xf32>, vector<128x64xf32> -> vector<128x128xf32>
    %slice3A_2122 = vector.extract_strided_slice %select_n3A_2117 {offsets = [0, 64], sizes = [128, 64], strides = [1, 1]} : vector<128x128xf32> to vector<128x64xf32>
    %slice3A_2123 = vector.extract_strided_slice %select_n3A_2117 {offsets = [0, 0], sizes = [128, 64], strides = [1, 1]} : vector<128x128xf32> to vector<128x64xf32>
    %concatenate3A_2124 = tpu.concatenate %slice3A_2122, %slice3A_2123 in 1 : vector<128x64xf32>, vector<128x64xf32> -> vector<128x128xf32>
    %iota3A_2125 = tpu.iota {dimensions = array<i32: 1>} : vector<128x128xi32>
    %and3A_2126 = arith.constant 64 : i32
    %and3A_2127 = vector.broadcast %and3A_2126 : i32 to vector<128x128xi32>
    %and3A_2128 = arith.andi %iota3A_2125, %and3A_2127 : vector<128x128xi32>
    %ne3A_2129 = arith.constant 0 : i32
    %ne3A_2130 = vector.broadcast %ne3A_2129 : i32 to vector<128x128xi32>
    %ne3A_2131 = arith.cmpi ne, %and3A_2128, %ne3A_2130 : vector<128x128xi32>
    %select_n3A_2132 = arith.select %ne3A_2131, %concatenate3A_2124, %concatenate3A_2121 : vector<128x128xi1>, vector<128x128xf32>
    %slice3A_2133 = vector.extract_strided_slice %select_n3A_2118 {offsets = [0, 64], sizes = [128, 64], strides = [1, 1]} : vector<128x128xi32> to vector<128x64xi32>
    %slice3A_2134 = vector.extract_strided_slice %select_n3A_2118 {offsets = [0, 0], sizes = [128, 64], strides = [1, 1]} : vector<128x128xi32> to vector<128x64xi32>
    %concatenate3A_2135 = tpu.concatenate %slice3A_2133, %slice3A_2134 in 1 : vector<128x64xi32>, vector<128x64xi32> -> vector<128x128xi32>
    %slice3A_2136 = vector.extract_strided_slice %select_n3A_2118 {offsets = [0, 64], sizes = [128, 64], strides = [1, 1]} : vector<128x128xi32> to vector<128x64xi32>
    %slice3A_2137 = vector.extract_strided_slice %select_n3A_2118 {offsets = [0, 0], sizes = [128, 64], strides = [1, 1]} : vector<128x128xi32> to vector<128x64xi32>
    %concatenate3A_2138 = tpu.concatenate %slice3A_2136, %slice3A_2137 in 1 : vector<128x64xi32>, vector<128x64xi32> -> vector<128x128xi32>
    %iota3A_2139 = tpu.iota {dimensions = array<i32: 1>} : vector<128x128xi32>
    %and3A_2140 = arith.constant 64 : i32
    %and3A_2141 = vector.broadcast %and3A_2140 : i32 to vector<128x128xi32>
    %and3A_2142 = arith.andi %iota3A_2139, %and3A_2141 : vector<128x128xi32>
    %ne3A_2143 = arith.constant 0 : i32
    %ne3A_2144 = vector.broadcast %ne3A_2143 : i32 to vector<128x128xi32>
    %ne3A_2145 = arith.cmpi ne, %and3A_2142, %ne3A_2144 : vector<128x128xi32>
    %select_n3A_2146 = arith.select %ne3A_2145, %concatenate3A_2138, %concatenate3A_2135 : vector<128x128xi1>, vector<128x128xi32>
    %and3A_2147 = arith.constant 64 : i32
    %and3A_2148 = vector.broadcast %and3A_2147 : i32 to vector<128x128xi32>
    %and3A_2149 = arith.andi %add3A, %and3A_2148 : vector<128x128xi32>
    %ne3A_2150 = arith.constant 0 : i32
    %ne3A_2151 = vector.broadcast %ne3A_2150 : i32 to vector<128x128xi32>
    %ne3A_2152 = arith.cmpi ne, %and3A_2149, %ne3A_2151 : vector<128x128xi32>
    %gt3A_2153 = arith.cmpf ogt, %select_n3A_2132, %select_n3A_2117 : vector<128x128xf32>
    %eq3A_2154 = arith.cmpf oeq, %select_n3A_2132, %select_n3A_2117 : vector<128x128xf32>
    %lt3A_2155 = arith.cmpi slt, %select_n3A_2146, %select_n3A_2118 : vector<128x128xi32>
    %and3A_2156 = arith.andi %eq3A_2154, %lt3A_2155 : vector<128x128xi1>
    %or3A_2157 = arith.ori %gt3A_2153, %and3A_2156 : vector<128x128xi1>
    %xor3A_2158 = arith.xori %or3A_2157, %ne3A_2152 : vector<128x128xi1>
    %xor3A_2159 = arith.xori %xor3A_2158, %ne3A_1989 : vector<128x128xi1>
    %select_n3A_2160 = arith.select %xor3A_2159, %select_n3A_2132, %select_n3A_2117 : vector<128x128xi1>, vector<128x128xf32>
    %select_n3A_2161 = arith.select %xor3A_2159, %select_n3A_2146, %select_n3A_2118 : vector<128x128xi1>, vector<128x128xi32>
    %slice3A_2162 = vector.extract_strided_slice %select_n3A_2160 {offsets = [0, 32], sizes = [128, 96], strides = [1, 1]} : vector<128x128xf32> to vector<128x96xf32>
    %slice3A_2163 = vector.extract_strided_slice %select_n3A_2160 {offsets = [0, 0], sizes = [128, 32], strides = [1, 1]} : vector<128x128xf32> to vector<128x32xf32>
    %concatenate3A_2164 = tpu.concatenate %slice3A_2162, %slice3A_2163 in 1 : vector<128x96xf32>, vector<128x32xf32> -> vector<128x128xf32>
    %slice3A_2165 = vector.extract_strided_slice %select_n3A_2160 {offsets = [0, 96], sizes = [128, 32], strides = [1, 1]} : vector<128x128xf32> to vector<128x32xf32>
    %slice3A_2166 = vector.extract_strided_slice %select_n3A_2160 {offsets = [0, 0], sizes = [128, 96], strides = [1, 1]} : vector<128x128xf32> to vector<128x96xf32>
    %concatenate3A_2167 = tpu.concatenate %slice3A_2165, %slice3A_2166 in 1 : vector<128x32xf32>, vector<128x96xf32> -> vector<128x128xf32>
    %iota3A_2168 = tpu.iota {dimensions = array<i32: 1>} : vector<128x128xi32>
    %and3A_2169 = arith.constant 32 : i32
    %and3A_2170 = vector.broadcast %and3A_2169 : i32 to vector<128x128xi32>
    %and3A_2171 = arith.andi %iota3A_2168, %and3A_2170 : vector<128x128xi32>
    %ne3A_2172 = arith.constant 0 : i32
    %ne3A_2173 = vector.broadcast %ne3A_2172 : i32 to vector<128x128xi32>
    %ne3A_2174 = arith.cmpi ne, %and3A_2171, %ne3A_2173 : vector<128x128xi32>
    %select_n3A_2175 = arith.select %ne3A_2174, %concatenate3A_2167, %concatenate3A_2164 : vector<128x128xi1>, vector<128x128xf32>
    %slice3A_2176 = vector.extract_strided_slice %select_n3A_2161 {offsets = [0, 32], sizes = [128, 96], strides = [1, 1]} : vector<128x128xi32> to vector<128x96xi32>
    %slice3A_2177 = vector.extract_strided_slice %select_n3A_2161 {offsets = [0, 0], sizes = [128, 32], strides = [1, 1]} : vector<128x128xi32> to vector<128x32xi32>
    %concatenate3A_2178 = tpu.concatenate %slice3A_2176, %slice3A_2177 in 1 : vector<128x96xi32>, vector<128x32xi32> -> vector<128x128xi32>
    %slice3A_2179 = vector.extract_strided_slice %select_n3A_2161 {offsets = [0, 96], sizes = [128, 32], strides = [1, 1]} : vector<128x128xi32> to vector<128x32xi32>
    %slice3A_2180 = vector.extract_strided_slice %select_n3A_2161 {offsets = [0, 0], sizes = [128, 96], strides = [1, 1]} : vector<128x128xi32> to vector<128x96xi32>
    %concatenate3A_2181 = tpu.concatenate %slice3A_2179, %slice3A_2180 in 1 : vector<128x32xi32>, vector<128x96xi32> -> vector<128x128xi32>
    %iota3A_2182 = tpu.iota {dimensions = array<i32: 1>} : vector<128x128xi32>
    %and3A_2183 = arith.constant 32 : i32
    %and3A_2184 = vector.broadcast %and3A_2183 : i32 to vector<128x128xi32>
    %and3A_2185 = arith.andi %iota3A_2182, %and3A_2184 : vector<128x128xi32>
    %ne3A_2186 = arith.constant 0 : i32
    %ne3A_2187 = vector.broadcast %ne3A_2186 : i32 to vector<128x128xi32>
    %ne3A_2188 = arith.cmpi ne, %and3A_2185, %ne3A_2187 : vector<128x128xi32>
    %select_n3A_2189 = arith.select %ne3A_2188, %concatenate3A_2181, %concatenate3A_2178 : vector<128x128xi1>, vector<128x128xi32>
    %and3A_2190 = arith.constant 32 : i32
    %and3A_2191 = vector.broadcast %and3A_2190 : i32 to vector<128x128xi32>
    %and3A_2192 = arith.andi %add3A, %and3A_2191 : vector<128x128xi32>
    %ne3A_2193 = arith.constant 0 : i32
    %ne3A_2194 = vector.broadcast %ne3A_2193 : i32 to vector<128x128xi32>
    %ne3A_2195 = arith.cmpi ne, %and3A_2192, %ne3A_2194 : vector<128x128xi32>
    %gt3A_2196 = arith.cmpf ogt, %select_n3A_2175, %select_n3A_2160 : vector<128x128xf32>
    %eq3A_2197 = arith.cmpf oeq, %select_n3A_2175, %select_n3A_2160 : vector<128x128xf32>
    %lt3A_2198 = arith.cmpi slt, %select_n3A_2189, %select_n3A_2161 : vector<128x128xi32>
    %and3A_2199 = arith.andi %eq3A_2197, %lt3A_2198 : vector<128x128xi1>
    %or3A_2200 = arith.ori %gt3A_2196, %and3A_2199 : vector<128x128xi1>
    %xor3A_2201 = arith.xori %or3A_2200, %ne3A_2195 : vector<128x128xi1>
    %xor3A_2202 = arith.xori %xor3A_2201, %ne3A_1989 : vector<128x128xi1>
    %select_n3A_2203 = arith.select %xor3A_2202, %select_n3A_2175, %select_n3A_2160 : vector<128x128xi1>, vector<128x128xf32>
    %select_n3A_2204 = arith.select %xor3A_2202, %select_n3A_2189, %select_n3A_2161 : vector<128x128xi1>, vector<128x128xi32>
    %slice3A_2205 = vector.extract_strided_slice %select_n3A_2203 {offsets = [0, 16], sizes = [128, 112], strides = [1, 1]} : vector<128x128xf32> to vector<128x112xf32>
    %slice3A_2206 = vector.extract_strided_slice %select_n3A_2203 {offsets = [0, 0], sizes = [128, 16], strides = [1, 1]} : vector<128x128xf32> to vector<128x16xf32>
    %concatenate3A_2207 = tpu.concatenate %slice3A_2205, %slice3A_2206 in 1 : vector<128x112xf32>, vector<128x16xf32> -> vector<128x128xf32>
    %slice3A_2208 = vector.extract_strided_slice %select_n3A_2203 {offsets = [0, 112], sizes = [128, 16], strides = [1, 1]} : vector<128x128xf32> to vector<128x16xf32>
    %slice3A_2209 = vector.extract_strided_slice %select_n3A_2203 {offsets = [0, 0], sizes = [128, 112], strides = [1, 1]} : vector<128x128xf32> to vector<128x112xf32>
    %concatenate3A_2210 = tpu.concatenate %slice3A_2208, %slice3A_2209 in 1 : vector<128x16xf32>, vector<128x112xf32> -> vector<128x128xf32>
    %iota3A_2211 = tpu.iota {dimensions = array<i32: 1>} : vector<128x128xi32>
    %and3A_2212 = arith.constant 16 : i32
    %and3A_2213 = vector.broadcast %and3A_2212 : i32 to vector<128x128xi32>
    %and3A_2214 = arith.andi %iota3A_2211, %and3A_2213 : vector<128x128xi32>
    %ne3A_2215 = arith.constant 0 : i32
    %ne3A_2216 = vector.broadcast %ne3A_2215 : i32 to vector<128x128xi32>
    %ne3A_2217 = arith.cmpi ne, %and3A_2214, %ne3A_2216 : vector<128x128xi32>
    %select_n3A_2218 = arith.select %ne3A_2217, %concatenate3A_2210, %concatenate3A_2207 : vector<128x128xi1>, vector<128x128xf32>
    %slice3A_2219 = vector.extract_strided_slice %select_n3A_2204 {offsets = [0, 16], sizes = [128, 112], strides = [1, 1]} : vector<128x128xi32> to vector<128x112xi32>
    %slice3A_2220 = vector.extract_strided_slice %select_n3A_2204 {offsets = [0, 0], sizes = [128, 16], strides = [1, 1]} : vector<128x128xi32> to vector<128x16xi32>
    %concatenate3A_2221 = tpu.concatenate %slice3A_2219, %slice3A_2220 in 1 : vector<128x112xi32>, vector<128x16xi32> -> vector<128x128xi32>
    %slice3A_2222 = vector.extract_strided_slice %select_n3A_2204 {offsets = [0, 112], sizes = [128, 16], strides = [1, 1]} : vector<128x128xi32> to vector<128x16xi32>
    %slice3A_2223 = vector.extract_strided_slice %select_n3A_2204 {offsets = [0, 0], sizes = [128, 112], strides = [1, 1]} : vector<128x128xi32> to vector<128x112xi32>
    %concatenate3A_2224 = tpu.concatenate %slice3A_2222, %slice3A_2223 in 1 : vector<128x16xi32>, vector<128x112xi32> -> vector<128x128xi32>
    %iota3A_2225 = tpu.iota {dimensions = array<i32: 1>} : vector<128x128xi32>
    %and3A_2226 = arith.constant 16 : i32
    %and3A_2227 = vector.broadcast %and3A_2226 : i32 to vector<128x128xi32>
    %and3A_2228 = arith.andi %iota3A_2225, %and3A_2227 : vector<128x128xi32>
    %ne3A_2229 = arith.constant 0 : i32
    %ne3A_2230 = vector.broadcast %ne3A_2229 : i32 to vector<128x128xi32>
    %ne3A_2231 = arith.cmpi ne, %and3A_2228, %ne3A_2230 : vector<128x128xi32>
    %select_n3A_2232 = arith.select %ne3A_2231, %concatenate3A_2224, %concatenate3A_2221 : vector<128x128xi1>, vector<128x128xi32>
    %and3A_2233 = arith.constant 16 : i32
    %and3A_2234 = vector.broadcast %and3A_2233 : i32 to vector<128x128xi32>
    %and3A_2235 = arith.andi %add3A, %and3A_2234 : vector<128x128xi32>
    %ne3A_2236 = arith.constant 0 : i32
    %ne3A_2237 = vector.broadcast %ne3A_2236 : i32 to vector<128x128xi32>
    %ne3A_2238 = arith.cmpi ne, %and3A_2235, %ne3A_2237 : vector<128x128xi32>
    %gt3A_2239 = arith.cmpf ogt, %select_n3A_2218, %select_n3A_2203 : vector<128x128xf32>
    %eq3A_2240 = arith.cmpf oeq, %select_n3A_2218, %select_n3A_2203 : vector<128x128xf32>
    %lt3A_2241 = arith.cmpi slt, %select_n3A_2232, %select_n3A_2204 : vector<128x128xi32>
    %and3A_2242 = arith.andi %eq3A_2240, %lt3A_2241 : vector<128x128xi1>
    %or3A_2243 = arith.ori %gt3A_2239, %and3A_2242 : vector<128x128xi1>
    %xor3A_2244 = arith.xori %or3A_2243, %ne3A_2238 : vector<128x128xi1>
    %xor3A_2245 = arith.xori %xor3A_2244, %ne3A_1989 : vector<128x128xi1>
    %select_n3A_2246 = arith.select %xor3A_2245, %select_n3A_2218, %select_n3A_2203 : vector<128x128xi1>, vector<128x128xf32>
    %select_n3A_2247 = arith.select %xor3A_2245, %select_n3A_2232, %select_n3A_2204 : vector<128x128xi1>, vector<128x128xi32>
    %slice3A_2248 = vector.extract_strided_slice %select_n3A_2246 {offsets = [0, 8], sizes = [128, 120], strides = [1, 1]} : vector<128x128xf32> to vector<128x120xf32>
    %slice3A_2249 = vector.extract_strided_slice %select_n3A_2246 {offsets = [0, 0], sizes = [128, 8], strides = [1, 1]} : vector<128x128xf32> to vector<128x8xf32>
    %concatenate3A_2250 = tpu.concatenate %slice3A_2248, %slice3A_2249 in 1 : vector<128x120xf32>, vector<128x8xf32> -> vector<128x128xf32>
    %slice3A_2251 = vector.extract_strided_slice %select_n3A_2246 {offsets = [0, 120], sizes = [128, 8], strides = [1, 1]} : vector<128x128xf32> to vector<128x8xf32>
    %slice3A_2252 = vector.extract_strided_slice %select_n3A_2246 {offsets = [0, 0], sizes = [128, 120], strides = [1, 1]} : vector<128x128xf32> to vector<128x120xf32>
    %concatenate3A_2253 = tpu.concatenate %slice3A_2251, %slice3A_2252 in 1 : vector<128x8xf32>, vector<128x120xf32> -> vector<128x128xf32>
    %iota3A_2254 = tpu.iota {dimensions = array<i32: 1>} : vector<128x128xi32>
    %and3A_2255 = arith.constant 8 : i32
    %and3A_2256 = vector.broadcast %and3A_2255 : i32 to vector<128x128xi32>
    %and3A_2257 = arith.andi %iota3A_2254, %and3A_2256 : vector<128x128xi32>
    %ne3A_2258 = arith.constant 0 : i32
    %ne3A_2259 = vector.broadcast %ne3A_2258 : i32 to vector<128x128xi32>
    %ne3A_2260 = arith.cmpi ne, %and3A_2257, %ne3A_2259 : vector<128x128xi32>
    %select_n3A_2261 = arith.select %ne3A_2260, %concatenate3A_2253, %concatenate3A_2250 : vector<128x128xi1>, vector<128x128xf32>
    %slice3A_2262 = vector.extract_strided_slice %select_n3A_2247 {offsets = [0, 8], sizes = [128, 120], strides = [1, 1]} : vector<128x128xi32> to vector<128x120xi32>
    %slice3A_2263 = vector.extract_strided_slice %select_n3A_2247 {offsets = [0, 0], sizes = [128, 8], strides = [1, 1]} : vector<128x128xi32> to vector<128x8xi32>
    %concatenate3A_2264 = tpu.concatenate %slice3A_2262, %slice3A_2263 in 1 : vector<128x120xi32>, vector<128x8xi32> -> vector<128x128xi32>
    %slice3A_2265 = vector.extract_strided_slice %select_n3A_2247 {offsets = [0, 120], sizes = [128, 8], strides = [1, 1]} : vector<128x128xi32> to vector<128x8xi32>
    %slice3A_2266 = vector.extract_strided_slice %select_n3A_2247 {offsets = [0, 0], sizes = [128, 120], strides = [1, 1]} : vector<128x128xi32> to vector<128x120xi32>
    %concatenate3A_2267 = tpu.concatenate %slice3A_2265, %slice3A_2266 in 1 : vector<128x8xi32>, vector<128x120xi32> -> vector<128x128xi32>
    %iota3A_2268 = tpu.iota {dimensions = array<i32: 1>} : vector<128x128xi32>
    %and3A_2269 = arith.constant 8 : i32
    %and3A_2270 = vector.broadcast %and3A_2269 : i32 to vector<128x128xi32>
    %and3A_2271 = arith.andi %iota3A_2268, %and3A_2270 : vector<128x128xi32>
    %ne3A_2272 = arith.constant 0 : i32
    %ne3A_2273 = vector.broadcast %ne3A_2272 : i32 to vector<128x128xi32>
    %ne3A_2274 = arith.cmpi ne, %and3A_2271, %ne3A_2273 : vector<128x128xi32>
    %select_n3A_2275 = arith.select %ne3A_2274, %concatenate3A_2267, %concatenate3A_2264 : vector<128x128xi1>, vector<128x128xi32>
    %and3A_2276 = arith.constant 8 : i32
    %and3A_2277 = vector.broadcast %and3A_2276 : i32 to vector<128x128xi32>
    %and3A_2278 = arith.andi %add3A, %and3A_2277 : vector<128x128xi32>
    %ne3A_2279 = arith.constant 0 : i32
    %ne3A_2280 = vector.broadcast %ne3A_2279 : i32 to vector<128x128xi32>
    %ne3A_2281 = arith.cmpi ne, %and3A_2278, %ne3A_2280 : vector<128x128xi32>
    %gt3A_2282 = arith.cmpf ogt, %select_n3A_2261, %select_n3A_2246 : vector<128x128xf32>
    %eq3A_2283 = arith.cmpf oeq, %select_n3A_2261, %select_n3A_2246 : vector<128x128xf32>
    %lt3A_2284 = arith.cmpi slt, %select_n3A_2275, %select_n3A_2247 : vector<128x128xi32>
    %and3A_2285 = arith.andi %eq3A_2283, %lt3A_2284 : vector<128x128xi1>
    %or3A_2286 = arith.ori %gt3A_2282, %and3A_2285 : vector<128x128xi1>
    %xor3A_2287 = arith.xori %or3A_2286, %ne3A_2281 : vector<128x128xi1>
    %xor3A_2288 = arith.xori %xor3A_2287, %ne3A_1989 : vector<128x128xi1>
    %select_n3A_2289 = arith.select %xor3A_2288, %select_n3A_2261, %select_n3A_2246 : vector<128x128xi1>, vector<128x128xf32>
    %select_n3A_2290 = arith.select %xor3A_2288, %select_n3A_2275, %select_n3A_2247 : vector<128x128xi1>, vector<128x128xi32>
    %slice3A_2291 = vector.extract_strided_slice %select_n3A_2289 {offsets = [0, 4], sizes = [128, 124], strides = [1, 1]} : vector<128x128xf32> to vector<128x124xf32>
    %slice3A_2292 = vector.extract_strided_slice %select_n3A_2289 {offsets = [0, 0], sizes = [128, 4], strides = [1, 1]} : vector<128x128xf32> to vector<128x4xf32>
    %concatenate3A_2293 = tpu.concatenate %slice3A_2291, %slice3A_2292 in 1 : vector<128x124xf32>, vector<128x4xf32> -> vector<128x128xf32>
    %slice3A_2294 = vector.extract_strided_slice %select_n3A_2289 {offsets = [0, 124], sizes = [128, 4], strides = [1, 1]} : vector<128x128xf32> to vector<128x4xf32>
    %slice3A_2295 = vector.extract_strided_slice %select_n3A_2289 {offsets = [0, 0], sizes = [128, 124], strides = [1, 1]} : vector<128x128xf32> to vector<128x124xf32>
    %concatenate3A_2296 = tpu.concatenate %slice3A_2294, %slice3A_2295 in 1 : vector<128x4xf32>, vector<128x124xf32> -> vector<128x128xf32>
    %iota3A_2297 = tpu.iota {dimensions = array<i32: 1>} : vector<128x128xi32>
    %and3A_2298 = arith.constant 4 : i32
    %and3A_2299 = vector.broadcast %and3A_2298 : i32 to vector<128x128xi32>
    %and3A_2300 = arith.andi %iota3A_2297, %and3A_2299 : vector<128x128xi32>
    %ne3A_2301 = arith.constant 0 : i32
    %ne3A_2302 = vector.broadcast %ne3A_2301 : i32 to vector<128x128xi32>
    %ne3A_2303 = arith.cmpi ne, %and3A_2300, %ne3A_2302 : vector<128x128xi32>
    %select_n3A_2304 = arith.select %ne3A_2303, %concatenate3A_2296, %concatenate3A_2293 : vector<128x128xi1>, vector<128x128xf32>
    %slice3A_2305 = vector.extract_strided_slice %select_n3A_2290 {offsets = [0, 4], sizes = [128, 124], strides = [1, 1]} : vector<128x128xi32> to vector<128x124xi32>
    %slice3A_2306 = vector.extract_strided_slice %select_n3A_2290 {offsets = [0, 0], sizes = [128, 4], strides = [1, 1]} : vector<128x128xi32> to vector<128x4xi32>
    %concatenate3A_2307 = tpu.concatenate %slice3A_2305, %slice3A_2306 in 1 : vector<128x124xi32>, vector<128x4xi32> -> vector<128x128xi32>
    %slice3A_2308 = vector.extract_strided_slice %select_n3A_2290 {offsets = [0, 124], sizes = [128, 4], strides = [1, 1]} : vector<128x128xi32> to vector<128x4xi32>
    %slice3A_2309 = vector.extract_strided_slice %select_n3A_2290 {offsets = [0, 0], sizes = [128, 124], strides = [1, 1]} : vector<128x128xi32> to vector<128x124xi32>
    %concatenate3A_2310 = tpu.concatenate %slice3A_2308, %slice3A_2309 in 1 : vector<128x4xi32>, vector<128x124xi32> -> vector<128x128xi32>
    %iota3A_2311 = tpu.iota {dimensions = array<i32: 1>} : vector<128x128xi32>
    %and3A_2312 = arith.constant 4 : i32
    %and3A_2313 = vector.broadcast %and3A_2312 : i32 to vector<128x128xi32>
    %and3A_2314 = arith.andi %iota3A_2311, %and3A_2313 : vector<128x128xi32>
    %ne3A_2315 = arith.constant 0 : i32
    %ne3A_2316 = vector.broadcast %ne3A_2315 : i32 to vector<128x128xi32>
    %ne3A_2317 = arith.cmpi ne, %and3A_2314, %ne3A_2316 : vector<128x128xi32>
    %select_n3A_2318 = arith.select %ne3A_2317, %concatenate3A_2310, %concatenate3A_2307 : vector<128x128xi1>, vector<128x128xi32>
    %and3A_2319 = arith.constant 4 : i32
    %and3A_2320 = vector.broadcast %and3A_2319 : i32 to vector<128x128xi32>
    %and3A_2321 = arith.andi %add3A, %and3A_2320 : vector<128x128xi32>
    %ne3A_2322 = arith.constant 0 : i32
    %ne3A_2323 = vector.broadcast %ne3A_2322 : i32 to vector<128x128xi32>
    %ne3A_2324 = arith.cmpi ne, %and3A_2321, %ne3A_2323 : vector<128x128xi32>
    %gt3A_2325 = arith.cmpf ogt, %select_n3A_2304, %select_n3A_2289 : vector<128x128xf32>
    %eq3A_2326 = arith.cmpf oeq, %select_n3A_2304, %select_n3A_2289 : vector<128x128xf32>
    %lt3A_2327 = arith.cmpi slt, %select_n3A_2318, %select_n3A_2290 : vector<128x128xi32>
    %and3A_2328 = arith.andi %eq3A_2326, %lt3A_2327 : vector<128x128xi1>
    %or3A_2329 = arith.ori %gt3A_2325, %and3A_2328 : vector<128x128xi1>
    %xor3A_2330 = arith.xori %or3A_2329, %ne3A_2324 : vector<128x128xi1>
    %xor3A_2331 = arith.xori %xor3A_2330, %ne3A_1989 : vector<128x128xi1>
    %select_n3A_2332 = arith.select %xor3A_2331, %select_n3A_2304, %select_n3A_2289 : vector<128x128xi1>, vector<128x128xf32>
    %select_n3A_2333 = arith.select %xor3A_2331, %select_n3A_2318, %select_n3A_2290 : vector<128x128xi1>, vector<128x128xi32>
    %slice3A_2334 = vector.extract_strided_slice %select_n3A_2332 {offsets = [0, 2], sizes = [128, 126], strides = [1, 1]} : vector<128x128xf32> to vector<128x126xf32>
    %slice3A_2335 = vector.extract_strided_slice %select_n3A_2332 {offsets = [0, 0], sizes = [128, 2], strides = [1, 1]} : vector<128x128xf32> to vector<128x2xf32>
    %concatenate3A_2336 = tpu.concatenate %slice3A_2334, %slice3A_2335 in 1 : vector<128x126xf32>, vector<128x2xf32> -> vector<128x128xf32>
    %slice3A_2337 = vector.extract_strided_slice %select_n3A_2332 {offsets = [0, 126], sizes = [128, 2], strides = [1, 1]} : vector<128x128xf32> to vector<128x2xf32>
    %slice3A_2338 = vector.extract_strided_slice %select_n3A_2332 {offsets = [0, 0], sizes = [128, 126], strides = [1, 1]} : vector<128x128xf32> to vector<128x126xf32>
    %concatenate3A_2339 = tpu.concatenate %slice3A_2337, %slice3A_2338 in 1 : vector<128x2xf32>, vector<128x126xf32> -> vector<128x128xf32>
    %iota3A_2340 = tpu.iota {dimensions = array<i32: 1>} : vector<128x128xi32>
    %and3A_2341 = arith.constant 2 : i32
    %and3A_2342 = vector.broadcast %and3A_2341 : i32 to vector<128x128xi32>
    %and3A_2343 = arith.andi %iota3A_2340, %and3A_2342 : vector<128x128xi32>
    %ne3A_2344 = arith.constant 0 : i32
    %ne3A_2345 = vector.broadcast %ne3A_2344 : i32 to vector<128x128xi32>
    %ne3A_2346 = arith.cmpi ne, %and3A_2343, %ne3A_2345 : vector<128x128xi32>
    %select_n3A_2347 = arith.select %ne3A_2346, %concatenate3A_2339, %concatenate3A_2336 : vector<128x128xi1>, vector<128x128xf32>
    %slice3A_2348 = vector.extract_strided_slice %select_n3A_2333 {offsets = [0, 2], sizes = [128, 126], strides = [1, 1]} : vector<128x128xi32> to vector<128x126xi32>
    %slice3A_2349 = vector.extract_strided_slice %select_n3A_2333 {offsets = [0, 0], sizes = [128, 2], strides = [1, 1]} : vector<128x128xi32> to vector<128x2xi32>
    %concatenate3A_2350 = tpu.concatenate %slice3A_2348, %slice3A_2349 in 1 : vector<128x126xi32>, vector<128x2xi32> -> vector<128x128xi32>
    %slice3A_2351 = vector.extract_strided_slice %select_n3A_2333 {offsets = [0, 126], sizes = [128, 2], strides = [1, 1]} : vector<128x128xi32> to vector<128x2xi32>
    %slice3A_2352 = vector.extract_strided_slice %select_n3A_2333 {offsets = [0, 0], sizes = [128, 126], strides = [1, 1]} : vector<128x128xi32> to vector<128x126xi32>
    %concatenate3A_2353 = tpu.concatenate %slice3A_2351, %slice3A_2352 in 1 : vector<128x2xi32>, vector<128x126xi32> -> vector<128x128xi32>
    %iota3A_2354 = tpu.iota {dimensions = array<i32: 1>} : vector<128x128xi32>
    %and3A_2355 = arith.constant 2 : i32
    %and3A_2356 = vector.broadcast %and3A_2355 : i32 to vector<128x128xi32>
    %and3A_2357 = arith.andi %iota3A_2354, %and3A_2356 : vector<128x128xi32>
    %ne3A_2358 = arith.constant 0 : i32
    %ne3A_2359 = vector.broadcast %ne3A_2358 : i32 to vector<128x128xi32>
    %ne3A_2360 = arith.cmpi ne, %and3A_2357, %ne3A_2359 : vector<128x128xi32>
    %select_n3A_2361 = arith.select %ne3A_2360, %concatenate3A_2353, %concatenate3A_2350 : vector<128x128xi1>, vector<128x128xi32>
    %and3A_2362 = arith.constant 2 : i32
    %and3A_2363 = vector.broadcast %and3A_2362 : i32 to vector<128x128xi32>
    %and3A_2364 = arith.andi %add3A, %and3A_2363 : vector<128x128xi32>
    %ne3A_2365 = arith.constant 0 : i32
    %ne3A_2366 = vector.broadcast %ne3A_2365 : i32 to vector<128x128xi32>
    %ne3A_2367 = arith.cmpi ne, %and3A_2364, %ne3A_2366 : vector<128x128xi32>
    %gt3A_2368 = arith.cmpf ogt, %select_n3A_2347, %select_n3A_2332 : vector<128x128xf32>
    %eq3A_2369 = arith.cmpf oeq, %select_n3A_2347, %select_n3A_2332 : vector<128x128xf32>
    %lt3A_2370 = arith.cmpi slt, %select_n3A_2361, %select_n3A_2333 : vector<128x128xi32>
    %and3A_2371 = arith.andi %eq3A_2369, %lt3A_2370 : vector<128x128xi1>
    %or3A_2372 = arith.ori %gt3A_2368, %and3A_2371 : vector<128x128xi1>
    %xor3A_2373 = arith.xori %or3A_2372, %ne3A_2367 : vector<128x128xi1>
    %xor3A_2374 = arith.xori %xor3A_2373, %ne3A_1989 : vector<128x128xi1>
    %select_n3A_2375 = arith.select %xor3A_2374, %select_n3A_2347, %select_n3A_2332 : vector<128x128xi1>, vector<128x128xf32>
    %select_n3A_2376 = arith.select %xor3A_2374, %select_n3A_2361, %select_n3A_2333 : vector<128x128xi1>, vector<128x128xi32>
    %slice3A_2377 = vector.extract_strided_slice %select_n3A_2375 {offsets = [0, 1], sizes = [128, 127], strides = [1, 1]} : vector<128x128xf32> to vector<128x127xf32>
    %slice3A_2378 = vector.extract_strided_slice %select_n3A_2375 {offsets = [0, 0], sizes = [128, 1], strides = [1, 1]} : vector<128x128xf32> to vector<128x1xf32>
    %concatenate3A_2379 = tpu.concatenate %slice3A_2377, %slice3A_2378 in 1 : vector<128x127xf32>, vector<128x1xf32> -> vector<128x128xf32>
    %slice3A_2380 = vector.extract_strided_slice %select_n3A_2375 {offsets = [0, 127], sizes = [128, 1], strides = [1, 1]} : vector<128x128xf32> to vector<128x1xf32>
    %slice3A_2381 = vector.extract_strided_slice %select_n3A_2375 {offsets = [0, 0], sizes = [128, 127], strides = [1, 1]} : vector<128x128xf32> to vector<128x127xf32>
    %concatenate3A_2382 = tpu.concatenate %slice3A_2380, %slice3A_2381 in 1 : vector<128x1xf32>, vector<128x127xf32> -> vector<128x128xf32>
    %iota3A_2383 = tpu.iota {dimensions = array<i32: 1>} : vector<128x128xi32>
    %and3A_2384 = arith.constant 1 : i32
    %and3A_2385 = vector.broadcast %and3A_2384 : i32 to vector<128x128xi32>
    %and3A_2386 = arith.andi %iota3A_2383, %and3A_2385 : vector<128x128xi32>
    %ne3A_2387 = arith.constant 0 : i32
    %ne3A_2388 = vector.broadcast %ne3A_2387 : i32 to vector<128x128xi32>
    %ne3A_2389 = arith.cmpi ne, %and3A_2386, %ne3A_2388 : vector<128x128xi32>
    %select_n3A_2390 = arith.select %ne3A_2389, %concatenate3A_2382, %concatenate3A_2379 : vector<128x128xi1>, vector<128x128xf32>
    %slice3A_2391 = vector.extract_strided_slice %select_n3A_2376 {offsets = [0, 1], sizes = [128, 127], strides = [1, 1]} : vector<128x128xi32> to vector<128x127xi32>
    %slice3A_2392 = vector.extract_strided_slice %select_n3A_2376 {offsets = [0, 0], sizes = [128, 1], strides = [1, 1]} : vector<128x128xi32> to vector<128x1xi32>
    %concatenate3A_2393 = tpu.concatenate %slice3A_2391, %slice3A_2392 in 1 : vector<128x127xi32>, vector<128x1xi32> -> vector<128x128xi32>
    %slice3A_2394 = vector.extract_strided_slice %select_n3A_2376 {offsets = [0, 127], sizes = [128, 1], strides = [1, 1]} : vector<128x128xi32> to vector<128x1xi32>
    %slice3A_2395 = vector.extract_strided_slice %select_n3A_2376 {offsets = [0, 0], sizes = [128, 127], strides = [1, 1]} : vector<128x128xi32> to vector<128x127xi32>
    %concatenate3A_2396 = tpu.concatenate %slice3A_2394, %slice3A_2395 in 1 : vector<128x1xi32>, vector<128x127xi32> -> vector<128x128xi32>
    %iota3A_2397 = tpu.iota {dimensions = array<i32: 1>} : vector<128x128xi32>
    %and3A_2398 = arith.constant 1 : i32
    %and3A_2399 = vector.broadcast %and3A_2398 : i32 to vector<128x128xi32>
    %and3A_2400 = arith.andi %iota3A_2397, %and3A_2399 : vector<128x128xi32>
    %ne3A_2401 = arith.constant 0 : i32
    %ne3A_2402 = vector.broadcast %ne3A_2401 : i32 to vector<128x128xi32>
    %ne3A_2403 = arith.cmpi ne, %and3A_2400, %ne3A_2402 : vector<128x128xi32>
    %select_n3A_2404 = arith.select %ne3A_2403, %concatenate3A_2396, %concatenate3A_2393 : vector<128x128xi1>, vector<128x128xi32>
    %and3A_2405 = arith.constant 1 : i32
    %and3A_2406 = vector.broadcast %and3A_2405 : i32 to vector<128x128xi32>
    %and3A_2407 = arith.andi %add3A, %and3A_2406 : vector<128x128xi32>
    %ne3A_2408 = arith.constant 0 : i32
    %ne3A_2409 = vector.broadcast %ne3A_2408 : i32 to vector<128x128xi32>
    %ne3A_2410 = arith.cmpi ne, %and3A_2407, %ne3A_2409 : vector<128x128xi32>
    %gt3A_2411 = arith.cmpf ogt, %select_n3A_2390, %select_n3A_2375 : vector<128x128xf32>
    %eq3A_2412 = arith.cmpf oeq, %select_n3A_2390, %select_n3A_2375 : vector<128x128xf32>
    %lt3A_2413 = arith.cmpi slt, %select_n3A_2404, %select_n3A_2376 : vector<128x128xi32>
    %and3A_2414 = arith.andi %eq3A_2412, %lt3A_2413 : vector<128x128xi1>
    %or3A_2415 = arith.ori %gt3A_2411, %and3A_2414 : vector<128x128xi1>
    %xor3A_2416 = arith.xori %or3A_2415, %ne3A_2410 : vector<128x128xi1>
    %xor3A_2417 = arith.xori %xor3A_2416, %ne3A_1989 : vector<128x128xi1>
    %select_n3A_2418 = arith.select %xor3A_2417, %select_n3A_2390, %select_n3A_2375 : vector<128x128xi1>, vector<128x128xf32>
    %select_n3A_2419 = arith.select %xor3A_2417, %select_n3A_2404, %select_n3A_2376 : vector<128x128xi1>, vector<128x128xi32>
    %and3A_2420 = arith.constant 2048 : i32
    %and3A_2421 = vector.broadcast %and3A_2420 : i32 to vector<128x128xi32>
    %and3A_2422 = arith.andi %add3A, %and3A_2421 : vector<128x128xi32>
    %ne3A_2423 = arith.constant 0 : i32
    %ne3A_2424 = vector.broadcast %ne3A_2423 : i32 to vector<128x128xi32>
    %ne3A_2425 = arith.cmpi ne, %and3A_2422, %ne3A_2424 : vector<128x128xi32>
    %slice3A_2426 = vector.extract_strided_slice %select_n3A_2418 {offsets = [8, 0], sizes = [120, 128], strides = [1, 1]} : vector<128x128xf32> to vector<120x128xf32>
    %slice3A_2427 = vector.extract_strided_slice %select_n3A_2418 {offsets = [0, 0], sizes = [8, 128], strides = [1, 1]} : vector<128x128xf32> to vector<8x128xf32>
    %concatenate3A_2428 = tpu.concatenate %slice3A_2426, %slice3A_2427 in 0 : vector<120x128xf32>, vector<8x128xf32> -> vector<128x128xf32>
    %slice3A_2429 = vector.extract_strided_slice %select_n3A_2418 {offsets = [120, 0], sizes = [8, 128], strides = [1, 1]} : vector<128x128xf32> to vector<8x128xf32>
    %slice3A_2430 = vector.extract_strided_slice %select_n3A_2418 {offsets = [0, 0], sizes = [120, 128], strides = [1, 1]} : vector<128x128xf32> to vector<120x128xf32>
    %concatenate3A_2431 = tpu.concatenate %slice3A_2429, %slice3A_2430 in 0 : vector<8x128xf32>, vector<120x128xf32> -> vector<128x128xf32>
    %iota3A_2432 = tpu.iota {dimensions = array<i32: 0>} : vector<128x128xi32>
    %and3A_2433 = arith.constant 8 : i32
    %and3A_2434 = vector.broadcast %and3A_2433 : i32 to vector<128x128xi32>
    %and3A_2435 = arith.andi %iota3A_2432, %and3A_2434 : vector<128x128xi32>
    %ne3A_2436 = arith.constant 0 : i32
    %ne3A_2437 = vector.broadcast %ne3A_2436 : i32 to vector<128x128xi32>
    %ne3A_2438 = arith.cmpi ne, %and3A_2435, %ne3A_2437 : vector<128x128xi32>
    %select_n3A_2439 = arith.select %ne3A_2438, %concatenate3A_2431, %concatenate3A_2428 : vector<128x128xi1>, vector<128x128xf32>
    %slice3A_2440 = vector.extract_strided_slice %select_n3A_2419 {offsets = [8, 0], sizes = [120, 128], strides = [1, 1]} : vector<128x128xi32> to vector<120x128xi32>
    %slice3A_2441 = vector.extract_strided_slice %select_n3A_2419 {offsets = [0, 0], sizes = [8, 128], strides = [1, 1]} : vector<128x128xi32> to vector<8x128xi32>
    %concatenate3A_2442 = tpu.concatenate %slice3A_2440, %slice3A_2441 in 0 : vector<120x128xi32>, vector<8x128xi32> -> vector<128x128xi32>
    %slice3A_2443 = vector.extract_strided_slice %select_n3A_2419 {offsets = [120, 0], sizes = [8, 128], strides = [1, 1]} : vector<128x128xi32> to vector<8x128xi32>
    %slice3A_2444 = vector.extract_strided_slice %select_n3A_2419 {offsets = [0, 0], sizes = [120, 128], strides = [1, 1]} : vector<128x128xi32> to vector<120x128xi32>
    %concatenate3A_2445 = tpu.concatenate %slice3A_2443, %slice3A_2444 in 0 : vector<8x128xi32>, vector<120x128xi32> -> vector<128x128xi32>
    %iota3A_2446 = tpu.iota {dimensions = array<i32: 0>} : vector<128x128xi32>
    %and3A_2447 = arith.constant 8 : i32
    %and3A_2448 = vector.broadcast %and3A_2447 : i32 to vector<128x128xi32>
    %and3A_2449 = arith.andi %iota3A_2446, %and3A_2448 : vector<128x128xi32>
    %ne3A_2450 = arith.constant 0 : i32
    %ne3A_2451 = vector.broadcast %ne3A_2450 : i32 to vector<128x128xi32>
    %ne3A_2452 = arith.cmpi ne, %and3A_2449, %ne3A_2451 : vector<128x128xi32>
    %select_n3A_2453 = arith.select %ne3A_2452, %concatenate3A_2445, %concatenate3A_2442 : vector<128x128xi1>, vector<128x128xi32>
    %and3A_2454 = arith.constant 1024 : i32
    %and3A_2455 = vector.broadcast %and3A_2454 : i32 to vector<128x128xi32>
    %and3A_2456 = arith.andi %add3A, %and3A_2455 : vector<128x128xi32>
    %ne3A_2457 = arith.constant 0 : i32
    %ne3A_2458 = vector.broadcast %ne3A_2457 : i32 to vector<128x128xi32>
    %ne3A_2459 = arith.cmpi ne, %and3A_2456, %ne3A_2458 : vector<128x128xi32>
    %gt3A_2460 = arith.cmpf ogt, %select_n3A_2439, %select_n3A_2418 : vector<128x128xf32>
    %eq3A_2461 = arith.cmpf oeq, %select_n3A_2439, %select_n3A_2418 : vector<128x128xf32>
    %lt3A_2462 = arith.cmpi slt, %select_n3A_2453, %select_n3A_2419 : vector<128x128xi32>
    %and3A_2463 = arith.andi %eq3A_2461, %lt3A_2462 : vector<128x128xi1>
    %or3A_2464 = arith.ori %gt3A_2460, %and3A_2463 : vector<128x128xi1>
    %xor3A_2465 = arith.xori %or3A_2464, %ne3A_2459 : vector<128x128xi1>
    %xor3A_2466 = arith.xori %xor3A_2465, %ne3A_2425 : vector<128x128xi1>
    %select_n3A_2467 = arith.select %xor3A_2466, %select_n3A_2439, %select_n3A_2418 : vector<128x128xi1>, vector<128x128xf32>
    %select_n3A_2468 = arith.select %xor3A_2466, %select_n3A_2453, %select_n3A_2419 : vector<128x128xi1>, vector<128x128xi32>
    %slice3A_2469 = vector.extract_strided_slice %select_n3A_2467 {offsets = [4, 0], sizes = [124, 128], strides = [1, 1]} : vector<128x128xf32> to vector<124x128xf32>
    %slice3A_2470 = vector.extract_strided_slice %select_n3A_2467 {offsets = [0, 0], sizes = [4, 128], strides = [1, 1]} : vector<128x128xf32> to vector<4x128xf32>
    %concatenate3A_2471 = tpu.concatenate %slice3A_2469, %slice3A_2470 in 0 : vector<124x128xf32>, vector<4x128xf32> -> vector<128x128xf32>
    %slice3A_2472 = vector.extract_strided_slice %select_n3A_2467 {offsets = [124, 0], sizes = [4, 128], strides = [1, 1]} : vector<128x128xf32> to vector<4x128xf32>
    %slice3A_2473 = vector.extract_strided_slice %select_n3A_2467 {offsets = [0, 0], sizes = [124, 128], strides = [1, 1]} : vector<128x128xf32> to vector<124x128xf32>
    %concatenate3A_2474 = tpu.concatenate %slice3A_2472, %slice3A_2473 in 0 : vector<4x128xf32>, vector<124x128xf32> -> vector<128x128xf32>
    %iota3A_2475 = tpu.iota {dimensions = array<i32: 0>} : vector<128x128xi32>
    %and3A_2476 = arith.constant 4 : i32
    %and3A_2477 = vector.broadcast %and3A_2476 : i32 to vector<128x128xi32>
    %and3A_2478 = arith.andi %iota3A_2475, %and3A_2477 : vector<128x128xi32>
    %ne3A_2479 = arith.constant 0 : i32
    %ne3A_2480 = vector.broadcast %ne3A_2479 : i32 to vector<128x128xi32>
    %ne3A_2481 = arith.cmpi ne, %and3A_2478, %ne3A_2480 : vector<128x128xi32>
    %select_n3A_2482 = arith.select %ne3A_2481, %concatenate3A_2474, %concatenate3A_2471 : vector<128x128xi1>, vector<128x128xf32>
    %slice3A_2483 = vector.extract_strided_slice %select_n3A_2468 {offsets = [4, 0], sizes = [124, 128], strides = [1, 1]} : vector<128x128xi32> to vector<124x128xi32>
    %slice3A_2484 = vector.extract_strided_slice %select_n3A_2468 {offsets = [0, 0], sizes = [4, 128], strides = [1, 1]} : vector<128x128xi32> to vector<4x128xi32>
    %concatenate3A_2485 = tpu.concatenate %slice3A_2483, %slice3A_2484 in 0 : vector<124x128xi32>, vector<4x128xi32> -> vector<128x128xi32>
    %slice3A_2486 = vector.extract_strided_slice %select_n3A_2468 {offsets = [124, 0], sizes = [4, 128], strides = [1, 1]} : vector<128x128xi32> to vector<4x128xi32>
    %slice3A_2487 = vector.extract_strided_slice %select_n3A_2468 {offsets = [0, 0], sizes = [124, 128], strides = [1, 1]} : vector<128x128xi32> to vector<124x128xi32>
    %concatenate3A_2488 = tpu.concatenate %slice3A_2486, %slice3A_2487 in 0 : vector<4x128xi32>, vector<124x128xi32> -> vector<128x128xi32>
    %iota3A_2489 = tpu.iota {dimensions = array<i32: 0>} : vector<128x128xi32>
    %and3A_2490 = arith.constant 4 : i32
    %and3A_2491 = vector.broadcast %and3A_2490 : i32 to vector<128x128xi32>
    %and3A_2492 = arith.andi %iota3A_2489, %and3A_2491 : vector<128x128xi32>
    %ne3A_2493 = arith.constant 0 : i32
    %ne3A_2494 = vector.broadcast %ne3A_2493 : i32 to vector<128x128xi32>
    %ne3A_2495 = arith.cmpi ne, %and3A_2492, %ne3A_2494 : vector<128x128xi32>
    %select_n3A_2496 = arith.select %ne3A_2495, %concatenate3A_2488, %concatenate3A_2485 : vector<128x128xi1>, vector<128x128xi32>
    %and3A_2497 = arith.constant 512 : i32
    %and3A_2498 = vector.broadcast %and3A_2497 : i32 to vector<128x128xi32>
    %and3A_2499 = arith.andi %add3A, %and3A_2498 : vector<128x128xi32>
    %ne3A_2500 = arith.constant 0 : i32
    %ne3A_2501 = vector.broadcast %ne3A_2500 : i32 to vector<128x128xi32>
    %ne3A_2502 = arith.cmpi ne, %and3A_2499, %ne3A_2501 : vector<128x128xi32>
    %gt3A_2503 = arith.cmpf ogt, %select_n3A_2482, %select_n3A_2467 : vector<128x128xf32>
    %eq3A_2504 = arith.cmpf oeq, %select_n3A_2482, %select_n3A_2467 : vector<128x128xf32>
    %lt3A_2505 = arith.cmpi slt, %select_n3A_2496, %select_n3A_2468 : vector<128x128xi32>
    %and3A_2506 = arith.andi %eq3A_2504, %lt3A_2505 : vector<128x128xi1>
    %or3A_2507 = arith.ori %gt3A_2503, %and3A_2506 : vector<128x128xi1>
    %xor3A_2508 = arith.xori %or3A_2507, %ne3A_2502 : vector<128x128xi1>
    %xor3A_2509 = arith.xori %xor3A_2508, %ne3A_2425 : vector<128x128xi1>
    %select_n3A_2510 = arith.select %xor3A_2509, %select_n3A_2482, %select_n3A_2467 : vector<128x128xi1>, vector<128x128xf32>
    %select_n3A_2511 = arith.select %xor3A_2509, %select_n3A_2496, %select_n3A_2468 : vector<128x128xi1>, vector<128x128xi32>
    %slice3A_2512 = vector.extract_strided_slice %select_n3A_2510 {offsets = [2, 0], sizes = [126, 128], strides = [1, 1]} : vector<128x128xf32> to vector<126x128xf32>
    %slice3A_2513 = vector.extract_strided_slice %select_n3A_2510 {offsets = [0, 0], sizes = [2, 128], strides = [1, 1]} : vector<128x128xf32> to vector<2x128xf32>
    %concatenate3A_2514 = tpu.concatenate %slice3A_2512, %slice3A_2513 in 0 : vector<126x128xf32>, vector<2x128xf32> -> vector<128x128xf32>
    %slice3A_2515 = vector.extract_strided_slice %select_n3A_2510 {offsets = [126, 0], sizes = [2, 128], strides = [1, 1]} : vector<128x128xf32> to vector<2x128xf32>
    %slice3A_2516 = vector.extract_strided_slice %select_n3A_2510 {offsets = [0, 0], sizes = [126, 128], strides = [1, 1]} : vector<128x128xf32> to vector<126x128xf32>
    %concatenate3A_2517 = tpu.concatenate %slice3A_2515, %slice3A_2516 in 0 : vector<2x128xf32>, vector<126x128xf32> -> vector<128x128xf32>
    %iota3A_2518 = tpu.iota {dimensions = array<i32: 0>} : vector<128x128xi32>
    %and3A_2519 = arith.constant 2 : i32
    %and3A_2520 = vector.broadcast %and3A_2519 : i32 to vector<128x128xi32>
    %and3A_2521 = arith.andi %iota3A_2518, %and3A_2520 : vector<128x128xi32>
    %ne3A_2522 = arith.constant 0 : i32
    %ne3A_2523 = vector.broadcast %ne3A_2522 : i32 to vector<128x128xi32>
    %ne3A_2524 = arith.cmpi ne, %and3A_2521, %ne3A_2523 : vector<128x128xi32>
    %select_n3A_2525 = arith.select %ne3A_2524, %concatenate3A_2517, %concatenate3A_2514 : vector<128x128xi1>, vector<128x128xf32>
    %slice3A_2526 = vector.extract_strided_slice %select_n3A_2511 {offsets = [2, 0], sizes = [126, 128], strides = [1, 1]} : vector<128x128xi32> to vector<126x128xi32>
    %slice3A_2527 = vector.extract_strided_slice %select_n3A_2511 {offsets = [0, 0], sizes = [2, 128], strides = [1, 1]} : vector<128x128xi32> to vector<2x128xi32>
    %concatenate3A_2528 = tpu.concatenate %slice3A_2526, %slice3A_2527 in 0 : vector<126x128xi32>, vector<2x128xi32> -> vector<128x128xi32>
    %slice3A_2529 = vector.extract_strided_slice %select_n3A_2511 {offsets = [126, 0], sizes = [2, 128], strides = [1, 1]} : vector<128x128xi32> to vector<2x128xi32>
    %slice3A_2530 = vector.extract_strided_slice %select_n3A_2511 {offsets = [0, 0], sizes = [126, 128], strides = [1, 1]} : vector<128x128xi32> to vector<126x128xi32>
    %concatenate3A_2531 = tpu.concatenate %slice3A_2529, %slice3A_2530 in 0 : vector<2x128xi32>, vector<126x128xi32> -> vector<128x128xi32>
    %iota3A_2532 = tpu.iota {dimensions = array<i32: 0>} : vector<128x128xi32>
    %and3A_2533 = arith.constant 2 : i32
    %and3A_2534 = vector.broadcast %and3A_2533 : i32 to vector<128x128xi32>
    %and3A_2535 = arith.andi %iota3A_2532, %and3A_2534 : vector<128x128xi32>
    %ne3A_2536 = arith.constant 0 : i32
    %ne3A_2537 = vector.broadcast %ne3A_2536 : i32 to vector<128x128xi32>
    %ne3A_2538 = arith.cmpi ne, %and3A_2535, %ne3A_2537 : vector<128x128xi32>
    %select_n3A_2539 = arith.select %ne3A_2538, %concatenate3A_2531, %concatenate3A_2528 : vector<128x128xi1>, vector<128x128xi32>
    %and3A_2540 = arith.constant 256 : i32
    %and3A_2541 = vector.broadcast %and3A_2540 : i32 to vector<128x128xi32>
    %and3A_2542 = arith.andi %add3A, %and3A_2541 : vector<128x128xi32>
    %ne3A_2543 = arith.constant 0 : i32
    %ne3A_2544 = vector.broadcast %ne3A_2543 : i32 to vector<128x128xi32>
    %ne3A_2545 = arith.cmpi ne, %and3A_2542, %ne3A_2544 : vector<128x128xi32>
    %gt3A_2546 = arith.cmpf ogt, %select_n3A_2525, %select_n3A_2510 : vector<128x128xf32>
    %eq3A_2547 = arith.cmpf oeq, %select_n3A_2525, %select_n3A_2510 : vector<128x128xf32>
    %lt3A_2548 = arith.cmpi slt, %select_n3A_2539, %select_n3A_2511 : vector<128x128xi32>
    %and3A_2549 = arith.andi %eq3A_2547, %lt3A_2548 : vector<128x128xi1>
    %or3A_2550 = arith.ori %gt3A_2546, %and3A_2549 : vector<128x128xi1>
    %xor3A_2551 = arith.xori %or3A_2550, %ne3A_2545 : vector<128x128xi1>
    %xor3A_2552 = arith.xori %xor3A_2551, %ne3A_2425 : vector<128x128xi1>
    %select_n3A_2553 = arith.select %xor3A_2552, %select_n3A_2525, %select_n3A_2510 : vector<128x128xi1>, vector<128x128xf32>
    %select_n3A_2554 = arith.select %xor3A_2552, %select_n3A_2539, %select_n3A_2511 : vector<128x128xi1>, vector<128x128xi32>
    %slice3A_2555 = vector.extract_strided_slice %select_n3A_2553 {offsets = [1, 0], sizes = [127, 128], strides = [1, 1]} : vector<128x128xf32> to vector<127x128xf32>
    %slice3A_2556 = vector.extract_strided_slice %select_n3A_2553 {offsets = [0, 0], sizes = [1, 128], strides = [1, 1]} : vector<128x128xf32> to vector<1x128xf32>
    %concatenate3A_2557 = tpu.concatenate %slice3A_2555, %slice3A_2556 in 0 : vector<127x128xf32>, vector<1x128xf32> -> vector<128x128xf32>
    %slice3A_2558 = vector.extract_strided_slice %select_n3A_2553 {offsets = [127, 0], sizes = [1, 128], strides = [1, 1]} : vector<128x128xf32> to vector<1x128xf32>
    %slice3A_2559 = vector.extract_strided_slice %select_n3A_2553 {offsets = [0, 0], sizes = [127, 128], strides = [1, 1]} : vector<128x128xf32> to vector<127x128xf32>
    %concatenate3A_2560 = tpu.concatenate %slice3A_2558, %slice3A_2559 in 0 : vector<1x128xf32>, vector<127x128xf32> -> vector<128x128xf32>
    %iota3A_2561 = tpu.iota {dimensions = array<i32: 0>} : vector<128x128xi32>
    %and3A_2562 = arith.constant 1 : i32
    %and3A_2563 = vector.broadcast %and3A_2562 : i32 to vector<128x128xi32>
    %and3A_2564 = arith.andi %iota3A_2561, %and3A_2563 : vector<128x128xi32>
    %ne3A_2565 = arith.constant 0 : i32
    %ne3A_2566 = vector.broadcast %ne3A_2565 : i32 to vector<128x128xi32>
    %ne3A_2567 = arith.cmpi ne, %and3A_2564, %ne3A_2566 : vector<128x128xi32>
    %select_n3A_2568 = arith.select %ne3A_2567, %concatenate3A_2560, %concatenate3A_2557 : vector<128x128xi1>, vector<128x128xf32>
    %slice3A_2569 = vector.extract_strided_slice %select_n3A_2554 {offsets = [1, 0], sizes = [127, 128], strides = [1, 1]} : vector<128x128xi32> to vector<127x128xi32>
    %slice3A_2570 = vector.extract_strided_slice %select_n3A_2554 {offsets = [0, 0], sizes = [1, 128], strides = [1, 1]} : vector<128x128xi32> to vector<1x128xi32>
    %concatenate3A_2571 = tpu.concatenate %slice3A_2569, %slice3A_2570 in 0 : vector<127x128xi32>, vector<1x128xi32> -> vector<128x128xi32>
    %slice3A_2572 = vector.extract_strided_slice %select_n3A_2554 {offsets = [127, 0], sizes = [1, 128], strides = [1, 1]} : vector<128x128xi32> to vector<1x128xi32>
    %slice3A_2573 = vector.extract_strided_slice %select_n3A_2554 {offsets = [0, 0], sizes = [127, 128], strides = [1, 1]} : vector<128x128xi32> to vector<127x128xi32>
    %concatenate3A_2574 = tpu.concatenate %slice3A_2572, %slice3A_2573 in 0 : vector<1x128xi32>, vector<127x128xi32> -> vector<128x128xi32>
    %iota3A_2575 = tpu.iota {dimensions = array<i32: 0>} : vector<128x128xi32>
    %and3A_2576 = arith.constant 1 : i32
    %and3A_2577 = vector.broadcast %and3A_2576 : i32 to vector<128x128xi32>
    %and3A_2578 = arith.andi %iota3A_2575, %and3A_2577 : vector<128x128xi32>
    %ne3A_2579 = arith.constant 0 : i32
    %ne3A_2580 = vector.broadcast %ne3A_2579 : i32 to vector<128x128xi32>
    %ne3A_2581 = arith.cmpi ne, %and3A_2578, %ne3A_2580 : vector<128x128xi32>
    %select_n3A_2582 = arith.select %ne3A_2581, %concatenate3A_2574, %concatenate3A_2571 : vector<128x128xi1>, vector<128x128xi32>
    %and3A_2583 = arith.constant 128 : i32
    %and3A_2584 = vector.broadcast %and3A_2583 : i32 to vector<128x128xi32>
    %and3A_2585 = arith.andi %add3A, %and3A_2584 : vector<128x128xi32>
    %ne3A_2586 = arith.constant 0 : i32
    %ne3A_2587 = vector.broadcast %ne3A_2586 : i32 to vector<128x128xi32>
    %ne3A_2588 = arith.cmpi ne, %and3A_2585, %ne3A_2587 : vector<128x128xi32>
    %gt3A_2589 = arith.cmpf ogt, %select_n3A_2568, %select_n3A_2553 : vector<128x128xf32>
    %eq3A_2590 = arith.cmpf oeq, %select_n3A_2568, %select_n3A_2553 : vector<128x128xf32>
    %lt3A_2591 = arith.cmpi slt, %select_n3A_2582, %select_n3A_2554 : vector<128x128xi32>
    %and3A_2592 = arith.andi %eq3A_2590, %lt3A_2591 : vector<128x128xi1>
    %or3A_2593 = arith.ori %gt3A_2589, %and3A_2592 : vector<128x128xi1>
    %xor3A_2594 = arith.xori %or3A_2593, %ne3A_2588 : vector<128x128xi1>
    %xor3A_2595 = arith.xori %xor3A_2594, %ne3A_2425 : vector<128x128xi1>
    %select_n3A_2596 = arith.select %xor3A_2595, %select_n3A_2568, %select_n3A_2553 : vector<128x128xi1>, vector<128x128xf32>
    %select_n3A_2597 = arith.select %xor3A_2595, %select_n3A_2582, %select_n3A_2554 : vector<128x128xi1>, vector<128x128xi32>
    %slice3A_2598 = vector.extract_strided_slice %select_n3A_2596 {offsets = [0, 64], sizes = [128, 64], strides = [1, 1]} : vector<128x128xf32> to vector<128x64xf32>
    %slice3A_2599 = vector.extract_strided_slice %select_n3A_2596 {offsets = [0, 0], sizes = [128, 64], strides = [1, 1]} : vector<128x128xf32> to vector<128x64xf32>
    %concatenate3A_2600 = tpu.concatenate %slice3A_2598, %slice3A_2599 in 1 : vector<128x64xf32>, vector<128x64xf32> -> vector<128x128xf32>
    %slice3A_2601 = vector.extract_strided_slice %select_n3A_2596 {offsets = [0, 64], sizes = [128, 64], strides = [1, 1]} : vector<128x128xf32> to vector<128x64xf32>
    %slice3A_2602 = vector.extract_strided_slice %select_n3A_2596 {offsets = [0, 0], sizes = [128, 64], strides = [1, 1]} : vector<128x128xf32> to vector<128x64xf32>
    %concatenate3A_2603 = tpu.concatenate %slice3A_2601, %slice3A_2602 in 1 : vector<128x64xf32>, vector<128x64xf32> -> vector<128x128xf32>
    %iota3A_2604 = tpu.iota {dimensions = array<i32: 1>} : vector<128x128xi32>
    %and3A_2605 = arith.constant 64 : i32
    %and3A_2606 = vector.broadcast %and3A_2605 : i32 to vector<128x128xi32>
    %and3A_2607 = arith.andi %iota3A_2604, %and3A_2606 : vector<128x128xi32>
    %ne3A_2608 = arith.constant 0 : i32
    %ne3A_2609 = vector.broadcast %ne3A_2608 : i32 to vector<128x128xi32>
    %ne3A_2610 = arith.cmpi ne, %and3A_2607, %ne3A_2609 : vector<128x128xi32>
    %select_n3A_2611 = arith.select %ne3A_2610, %concatenate3A_2603, %concatenate3A_2600 : vector<128x128xi1>, vector<128x128xf32>
    %slice3A_2612 = vector.extract_strided_slice %select_n3A_2597 {offsets = [0, 64], sizes = [128, 64], strides = [1, 1]} : vector<128x128xi32> to vector<128x64xi32>
    %slice3A_2613 = vector.extract_strided_slice %select_n3A_2597 {offsets = [0, 0], sizes = [128, 64], strides = [1, 1]} : vector<128x128xi32> to vector<128x64xi32>
    %concatenate3A_2614 = tpu.concatenate %slice3A_2612, %slice3A_2613 in 1 : vector<128x64xi32>, vector<128x64xi32> -> vector<128x128xi32>
    %slice3A_2615 = vector.extract_strided_slice %select_n3A_2597 {offsets = [0, 64], sizes = [128, 64], strides = [1, 1]} : vector<128x128xi32> to vector<128x64xi32>
    %slice3A_2616 = vector.extract_strided_slice %select_n3A_2597 {offsets = [0, 0], sizes = [128, 64], strides = [1, 1]} : vector<128x128xi32> to vector<128x64xi32>
    %concatenate3A_2617 = tpu.concatenate %slice3A_2615, %slice3A_2616 in 1 : vector<128x64xi32>, vector<128x64xi32> -> vector<128x128xi32>
    %iota3A_2618 = tpu.iota {dimensions = array<i32: 1>} : vector<128x128xi32>
    %and3A_2619 = arith.constant 64 : i32
    %and3A_2620 = vector.broadcast %and3A_2619 : i32 to vector<128x128xi32>
    %and3A_2621 = arith.andi %iota3A_2618, %and3A_2620 : vector<128x128xi32>
    %ne3A_2622 = arith.constant 0 : i32
    %ne3A_2623 = vector.broadcast %ne3A_2622 : i32 to vector<128x128xi32>
    %ne3A_2624 = arith.cmpi ne, %and3A_2621, %ne3A_2623 : vector<128x128xi32>
    %select_n3A_2625 = arith.select %ne3A_2624, %concatenate3A_2617, %concatenate3A_2614 : vector<128x128xi1>, vector<128x128xi32>
    %and3A_2626 = arith.constant 64 : i32
    %and3A_2627 = vector.broadcast %and3A_2626 : i32 to vector<128x128xi32>
    %and3A_2628 = arith.andi %add3A, %and3A_2627 : vector<128x128xi32>
    %ne3A_2629 = arith.constant 0 : i32
    %ne3A_2630 = vector.broadcast %ne3A_2629 : i32 to vector<128x128xi32>
    %ne3A_2631 = arith.cmpi ne, %and3A_2628, %ne3A_2630 : vector<128x128xi32>
    %gt3A_2632 = arith.cmpf ogt, %select_n3A_2611, %select_n3A_2596 : vector<128x128xf32>
    %eq3A_2633 = arith.cmpf oeq, %select_n3A_2611, %select_n3A_2596 : vector<128x128xf32>
    %lt3A_2634 = arith.cmpi slt, %select_n3A_2625, %select_n3A_2597 : vector<128x128xi32>
    %and3A_2635 = arith.andi %eq3A_2633, %lt3A_2634 : vector<128x128xi1>
    %or3A_2636 = arith.ori %gt3A_2632, %and3A_2635 : vector<128x128xi1>
    %xor3A_2637 = arith.xori %or3A_2636, %ne3A_2631 : vector<128x128xi1>
    %xor3A_2638 = arith.xori %xor3A_2637, %ne3A_2425 : vector<128x128xi1>
    %select_n3A_2639 = arith.select %xor3A_2638, %select_n3A_2611, %select_n3A_2596 : vector<128x128xi1>, vector<128x128xf32>
    %select_n3A_2640 = arith.select %xor3A_2638, %select_n3A_2625, %select_n3A_2597 : vector<128x128xi1>, vector<128x128xi32>
    %slice3A_2641 = vector.extract_strided_slice %select_n3A_2639 {offsets = [0, 32], sizes = [128, 96], strides = [1, 1]} : vector<128x128xf32> to vector<128x96xf32>
    %slice3A_2642 = vector.extract_strided_slice %select_n3A_2639 {offsets = [0, 0], sizes = [128, 32], strides = [1, 1]} : vector<128x128xf32> to vector<128x32xf32>
    %concatenate3A_2643 = tpu.concatenate %slice3A_2641, %slice3A_2642 in 1 : vector<128x96xf32>, vector<128x32xf32> -> vector<128x128xf32>
    %slice3A_2644 = vector.extract_strided_slice %select_n3A_2639 {offsets = [0, 96], sizes = [128, 32], strides = [1, 1]} : vector<128x128xf32> to vector<128x32xf32>
    %slice3A_2645 = vector.extract_strided_slice %select_n3A_2639 {offsets = [0, 0], sizes = [128, 96], strides = [1, 1]} : vector<128x128xf32> to vector<128x96xf32>
    %concatenate3A_2646 = tpu.concatenate %slice3A_2644, %slice3A_2645 in 1 : vector<128x32xf32>, vector<128x96xf32> -> vector<128x128xf32>
    %iota3A_2647 = tpu.iota {dimensions = array<i32: 1>} : vector<128x128xi32>
    %and3A_2648 = arith.constant 32 : i32
    %and3A_2649 = vector.broadcast %and3A_2648 : i32 to vector<128x128xi32>
    %and3A_2650 = arith.andi %iota3A_2647, %and3A_2649 : vector<128x128xi32>
    %ne3A_2651 = arith.constant 0 : i32
    %ne3A_2652 = vector.broadcast %ne3A_2651 : i32 to vector<128x128xi32>
    %ne3A_2653 = arith.cmpi ne, %and3A_2650, %ne3A_2652 : vector<128x128xi32>
    %select_n3A_2654 = arith.select %ne3A_2653, %concatenate3A_2646, %concatenate3A_2643 : vector<128x128xi1>, vector<128x128xf32>
    %slice3A_2655 = vector.extract_strided_slice %select_n3A_2640 {offsets = [0, 32], sizes = [128, 96], strides = [1, 1]} : vector<128x128xi32> to vector<128x96xi32>
    %slice3A_2656 = vector.extract_strided_slice %select_n3A_2640 {offsets = [0, 0], sizes = [128, 32], strides = [1, 1]} : vector<128x128xi32> to vector<128x32xi32>
    %concatenate3A_2657 = tpu.concatenate %slice3A_2655, %slice3A_2656 in 1 : vector<128x96xi32>, vector<128x32xi32> -> vector<128x128xi32>
    %slice3A_2658 = vector.extract_strided_slice %select_n3A_2640 {offsets = [0, 96], sizes = [128, 32], strides = [1, 1]} : vector<128x128xi32> to vector<128x32xi32>
    %slice3A_2659 = vector.extract_strided_slice %select_n3A_2640 {offsets = [0, 0], sizes = [128, 96], strides = [1, 1]} : vector<128x128xi32> to vector<128x96xi32>
    %concatenate3A_2660 = tpu.concatenate %slice3A_2658, %slice3A_2659 in 1 : vector<128x32xi32>, vector<128x96xi32> -> vector<128x128xi32>
    %iota3A_2661 = tpu.iota {dimensions = array<i32: 1>} : vector<128x128xi32>
    %and3A_2662 = arith.constant 32 : i32
    %and3A_2663 = vector.broadcast %and3A_2662 : i32 to vector<128x128xi32>
    %and3A_2664 = arith.andi %iota3A_2661, %and3A_2663 : vector<128x128xi32>
    %ne3A_2665 = arith.constant 0 : i32
    %ne3A_2666 = vector.broadcast %ne3A_2665 : i32 to vector<128x128xi32>
    %ne3A_2667 = arith.cmpi ne, %and3A_2664, %ne3A_2666 : vector<128x128xi32>
    %select_n3A_2668 = arith.select %ne3A_2667, %concatenate3A_2660, %concatenate3A_2657 : vector<128x128xi1>, vector<128x128xi32>
    %and3A_2669 = arith.constant 32 : i32
    %and3A_2670 = vector.broadcast %and3A_2669 : i32 to vector<128x128xi32>
    %and3A_2671 = arith.andi %add3A, %and3A_2670 : vector<128x128xi32>
    %ne3A_2672 = arith.constant 0 : i32
    %ne3A_2673 = vector.broadcast %ne3A_2672 : i32 to vector<128x128xi32>
    %ne3A_2674 = arith.cmpi ne, %and3A_2671, %ne3A_2673 : vector<128x128xi32>
    %gt3A_2675 = arith.cmpf ogt, %select_n3A_2654, %select_n3A_2639 : vector<128x128xf32>
    %eq3A_2676 = arith.cmpf oeq, %select_n3A_2654, %select_n3A_2639 : vector<128x128xf32>
    %lt3A_2677 = arith.cmpi slt, %select_n3A_2668, %select_n3A_2640 : vector<128x128xi32>
    %and3A_2678 = arith.andi %eq3A_2676, %lt3A_2677 : vector<128x128xi1>
    %or3A_2679 = arith.ori %gt3A_2675, %and3A_2678 : vector<128x128xi1>
    %xor3A_2680 = arith.xori %or3A_2679, %ne3A_2674 : vector<128x128xi1>
    %xor3A_2681 = arith.xori %xor3A_2680, %ne3A_2425 : vector<128x128xi1>
    %select_n3A_2682 = arith.select %xor3A_2681, %select_n3A_2654, %select_n3A_2639 : vector<128x128xi1>, vector<128x128xf32>
    %select_n3A_2683 = arith.select %xor3A_2681, %select_n3A_2668, %select_n3A_2640 : vector<128x128xi1>, vector<128x128xi32>
    %slice3A_2684 = vector.extract_strided_slice %select_n3A_2682 {offsets = [0, 16], sizes = [128, 112], strides = [1, 1]} : vector<128x128xf32> to vector<128x112xf32>
    %slice3A_2685 = vector.extract_strided_slice %select_n3A_2682 {offsets = [0, 0], sizes = [128, 16], strides = [1, 1]} : vector<128x128xf32> to vector<128x16xf32>
    %concatenate3A_2686 = tpu.concatenate %slice3A_2684, %slice3A_2685 in 1 : vector<128x112xf32>, vector<128x16xf32> -> vector<128x128xf32>
    %slice3A_2687 = vector.extract_strided_slice %select_n3A_2682 {offsets = [0, 112], sizes = [128, 16], strides = [1, 1]} : vector<128x128xf32> to vector<128x16xf32>
    %slice3A_2688 = vector.extract_strided_slice %select_n3A_2682 {offsets = [0, 0], sizes = [128, 112], strides = [1, 1]} : vector<128x128xf32> to vector<128x112xf32>
    %concatenate3A_2689 = tpu.concatenate %slice3A_2687, %slice3A_2688 in 1 : vector<128x16xf32>, vector<128x112xf32> -> vector<128x128xf32>
    %iota3A_2690 = tpu.iota {dimensions = array<i32: 1>} : vector<128x128xi32>
    %and3A_2691 = arith.constant 16 : i32
    %and3A_2692 = vector.broadcast %and3A_2691 : i32 to vector<128x128xi32>
    %and3A_2693 = arith.andi %iota3A_2690, %and3A_2692 : vector<128x128xi32>
    %ne3A_2694 = arith.constant 0 : i32
    %ne3A_2695 = vector.broadcast %ne3A_2694 : i32 to vector<128x128xi32>
    %ne3A_2696 = arith.cmpi ne, %and3A_2693, %ne3A_2695 : vector<128x128xi32>
    %select_n3A_2697 = arith.select %ne3A_2696, %concatenate3A_2689, %concatenate3A_2686 : vector<128x128xi1>, vector<128x128xf32>
    %slice3A_2698 = vector.extract_strided_slice %select_n3A_2683 {offsets = [0, 16], sizes = [128, 112], strides = [1, 1]} : vector<128x128xi32> to vector<128x112xi32>
    %slice3A_2699 = vector.extract_strided_slice %select_n3A_2683 {offsets = [0, 0], sizes = [128, 16], strides = [1, 1]} : vector<128x128xi32> to vector<128x16xi32>
    %concatenate3A_2700 = tpu.concatenate %slice3A_2698, %slice3A_2699 in 1 : vector<128x112xi32>, vector<128x16xi32> -> vector<128x128xi32>
    %slice3A_2701 = vector.extract_strided_slice %select_n3A_2683 {offsets = [0, 112], sizes = [128, 16], strides = [1, 1]} : vector<128x128xi32> to vector<128x16xi32>
    %slice3A_2702 = vector.extract_strided_slice %select_n3A_2683 {offsets = [0, 0], sizes = [128, 112], strides = [1, 1]} : vector<128x128xi32> to vector<128x112xi32>
    %concatenate3A_2703 = tpu.concatenate %slice3A_2701, %slice3A_2702 in 1 : vector<128x16xi32>, vector<128x112xi32> -> vector<128x128xi32>
    %iota3A_2704 = tpu.iota {dimensions = array<i32: 1>} : vector<128x128xi32>
    %and3A_2705 = arith.constant 16 : i32
    %and3A_2706 = vector.broadcast %and3A_2705 : i32 to vector<128x128xi32>
    %and3A_2707 = arith.andi %iota3A_2704, %and3A_2706 : vector<128x128xi32>
    %ne3A_2708 = arith.constant 0 : i32
    %ne3A_2709 = vector.broadcast %ne3A_2708 : i32 to vector<128x128xi32>
    %ne3A_2710 = arith.cmpi ne, %and3A_2707, %ne3A_2709 : vector<128x128xi32>
    %select_n3A_2711 = arith.select %ne3A_2710, %concatenate3A_2703, %concatenate3A_2700 : vector<128x128xi1>, vector<128x128xi32>
    %and3A_2712 = arith.constant 16 : i32
    %and3A_2713 = vector.broadcast %and3A_2712 : i32 to vector<128x128xi32>
    %and3A_2714 = arith.andi %add3A, %and3A_2713 : vector<128x128xi32>
    %ne3A_2715 = arith.constant 0 : i32
    %ne3A_2716 = vector.broadcast %ne3A_2715 : i32 to vector<128x128xi32>
    %ne3A_2717 = arith.cmpi ne, %and3A_2714, %ne3A_2716 : vector<128x128xi32>
    %gt3A_2718 = arith.cmpf ogt, %select_n3A_2697, %select_n3A_2682 : vector<128x128xf32>
    %eq3A_2719 = arith.cmpf oeq, %select_n3A_2697, %select_n3A_2682 : vector<128x128xf32>
    %lt3A_2720 = arith.cmpi slt, %select_n3A_2711, %select_n3A_2683 : vector<128x128xi32>
    %and3A_2721 = arith.andi %eq3A_2719, %lt3A_2720 : vector<128x128xi1>
    %or3A_2722 = arith.ori %gt3A_2718, %and3A_2721 : vector<128x128xi1>
    %xor3A_2723 = arith.xori %or3A_2722, %ne3A_2717 : vector<128x128xi1>
    %xor3A_2724 = arith.xori %xor3A_2723, %ne3A_2425 : vector<128x128xi1>
    %select_n3A_2725 = arith.select %xor3A_2724, %select_n3A_2697, %select_n3A_2682 : vector<128x128xi1>, vector<128x128xf32>
    %select_n3A_2726 = arith.select %xor3A_2724, %select_n3A_2711, %select_n3A_2683 : vector<128x128xi1>, vector<128x128xi32>
    %slice3A_2727 = vector.extract_strided_slice %select_n3A_2725 {offsets = [0, 8], sizes = [128, 120], strides = [1, 1]} : vector<128x128xf32> to vector<128x120xf32>
    %slice3A_2728 = vector.extract_strided_slice %select_n3A_2725 {offsets = [0, 0], sizes = [128, 8], strides = [1, 1]} : vector<128x128xf32> to vector<128x8xf32>
    %concatenate3A_2729 = tpu.concatenate %slice3A_2727, %slice3A_2728 in 1 : vector<128x120xf32>, vector<128x8xf32> -> vector<128x128xf32>
    %slice3A_2730 = vector.extract_strided_slice %select_n3A_2725 {offsets = [0, 120], sizes = [128, 8], strides = [1, 1]} : vector<128x128xf32> to vector<128x8xf32>
    %slice3A_2731 = vector.extract_strided_slice %select_n3A_2725 {offsets = [0, 0], sizes = [128, 120], strides = [1, 1]} : vector<128x128xf32> to vector<128x120xf32>
    %concatenate3A_2732 = tpu.concatenate %slice3A_2730, %slice3A_2731 in 1 : vector<128x8xf32>, vector<128x120xf32> -> vector<128x128xf32>
    %iota3A_2733 = tpu.iota {dimensions = array<i32: 1>} : vector<128x128xi32>
    %and3A_2734 = arith.constant 8 : i32
    %and3A_2735 = vector.broadcast %and3A_2734 : i32 to vector<128x128xi32>
    %and3A_2736 = arith.andi %iota3A_2733, %and3A_2735 : vector<128x128xi32>
    %ne3A_2737 = arith.constant 0 : i32
    %ne3A_2738 = vector.broadcast %ne3A_2737 : i32 to vector<128x128xi32>
    %ne3A_2739 = arith.cmpi ne, %and3A_2736, %ne3A_2738 : vector<128x128xi32>
    %select_n3A_2740 = arith.select %ne3A_2739, %concatenate3A_2732, %concatenate3A_2729 : vector<128x128xi1>, vector<128x128xf32>
    %slice3A_2741 = vector.extract_strided_slice %select_n3A_2726 {offsets = [0, 8], sizes = [128, 120], strides = [1, 1]} : vector<128x128xi32> to vector<128x120xi32>
    %slice3A_2742 = vector.extract_strided_slice %select_n3A_2726 {offsets = [0, 0], sizes = [128, 8], strides = [1, 1]} : vector<128x128xi32> to vector<128x8xi32>
    %concatenate3A_2743 = tpu.concatenate %slice3A_2741, %slice3A_2742 in 1 : vector<128x120xi32>, vector<128x8xi32> -> vector<128x128xi32>
    %slice3A_2744 = vector.extract_strided_slice %select_n3A_2726 {offsets = [0, 120], sizes = [128, 8], strides = [1, 1]} : vector<128x128xi32> to vector<128x8xi32>
    %slice3A_2745 = vector.extract_strided_slice %select_n3A_2726 {offsets = [0, 0], sizes = [128, 120], strides = [1, 1]} : vector<128x128xi32> to vector<128x120xi32>
    %concatenate3A_2746 = tpu.concatenate %slice3A_2744, %slice3A_2745 in 1 : vector<128x8xi32>, vector<128x120xi32> -> vector<128x128xi32>
    %iota3A_2747 = tpu.iota {dimensions = array<i32: 1>} : vector<128x128xi32>
    %and3A_2748 = arith.constant 8 : i32
    %and3A_2749 = vector.broadcast %and3A_2748 : i32 to vector<128x128xi32>
    %and3A_2750 = arith.andi %iota3A_2747, %and3A_2749 : vector<128x128xi32>
    %ne3A_2751 = arith.constant 0 : i32
    %ne3A_2752 = vector.broadcast %ne3A_2751 : i32 to vector<128x128xi32>
    %ne3A_2753 = arith.cmpi ne, %and3A_2750, %ne3A_2752 : vector<128x128xi32>
    %select_n3A_2754 = arith.select %ne3A_2753, %concatenate3A_2746, %concatenate3A_2743 : vector<128x128xi1>, vector<128x128xi32>
    %and3A_2755 = arith.constant 8 : i32
    %and3A_2756 = vector.broadcast %and3A_2755 : i32 to vector<128x128xi32>
    %and3A_2757 = arith.andi %add3A, %and3A_2756 : vector<128x128xi32>
    %ne3A_2758 = arith.constant 0 : i32
    %ne3A_2759 = vector.broadcast %ne3A_2758 : i32 to vector<128x128xi32>
    %ne3A_2760 = arith.cmpi ne, %and3A_2757, %ne3A_2759 : vector<128x128xi32>
    %gt3A_2761 = arith.cmpf ogt, %select_n3A_2740, %select_n3A_2725 : vector<128x128xf32>
    %eq3A_2762 = arith.cmpf oeq, %select_n3A_2740, %select_n3A_2725 : vector<128x128xf32>
    %lt3A_2763 = arith.cmpi slt, %select_n3A_2754, %select_n3A_2726 : vector<128x128xi32>
    %and3A_2764 = arith.andi %eq3A_2762, %lt3A_2763 : vector<128x128xi1>
    %or3A_2765 = arith.ori %gt3A_2761, %and3A_2764 : vector<128x128xi1>
    %xor3A_2766 = arith.xori %or3A_2765, %ne3A_2760 : vector<128x128xi1>
    %xor3A_2767 = arith.xori %xor3A_2766, %ne3A_2425 : vector<128x128xi1>
    %select_n3A_2768 = arith.select %xor3A_2767, %select_n3A_2740, %select_n3A_2725 : vector<128x128xi1>, vector<128x128xf32>
    %select_n3A_2769 = arith.select %xor3A_2767, %select_n3A_2754, %select_n3A_2726 : vector<128x128xi1>, vector<128x128xi32>
    %slice3A_2770 = vector.extract_strided_slice %select_n3A_2768 {offsets = [0, 4], sizes = [128, 124], strides = [1, 1]} : vector<128x128xf32> to vector<128x124xf32>
    %slice3A_2771 = vector.extract_strided_slice %select_n3A_2768 {offsets = [0, 0], sizes = [128, 4], strides = [1, 1]} : vector<128x128xf32> to vector<128x4xf32>
    %concatenate3A_2772 = tpu.concatenate %slice3A_2770, %slice3A_2771 in 1 : vector<128x124xf32>, vector<128x4xf32> -> vector<128x128xf32>
    %slice3A_2773 = vector.extract_strided_slice %select_n3A_2768 {offsets = [0, 124], sizes = [128, 4], strides = [1, 1]} : vector<128x128xf32> to vector<128x4xf32>
    %slice3A_2774 = vector.extract_strided_slice %select_n3A_2768 {offsets = [0, 0], sizes = [128, 124], strides = [1, 1]} : vector<128x128xf32> to vector<128x124xf32>
    %concatenate3A_2775 = tpu.concatenate %slice3A_2773, %slice3A_2774 in 1 : vector<128x4xf32>, vector<128x124xf32> -> vector<128x128xf32>
    %iota3A_2776 = tpu.iota {dimensions = array<i32: 1>} : vector<128x128xi32>
    %and3A_2777 = arith.constant 4 : i32
    %and3A_2778 = vector.broadcast %and3A_2777 : i32 to vector<128x128xi32>
    %and3A_2779 = arith.andi %iota3A_2776, %and3A_2778 : vector<128x128xi32>
    %ne3A_2780 = arith.constant 0 : i32
    %ne3A_2781 = vector.broadcast %ne3A_2780 : i32 to vector<128x128xi32>
    %ne3A_2782 = arith.cmpi ne, %and3A_2779, %ne3A_2781 : vector<128x128xi32>
    %select_n3A_2783 = arith.select %ne3A_2782, %concatenate3A_2775, %concatenate3A_2772 : vector<128x128xi1>, vector<128x128xf32>
    %slice3A_2784 = vector.extract_strided_slice %select_n3A_2769 {offsets = [0, 4], sizes = [128, 124], strides = [1, 1]} : vector<128x128xi32> to vector<128x124xi32>
    %slice3A_2785 = vector.extract_strided_slice %select_n3A_2769 {offsets = [0, 0], sizes = [128, 4], strides = [1, 1]} : vector<128x128xi32> to vector<128x4xi32>
    %concatenate3A_2786 = tpu.concatenate %slice3A_2784, %slice3A_2785 in 1 : vector<128x124xi32>, vector<128x4xi32> -> vector<128x128xi32>
    %slice3A_2787 = vector.extract_strided_slice %select_n3A_2769 {offsets = [0, 124], sizes = [128, 4], strides = [1, 1]} : vector<128x128xi32> to vector<128x4xi32>
    %slice3A_2788 = vector.extract_strided_slice %select_n3A_2769 {offsets = [0, 0], sizes = [128, 124], strides = [1, 1]} : vector<128x128xi32> to vector<128x124xi32>
    %concatenate3A_2789 = tpu.concatenate %slice3A_2787, %slice3A_2788 in 1 : vector<128x4xi32>, vector<128x124xi32> -> vector<128x128xi32>
    %iota3A_2790 = tpu.iota {dimensions = array<i32: 1>} : vector<128x128xi32>
    %and3A_2791 = arith.constant 4 : i32
    %and3A_2792 = vector.broadcast %and3A_2791 : i32 to vector<128x128xi32>
    %and3A_2793 = arith.andi %iota3A_2790, %and3A_2792 : vector<128x128xi32>
    %ne3A_2794 = arith.constant 0 : i32
    %ne3A_2795 = vector.broadcast %ne3A_2794 : i32 to vector<128x128xi32>
    %ne3A_2796 = arith.cmpi ne, %and3A_2793, %ne3A_2795 : vector<128x128xi32>
    %select_n3A_2797 = arith.select %ne3A_2796, %concatenate3A_2789, %concatenate3A_2786 : vector<128x128xi1>, vector<128x128xi32>
    %and3A_2798 = arith.constant 4 : i32
    %and3A_2799 = vector.broadcast %and3A_2798 : i32 to vector<128x128xi32>
    %and3A_2800 = arith.andi %add3A, %and3A_2799 : vector<128x128xi32>
    %ne3A_2801 = arith.constant 0 : i32
    %ne3A_2802 = vector.broadcast %ne3A_2801 : i32 to vector<128x128xi32>
    %ne3A_2803 = arith.cmpi ne, %and3A_2800, %ne3A_2802 : vector<128x128xi32>
    %gt3A_2804 = arith.cmpf ogt, %select_n3A_2783, %select_n3A_2768 : vector<128x128xf32>
    %eq3A_2805 = arith.cmpf oeq, %select_n3A_2783, %select_n3A_2768 : vector<128x128xf32>
    %lt3A_2806 = arith.cmpi slt, %select_n3A_2797, %select_n3A_2769 : vector<128x128xi32>
    %and3A_2807 = arith.andi %eq3A_2805, %lt3A_2806 : vector<128x128xi1>
    %or3A_2808 = arith.ori %gt3A_2804, %and3A_2807 : vector<128x128xi1>
    %xor3A_2809 = arith.xori %or3A_2808, %ne3A_2803 : vector<128x128xi1>
    %xor3A_2810 = arith.xori %xor3A_2809, %ne3A_2425 : vector<128x128xi1>
    %select_n3A_2811 = arith.select %xor3A_2810, %select_n3A_2783, %select_n3A_2768 : vector<128x128xi1>, vector<128x128xf32>
    %select_n3A_2812 = arith.select %xor3A_2810, %select_n3A_2797, %select_n3A_2769 : vector<128x128xi1>, vector<128x128xi32>
    %slice3A_2813 = vector.extract_strided_slice %select_n3A_2811 {offsets = [0, 2], sizes = [128, 126], strides = [1, 1]} : vector<128x128xf32> to vector<128x126xf32>
    %slice3A_2814 = vector.extract_strided_slice %select_n3A_2811 {offsets = [0, 0], sizes = [128, 2], strides = [1, 1]} : vector<128x128xf32> to vector<128x2xf32>
    %concatenate3A_2815 = tpu.concatenate %slice3A_2813, %slice3A_2814 in 1 : vector<128x126xf32>, vector<128x2xf32> -> vector<128x128xf32>
    %slice3A_2816 = vector.extract_strided_slice %select_n3A_2811 {offsets = [0, 126], sizes = [128, 2], strides = [1, 1]} : vector<128x128xf32> to vector<128x2xf32>
    %slice3A_2817 = vector.extract_strided_slice %select_n3A_2811 {offsets = [0, 0], sizes = [128, 126], strides = [1, 1]} : vector<128x128xf32> to vector<128x126xf32>
    %concatenate3A_2818 = tpu.concatenate %slice3A_2816, %slice3A_2817 in 1 : vector<128x2xf32>, vector<128x126xf32> -> vector<128x128xf32>
    %iota3A_2819 = tpu.iota {dimensions = array<i32: 1>} : vector<128x128xi32>
    %and3A_2820 = arith.constant 2 : i32
    %and3A_2821 = vector.broadcast %and3A_2820 : i32 to vector<128x128xi32>
    %and3A_2822 = arith.andi %iota3A_2819, %and3A_2821 : vector<128x128xi32>
    %ne3A_2823 = arith.constant 0 : i32
    %ne3A_2824 = vector.broadcast %ne3A_2823 : i32 to vector<128x128xi32>
    %ne3A_2825 = arith.cmpi ne, %and3A_2822, %ne3A_2824 : vector<128x128xi32>
    %select_n3A_2826 = arith.select %ne3A_2825, %concatenate3A_2818, %concatenate3A_2815 : vector<128x128xi1>, vector<128x128xf32>
    %slice3A_2827 = vector.extract_strided_slice %select_n3A_2812 {offsets = [0, 2], sizes = [128, 126], strides = [1, 1]} : vector<128x128xi32> to vector<128x126xi32>
    %slice3A_2828 = vector.extract_strided_slice %select_n3A_2812 {offsets = [0, 0], sizes = [128, 2], strides = [1, 1]} : vector<128x128xi32> to vector<128x2xi32>
    %concatenate3A_2829 = tpu.concatenate %slice3A_2827, %slice3A_2828 in 1 : vector<128x126xi32>, vector<128x2xi32> -> vector<128x128xi32>
    %slice3A_2830 = vector.extract_strided_slice %select_n3A_2812 {offsets = [0, 126], sizes = [128, 2], strides = [1, 1]} : vector<128x128xi32> to vector<128x2xi32>
    %slice3A_2831 = vector.extract_strided_slice %select_n3A_2812 {offsets = [0, 0], sizes = [128, 126], strides = [1, 1]} : vector<128x128xi32> to vector<128x126xi32>
    %concatenate3A_2832 = tpu.concatenate %slice3A_2830, %slice3A_2831 in 1 : vector<128x2xi32>, vector<128x126xi32> -> vector<128x128xi32>
    %iota3A_2833 = tpu.iota {dimensions = array<i32: 1>} : vector<128x128xi32>
    %and3A_2834 = arith.constant 2 : i32
    %and3A_2835 = vector.broadcast %and3A_2834 : i32 to vector<128x128xi32>
    %and3A_2836 = arith.andi %iota3A_2833, %and3A_2835 : vector<128x128xi32>
    %ne3A_2837 = arith.constant 0 : i32
    %ne3A_2838 = vector.broadcast %ne3A_2837 : i32 to vector<128x128xi32>
    %ne3A_2839 = arith.cmpi ne, %and3A_2836, %ne3A_2838 : vector<128x128xi32>
    %select_n3A_2840 = arith.select %ne3A_2839, %concatenate3A_2832, %concatenate3A_2829 : vector<128x128xi1>, vector<128x128xi32>
    %and3A_2841 = arith.constant 2 : i32
    %and3A_2842 = vector.broadcast %and3A_2841 : i32 to vector<128x128xi32>
    %and3A_2843 = arith.andi %add3A, %and3A_2842 : vector<128x128xi32>
    %ne3A_2844 = arith.constant 0 : i32
    %ne3A_2845 = vector.broadcast %ne3A_2844 : i32 to vector<128x128xi32>
    %ne3A_2846 = arith.cmpi ne, %and3A_2843, %ne3A_2845 : vector<128x128xi32>
    %gt3A_2847 = arith.cmpf ogt, %select_n3A_2826, %select_n3A_2811 : vector<128x128xf32>
    %eq3A_2848 = arith.cmpf oeq, %select_n3A_2826, %select_n3A_2811 : vector<128x128xf32>
    %lt3A_2849 = arith.cmpi slt, %select_n3A_2840, %select_n3A_2812 : vector<128x128xi32>
    %and3A_2850 = arith.andi %eq3A_2848, %lt3A_2849 : vector<128x128xi1>
    %or3A_2851 = arith.ori %gt3A_2847, %and3A_2850 : vector<128x128xi1>
    %xor3A_2852 = arith.xori %or3A_2851, %ne3A_2846 : vector<128x128xi1>
    %xor3A_2853 = arith.xori %xor3A_2852, %ne3A_2425 : vector<128x128xi1>
    %select_n3A_2854 = arith.select %xor3A_2853, %select_n3A_2826, %select_n3A_2811 : vector<128x128xi1>, vector<128x128xf32>
    %select_n3A_2855 = arith.select %xor3A_2853, %select_n3A_2840, %select_n3A_2812 : vector<128x128xi1>, vector<128x128xi32>
    %slice3A_2856 = vector.extract_strided_slice %select_n3A_2854 {offsets = [0, 1], sizes = [128, 127], strides = [1, 1]} : vector<128x128xf32> to vector<128x127xf32>
    %slice3A_2857 = vector.extract_strided_slice %select_n3A_2854 {offsets = [0, 0], sizes = [128, 1], strides = [1, 1]} : vector<128x128xf32> to vector<128x1xf32>
    %concatenate3A_2858 = tpu.concatenate %slice3A_2856, %slice3A_2857 in 1 : vector<128x127xf32>, vector<128x1xf32> -> vector<128x128xf32>
    %slice3A_2859 = vector.extract_strided_slice %select_n3A_2854 {offsets = [0, 127], sizes = [128, 1], strides = [1, 1]} : vector<128x128xf32> to vector<128x1xf32>
    %slice3A_2860 = vector.extract_strided_slice %select_n3A_2854 {offsets = [0, 0], sizes = [128, 127], strides = [1, 1]} : vector<128x128xf32> to vector<128x127xf32>
    %concatenate3A_2861 = tpu.concatenate %slice3A_2859, %slice3A_2860 in 1 : vector<128x1xf32>, vector<128x127xf32> -> vector<128x128xf32>
    %iota3A_2862 = tpu.iota {dimensions = array<i32: 1>} : vector<128x128xi32>
    %and3A_2863 = arith.constant 1 : i32
    %and3A_2864 = vector.broadcast %and3A_2863 : i32 to vector<128x128xi32>
    %and3A_2865 = arith.andi %iota3A_2862, %and3A_2864 : vector<128x128xi32>
    %ne3A_2866 = arith.constant 0 : i32
    %ne3A_2867 = vector.broadcast %ne3A_2866 : i32 to vector<128x128xi32>
    %ne3A_2868 = arith.cmpi ne, %and3A_2865, %ne3A_2867 : vector<128x128xi32>
    %select_n3A_2869 = arith.select %ne3A_2868, %concatenate3A_2861, %concatenate3A_2858 : vector<128x128xi1>, vector<128x128xf32>
    %slice3A_2870 = vector.extract_strided_slice %select_n3A_2855 {offsets = [0, 1], sizes = [128, 127], strides = [1, 1]} : vector<128x128xi32> to vector<128x127xi32>
    %slice3A_2871 = vector.extract_strided_slice %select_n3A_2855 {offsets = [0, 0], sizes = [128, 1], strides = [1, 1]} : vector<128x128xi32> to vector<128x1xi32>
    %concatenate3A_2872 = tpu.concatenate %slice3A_2870, %slice3A_2871 in 1 : vector<128x127xi32>, vector<128x1xi32> -> vector<128x128xi32>
    %slice3A_2873 = vector.extract_strided_slice %select_n3A_2855 {offsets = [0, 127], sizes = [128, 1], strides = [1, 1]} : vector<128x128xi32> to vector<128x1xi32>
    %slice3A_2874 = vector.extract_strided_slice %select_n3A_2855 {offsets = [0, 0], sizes = [128, 127], strides = [1, 1]} : vector<128x128xi32> to vector<128x127xi32>
    %concatenate3A_2875 = tpu.concatenate %slice3A_2873, %slice3A_2874 in 1 : vector<128x1xi32>, vector<128x127xi32> -> vector<128x128xi32>
    %iota3A_2876 = tpu.iota {dimensions = array<i32: 1>} : vector<128x128xi32>
    %and3A_2877 = arith.constant 1 : i32
    %and3A_2878 = vector.broadcast %and3A_2877 : i32 to vector<128x128xi32>
    %and3A_2879 = arith.andi %iota3A_2876, %and3A_2878 : vector<128x128xi32>
    %ne3A_2880 = arith.constant 0 : i32
    %ne3A_2881 = vector.broadcast %ne3A_2880 : i32 to vector<128x128xi32>
    %ne3A_2882 = arith.cmpi ne, %and3A_2879, %ne3A_2881 : vector<128x128xi32>
    %select_n3A_2883 = arith.select %ne3A_2882, %concatenate3A_2875, %concatenate3A_2872 : vector<128x128xi1>, vector<128x128xi32>
    %and3A_2884 = arith.constant 1 : i32
    %and3A_2885 = vector.broadcast %and3A_2884 : i32 to vector<128x128xi32>
    %and3A_2886 = arith.andi %add3A, %and3A_2885 : vector<128x128xi32>
    %ne3A_2887 = arith.constant 0 : i32
    %ne3A_2888 = vector.broadcast %ne3A_2887 : i32 to vector<128x128xi32>
    %ne3A_2889 = arith.cmpi ne, %and3A_2886, %ne3A_2888 : vector<128x128xi32>
    %gt3A_2890 = arith.cmpf ogt, %select_n3A_2869, %select_n3A_2854 : vector<128x128xf32>
    %eq3A_2891 = arith.cmpf oeq, %select_n3A_2869, %select_n3A_2854 : vector<128x128xf32>
    %lt3A_2892 = arith.cmpi slt, %select_n3A_2883, %select_n3A_2855 : vector<128x128xi32>
    %and3A_2893 = arith.andi %eq3A_2891, %lt3A_2892 : vector<128x128xi1>
    %or3A_2894 = arith.ori %gt3A_2890, %and3A_2893 : vector<128x128xi1>
    %xor3A_2895 = arith.xori %or3A_2894, %ne3A_2889 : vector<128x128xi1>
    %xor3A_2896 = arith.xori %xor3A_2895, %ne3A_2425 : vector<128x128xi1>
    %select_n3A_2897 = arith.select %xor3A_2896, %select_n3A_2869, %select_n3A_2854 : vector<128x128xi1>, vector<128x128xf32>
    %select_n3A_2898 = arith.select %xor3A_2896, %select_n3A_2883, %select_n3A_2855 : vector<128x128xi1>, vector<128x128xi32>
    %and3A_2899 = arith.constant 4096 : i32
    %and3A_2900 = vector.broadcast %and3A_2899 : i32 to vector<128x128xi32>
    %and3A_2901 = arith.andi %add3A, %and3A_2900 : vector<128x128xi32>
    %ne3A_2902 = arith.constant 0 : i32
    %ne3A_2903 = vector.broadcast %ne3A_2902 : i32 to vector<128x128xi32>
    %ne3A_2904 = arith.cmpi ne, %and3A_2901, %ne3A_2903 : vector<128x128xi32>
    %slice3A_2905 = vector.extract_strided_slice %select_n3A_2897 {offsets = [16, 0], sizes = [112, 128], strides = [1, 1]} : vector<128x128xf32> to vector<112x128xf32>
    %slice3A_2906 = vector.extract_strided_slice %select_n3A_2897 {offsets = [0, 0], sizes = [16, 128], strides = [1, 1]} : vector<128x128xf32> to vector<16x128xf32>
    %concatenate3A_2907 = tpu.concatenate %slice3A_2905, %slice3A_2906 in 0 : vector<112x128xf32>, vector<16x128xf32> -> vector<128x128xf32>
    %slice3A_2908 = vector.extract_strided_slice %select_n3A_2897 {offsets = [112, 0], sizes = [16, 128], strides = [1, 1]} : vector<128x128xf32> to vector<16x128xf32>
    %slice3A_2909 = vector.extract_strided_slice %select_n3A_2897 {offsets = [0, 0], sizes = [112, 128], strides = [1, 1]} : vector<128x128xf32> to vector<112x128xf32>
    %concatenate3A_2910 = tpu.concatenate %slice3A_2908, %slice3A_2909 in 0 : vector<16x128xf32>, vector<112x128xf32> -> vector<128x128xf32>
    %iota3A_2911 = tpu.iota {dimensions = array<i32: 0>} : vector<128x128xi32>
    %and3A_2912 = arith.constant 16 : i32
    %and3A_2913 = vector.broadcast %and3A_2912 : i32 to vector<128x128xi32>
    %and3A_2914 = arith.andi %iota3A_2911, %and3A_2913 : vector<128x128xi32>
    %ne3A_2915 = arith.constant 0 : i32
    %ne3A_2916 = vector.broadcast %ne3A_2915 : i32 to vector<128x128xi32>
    %ne3A_2917 = arith.cmpi ne, %and3A_2914, %ne3A_2916 : vector<128x128xi32>
    %select_n3A_2918 = arith.select %ne3A_2917, %concatenate3A_2910, %concatenate3A_2907 : vector<128x128xi1>, vector<128x128xf32>
    %slice3A_2919 = vector.extract_strided_slice %select_n3A_2898 {offsets = [16, 0], sizes = [112, 128], strides = [1, 1]} : vector<128x128xi32> to vector<112x128xi32>
    %slice3A_2920 = vector.extract_strided_slice %select_n3A_2898 {offsets = [0, 0], sizes = [16, 128], strides = [1, 1]} : vector<128x128xi32> to vector<16x128xi32>
    %concatenate3A_2921 = tpu.concatenate %slice3A_2919, %slice3A_2920 in 0 : vector<112x128xi32>, vector<16x128xi32> -> vector<128x128xi32>
    %slice3A_2922 = vector.extract_strided_slice %select_n3A_2898 {offsets = [112, 0], sizes = [16, 128], strides = [1, 1]} : vector<128x128xi32> to vector<16x128xi32>
    %slice3A_2923 = vector.extract_strided_slice %select_n3A_2898 {offsets = [0, 0], sizes = [112, 128], strides = [1, 1]} : vector<128x128xi32> to vector<112x128xi32>
    %concatenate3A_2924 = tpu.concatenate %slice3A_2922, %slice3A_2923 in 0 : vector<16x128xi32>, vector<112x128xi32> -> vector<128x128xi32>
    %iota3A_2925 = tpu.iota {dimensions = array<i32: 0>} : vector<128x128xi32>
    %and3A_2926 = arith.constant 16 : i32
    %and3A_2927 = vector.broadcast %and3A_2926 : i32 to vector<128x128xi32>
    %and3A_2928 = arith.andi %iota3A_2925, %and3A_2927 : vector<128x128xi32>
    %ne3A_2929 = arith.constant 0 : i32
    %ne3A_2930 = vector.broadcast %ne3A_2929 : i32 to vector<128x128xi32>
    %ne3A_2931 = arith.cmpi ne, %and3A_2928, %ne3A_2930 : vector<128x128xi32>
    %select_n3A_2932 = arith.select %ne3A_2931, %concatenate3A_2924, %concatenate3A_2921 : vector<128x128xi1>, vector<128x128xi32>
    %and3A_2933 = arith.constant 2048 : i32
    %and3A_2934 = vector.broadcast %and3A_2933 : i32 to vector<128x128xi32>
    %and3A_2935 = arith.andi %add3A, %and3A_2934 : vector<128x128xi32>
    %ne3A_2936 = arith.constant 0 : i32
    %ne3A_2937 = vector.broadcast %ne3A_2936 : i32 to vector<128x128xi32>
    %ne3A_2938 = arith.cmpi ne, %and3A_2935, %ne3A_2937 : vector<128x128xi32>
    %gt3A_2939 = arith.cmpf ogt, %select_n3A_2918, %select_n3A_2897 : vector<128x128xf32>
    %eq3A_2940 = arith.cmpf oeq, %select_n3A_2918, %select_n3A_2897 : vector<128x128xf32>
    %lt3A_2941 = arith.cmpi slt, %select_n3A_2932, %select_n3A_2898 : vector<128x128xi32>
    %and3A_2942 = arith.andi %eq3A_2940, %lt3A_2941 : vector<128x128xi1>
    %or3A_2943 = arith.ori %gt3A_2939, %and3A_2942 : vector<128x128xi1>
    %xor3A_2944 = arith.xori %or3A_2943, %ne3A_2938 : vector<128x128xi1>
    %xor3A_2945 = arith.xori %xor3A_2944, %ne3A_2904 : vector<128x128xi1>
    %select_n3A_2946 = arith.select %xor3A_2945, %select_n3A_2918, %select_n3A_2897 : vector<128x128xi1>, vector<128x128xf32>
    %select_n3A_2947 = arith.select %xor3A_2945, %select_n3A_2932, %select_n3A_2898 : vector<128x128xi1>, vector<128x128xi32>
    %slice3A_2948 = vector.extract_strided_slice %select_n3A_2946 {offsets = [8, 0], sizes = [120, 128], strides = [1, 1]} : vector<128x128xf32> to vector<120x128xf32>
    %slice3A_2949 = vector.extract_strided_slice %select_n3A_2946 {offsets = [0, 0], sizes = [8, 128], strides = [1, 1]} : vector<128x128xf32> to vector<8x128xf32>
    %concatenate3A_2950 = tpu.concatenate %slice3A_2948, %slice3A_2949 in 0 : vector<120x128xf32>, vector<8x128xf32> -> vector<128x128xf32>
    %slice3A_2951 = vector.extract_strided_slice %select_n3A_2946 {offsets = [120, 0], sizes = [8, 128], strides = [1, 1]} : vector<128x128xf32> to vector<8x128xf32>
    %slice3A_2952 = vector.extract_strided_slice %select_n3A_2946 {offsets = [0, 0], sizes = [120, 128], strides = [1, 1]} : vector<128x128xf32> to vector<120x128xf32>
    %concatenate3A_2953 = tpu.concatenate %slice3A_2951, %slice3A_2952 in 0 : vector<8x128xf32>, vector<120x128xf32> -> vector<128x128xf32>
    %iota3A_2954 = tpu.iota {dimensions = array<i32: 0>} : vector<128x128xi32>
    %and3A_2955 = arith.constant 8 : i32
    %and3A_2956 = vector.broadcast %and3A_2955 : i32 to vector<128x128xi32>
    %and3A_2957 = arith.andi %iota3A_2954, %and3A_2956 : vector<128x128xi32>
    %ne3A_2958 = arith.constant 0 : i32
    %ne3A_2959 = vector.broadcast %ne3A_2958 : i32 to vector<128x128xi32>
    %ne3A_2960 = arith.cmpi ne, %and3A_2957, %ne3A_2959 : vector<128x128xi32>
    %select_n3A_2961 = arith.select %ne3A_2960, %concatenate3A_2953, %concatenate3A_2950 : vector<128x128xi1>, vector<128x128xf32>
    %slice3A_2962 = vector.extract_strided_slice %select_n3A_2947 {offsets = [8, 0], sizes = [120, 128], strides = [1, 1]} : vector<128x128xi32> to vector<120x128xi32>
    %slice3A_2963 = vector.extract_strided_slice %select_n3A_2947 {offsets = [0, 0], sizes = [8, 128], strides = [1, 1]} : vector<128x128xi32> to vector<8x128xi32>
    %concatenate3A_2964 = tpu.concatenate %slice3A_2962, %slice3A_2963 in 0 : vector<120x128xi32>, vector<8x128xi32> -> vector<128x128xi32>
    %slice3A_2965 = vector.extract_strided_slice %select_n3A_2947 {offsets = [120, 0], sizes = [8, 128], strides = [1, 1]} : vector<128x128xi32> to vector<8x128xi32>
    %slice3A_2966 = vector.extract_strided_slice %select_n3A_2947 {offsets = [0, 0], sizes = [120, 128], strides = [1, 1]} : vector<128x128xi32> to vector<120x128xi32>
    %concatenate3A_2967 = tpu.concatenate %slice3A_2965, %slice3A_2966 in 0 : vector<8x128xi32>, vector<120x128xi32> -> vector<128x128xi32>
    %iota3A_2968 = tpu.iota {dimensions = array<i32: 0>} : vector<128x128xi32>
    %and3A_2969 = arith.constant 8 : i32
    %and3A_2970 = vector.broadcast %and3A_2969 : i32 to vector<128x128xi32>
    %and3A_2971 = arith.andi %iota3A_2968, %and3A_2970 : vector<128x128xi32>
    %ne3A_2972 = arith.constant 0 : i32
    %ne3A_2973 = vector.broadcast %ne3A_2972 : i32 to vector<128x128xi32>
    %ne3A_2974 = arith.cmpi ne, %and3A_2971, %ne3A_2973 : vector<128x128xi32>
    %select_n3A_2975 = arith.select %ne3A_2974, %concatenate3A_2967, %concatenate3A_2964 : vector<128x128xi1>, vector<128x128xi32>
    %and3A_2976 = arith.constant 1024 : i32
    %and3A_2977 = vector.broadcast %and3A_2976 : i32 to vector<128x128xi32>
    %and3A_2978 = arith.andi %add3A, %and3A_2977 : vector<128x128xi32>
    %ne3A_2979 = arith.constant 0 : i32
    %ne3A_2980 = vector.broadcast %ne3A_2979 : i32 to vector<128x128xi32>
    %ne3A_2981 = arith.cmpi ne, %and3A_2978, %ne3A_2980 : vector<128x128xi32>
    %gt3A_2982 = arith.cmpf ogt, %select_n3A_2961, %select_n3A_2946 : vector<128x128xf32>
    %eq3A_2983 = arith.cmpf oeq, %select_n3A_2961, %select_n3A_2946 : vector<128x128xf32>
    %lt3A_2984 = arith.cmpi slt, %select_n3A_2975, %select_n3A_2947 : vector<128x128xi32>
    %and3A_2985 = arith.andi %eq3A_2983, %lt3A_2984 : vector<128x128xi1>
    %or3A_2986 = arith.ori %gt3A_2982, %and3A_2985 : vector<128x128xi1>
    %xor3A_2987 = arith.xori %or3A_2986, %ne3A_2981 : vector<128x128xi1>
    %xor3A_2988 = arith.xori %xor3A_2987, %ne3A_2904 : vector<128x128xi1>
    %select_n3A_2989 = arith.select %xor3A_2988, %select_n3A_2961, %select_n3A_2946 : vector<128x128xi1>, vector<128x128xf32>
    %select_n3A_2990 = arith.select %xor3A_2988, %select_n3A_2975, %select_n3A_2947 : vector<128x128xi1>, vector<128x128xi32>
    %slice3A_2991 = vector.extract_strided_slice %select_n3A_2989 {offsets = [4, 0], sizes = [124, 128], strides = [1, 1]} : vector<128x128xf32> to vector<124x128xf32>
    %slice3A_2992 = vector.extract_strided_slice %select_n3A_2989 {offsets = [0, 0], sizes = [4, 128], strides = [1, 1]} : vector<128x128xf32> to vector<4x128xf32>
    %concatenate3A_2993 = tpu.concatenate %slice3A_2991, %slice3A_2992 in 0 : vector<124x128xf32>, vector<4x128xf32> -> vector<128x128xf32>
    %slice3A_2994 = vector.extract_strided_slice %select_n3A_2989 {offsets = [124, 0], sizes = [4, 128], strides = [1, 1]} : vector<128x128xf32> to vector<4x128xf32>
    %slice3A_2995 = vector.extract_strided_slice %select_n3A_2989 {offsets = [0, 0], sizes = [124, 128], strides = [1, 1]} : vector<128x128xf32> to vector<124x128xf32>
    %concatenate3A_2996 = tpu.concatenate %slice3A_2994, %slice3A_2995 in 0 : vector<4x128xf32>, vector<124x128xf32> -> vector<128x128xf32>
    %iota3A_2997 = tpu.iota {dimensions = array<i32: 0>} : vector<128x128xi32>
    %and3A_2998 = arith.constant 4 : i32
    %and3A_2999 = vector.broadcast %and3A_2998 : i32 to vector<128x128xi32>
    %and3A_3000 = arith.andi %iota3A_2997, %and3A_2999 : vector<128x128xi32>
    %ne3A_3001 = arith.constant 0 : i32
    %ne3A_3002 = vector.broadcast %ne3A_3001 : i32 to vector<128x128xi32>
    %ne3A_3003 = arith.cmpi ne, %and3A_3000, %ne3A_3002 : vector<128x128xi32>
    %select_n3A_3004 = arith.select %ne3A_3003, %concatenate3A_2996, %concatenate3A_2993 : vector<128x128xi1>, vector<128x128xf32>
    %slice3A_3005 = vector.extract_strided_slice %select_n3A_2990 {offsets = [4, 0], sizes = [124, 128], strides = [1, 1]} : vector<128x128xi32> to vector<124x128xi32>
    %slice3A_3006 = vector.extract_strided_slice %select_n3A_2990 {offsets = [0, 0], sizes = [4, 128], strides = [1, 1]} : vector<128x128xi32> to vector<4x128xi32>
    %concatenate3A_3007 = tpu.concatenate %slice3A_3005, %slice3A_3006 in 0 : vector<124x128xi32>, vector<4x128xi32> -> vector<128x128xi32>
    %slice3A_3008 = vector.extract_strided_slice %select_n3A_2990 {offsets = [124, 0], sizes = [4, 128], strides = [1, 1]} : vector<128x128xi32> to vector<4x128xi32>
    %slice3A_3009 = vector.extract_strided_slice %select_n3A_2990 {offsets = [0, 0], sizes = [124, 128], strides = [1, 1]} : vector<128x128xi32> to vector<124x128xi32>
    %concatenate3A_3010 = tpu.concatenate %slice3A_3008, %slice3A_3009 in 0 : vector<4x128xi32>, vector<124x128xi32> -> vector<128x128xi32>
    %iota3A_3011 = tpu.iota {dimensions = array<i32: 0>} : vector<128x128xi32>
    %and3A_3012 = arith.constant 4 : i32
    %and3A_3013 = vector.broadcast %and3A_3012 : i32 to vector<128x128xi32>
    %and3A_3014 = arith.andi %iota3A_3011, %and3A_3013 : vector<128x128xi32>
    %ne3A_3015 = arith.constant 0 : i32
    %ne3A_3016 = vector.broadcast %ne3A_3015 : i32 to vector<128x128xi32>
    %ne3A_3017 = arith.cmpi ne, %and3A_3014, %ne3A_3016 : vector<128x128xi32>
    %select_n3A_3018 = arith.select %ne3A_3017, %concatenate3A_3010, %concatenate3A_3007 : vector<128x128xi1>, vector<128x128xi32>
    %and3A_3019 = arith.constant 512 : i32
    %and3A_3020 = vector.broadcast %and3A_3019 : i32 to vector<128x128xi32>
    %and3A_3021 = arith.andi %add3A, %and3A_3020 : vector<128x128xi32>
    %ne3A_3022 = arith.constant 0 : i32
    %ne3A_3023 = vector.broadcast %ne3A_3022 : i32 to vector<128x128xi32>
    %ne3A_3024 = arith.cmpi ne, %and3A_3021, %ne3A_3023 : vector<128x128xi32>
    %gt3A_3025 = arith.cmpf ogt, %select_n3A_3004, %select_n3A_2989 : vector<128x128xf32>
    %eq3A_3026 = arith.cmpf oeq, %select_n3A_3004, %select_n3A_2989 : vector<128x128xf32>
    %lt3A_3027 = arith.cmpi slt, %select_n3A_3018, %select_n3A_2990 : vector<128x128xi32>
    %and3A_3028 = arith.andi %eq3A_3026, %lt3A_3027 : vector<128x128xi1>
    %or3A_3029 = arith.ori %gt3A_3025, %and3A_3028 : vector<128x128xi1>
    %xor3A_3030 = arith.xori %or3A_3029, %ne3A_3024 : vector<128x128xi1>
    %xor3A_3031 = arith.xori %xor3A_3030, %ne3A_2904 : vector<128x128xi1>
    %select_n3A_3032 = arith.select %xor3A_3031, %select_n3A_3004, %select_n3A_2989 : vector<128x128xi1>, vector<128x128xf32>
    %select_n3A_3033 = arith.select %xor3A_3031, %select_n3A_3018, %select_n3A_2990 : vector<128x128xi1>, vector<128x128xi32>
    %slice3A_3034 = vector.extract_strided_slice %select_n3A_3032 {offsets = [2, 0], sizes = [126, 128], strides = [1, 1]} : vector<128x128xf32> to vector<126x128xf32>
    %slice3A_3035 = vector.extract_strided_slice %select_n3A_3032 {offsets = [0, 0], sizes = [2, 128], strides = [1, 1]} : vector<128x128xf32> to vector<2x128xf32>
    %concatenate3A_3036 = tpu.concatenate %slice3A_3034, %slice3A_3035 in 0 : vector<126x128xf32>, vector<2x128xf32> -> vector<128x128xf32>
    %slice3A_3037 = vector.extract_strided_slice %select_n3A_3032 {offsets = [126, 0], sizes = [2, 128], strides = [1, 1]} : vector<128x128xf32> to vector<2x128xf32>
    %slice3A_3038 = vector.extract_strided_slice %select_n3A_3032 {offsets = [0, 0], sizes = [126, 128], strides = [1, 1]} : vector<128x128xf32> to vector<126x128xf32>
    %concatenate3A_3039 = tpu.concatenate %slice3A_3037, %slice3A_3038 in 0 : vector<2x128xf32>, vector<126x128xf32> -> vector<128x128xf32>
    %iota3A_3040 = tpu.iota {dimensions = array<i32: 0>} : vector<128x128xi32>
    %and3A_3041 = arith.constant 2 : i32
    %and3A_3042 = vector.broadcast %and3A_3041 : i32 to vector<128x128xi32>
    %and3A_3043 = arith.andi %iota3A_3040, %and3A_3042 : vector<128x128xi32>
    %ne3A_3044 = arith.constant 0 : i32
    %ne3A_3045 = vector.broadcast %ne3A_3044 : i32 to vector<128x128xi32>
    %ne3A_3046 = arith.cmpi ne, %and3A_3043, %ne3A_3045 : vector<128x128xi32>
    %select_n3A_3047 = arith.select %ne3A_3046, %concatenate3A_3039, %concatenate3A_3036 : vector<128x128xi1>, vector<128x128xf32>
    %slice3A_3048 = vector.extract_strided_slice %select_n3A_3033 {offsets = [2, 0], sizes = [126, 128], strides = [1, 1]} : vector<128x128xi32> to vector<126x128xi32>
    %slice3A_3049 = vector.extract_strided_slice %select_n3A_3033 {offsets = [0, 0], sizes = [2, 128], strides = [1, 1]} : vector<128x128xi32> to vector<2x128xi32>
    %concatenate3A_3050 = tpu.concatenate %slice3A_3048, %slice3A_3049 in 0 : vector<126x128xi32>, vector<2x128xi32> -> vector<128x128xi32>
    %slice3A_3051 = vector.extract_strided_slice %select_n3A_3033 {offsets = [126, 0], sizes = [2, 128], strides = [1, 1]} : vector<128x128xi32> to vector<2x128xi32>
    %slice3A_3052 = vector.extract_strided_slice %select_n3A_3033 {offsets = [0, 0], sizes = [126, 128], strides = [1, 1]} : vector<128x128xi32> to vector<126x128xi32>
    %concatenate3A_3053 = tpu.concatenate %slice3A_3051, %slice3A_3052 in 0 : vector<2x128xi32>, vector<126x128xi32> -> vector<128x128xi32>
    %iota3A_3054 = tpu.iota {dimensions = array<i32: 0>} : vector<128x128xi32>
    %and3A_3055 = arith.constant 2 : i32
    %and3A_3056 = vector.broadcast %and3A_3055 : i32 to vector<128x128xi32>
    %and3A_3057 = arith.andi %iota3A_3054, %and3A_3056 : vector<128x128xi32>
    %ne3A_3058 = arith.constant 0 : i32
    %ne3A_3059 = vector.broadcast %ne3A_3058 : i32 to vector<128x128xi32>
    %ne3A_3060 = arith.cmpi ne, %and3A_3057, %ne3A_3059 : vector<128x128xi32>
    %select_n3A_3061 = arith.select %ne3A_3060, %concatenate3A_3053, %concatenate3A_3050 : vector<128x128xi1>, vector<128x128xi32>
    %and3A_3062 = arith.constant 256 : i32
    %and3A_3063 = vector.broadcast %and3A_3062 : i32 to vector<128x128xi32>
    %and3A_3064 = arith.andi %add3A, %and3A_3063 : vector<128x128xi32>
    %ne3A_3065 = arith.constant 0 : i32
    %ne3A_3066 = vector.broadcast %ne3A_3065 : i32 to vector<128x128xi32>
    %ne3A_3067 = arith.cmpi ne, %and3A_3064, %ne3A_3066 : vector<128x128xi32>
    %gt3A_3068 = arith.cmpf ogt, %select_n3A_3047, %select_n3A_3032 : vector<128x128xf32>
    %eq3A_3069 = arith.cmpf oeq, %select_n3A_3047, %select_n3A_3032 : vector<128x128xf32>
    %lt3A_3070 = arith.cmpi slt, %select_n3A_3061, %select_n3A_3033 : vector<128x128xi32>
    %and3A_3071 = arith.andi %eq3A_3069, %lt3A_3070 : vector<128x128xi1>
    %or3A_3072 = arith.ori %gt3A_3068, %and3A_3071 : vector<128x128xi1>
    %xor3A_3073 = arith.xori %or3A_3072, %ne3A_3067 : vector<128x128xi1>
    %xor3A_3074 = arith.xori %xor3A_3073, %ne3A_2904 : vector<128x128xi1>
    %select_n3A_3075 = arith.select %xor3A_3074, %select_n3A_3047, %select_n3A_3032 : vector<128x128xi1>, vector<128x128xf32>
    %select_n3A_3076 = arith.select %xor3A_3074, %select_n3A_3061, %select_n3A_3033 : vector<128x128xi1>, vector<128x128xi32>
    %slice3A_3077 = vector.extract_strided_slice %select_n3A_3075 {offsets = [1, 0], sizes = [127, 128], strides = [1, 1]} : vector<128x128xf32> to vector<127x128xf32>
    %slice3A_3078 = vector.extract_strided_slice %select_n3A_3075 {offsets = [0, 0], sizes = [1, 128], strides = [1, 1]} : vector<128x128xf32> to vector<1x128xf32>
    %concatenate3A_3079 = tpu.concatenate %slice3A_3077, %slice3A_3078 in 0 : vector<127x128xf32>, vector<1x128xf32> -> vector<128x128xf32>
    %slice3A_3080 = vector.extract_strided_slice %select_n3A_3075 {offsets = [127, 0], sizes = [1, 128], strides = [1, 1]} : vector<128x128xf32> to vector<1x128xf32>
    %slice3A_3081 = vector.extract_strided_slice %select_n3A_3075 {offsets = [0, 0], sizes = [127, 128], strides = [1, 1]} : vector<128x128xf32> to vector<127x128xf32>
    %concatenate3A_3082 = tpu.concatenate %slice3A_3080, %slice3A_3081 in 0 : vector<1x128xf32>, vector<127x128xf32> -> vector<128x128xf32>
    %iota3A_3083 = tpu.iota {dimensions = array<i32: 0>} : vector<128x128xi32>
    %and3A_3084 = arith.constant 1 : i32
    %and3A_3085 = vector.broadcast %and3A_3084 : i32 to vector<128x128xi32>
    %and3A_3086 = arith.andi %iota3A_3083, %and3A_3085 : vector<128x128xi32>
    %ne3A_3087 = arith.constant 0 : i32
    %ne3A_3088 = vector.broadcast %ne3A_3087 : i32 to vector<128x128xi32>
    %ne3A_3089 = arith.cmpi ne, %and3A_3086, %ne3A_3088 : vector<128x128xi32>
    %select_n3A_3090 = arith.select %ne3A_3089, %concatenate3A_3082, %concatenate3A_3079 : vector<128x128xi1>, vector<128x128xf32>
    %slice3A_3091 = vector.extract_strided_slice %select_n3A_3076 {offsets = [1, 0], sizes = [127, 128], strides = [1, 1]} : vector<128x128xi32> to vector<127x128xi32>
    %slice3A_3092 = vector.extract_strided_slice %select_n3A_3076 {offsets = [0, 0], sizes = [1, 128], strides = [1, 1]} : vector<128x128xi32> to vector<1x128xi32>
    %concatenate3A_3093 = tpu.concatenate %slice3A_3091, %slice3A_3092 in 0 : vector<127x128xi32>, vector<1x128xi32> -> vector<128x128xi32>
    %slice3A_3094 = vector.extract_strided_slice %select_n3A_3076 {offsets = [127, 0], sizes = [1, 128], strides = [1, 1]} : vector<128x128xi32> to vector<1x128xi32>
    %slice3A_3095 = vector.extract_strided_slice %select_n3A_3076 {offsets = [0, 0], sizes = [127, 128], strides = [1, 1]} : vector<128x128xi32> to vector<127x128xi32>
    %concatenate3A_3096 = tpu.concatenate %slice3A_3094, %slice3A_3095 in 0 : vector<1x128xi32>, vector<127x128xi32> -> vector<128x128xi32>
    %iota3A_3097 = tpu.iota {dimensions = array<i32: 0>} : vector<128x128xi32>
    %and3A_3098 = arith.constant 1 : i32
    %and3A_3099 = vector.broadcast %and3A_3098 : i32 to vector<128x128xi32>
    %and3A_3100 = arith.andi %iota3A_3097, %and3A_3099 : vector<128x128xi32>
    %ne3A_3101 = arith.constant 0 : i32
    %ne3A_3102 = vector.broadcast %ne3A_3101 : i32 to vector<128x128xi32>
    %ne3A_3103 = arith.cmpi ne, %and3A_3100, %ne3A_3102 : vector<128x128xi32>
    %select_n3A_3104 = arith.select %ne3A_3103, %concatenate3A_3096, %concatenate3A_3093 : vector<128x128xi1>, vector<128x128xi32>
    %and3A_3105 = arith.constant 128 : i32
    %and3A_3106 = vector.broadcast %and3A_3105 : i32 to vector<128x128xi32>
    %and3A_3107 = arith.andi %add3A, %and3A_3106 : vector<128x128xi32>
    %ne3A_3108 = arith.constant 0 : i32
    %ne3A_3109 = vector.broadcast %ne3A_3108 : i32 to vector<128x128xi32>
    %ne3A_3110 = arith.cmpi ne, %and3A_3107, %ne3A_3109 : vector<128x128xi32>
    %gt3A_3111 = arith.cmpf ogt, %select_n3A_3090, %select_n3A_3075 : vector<128x128xf32>
    %eq3A_3112 = arith.cmpf oeq, %select_n3A_3090, %select_n3A_3075 : vector<128x128xf32>
    %lt3A_3113 = arith.cmpi slt, %select_n3A_3104, %select_n3A_3076 : vector<128x128xi32>
    %and3A_3114 = arith.andi %eq3A_3112, %lt3A_3113 : vector<128x128xi1>
    %or3A_3115 = arith.ori %gt3A_3111, %and3A_3114 : vector<128x128xi1>
    %xor3A_3116 = arith.xori %or3A_3115, %ne3A_3110 : vector<128x128xi1>
    %xor3A_3117 = arith.xori %xor3A_3116, %ne3A_2904 : vector<128x128xi1>
    %select_n3A_3118 = arith.select %xor3A_3117, %select_n3A_3090, %select_n3A_3075 : vector<128x128xi1>, vector<128x128xf32>
    %select_n3A_3119 = arith.select %xor3A_3117, %select_n3A_3104, %select_n3A_3076 : vector<128x128xi1>, vector<128x128xi32>
    %slice3A_3120 = vector.extract_strided_slice %select_n3A_3118 {offsets = [0, 64], sizes = [128, 64], strides = [1, 1]} : vector<128x128xf32> to vector<128x64xf32>
    %slice3A_3121 = vector.extract_strided_slice %select_n3A_3118 {offsets = [0, 0], sizes = [128, 64], strides = [1, 1]} : vector<128x128xf32> to vector<128x64xf32>
    %concatenate3A_3122 = tpu.concatenate %slice3A_3120, %slice3A_3121 in 1 : vector<128x64xf32>, vector<128x64xf32> -> vector<128x128xf32>
    %slice3A_3123 = vector.extract_strided_slice %select_n3A_3118 {offsets = [0, 64], sizes = [128, 64], strides = [1, 1]} : vector<128x128xf32> to vector<128x64xf32>
    %slice3A_3124 = vector.extract_strided_slice %select_n3A_3118 {offsets = [0, 0], sizes = [128, 64], strides = [1, 1]} : vector<128x128xf32> to vector<128x64xf32>
    %concatenate3A_3125 = tpu.concatenate %slice3A_3123, %slice3A_3124 in 1 : vector<128x64xf32>, vector<128x64xf32> -> vector<128x128xf32>
    %iota3A_3126 = tpu.iota {dimensions = array<i32: 1>} : vector<128x128xi32>
    %and3A_3127 = arith.constant 64 : i32
    %and3A_3128 = vector.broadcast %and3A_3127 : i32 to vector<128x128xi32>
    %and3A_3129 = arith.andi %iota3A_3126, %and3A_3128 : vector<128x128xi32>
    %ne3A_3130 = arith.constant 0 : i32
    %ne3A_3131 = vector.broadcast %ne3A_3130 : i32 to vector<128x128xi32>
    %ne3A_3132 = arith.cmpi ne, %and3A_3129, %ne3A_3131 : vector<128x128xi32>
    %select_n3A_3133 = arith.select %ne3A_3132, %concatenate3A_3125, %concatenate3A_3122 : vector<128x128xi1>, vector<128x128xf32>
    %slice3A_3134 = vector.extract_strided_slice %select_n3A_3119 {offsets = [0, 64], sizes = [128, 64], strides = [1, 1]} : vector<128x128xi32> to vector<128x64xi32>
    %slice3A_3135 = vector.extract_strided_slice %select_n3A_3119 {offsets = [0, 0], sizes = [128, 64], strides = [1, 1]} : vector<128x128xi32> to vector<128x64xi32>
    %concatenate3A_3136 = tpu.concatenate %slice3A_3134, %slice3A_3135 in 1 : vector<128x64xi32>, vector<128x64xi32> -> vector<128x128xi32>
    %slice3A_3137 = vector.extract_strided_slice %select_n3A_3119 {offsets = [0, 64], sizes = [128, 64], strides = [1, 1]} : vector<128x128xi32> to vector<128x64xi32>
    %slice3A_3138 = vector.extract_strided_slice %select_n3A_3119 {offsets = [0, 0], sizes = [128, 64], strides = [1, 1]} : vector<128x128xi32> to vector<128x64xi32>
    %concatenate3A_3139 = tpu.concatenate %slice3A_3137, %slice3A_3138 in 1 : vector<128x64xi32>, vector<128x64xi32> -> vector<128x128xi32>
    %iota3A_3140 = tpu.iota {dimensions = array<i32: 1>} : vector<128x128xi32>
    %and3A_3141 = arith.constant 64 : i32
    %and3A_3142 = vector.broadcast %and3A_3141 : i32 to vector<128x128xi32>
    %and3A_3143 = arith.andi %iota3A_3140, %and3A_3142 : vector<128x128xi32>
    %ne3A_3144 = arith.constant 0 : i32
    %ne3A_3145 = vector.broadcast %ne3A_3144 : i32 to vector<128x128xi32>
    %ne3A_3146 = arith.cmpi ne, %and3A_3143, %ne3A_3145 : vector<128x128xi32>
    %select_n3A_3147 = arith.select %ne3A_3146, %concatenate3A_3139, %concatenate3A_3136 : vector<128x128xi1>, vector<128x128xi32>
    %and3A_3148 = arith.constant 64 : i32
    %and3A_3149 = vector.broadcast %and3A_3148 : i32 to vector<128x128xi32>
    %and3A_3150 = arith.andi %add3A, %and3A_3149 : vector<128x128xi32>
    %ne3A_3151 = arith.constant 0 : i32
    %ne3A_3152 = vector.broadcast %ne3A_3151 : i32 to vector<128x128xi32>
    %ne3A_3153 = arith.cmpi ne, %and3A_3150, %ne3A_3152 : vector<128x128xi32>
    %gt3A_3154 = arith.cmpf ogt, %select_n3A_3133, %select_n3A_3118 : vector<128x128xf32>
    %eq3A_3155 = arith.cmpf oeq, %select_n3A_3133, %select_n3A_3118 : vector<128x128xf32>
    %lt3A_3156 = arith.cmpi slt, %select_n3A_3147, %select_n3A_3119 : vector<128x128xi32>
    %and3A_3157 = arith.andi %eq3A_3155, %lt3A_3156 : vector<128x128xi1>
    %or3A_3158 = arith.ori %gt3A_3154, %and3A_3157 : vector<128x128xi1>
    %xor3A_3159 = arith.xori %or3A_3158, %ne3A_3153 : vector<128x128xi1>
    %xor3A_3160 = arith.xori %xor3A_3159, %ne3A_2904 : vector<128x128xi1>
    %select_n3A_3161 = arith.select %xor3A_3160, %select_n3A_3133, %select_n3A_3118 : vector<128x128xi1>, vector<128x128xf32>
    %select_n3A_3162 = arith.select %xor3A_3160, %select_n3A_3147, %select_n3A_3119 : vector<128x128xi1>, vector<128x128xi32>
    %slice3A_3163 = vector.extract_strided_slice %select_n3A_3161 {offsets = [0, 32], sizes = [128, 96], strides = [1, 1]} : vector<128x128xf32> to vector<128x96xf32>
    %slice3A_3164 = vector.extract_strided_slice %select_n3A_3161 {offsets = [0, 0], sizes = [128, 32], strides = [1, 1]} : vector<128x128xf32> to vector<128x32xf32>
    %concatenate3A_3165 = tpu.concatenate %slice3A_3163, %slice3A_3164 in 1 : vector<128x96xf32>, vector<128x32xf32> -> vector<128x128xf32>
    %slice3A_3166 = vector.extract_strided_slice %select_n3A_3161 {offsets = [0, 96], sizes = [128, 32], strides = [1, 1]} : vector<128x128xf32> to vector<128x32xf32>
    %slice3A_3167 = vector.extract_strided_slice %select_n3A_3161 {offsets = [0, 0], sizes = [128, 96], strides = [1, 1]} : vector<128x128xf32> to vector<128x96xf32>
    %concatenate3A_3168 = tpu.concatenate %slice3A_3166, %slice3A_3167 in 1 : vector<128x32xf32>, vector<128x96xf32> -> vector<128x128xf32>
    %iota3A_3169 = tpu.iota {dimensions = array<i32: 1>} : vector<128x128xi32>
    %and3A_3170 = arith.constant 32 : i32
    %and3A_3171 = vector.broadcast %and3A_3170 : i32 to vector<128x128xi32>
    %and3A_3172 = arith.andi %iota3A_3169, %and3A_3171 : vector<128x128xi32>
    %ne3A_3173 = arith.constant 0 : i32
    %ne3A_3174 = vector.broadcast %ne3A_3173 : i32 to vector<128x128xi32>
    %ne3A_3175 = arith.cmpi ne, %and3A_3172, %ne3A_3174 : vector<128x128xi32>
    %select_n3A_3176 = arith.select %ne3A_3175, %concatenate3A_3168, %concatenate3A_3165 : vector<128x128xi1>, vector<128x128xf32>
    %slice3A_3177 = vector.extract_strided_slice %select_n3A_3162 {offsets = [0, 32], sizes = [128, 96], strides = [1, 1]} : vector<128x128xi32> to vector<128x96xi32>
    %slice3A_3178 = vector.extract_strided_slice %select_n3A_3162 {offsets = [0, 0], sizes = [128, 32], strides = [1, 1]} : vector<128x128xi32> to vector<128x32xi32>
    %concatenate3A_3179 = tpu.concatenate %slice3A_3177, %slice3A_3178 in 1 : vector<128x96xi32>, vector<128x32xi32> -> vector<128x128xi32>
    %slice3A_3180 = vector.extract_strided_slice %select_n3A_3162 {offsets = [0, 96], sizes = [128, 32], strides = [1, 1]} : vector<128x128xi32> to vector<128x32xi32>
    %slice3A_3181 = vector.extract_strided_slice %select_n3A_3162 {offsets = [0, 0], sizes = [128, 96], strides = [1, 1]} : vector<128x128xi32> to vector<128x96xi32>
    %concatenate3A_3182 = tpu.concatenate %slice3A_3180, %slice3A_3181 in 1 : vector<128x32xi32>, vector<128x96xi32> -> vector<128x128xi32>
    %iota3A_3183 = tpu.iota {dimensions = array<i32: 1>} : vector<128x128xi32>
    %and3A_3184 = arith.constant 32 : i32
    %and3A_3185 = vector.broadcast %and3A_3184 : i32 to vector<128x128xi32>
    %and3A_3186 = arith.andi %iota3A_3183, %and3A_3185 : vector<128x128xi32>
    %ne3A_3187 = arith.constant 0 : i32
    %ne3A_3188 = vector.broadcast %ne3A_3187 : i32 to vector<128x128xi32>
    %ne3A_3189 = arith.cmpi ne, %and3A_3186, %ne3A_3188 : vector<128x128xi32>
    %select_n3A_3190 = arith.select %ne3A_3189, %concatenate3A_3182, %concatenate3A_3179 : vector<128x128xi1>, vector<128x128xi32>
    %and3A_3191 = arith.constant 32 : i32
    %and3A_3192 = vector.broadcast %and3A_3191 : i32 to vector<128x128xi32>
    %and3A_3193 = arith.andi %add3A, %and3A_3192 : vector<128x128xi32>
    %ne3A_3194 = arith.constant 0 : i32
    %ne3A_3195 = vector.broadcast %ne3A_3194 : i32 to vector<128x128xi32>
    %ne3A_3196 = arith.cmpi ne, %and3A_3193, %ne3A_3195 : vector<128x128xi32>
    %gt3A_3197 = arith.cmpf ogt, %select_n3A_3176, %select_n3A_3161 : vector<128x128xf32>
    %eq3A_3198 = arith.cmpf oeq, %select_n3A_3176, %select_n3A_3161 : vector<128x128xf32>
    %lt3A_3199 = arith.cmpi slt, %select_n3A_3190, %select_n3A_3162 : vector<128x128xi32>
    %and3A_3200 = arith.andi %eq3A_3198, %lt3A_3199 : vector<128x128xi1>
    %or3A_3201 = arith.ori %gt3A_3197, %and3A_3200 : vector<128x128xi1>
    %xor3A_3202 = arith.xori %or3A_3201, %ne3A_3196 : vector<128x128xi1>
    %xor3A_3203 = arith.xori %xor3A_3202, %ne3A_2904 : vector<128x128xi1>
    %select_n3A_3204 = arith.select %xor3A_3203, %select_n3A_3176, %select_n3A_3161 : vector<128x128xi1>, vector<128x128xf32>
    %select_n3A_3205 = arith.select %xor3A_3203, %select_n3A_3190, %select_n3A_3162 : vector<128x128xi1>, vector<128x128xi32>
    %slice3A_3206 = vector.extract_strided_slice %select_n3A_3204 {offsets = [0, 16], sizes = [128, 112], strides = [1, 1]} : vector<128x128xf32> to vector<128x112xf32>
    %slice3A_3207 = vector.extract_strided_slice %select_n3A_3204 {offsets = [0, 0], sizes = [128, 16], strides = [1, 1]} : vector<128x128xf32> to vector<128x16xf32>
    %concatenate3A_3208 = tpu.concatenate %slice3A_3206, %slice3A_3207 in 1 : vector<128x112xf32>, vector<128x16xf32> -> vector<128x128xf32>
    %slice3A_3209 = vector.extract_strided_slice %select_n3A_3204 {offsets = [0, 112], sizes = [128, 16], strides = [1, 1]} : vector<128x128xf32> to vector<128x16xf32>
    %slice3A_3210 = vector.extract_strided_slice %select_n3A_3204 {offsets = [0, 0], sizes = [128, 112], strides = [1, 1]} : vector<128x128xf32> to vector<128x112xf32>
    %concatenate3A_3211 = tpu.concatenate %slice3A_3209, %slice3A_3210 in 1 : vector<128x16xf32>, vector<128x112xf32> -> vector<128x128xf32>
    %iota3A_3212 = tpu.iota {dimensions = array<i32: 1>} : vector<128x128xi32>
    %and3A_3213 = arith.constant 16 : i32
    %and3A_3214 = vector.broadcast %and3A_3213 : i32 to vector<128x128xi32>
    %and3A_3215 = arith.andi %iota3A_3212, %and3A_3214 : vector<128x128xi32>
    %ne3A_3216 = arith.constant 0 : i32
    %ne3A_3217 = vector.broadcast %ne3A_3216 : i32 to vector<128x128xi32>
    %ne3A_3218 = arith.cmpi ne, %and3A_3215, %ne3A_3217 : vector<128x128xi32>
    %select_n3A_3219 = arith.select %ne3A_3218, %concatenate3A_3211, %concatenate3A_3208 : vector<128x128xi1>, vector<128x128xf32>
    %slice3A_3220 = vector.extract_strided_slice %select_n3A_3205 {offsets = [0, 16], sizes = [128, 112], strides = [1, 1]} : vector<128x128xi32> to vector<128x112xi32>
    %slice3A_3221 = vector.extract_strided_slice %select_n3A_3205 {offsets = [0, 0], sizes = [128, 16], strides = [1, 1]} : vector<128x128xi32> to vector<128x16xi32>
    %concatenate3A_3222 = tpu.concatenate %slice3A_3220, %slice3A_3221 in 1 : vector<128x112xi32>, vector<128x16xi32> -> vector<128x128xi32>
    %slice3A_3223 = vector.extract_strided_slice %select_n3A_3205 {offsets = [0, 112], sizes = [128, 16], strides = [1, 1]} : vector<128x128xi32> to vector<128x16xi32>
    %slice3A_3224 = vector.extract_strided_slice %select_n3A_3205 {offsets = [0, 0], sizes = [128, 112], strides = [1, 1]} : vector<128x128xi32> to vector<128x112xi32>
    %concatenate3A_3225 = tpu.concatenate %slice3A_3223, %slice3A_3224 in 1 : vector<128x16xi32>, vector<128x112xi32> -> vector<128x128xi32>
    %iota3A_3226 = tpu.iota {dimensions = array<i32: 1>} : vector<128x128xi32>
    %and3A_3227 = arith.constant 16 : i32
    %and3A_3228 = vector.broadcast %and3A_3227 : i32 to vector<128x128xi32>
    %and3A_3229 = arith.andi %iota3A_3226, %and3A_3228 : vector<128x128xi32>
    %ne3A_3230 = arith.constant 0 : i32
    %ne3A_3231 = vector.broadcast %ne3A_3230 : i32 to vector<128x128xi32>
    %ne3A_3232 = arith.cmpi ne, %and3A_3229, %ne3A_3231 : vector<128x128xi32>
    %select_n3A_3233 = arith.select %ne3A_3232, %concatenate3A_3225, %concatenate3A_3222 : vector<128x128xi1>, vector<128x128xi32>
    %and3A_3234 = arith.constant 16 : i32
    %and3A_3235 = vector.broadcast %and3A_3234 : i32 to vector<128x128xi32>
    %and3A_3236 = arith.andi %add3A, %and3A_3235 : vector<128x128xi32>
    %ne3A_3237 = arith.constant 0 : i32
    %ne3A_3238 = vector.broadcast %ne3A_3237 : i32 to vector<128x128xi32>
    %ne3A_3239 = arith.cmpi ne, %and3A_3236, %ne3A_3238 : vector<128x128xi32>
    %gt3A_3240 = arith.cmpf ogt, %select_n3A_3219, %select_n3A_3204 : vector<128x128xf32>
    %eq3A_3241 = arith.cmpf oeq, %select_n3A_3219, %select_n3A_3204 : vector<128x128xf32>
    %lt3A_3242 = arith.cmpi slt, %select_n3A_3233, %select_n3A_3205 : vector<128x128xi32>
    %and3A_3243 = arith.andi %eq3A_3241, %lt3A_3242 : vector<128x128xi1>
    %or3A_3244 = arith.ori %gt3A_3240, %and3A_3243 : vector<128x128xi1>
    %xor3A_3245 = arith.xori %or3A_3244, %ne3A_3239 : vector<128x128xi1>
    %xor3A_3246 = arith.xori %xor3A_3245, %ne3A_2904 : vector<128x128xi1>
    %select_n3A_3247 = arith.select %xor3A_3246, %select_n3A_3219, %select_n3A_3204 : vector<128x128xi1>, vector<128x128xf32>
    %select_n3A_3248 = arith.select %xor3A_3246, %select_n3A_3233, %select_n3A_3205 : vector<128x128xi1>, vector<128x128xi32>
    %slice3A_3249 = vector.extract_strided_slice %select_n3A_3247 {offsets = [0, 8], sizes = [128, 120], strides = [1, 1]} : vector<128x128xf32> to vector<128x120xf32>
    %slice3A_3250 = vector.extract_strided_slice %select_n3A_3247 {offsets = [0, 0], sizes = [128, 8], strides = [1, 1]} : vector<128x128xf32> to vector<128x8xf32>
    %concatenate3A_3251 = tpu.concatenate %slice3A_3249, %slice3A_3250 in 1 : vector<128x120xf32>, vector<128x8xf32> -> vector<128x128xf32>
    %slice3A_3252 = vector.extract_strided_slice %select_n3A_3247 {offsets = [0, 120], sizes = [128, 8], strides = [1, 1]} : vector<128x128xf32> to vector<128x8xf32>
    %slice3A_3253 = vector.extract_strided_slice %select_n3A_3247 {offsets = [0, 0], sizes = [128, 120], strides = [1, 1]} : vector<128x128xf32> to vector<128x120xf32>
    %concatenate3A_3254 = tpu.concatenate %slice3A_3252, %slice3A_3253 in 1 : vector<128x8xf32>, vector<128x120xf32> -> vector<128x128xf32>
    %iota3A_3255 = tpu.iota {dimensions = array<i32: 1>} : vector<128x128xi32>
    %and3A_3256 = arith.constant 8 : i32
    %and3A_3257 = vector.broadcast %and3A_3256 : i32 to vector<128x128xi32>
    %and3A_3258 = arith.andi %iota3A_3255, %and3A_3257 : vector<128x128xi32>
    %ne3A_3259 = arith.constant 0 : i32
    %ne3A_3260 = vector.broadcast %ne3A_3259 : i32 to vector<128x128xi32>
    %ne3A_3261 = arith.cmpi ne, %and3A_3258, %ne3A_3260 : vector<128x128xi32>
    %select_n3A_3262 = arith.select %ne3A_3261, %concatenate3A_3254, %concatenate3A_3251 : vector<128x128xi1>, vector<128x128xf32>
    %slice3A_3263 = vector.extract_strided_slice %select_n3A_3248 {offsets = [0, 8], sizes = [128, 120], strides = [1, 1]} : vector<128x128xi32> to vector<128x120xi32>
    %slice3A_3264 = vector.extract_strided_slice %select_n3A_3248 {offsets = [0, 0], sizes = [128, 8], strides = [1, 1]} : vector<128x128xi32> to vector<128x8xi32>
    %concatenate3A_3265 = tpu.concatenate %slice3A_3263, %slice3A_3264 in 1 : vector<128x120xi32>, vector<128x8xi32> -> vector<128x128xi32>
    %slice3A_3266 = vector.extract_strided_slice %select_n3A_3248 {offsets = [0, 120], sizes = [128, 8], strides = [1, 1]} : vector<128x128xi32> to vector<128x8xi32>
    %slice3A_3267 = vector.extract_strided_slice %select_n3A_3248 {offsets = [0, 0], sizes = [128, 120], strides = [1, 1]} : vector<128x128xi32> to vector<128x120xi32>
    %concatenate3A_3268 = tpu.concatenate %slice3A_3266, %slice3A_3267 in 1 : vector<128x8xi32>, vector<128x120xi32> -> vector<128x128xi32>
    %iota3A_3269 = tpu.iota {dimensions = array<i32: 1>} : vector<128x128xi32>
    %and3A_3270 = arith.constant 8 : i32
    %and3A_3271 = vector.broadcast %and3A_3270 : i32 to vector<128x128xi32>
    %and3A_3272 = arith.andi %iota3A_3269, %and3A_3271 : vector<128x128xi32>
    %ne3A_3273 = arith.constant 0 : i32
    %ne3A_3274 = vector.broadcast %ne3A_3273 : i32 to vector<128x128xi32>
    %ne3A_3275 = arith.cmpi ne, %and3A_3272, %ne3A_3274 : vector<128x128xi32>
    %select_n3A_3276 = arith.select %ne3A_3275, %concatenate3A_3268, %concatenate3A_3265 : vector<128x128xi1>, vector<128x128xi32>
    %and3A_3277 = arith.constant 8 : i32
    %and3A_3278 = vector.broadcast %and3A_3277 : i32 to vector<128x128xi32>
    %and3A_3279 = arith.andi %add3A, %and3A_3278 : vector<128x128xi32>
    %ne3A_3280 = arith.constant 0 : i32
    %ne3A_3281 = vector.broadcast %ne3A_3280 : i32 to vector<128x128xi32>
    %ne3A_3282 = arith.cmpi ne, %and3A_3279, %ne3A_3281 : vector<128x128xi32>
    %gt3A_3283 = arith.cmpf ogt, %select_n3A_3262, %select_n3A_3247 : vector<128x128xf32>
    %eq3A_3284 = arith.cmpf oeq, %select_n3A_3262, %select_n3A_3247 : vector<128x128xf32>
    %lt3A_3285 = arith.cmpi slt, %select_n3A_3276, %select_n3A_3248 : vector<128x128xi32>
    %and3A_3286 = arith.andi %eq3A_3284, %lt3A_3285 : vector<128x128xi1>
    %or3A_3287 = arith.ori %gt3A_3283, %and3A_3286 : vector<128x128xi1>
    %xor3A_3288 = arith.xori %or3A_3287, %ne3A_3282 : vector<128x128xi1>
    %xor3A_3289 = arith.xori %xor3A_3288, %ne3A_2904 : vector<128x128xi1>
    %select_n3A_3290 = arith.select %xor3A_3289, %select_n3A_3262, %select_n3A_3247 : vector<128x128xi1>, vector<128x128xf32>
    %select_n3A_3291 = arith.select %xor3A_3289, %select_n3A_3276, %select_n3A_3248 : vector<128x128xi1>, vector<128x128xi32>
    %slice3A_3292 = vector.extract_strided_slice %select_n3A_3290 {offsets = [0, 4], sizes = [128, 124], strides = [1, 1]} : vector<128x128xf32> to vector<128x124xf32>
    %slice3A_3293 = vector.extract_strided_slice %select_n3A_3290 {offsets = [0, 0], sizes = [128, 4], strides = [1, 1]} : vector<128x128xf32> to vector<128x4xf32>
    %concatenate3A_3294 = tpu.concatenate %slice3A_3292, %slice3A_3293 in 1 : vector<128x124xf32>, vector<128x4xf32> -> vector<128x128xf32>
    %slice3A_3295 = vector.extract_strided_slice %select_n3A_3290 {offsets = [0, 124], sizes = [128, 4], strides = [1, 1]} : vector<128x128xf32> to vector<128x4xf32>
    %slice3A_3296 = vector.extract_strided_slice %select_n3A_3290 {offsets = [0, 0], sizes = [128, 124], strides = [1, 1]} : vector<128x128xf32> to vector<128x124xf32>
    %concatenate3A_3297 = tpu.concatenate %slice3A_3295, %slice3A_3296 in 1 : vector<128x4xf32>, vector<128x124xf32> -> vector<128x128xf32>
    %iota3A_3298 = tpu.iota {dimensions = array<i32: 1>} : vector<128x128xi32>
    %and3A_3299 = arith.constant 4 : i32
    %and3A_3300 = vector.broadcast %and3A_3299 : i32 to vector<128x128xi32>
    %and3A_3301 = arith.andi %iota3A_3298, %and3A_3300 : vector<128x128xi32>
    %ne3A_3302 = arith.constant 0 : i32
    %ne3A_3303 = vector.broadcast %ne3A_3302 : i32 to vector<128x128xi32>
    %ne3A_3304 = arith.cmpi ne, %and3A_3301, %ne3A_3303 : vector<128x128xi32>
    %select_n3A_3305 = arith.select %ne3A_3304, %concatenate3A_3297, %concatenate3A_3294 : vector<128x128xi1>, vector<128x128xf32>
    %slice3A_3306 = vector.extract_strided_slice %select_n3A_3291 {offsets = [0, 4], sizes = [128, 124], strides = [1, 1]} : vector<128x128xi32> to vector<128x124xi32>
    %slice3A_3307 = vector.extract_strided_slice %select_n3A_3291 {offsets = [0, 0], sizes = [128, 4], strides = [1, 1]} : vector<128x128xi32> to vector<128x4xi32>
    %concatenate3A_3308 = tpu.concatenate %slice3A_3306, %slice3A_3307 in 1 : vector<128x124xi32>, vector<128x4xi32> -> vector<128x128xi32>
    %slice3A_3309 = vector.extract_strided_slice %select_n3A_3291 {offsets = [0, 124], sizes = [128, 4], strides = [1, 1]} : vector<128x128xi32> to vector<128x4xi32>
    %slice3A_3310 = vector.extract_strided_slice %select_n3A_3291 {offsets = [0, 0], sizes = [128, 124], strides = [1, 1]} : vector<128x128xi32> to vector<128x124xi32>
    %concatenate3A_3311 = tpu.concatenate %slice3A_3309, %slice3A_3310 in 1 : vector<128x4xi32>, vector<128x124xi32> -> vector<128x128xi32>
    %iota3A_3312 = tpu.iota {dimensions = array<i32: 1>} : vector<128x128xi32>
    %and3A_3313 = arith.constant 4 : i32
    %and3A_3314 = vector.broadcast %and3A_3313 : i32 to vector<128x128xi32>
    %and3A_3315 = arith.andi %iota3A_3312, %and3A_3314 : vector<128x128xi32>
    %ne3A_3316 = arith.constant 0 : i32
    %ne3A_3317 = vector.broadcast %ne3A_3316 : i32 to vector<128x128xi32>
    %ne3A_3318 = arith.cmpi ne, %and3A_3315, %ne3A_3317 : vector<128x128xi32>
    %select_n3A_3319 = arith.select %ne3A_3318, %concatenate3A_3311, %concatenate3A_3308 : vector<128x128xi1>, vector<128x128xi32>
    %and3A_3320 = arith.constant 4 : i32
    %and3A_3321 = vector.broadcast %and3A_3320 : i32 to vector<128x128xi32>
    %and3A_3322 = arith.andi %add3A, %and3A_3321 : vector<128x128xi32>
    %ne3A_3323 = arith.constant 0 : i32
    %ne3A_3324 = vector.broadcast %ne3A_3323 : i32 to vector<128x128xi32>
    %ne3A_3325 = arith.cmpi ne, %and3A_3322, %ne3A_3324 : vector<128x128xi32>
    %gt3A_3326 = arith.cmpf ogt, %select_n3A_3305, %select_n3A_3290 : vector<128x128xf32>
    %eq3A_3327 = arith.cmpf oeq, %select_n3A_3305, %select_n3A_3290 : vector<128x128xf32>
    %lt3A_3328 = arith.cmpi slt, %select_n3A_3319, %select_n3A_3291 : vector<128x128xi32>
    %and3A_3329 = arith.andi %eq3A_3327, %lt3A_3328 : vector<128x128xi1>
    %or3A_3330 = arith.ori %gt3A_3326, %and3A_3329 : vector<128x128xi1>
    %xor3A_3331 = arith.xori %or3A_3330, %ne3A_3325 : vector<128x128xi1>
    %xor3A_3332 = arith.xori %xor3A_3331, %ne3A_2904 : vector<128x128xi1>
    %select_n3A_3333 = arith.select %xor3A_3332, %select_n3A_3305, %select_n3A_3290 : vector<128x128xi1>, vector<128x128xf32>
    %select_n3A_3334 = arith.select %xor3A_3332, %select_n3A_3319, %select_n3A_3291 : vector<128x128xi1>, vector<128x128xi32>
    %slice3A_3335 = vector.extract_strided_slice %select_n3A_3333 {offsets = [0, 2], sizes = [128, 126], strides = [1, 1]} : vector<128x128xf32> to vector<128x126xf32>
    %slice3A_3336 = vector.extract_strided_slice %select_n3A_3333 {offsets = [0, 0], sizes = [128, 2], strides = [1, 1]} : vector<128x128xf32> to vector<128x2xf32>
    %concatenate3A_3337 = tpu.concatenate %slice3A_3335, %slice3A_3336 in 1 : vector<128x126xf32>, vector<128x2xf32> -> vector<128x128xf32>
    %slice3A_3338 = vector.extract_strided_slice %select_n3A_3333 {offsets = [0, 126], sizes = [128, 2], strides = [1, 1]} : vector<128x128xf32> to vector<128x2xf32>
    %slice3A_3339 = vector.extract_strided_slice %select_n3A_3333 {offsets = [0, 0], sizes = [128, 126], strides = [1, 1]} : vector<128x128xf32> to vector<128x126xf32>
    %concatenate3A_3340 = tpu.concatenate %slice3A_3338, %slice3A_3339 in 1 : vector<128x2xf32>, vector<128x126xf32> -> vector<128x128xf32>
    %iota3A_3341 = tpu.iota {dimensions = array<i32: 1>} : vector<128x128xi32>
    %and3A_3342 = arith.constant 2 : i32
    %and3A_3343 = vector.broadcast %and3A_3342 : i32 to vector<128x128xi32>
    %and3A_3344 = arith.andi %iota3A_3341, %and3A_3343 : vector<128x128xi32>
    %ne3A_3345 = arith.constant 0 : i32
    %ne3A_3346 = vector.broadcast %ne3A_3345 : i32 to vector<128x128xi32>
    %ne3A_3347 = arith.cmpi ne, %and3A_3344, %ne3A_3346 : vector<128x128xi32>
    %select_n3A_3348 = arith.select %ne3A_3347, %concatenate3A_3340, %concatenate3A_3337 : vector<128x128xi1>, vector<128x128xf32>
    %slice3A_3349 = vector.extract_strided_slice %select_n3A_3334 {offsets = [0, 2], sizes = [128, 126], strides = [1, 1]} : vector<128x128xi32> to vector<128x126xi32>
    %slice3A_3350 = vector.extract_strided_slice %select_n3A_3334 {offsets = [0, 0], sizes = [128, 2], strides = [1, 1]} : vector<128x128xi32> to vector<128x2xi32>
    %concatenate3A_3351 = tpu.concatenate %slice3A_3349, %slice3A_3350 in 1 : vector<128x126xi32>, vector<128x2xi32> -> vector<128x128xi32>
    %slice3A_3352 = vector.extract_strided_slice %select_n3A_3334 {offsets = [0, 126], sizes = [128, 2], strides = [1, 1]} : vector<128x128xi32> to vector<128x2xi32>
    %slice3A_3353 = vector.extract_strided_slice %select_n3A_3334 {offsets = [0, 0], sizes = [128, 126], strides = [1, 1]} : vector<128x128xi32> to vector<128x126xi32>
    %concatenate3A_3354 = tpu.concatenate %slice3A_3352, %slice3A_3353 in 1 : vector<128x2xi32>, vector<128x126xi32> -> vector<128x128xi32>
    %iota3A_3355 = tpu.iota {dimensions = array<i32: 1>} : vector<128x128xi32>
    %and3A_3356 = arith.constant 2 : i32
    %and3A_3357 = vector.broadcast %and3A_3356 : i32 to vector<128x128xi32>
    %and3A_3358 = arith.andi %iota3A_3355, %and3A_3357 : vector<128x128xi32>
    %ne3A_3359 = arith.constant 0 : i32
    %ne3A_3360 = vector.broadcast %ne3A_3359 : i32 to vector<128x128xi32>
    %ne3A_3361 = arith.cmpi ne, %and3A_3358, %ne3A_3360 : vector<128x128xi32>
    %select_n3A_3362 = arith.select %ne3A_3361, %concatenate3A_3354, %concatenate3A_3351 : vector<128x128xi1>, vector<128x128xi32>
    %and3A_3363 = arith.constant 2 : i32
    %and3A_3364 = vector.broadcast %and3A_3363 : i32 to vector<128x128xi32>
    %and3A_3365 = arith.andi %add3A, %and3A_3364 : vector<128x128xi32>
    %ne3A_3366 = arith.constant 0 : i32
    %ne3A_3367 = vector.broadcast %ne3A_3366 : i32 to vector<128x128xi32>
    %ne3A_3368 = arith.cmpi ne, %and3A_3365, %ne3A_3367 : vector<128x128xi32>
    %gt3A_3369 = arith.cmpf ogt, %select_n3A_3348, %select_n3A_3333 : vector<128x128xf32>
    %eq3A_3370 = arith.cmpf oeq, %select_n3A_3348, %select_n3A_3333 : vector<128x128xf32>
    %lt3A_3371 = arith.cmpi slt, %select_n3A_3362, %select_n3A_3334 : vector<128x128xi32>
    %and3A_3372 = arith.andi %eq3A_3370, %lt3A_3371 : vector<128x128xi1>
    %or3A_3373 = arith.ori %gt3A_3369, %and3A_3372 : vector<128x128xi1>
    %xor3A_3374 = arith.xori %or3A_3373, %ne3A_3368 : vector<128x128xi1>
    %xor3A_3375 = arith.xori %xor3A_3374, %ne3A_2904 : vector<128x128xi1>
    %select_n3A_3376 = arith.select %xor3A_3375, %select_n3A_3348, %select_n3A_3333 : vector<128x128xi1>, vector<128x128xf32>
    %select_n3A_3377 = arith.select %xor3A_3375, %select_n3A_3362, %select_n3A_3334 : vector<128x128xi1>, vector<128x128xi32>
    %slice3A_3378 = vector.extract_strided_slice %select_n3A_3376 {offsets = [0, 1], sizes = [128, 127], strides = [1, 1]} : vector<128x128xf32> to vector<128x127xf32>
    %slice3A_3379 = vector.extract_strided_slice %select_n3A_3376 {offsets = [0, 0], sizes = [128, 1], strides = [1, 1]} : vector<128x128xf32> to vector<128x1xf32>
    %concatenate3A_3380 = tpu.concatenate %slice3A_3378, %slice3A_3379 in 1 : vector<128x127xf32>, vector<128x1xf32> -> vector<128x128xf32>
    %slice3A_3381 = vector.extract_strided_slice %select_n3A_3376 {offsets = [0, 127], sizes = [128, 1], strides = [1, 1]} : vector<128x128xf32> to vector<128x1xf32>
    %slice3A_3382 = vector.extract_strided_slice %select_n3A_3376 {offsets = [0, 0], sizes = [128, 127], strides = [1, 1]} : vector<128x128xf32> to vector<128x127xf32>
    %concatenate3A_3383 = tpu.concatenate %slice3A_3381, %slice3A_3382 in 1 : vector<128x1xf32>, vector<128x127xf32> -> vector<128x128xf32>
    %iota3A_3384 = tpu.iota {dimensions = array<i32: 1>} : vector<128x128xi32>
    %and3A_3385 = arith.constant 1 : i32
    %and3A_3386 = vector.broadcast %and3A_3385 : i32 to vector<128x128xi32>
    %and3A_3387 = arith.andi %iota3A_3384, %and3A_3386 : vector<128x128xi32>
    %ne3A_3388 = arith.constant 0 : i32
    %ne3A_3389 = vector.broadcast %ne3A_3388 : i32 to vector<128x128xi32>
    %ne3A_3390 = arith.cmpi ne, %and3A_3387, %ne3A_3389 : vector<128x128xi32>
    %select_n3A_3391 = arith.select %ne3A_3390, %concatenate3A_3383, %concatenate3A_3380 : vector<128x128xi1>, vector<128x128xf32>
    %slice3A_3392 = vector.extract_strided_slice %select_n3A_3377 {offsets = [0, 1], sizes = [128, 127], strides = [1, 1]} : vector<128x128xi32> to vector<128x127xi32>
    %slice3A_3393 = vector.extract_strided_slice %select_n3A_3377 {offsets = [0, 0], sizes = [128, 1], strides = [1, 1]} : vector<128x128xi32> to vector<128x1xi32>
    %concatenate3A_3394 = tpu.concatenate %slice3A_3392, %slice3A_3393 in 1 : vector<128x127xi32>, vector<128x1xi32> -> vector<128x128xi32>
    %slice3A_3395 = vector.extract_strided_slice %select_n3A_3377 {offsets = [0, 127], sizes = [128, 1], strides = [1, 1]} : vector<128x128xi32> to vector<128x1xi32>
    %slice3A_3396 = vector.extract_strided_slice %select_n3A_3377 {offsets = [0, 0], sizes = [128, 127], strides = [1, 1]} : vector<128x128xi32> to vector<128x127xi32>
    %concatenate3A_3397 = tpu.concatenate %slice3A_3395, %slice3A_3396 in 1 : vector<128x1xi32>, vector<128x127xi32> -> vector<128x128xi32>
    %iota3A_3398 = tpu.iota {dimensions = array<i32: 1>} : vector<128x128xi32>
    %and3A_3399 = arith.constant 1 : i32
    %and3A_3400 = vector.broadcast %and3A_3399 : i32 to vector<128x128xi32>
    %and3A_3401 = arith.andi %iota3A_3398, %and3A_3400 : vector<128x128xi32>
    %ne3A_3402 = arith.constant 0 : i32
    %ne3A_3403 = vector.broadcast %ne3A_3402 : i32 to vector<128x128xi32>
    %ne3A_3404 = arith.cmpi ne, %and3A_3401, %ne3A_3403 : vector<128x128xi32>
    %select_n3A_3405 = arith.select %ne3A_3404, %concatenate3A_3397, %concatenate3A_3394 : vector<128x128xi1>, vector<128x128xi32>
    %and3A_3406 = arith.constant 1 : i32
    %and3A_3407 = vector.broadcast %and3A_3406 : i32 to vector<128x128xi32>
    %and3A_3408 = arith.andi %add3A, %and3A_3407 : vector<128x128xi32>
    %ne3A_3409 = arith.constant 0 : i32
    %ne3A_3410 = vector.broadcast %ne3A_3409 : i32 to vector<128x128xi32>
    %ne3A_3411 = arith.cmpi ne, %and3A_3408, %ne3A_3410 : vector<128x128xi32>
    %gt3A_3412 = arith.cmpf ogt, %select_n3A_3391, %select_n3A_3376 : vector<128x128xf32>
    %eq3A_3413 = arith.cmpf oeq, %select_n3A_3391, %select_n3A_3376 : vector<128x128xf32>
    %lt3A_3414 = arith.cmpi slt, %select_n3A_3405, %select_n3A_3377 : vector<128x128xi32>
    %and3A_3415 = arith.andi %eq3A_3413, %lt3A_3414 : vector<128x128xi1>
    %or3A_3416 = arith.ori %gt3A_3412, %and3A_3415 : vector<128x128xi1>
    %xor3A_3417 = arith.xori %or3A_3416, %ne3A_3411 : vector<128x128xi1>
    %xor3A_3418 = arith.xori %xor3A_3417, %ne3A_2904 : vector<128x128xi1>
    %select_n3A_3419 = arith.select %xor3A_3418, %select_n3A_3391, %select_n3A_3376 : vector<128x128xi1>, vector<128x128xf32>
    %select_n3A_3420 = arith.select %xor3A_3418, %select_n3A_3405, %select_n3A_3377 : vector<128x128xi1>, vector<128x128xi32>
    %and3A_3421 = arith.constant 8192 : i32
    %and3A_3422 = vector.broadcast %and3A_3421 : i32 to vector<128x128xi32>
    %and3A_3423 = arith.andi %add3A, %and3A_3422 : vector<128x128xi32>
    %ne3A_3424 = arith.constant 0 : i32
    %ne3A_3425 = vector.broadcast %ne3A_3424 : i32 to vector<128x128xi32>
    %ne3A_3426 = arith.cmpi ne, %and3A_3423, %ne3A_3425 : vector<128x128xi32>
    %slice3A_3427 = vector.extract_strided_slice %select_n3A_3419 {offsets = [32, 0], sizes = [96, 128], strides = [1, 1]} : vector<128x128xf32> to vector<96x128xf32>
    %slice3A_3428 = vector.extract_strided_slice %select_n3A_3419 {offsets = [0, 0], sizes = [32, 128], strides = [1, 1]} : vector<128x128xf32> to vector<32x128xf32>
    %concatenate3A_3429 = tpu.concatenate %slice3A_3427, %slice3A_3428 in 0 : vector<96x128xf32>, vector<32x128xf32> -> vector<128x128xf32>
    %slice3A_3430 = vector.extract_strided_slice %select_n3A_3419 {offsets = [96, 0], sizes = [32, 128], strides = [1, 1]} : vector<128x128xf32> to vector<32x128xf32>
    %slice3A_3431 = vector.extract_strided_slice %select_n3A_3419 {offsets = [0, 0], sizes = [96, 128], strides = [1, 1]} : vector<128x128xf32> to vector<96x128xf32>
    %concatenate3A_3432 = tpu.concatenate %slice3A_3430, %slice3A_3431 in 0 : vector<32x128xf32>, vector<96x128xf32> -> vector<128x128xf32>
    %iota3A_3433 = tpu.iota {dimensions = array<i32: 0>} : vector<128x128xi32>
    %and3A_3434 = arith.constant 32 : i32
    %and3A_3435 = vector.broadcast %and3A_3434 : i32 to vector<128x128xi32>
    %and3A_3436 = arith.andi %iota3A_3433, %and3A_3435 : vector<128x128xi32>
    %ne3A_3437 = arith.constant 0 : i32
    %ne3A_3438 = vector.broadcast %ne3A_3437 : i32 to vector<128x128xi32>
    %ne3A_3439 = arith.cmpi ne, %and3A_3436, %ne3A_3438 : vector<128x128xi32>
    %select_n3A_3440 = arith.select %ne3A_3439, %concatenate3A_3432, %concatenate3A_3429 : vector<128x128xi1>, vector<128x128xf32>
    %slice3A_3441 = vector.extract_strided_slice %select_n3A_3420 {offsets = [32, 0], sizes = [96, 128], strides = [1, 1]} : vector<128x128xi32> to vector<96x128xi32>
    %slice3A_3442 = vector.extract_strided_slice %select_n3A_3420 {offsets = [0, 0], sizes = [32, 128], strides = [1, 1]} : vector<128x128xi32> to vector<32x128xi32>
    %concatenate3A_3443 = tpu.concatenate %slice3A_3441, %slice3A_3442 in 0 : vector<96x128xi32>, vector<32x128xi32> -> vector<128x128xi32>
    %slice3A_3444 = vector.extract_strided_slice %select_n3A_3420 {offsets = [96, 0], sizes = [32, 128], strides = [1, 1]} : vector<128x128xi32> to vector<32x128xi32>
    %slice3A_3445 = vector.extract_strided_slice %select_n3A_3420 {offsets = [0, 0], sizes = [96, 128], strides = [1, 1]} : vector<128x128xi32> to vector<96x128xi32>
    %concatenate3A_3446 = tpu.concatenate %slice3A_3444, %slice3A_3445 in 0 : vector<32x128xi32>, vector<96x128xi32> -> vector<128x128xi32>
    %iota3A_3447 = tpu.iota {dimensions = array<i32: 0>} : vector<128x128xi32>
    %and3A_3448 = arith.constant 32 : i32
    %and3A_3449 = vector.broadcast %and3A_3448 : i32 to vector<128x128xi32>
    %and3A_3450 = arith.andi %iota3A_3447, %and3A_3449 : vector<128x128xi32>
    %ne3A_3451 = arith.constant 0 : i32
    %ne3A_3452 = vector.broadcast %ne3A_3451 : i32 to vector<128x128xi32>
    %ne3A_3453 = arith.cmpi ne, %and3A_3450, %ne3A_3452 : vector<128x128xi32>
    %select_n3A_3454 = arith.select %ne3A_3453, %concatenate3A_3446, %concatenate3A_3443 : vector<128x128xi1>, vector<128x128xi32>
    %and3A_3455 = arith.constant 4096 : i32
    %and3A_3456 = vector.broadcast %and3A_3455 : i32 to vector<128x128xi32>
    %and3A_3457 = arith.andi %add3A, %and3A_3456 : vector<128x128xi32>
    %ne3A_3458 = arith.constant 0 : i32
    %ne3A_3459 = vector.broadcast %ne3A_3458 : i32 to vector<128x128xi32>
    %ne3A_3460 = arith.cmpi ne, %and3A_3457, %ne3A_3459 : vector<128x128xi32>
    %gt3A_3461 = arith.cmpf ogt, %select_n3A_3440, %select_n3A_3419 : vector<128x128xf32>
    %eq3A_3462 = arith.cmpf oeq, %select_n3A_3440, %select_n3A_3419 : vector<128x128xf32>
    %lt3A_3463 = arith.cmpi slt, %select_n3A_3454, %select_n3A_3420 : vector<128x128xi32>
    %and3A_3464 = arith.andi %eq3A_3462, %lt3A_3463 : vector<128x128xi1>
    %or3A_3465 = arith.ori %gt3A_3461, %and3A_3464 : vector<128x128xi1>
    %xor3A_3466 = arith.xori %or3A_3465, %ne3A_3460 : vector<128x128xi1>
    %xor3A_3467 = arith.xori %xor3A_3466, %ne3A_3426 : vector<128x128xi1>
    %select_n3A_3468 = arith.select %xor3A_3467, %select_n3A_3440, %select_n3A_3419 : vector<128x128xi1>, vector<128x128xf32>
    %select_n3A_3469 = arith.select %xor3A_3467, %select_n3A_3454, %select_n3A_3420 : vector<128x128xi1>, vector<128x128xi32>
    %slice3A_3470 = vector.extract_strided_slice %select_n3A_3468 {offsets = [16, 0], sizes = [112, 128], strides = [1, 1]} : vector<128x128xf32> to vector<112x128xf32>
    %slice3A_3471 = vector.extract_strided_slice %select_n3A_3468 {offsets = [0, 0], sizes = [16, 128], strides = [1, 1]} : vector<128x128xf32> to vector<16x128xf32>
    %concatenate3A_3472 = tpu.concatenate %slice3A_3470, %slice3A_3471 in 0 : vector<112x128xf32>, vector<16x128xf32> -> vector<128x128xf32>
    %slice3A_3473 = vector.extract_strided_slice %select_n3A_3468 {offsets = [112, 0], sizes = [16, 128], strides = [1, 1]} : vector<128x128xf32> to vector<16x128xf32>
    %slice3A_3474 = vector.extract_strided_slice %select_n3A_3468 {offsets = [0, 0], sizes = [112, 128], strides = [1, 1]} : vector<128x128xf32> to vector<112x128xf32>
    %concatenate3A_3475 = tpu.concatenate %slice3A_3473, %slice3A_3474 in 0 : vector<16x128xf32>, vector<112x128xf32> -> vector<128x128xf32>
    %iota3A_3476 = tpu.iota {dimensions = array<i32: 0>} : vector<128x128xi32>
    %and3A_3477 = arith.constant 16 : i32
    %and3A_3478 = vector.broadcast %and3A_3477 : i32 to vector<128x128xi32>
    %and3A_3479 = arith.andi %iota3A_3476, %and3A_3478 : vector<128x128xi32>
    %ne3A_3480 = arith.constant 0 : i32
    %ne3A_3481 = vector.broadcast %ne3A_3480 : i32 to vector<128x128xi32>
    %ne3A_3482 = arith.cmpi ne, %and3A_3479, %ne3A_3481 : vector<128x128xi32>
    %select_n3A_3483 = arith.select %ne3A_3482, %concatenate3A_3475, %concatenate3A_3472 : vector<128x128xi1>, vector<128x128xf32>
    %slice3A_3484 = vector.extract_strided_slice %select_n3A_3469 {offsets = [16, 0], sizes = [112, 128], strides = [1, 1]} : vector<128x128xi32> to vector<112x128xi32>
    %slice3A_3485 = vector.extract_strided_slice %select_n3A_3469 {offsets = [0, 0], sizes = [16, 128], strides = [1, 1]} : vector<128x128xi32> to vector<16x128xi32>
    %concatenate3A_3486 = tpu.concatenate %slice3A_3484, %slice3A_3485 in 0 : vector<112x128xi32>, vector<16x128xi32> -> vector<128x128xi32>
    %slice3A_3487 = vector.extract_strided_slice %select_n3A_3469 {offsets = [112, 0], sizes = [16, 128], strides = [1, 1]} : vector<128x128xi32> to vector<16x128xi32>
    %slice3A_3488 = vector.extract_strided_slice %select_n3A_3469 {offsets = [0, 0], sizes = [112, 128], strides = [1, 1]} : vector<128x128xi32> to vector<112x128xi32>
    %concatenate3A_3489 = tpu.concatenate %slice3A_3487, %slice3A_3488 in 0 : vector<16x128xi32>, vector<112x128xi32> -> vector<128x128xi32>
    %iota3A_3490 = tpu.iota {dimensions = array<i32: 0>} : vector<128x128xi32>
    %and3A_3491 = arith.constant 16 : i32
    %and3A_3492 = vector.broadcast %and3A_3491 : i32 to vector<128x128xi32>
    %and3A_3493 = arith.andi %iota3A_3490, %and3A_3492 : vector<128x128xi32>
    %ne3A_3494 = arith.constant 0 : i32
    %ne3A_3495 = vector.broadcast %ne3A_3494 : i32 to vector<128x128xi32>
    %ne3A_3496 = arith.cmpi ne, %and3A_3493, %ne3A_3495 : vector<128x128xi32>
    %select_n3A_3497 = arith.select %ne3A_3496, %concatenate3A_3489, %concatenate3A_3486 : vector<128x128xi1>, vector<128x128xi32>
    %and3A_3498 = arith.constant 2048 : i32
    %and3A_3499 = vector.broadcast %and3A_3498 : i32 to vector<128x128xi32>
    %and3A_3500 = arith.andi %add3A, %and3A_3499 : vector<128x128xi32>
    %ne3A_3501 = arith.constant 0 : i32
    %ne3A_3502 = vector.broadcast %ne3A_3501 : i32 to vector<128x128xi32>
    %ne3A_3503 = arith.cmpi ne, %and3A_3500, %ne3A_3502 : vector<128x128xi32>
    %gt3A_3504 = arith.cmpf ogt, %select_n3A_3483, %select_n3A_3468 : vector<128x128xf32>
    %eq3A_3505 = arith.cmpf oeq, %select_n3A_3483, %select_n3A_3468 : vector<128x128xf32>
    %lt3A_3506 = arith.cmpi slt, %select_n3A_3497, %select_n3A_3469 : vector<128x128xi32>
    %and3A_3507 = arith.andi %eq3A_3505, %lt3A_3506 : vector<128x128xi1>
    %or3A_3508 = arith.ori %gt3A_3504, %and3A_3507 : vector<128x128xi1>
    %xor3A_3509 = arith.xori %or3A_3508, %ne3A_3503 : vector<128x128xi1>
    %xor3A_3510 = arith.xori %xor3A_3509, %ne3A_3426 : vector<128x128xi1>
    %select_n3A_3511 = arith.select %xor3A_3510, %select_n3A_3483, %select_n3A_3468 : vector<128x128xi1>, vector<128x128xf32>
    %select_n3A_3512 = arith.select %xor3A_3510, %select_n3A_3497, %select_n3A_3469 : vector<128x128xi1>, vector<128x128xi32>
    %slice3A_3513 = vector.extract_strided_slice %select_n3A_3511 {offsets = [8, 0], sizes = [120, 128], strides = [1, 1]} : vector<128x128xf32> to vector<120x128xf32>
    %slice3A_3514 = vector.extract_strided_slice %select_n3A_3511 {offsets = [0, 0], sizes = [8, 128], strides = [1, 1]} : vector<128x128xf32> to vector<8x128xf32>
    %concatenate3A_3515 = tpu.concatenate %slice3A_3513, %slice3A_3514 in 0 : vector<120x128xf32>, vector<8x128xf32> -> vector<128x128xf32>
    %slice3A_3516 = vector.extract_strided_slice %select_n3A_3511 {offsets = [120, 0], sizes = [8, 128], strides = [1, 1]} : vector<128x128xf32> to vector<8x128xf32>
    %slice3A_3517 = vector.extract_strided_slice %select_n3A_3511 {offsets = [0, 0], sizes = [120, 128], strides = [1, 1]} : vector<128x128xf32> to vector<120x128xf32>
    %concatenate3A_3518 = tpu.concatenate %slice3A_3516, %slice3A_3517 in 0 : vector<8x128xf32>, vector<120x128xf32> -> vector<128x128xf32>
    %iota3A_3519 = tpu.iota {dimensions = array<i32: 0>} : vector<128x128xi32>
    %and3A_3520 = arith.constant 8 : i32
    %and3A_3521 = vector.broadcast %and3A_3520 : i32 to vector<128x128xi32>
    %and3A_3522 = arith.andi %iota3A_3519, %and3A_3521 : vector<128x128xi32>
    %ne3A_3523 = arith.constant 0 : i32
    %ne3A_3524 = vector.broadcast %ne3A_3523 : i32 to vector<128x128xi32>
    %ne3A_3525 = arith.cmpi ne, %and3A_3522, %ne3A_3524 : vector<128x128xi32>
    %select_n3A_3526 = arith.select %ne3A_3525, %concatenate3A_3518, %concatenate3A_3515 : vector<128x128xi1>, vector<128x128xf32>
    %slice3A_3527 = vector.extract_strided_slice %select_n3A_3512 {offsets = [8, 0], sizes = [120, 128], strides = [1, 1]} : vector<128x128xi32> to vector<120x128xi32>
    %slice3A_3528 = vector.extract_strided_slice %select_n3A_3512 {offsets = [0, 0], sizes = [8, 128], strides = [1, 1]} : vector<128x128xi32> to vector<8x128xi32>
    %concatenate3A_3529 = tpu.concatenate %slice3A_3527, %slice3A_3528 in 0 : vector<120x128xi32>, vector<8x128xi32> -> vector<128x128xi32>
    %slice3A_3530 = vector.extract_strided_slice %select_n3A_3512 {offsets = [120, 0], sizes = [8, 128], strides = [1, 1]} : vector<128x128xi32> to vector<8x128xi32>
    %slice3A_3531 = vector.extract_strided_slice %select_n3A_3512 {offsets = [0, 0], sizes = [120, 128], strides = [1, 1]} : vector<128x128xi32> to vector<120x128xi32>
    %concatenate3A_3532 = tpu.concatenate %slice3A_3530, %slice3A_3531 in 0 : vector<8x128xi32>, vector<120x128xi32> -> vector<128x128xi32>
    %iota3A_3533 = tpu.iota {dimensions = array<i32: 0>} : vector<128x128xi32>
    %and3A_3534 = arith.constant 8 : i32
    %and3A_3535 = vector.broadcast %and3A_3534 : i32 to vector<128x128xi32>
    %and3A_3536 = arith.andi %iota3A_3533, %and3A_3535 : vector<128x128xi32>
    %ne3A_3537 = arith.constant 0 : i32
    %ne3A_3538 = vector.broadcast %ne3A_3537 : i32 to vector<128x128xi32>
    %ne3A_3539 = arith.cmpi ne, %and3A_3536, %ne3A_3538 : vector<128x128xi32>
    %select_n3A_3540 = arith.select %ne3A_3539, %concatenate3A_3532, %concatenate3A_3529 : vector<128x128xi1>, vector<128x128xi32>
    %and3A_3541 = arith.constant 1024 : i32
    %and3A_3542 = vector.broadcast %and3A_3541 : i32 to vector<128x128xi32>
    %and3A_3543 = arith.andi %add3A, %and3A_3542 : vector<128x128xi32>
    %ne3A_3544 = arith.constant 0 : i32
    %ne3A_3545 = vector.broadcast %ne3A_3544 : i32 to vector<128x128xi32>
    %ne3A_3546 = arith.cmpi ne, %and3A_3543, %ne3A_3545 : vector<128x128xi32>
    %gt3A_3547 = arith.cmpf ogt, %select_n3A_3526, %select_n3A_3511 : vector<128x128xf32>
    %eq3A_3548 = arith.cmpf oeq, %select_n3A_3526, %select_n3A_3511 : vector<128x128xf32>
    %lt3A_3549 = arith.cmpi slt, %select_n3A_3540, %select_n3A_3512 : vector<128x128xi32>
    %and3A_3550 = arith.andi %eq3A_3548, %lt3A_3549 : vector<128x128xi1>
    %or3A_3551 = arith.ori %gt3A_3547, %and3A_3550 : vector<128x128xi1>
    %xor3A_3552 = arith.xori %or3A_3551, %ne3A_3546 : vector<128x128xi1>
    %xor3A_3553 = arith.xori %xor3A_3552, %ne3A_3426 : vector<128x128xi1>
    %select_n3A_3554 = arith.select %xor3A_3553, %select_n3A_3526, %select_n3A_3511 : vector<128x128xi1>, vector<128x128xf32>
    %select_n3A_3555 = arith.select %xor3A_3553, %select_n3A_3540, %select_n3A_3512 : vector<128x128xi1>, vector<128x128xi32>
    %slice3A_3556 = vector.extract_strided_slice %select_n3A_3554 {offsets = [4, 0], sizes = [124, 128], strides = [1, 1]} : vector<128x128xf32> to vector<124x128xf32>
    %slice3A_3557 = vector.extract_strided_slice %select_n3A_3554 {offsets = [0, 0], sizes = [4, 128], strides = [1, 1]} : vector<128x128xf32> to vector<4x128xf32>
    %concatenate3A_3558 = tpu.concatenate %slice3A_3556, %slice3A_3557 in 0 : vector<124x128xf32>, vector<4x128xf32> -> vector<128x128xf32>
    %slice3A_3559 = vector.extract_strided_slice %select_n3A_3554 {offsets = [124, 0], sizes = [4, 128], strides = [1, 1]} : vector<128x128xf32> to vector<4x128xf32>
    %slice3A_3560 = vector.extract_strided_slice %select_n3A_3554 {offsets = [0, 0], sizes = [124, 128], strides = [1, 1]} : vector<128x128xf32> to vector<124x128xf32>
    %concatenate3A_3561 = tpu.concatenate %slice3A_3559, %slice3A_3560 in 0 : vector<4x128xf32>, vector<124x128xf32> -> vector<128x128xf32>
    %iota3A_3562 = tpu.iota {dimensions = array<i32: 0>} : vector<128x128xi32>
    %and3A_3563 = arith.constant 4 : i32
    %and3A_3564 = vector.broadcast %and3A_3563 : i32 to vector<128x128xi32>
    %and3A_3565 = arith.andi %iota3A_3562, %and3A_3564 : vector<128x128xi32>
    %ne3A_3566 = arith.constant 0 : i32
    %ne3A_3567 = vector.broadcast %ne3A_3566 : i32 to vector<128x128xi32>
    %ne3A_3568 = arith.cmpi ne, %and3A_3565, %ne3A_3567 : vector<128x128xi32>
    %select_n3A_3569 = arith.select %ne3A_3568, %concatenate3A_3561, %concatenate3A_3558 : vector<128x128xi1>, vector<128x128xf32>
    %slice3A_3570 = vector.extract_strided_slice %select_n3A_3555 {offsets = [4, 0], sizes = [124, 128], strides = [1, 1]} : vector<128x128xi32> to vector<124x128xi32>
    %slice3A_3571 = vector.extract_strided_slice %select_n3A_3555 {offsets = [0, 0], sizes = [4, 128], strides = [1, 1]} : vector<128x128xi32> to vector<4x128xi32>
    %concatenate3A_3572 = tpu.concatenate %slice3A_3570, %slice3A_3571 in 0 : vector<124x128xi32>, vector<4x128xi32> -> vector<128x128xi32>
    %slice3A_3573 = vector.extract_strided_slice %select_n3A_3555 {offsets = [124, 0], sizes = [4, 128], strides = [1, 1]} : vector<128x128xi32> to vector<4x128xi32>
    %slice3A_3574 = vector.extract_strided_slice %select_n3A_3555 {offsets = [0, 0], sizes = [124, 128], strides = [1, 1]} : vector<128x128xi32> to vector<124x128xi32>
    %concatenate3A_3575 = tpu.concatenate %slice3A_3573, %slice3A_3574 in 0 : vector<4x128xi32>, vector<124x128xi32> -> vector<128x128xi32>
    %iota3A_3576 = tpu.iota {dimensions = array<i32: 0>} : vector<128x128xi32>
    %and3A_3577 = arith.constant 4 : i32
    %and3A_3578 = vector.broadcast %and3A_3577 : i32 to vector<128x128xi32>
    %and3A_3579 = arith.andi %iota3A_3576, %and3A_3578 : vector<128x128xi32>
    %ne3A_3580 = arith.constant 0 : i32
    %ne3A_3581 = vector.broadcast %ne3A_3580 : i32 to vector<128x128xi32>
    %ne3A_3582 = arith.cmpi ne, %and3A_3579, %ne3A_3581 : vector<128x128xi32>
    %select_n3A_3583 = arith.select %ne3A_3582, %concatenate3A_3575, %concatenate3A_3572 : vector<128x128xi1>, vector<128x128xi32>
    %and3A_3584 = arith.constant 512 : i32
    %and3A_3585 = vector.broadcast %and3A_3584 : i32 to vector<128x128xi32>
    %and3A_3586 = arith.andi %add3A, %and3A_3585 : vector<128x128xi32>
    %ne3A_3587 = arith.constant 0 : i32
    %ne3A_3588 = vector.broadcast %ne3A_3587 : i32 to vector<128x128xi32>
    %ne3A_3589 = arith.cmpi ne, %and3A_3586, %ne3A_3588 : vector<128x128xi32>
    %gt3A_3590 = arith.cmpf ogt, %select_n3A_3569, %select_n3A_3554 : vector<128x128xf32>
    %eq3A_3591 = arith.cmpf oeq, %select_n3A_3569, %select_n3A_3554 : vector<128x128xf32>
    %lt3A_3592 = arith.cmpi slt, %select_n3A_3583, %select_n3A_3555 : vector<128x128xi32>
    %and3A_3593 = arith.andi %eq3A_3591, %lt3A_3592 : vector<128x128xi1>
    %or3A_3594 = arith.ori %gt3A_3590, %and3A_3593 : vector<128x128xi1>
    %xor3A_3595 = arith.xori %or3A_3594, %ne3A_3589 : vector<128x128xi1>
    %xor3A_3596 = arith.xori %xor3A_3595, %ne3A_3426 : vector<128x128xi1>
    %select_n3A_3597 = arith.select %xor3A_3596, %select_n3A_3569, %select_n3A_3554 : vector<128x128xi1>, vector<128x128xf32>
    %select_n3A_3598 = arith.select %xor3A_3596, %select_n3A_3583, %select_n3A_3555 : vector<128x128xi1>, vector<128x128xi32>
    %slice3A_3599 = vector.extract_strided_slice %select_n3A_3597 {offsets = [2, 0], sizes = [126, 128], strides = [1, 1]} : vector<128x128xf32> to vector<126x128xf32>
    %slice3A_3600 = vector.extract_strided_slice %select_n3A_3597 {offsets = [0, 0], sizes = [2, 128], strides = [1, 1]} : vector<128x128xf32> to vector<2x128xf32>
    %concatenate3A_3601 = tpu.concatenate %slice3A_3599, %slice3A_3600 in 0 : vector<126x128xf32>, vector<2x128xf32> -> vector<128x128xf32>
    %slice3A_3602 = vector.extract_strided_slice %select_n3A_3597 {offsets = [126, 0], sizes = [2, 128], strides = [1, 1]} : vector<128x128xf32> to vector<2x128xf32>
    %slice3A_3603 = vector.extract_strided_slice %select_n3A_3597 {offsets = [0, 0], sizes = [126, 128], strides = [1, 1]} : vector<128x128xf32> to vector<126x128xf32>
    %concatenate3A_3604 = tpu.concatenate %slice3A_3602, %slice3A_3603 in 0 : vector<2x128xf32>, vector<126x128xf32> -> vector<128x128xf32>
    %iota3A_3605 = tpu.iota {dimensions = array<i32: 0>} : vector<128x128xi32>
    %and3A_3606 = arith.constant 2 : i32
    %and3A_3607 = vector.broadcast %and3A_3606 : i32 to vector<128x128xi32>
    %and3A_3608 = arith.andi %iota3A_3605, %and3A_3607 : vector<128x128xi32>
    %ne3A_3609 = arith.constant 0 : i32
    %ne3A_3610 = vector.broadcast %ne3A_3609 : i32 to vector<128x128xi32>
    %ne3A_3611 = arith.cmpi ne, %and3A_3608, %ne3A_3610 : vector<128x128xi32>
    %select_n3A_3612 = arith.select %ne3A_3611, %concatenate3A_3604, %concatenate3A_3601 : vector<128x128xi1>, vector<128x128xf32>
    %slice3A_3613 = vector.extract_strided_slice %select_n3A_3598 {offsets = [2, 0], sizes = [126, 128], strides = [1, 1]} : vector<128x128xi32> to vector<126x128xi32>
    %slice3A_3614 = vector.extract_strided_slice %select_n3A_3598 {offsets = [0, 0], sizes = [2, 128], strides = [1, 1]} : vector<128x128xi32> to vector<2x128xi32>
    %concatenate3A_3615 = tpu.concatenate %slice3A_3613, %slice3A_3614 in 0 : vector<126x128xi32>, vector<2x128xi32> -> vector<128x128xi32>
    %slice3A_3616 = vector.extract_strided_slice %select_n3A_3598 {offsets = [126, 0], sizes = [2, 128], strides = [1, 1]} : vector<128x128xi32> to vector<2x128xi32>
    %slice3A_3617 = vector.extract_strided_slice %select_n3A_3598 {offsets = [0, 0], sizes = [126, 128], strides = [1, 1]} : vector<128x128xi32> to vector<126x128xi32>
    %concatenate3A_3618 = tpu.concatenate %slice3A_3616, %slice3A_3617 in 0 : vector<2x128xi32>, vector<126x128xi32> -> vector<128x128xi32>
    %iota3A_3619 = tpu.iota {dimensions = array<i32: 0>} : vector<128x128xi32>
    %and3A_3620 = arith.constant 2 : i32
    %and3A_3621 = vector.broadcast %and3A_3620 : i32 to vector<128x128xi32>
    %and3A_3622 = arith.andi %iota3A_3619, %and3A_3621 : vector<128x128xi32>
    %ne3A_3623 = arith.constant 0 : i32
    %ne3A_3624 = vector.broadcast %ne3A_3623 : i32 to vector<128x128xi32>
    %ne3A_3625 = arith.cmpi ne, %and3A_3622, %ne3A_3624 : vector<128x128xi32>
    %select_n3A_3626 = arith.select %ne3A_3625, %concatenate3A_3618, %concatenate3A_3615 : vector<128x128xi1>, vector<128x128xi32>
    %and3A_3627 = arith.constant 256 : i32
    %and3A_3628 = vector.broadcast %and3A_3627 : i32 to vector<128x128xi32>
    %and3A_3629 = arith.andi %add3A, %and3A_3628 : vector<128x128xi32>
    %ne3A_3630 = arith.constant 0 : i32
    %ne3A_3631 = vector.broadcast %ne3A_3630 : i32 to vector<128x128xi32>
    %ne3A_3632 = arith.cmpi ne, %and3A_3629, %ne3A_3631 : vector<128x128xi32>
    %gt3A_3633 = arith.cmpf ogt, %select_n3A_3612, %select_n3A_3597 : vector<128x128xf32>
    %eq3A_3634 = arith.cmpf oeq, %select_n3A_3612, %select_n3A_3597 : vector<128x128xf32>
    %lt3A_3635 = arith.cmpi slt, %select_n3A_3626, %select_n3A_3598 : vector<128x128xi32>
    %and3A_3636 = arith.andi %eq3A_3634, %lt3A_3635 : vector<128x128xi1>
    %or3A_3637 = arith.ori %gt3A_3633, %and3A_3636 : vector<128x128xi1>
    %xor3A_3638 = arith.xori %or3A_3637, %ne3A_3632 : vector<128x128xi1>
    %xor3A_3639 = arith.xori %xor3A_3638, %ne3A_3426 : vector<128x128xi1>
    %select_n3A_3640 = arith.select %xor3A_3639, %select_n3A_3612, %select_n3A_3597 : vector<128x128xi1>, vector<128x128xf32>
    %select_n3A_3641 = arith.select %xor3A_3639, %select_n3A_3626, %select_n3A_3598 : vector<128x128xi1>, vector<128x128xi32>
    %slice3A_3642 = vector.extract_strided_slice %select_n3A_3640 {offsets = [1, 0], sizes = [127, 128], strides = [1, 1]} : vector<128x128xf32> to vector<127x128xf32>
    %slice3A_3643 = vector.extract_strided_slice %select_n3A_3640 {offsets = [0, 0], sizes = [1, 128], strides = [1, 1]} : vector<128x128xf32> to vector<1x128xf32>
    %concatenate3A_3644 = tpu.concatenate %slice3A_3642, %slice3A_3643 in 0 : vector<127x128xf32>, vector<1x128xf32> -> vector<128x128xf32>
    %slice3A_3645 = vector.extract_strided_slice %select_n3A_3640 {offsets = [127, 0], sizes = [1, 128], strides = [1, 1]} : vector<128x128xf32> to vector<1x128xf32>
    %slice3A_3646 = vector.extract_strided_slice %select_n3A_3640 {offsets = [0, 0], sizes = [127, 128], strides = [1, 1]} : vector<128x128xf32> to vector<127x128xf32>
    %concatenate3A_3647 = tpu.concatenate %slice3A_3645, %slice3A_3646 in 0 : vector<1x128xf32>, vector<127x128xf32> -> vector<128x128xf32>
    %iota3A_3648 = tpu.iota {dimensions = array<i32: 0>} : vector<128x128xi32>
    %and3A_3649 = arith.constant 1 : i32
    %and3A_3650 = vector.broadcast %and3A_3649 : i32 to vector<128x128xi32>
    %and3A_3651 = arith.andi %iota3A_3648, %and3A_3650 : vector<128x128xi32>
    %ne3A_3652 = arith.constant 0 : i32
    %ne3A_3653 = vector.broadcast %ne3A_3652 : i32 to vector<128x128xi32>
    %ne3A_3654 = arith.cmpi ne, %and3A_3651, %ne3A_3653 : vector<128x128xi32>
    %select_n3A_3655 = arith.select %ne3A_3654, %concatenate3A_3647, %concatenate3A_3644 : vector<128x128xi1>, vector<128x128xf32>
    %slice3A_3656 = vector.extract_strided_slice %select_n3A_3641 {offsets = [1, 0], sizes = [127, 128], strides = [1, 1]} : vector<128x128xi32> to vector<127x128xi32>
    %slice3A_3657 = vector.extract_strided_slice %select_n3A_3641 {offsets = [0, 0], sizes = [1, 128], strides = [1, 1]} : vector<128x128xi32> to vector<1x128xi32>
    %concatenate3A_3658 = tpu.concatenate %slice3A_3656, %slice3A_3657 in 0 : vector<127x128xi32>, vector<1x128xi32> -> vector<128x128xi32>
    %slice3A_3659 = vector.extract_strided_slice %select_n3A_3641 {offsets = [127, 0], sizes = [1, 128], strides = [1, 1]} : vector<128x128xi32> to vector<1x128xi32>
    %slice3A_3660 = vector.extract_strided_slice %select_n3A_3641 {offsets = [0, 0], sizes = [127, 128], strides = [1, 1]} : vector<128x128xi32> to vector<127x128xi32>
    %concatenate3A_3661 = tpu.concatenate %slice3A_3659, %slice3A_3660 in 0 : vector<1x128xi32>, vector<127x128xi32> -> vector<128x128xi32>
    %iota3A_3662 = tpu.iota {dimensions = array<i32: 0>} : vector<128x128xi32>
    %and3A_3663 = arith.constant 1 : i32
    %and3A_3664 = vector.broadcast %and3A_3663 : i32 to vector<128x128xi32>
    %and3A_3665 = arith.andi %iota3A_3662, %and3A_3664 : vector<128x128xi32>
    %ne3A_3666 = arith.constant 0 : i32
    %ne3A_3667 = vector.broadcast %ne3A_3666 : i32 to vector<128x128xi32>
    %ne3A_3668 = arith.cmpi ne, %and3A_3665, %ne3A_3667 : vector<128x128xi32>
    %select_n3A_3669 = arith.select %ne3A_3668, %concatenate3A_3661, %concatenate3A_3658 : vector<128x128xi1>, vector<128x128xi32>
    %and3A_3670 = arith.constant 128 : i32
    %and3A_3671 = vector.broadcast %and3A_3670 : i32 to vector<128x128xi32>
    %and3A_3672 = arith.andi %add3A, %and3A_3671 : vector<128x128xi32>
    %ne3A_3673 = arith.constant 0 : i32
    %ne3A_3674 = vector.broadcast %ne3A_3673 : i32 to vector<128x128xi32>
    %ne3A_3675 = arith.cmpi ne, %and3A_3672, %ne3A_3674 : vector<128x128xi32>
    %gt3A_3676 = arith.cmpf ogt, %select_n3A_3655, %select_n3A_3640 : vector<128x128xf32>
    %eq3A_3677 = arith.cmpf oeq, %select_n3A_3655, %select_n3A_3640 : vector<128x128xf32>
    %lt3A_3678 = arith.cmpi slt, %select_n3A_3669, %select_n3A_3641 : vector<128x128xi32>
    %and3A_3679 = arith.andi %eq3A_3677, %lt3A_3678 : vector<128x128xi1>
    %or3A_3680 = arith.ori %gt3A_3676, %and3A_3679 : vector<128x128xi1>
    %xor3A_3681 = arith.xori %or3A_3680, %ne3A_3675 : vector<128x128xi1>
    %xor3A_3682 = arith.xori %xor3A_3681, %ne3A_3426 : vector<128x128xi1>
    %select_n3A_3683 = arith.select %xor3A_3682, %select_n3A_3655, %select_n3A_3640 : vector<128x128xi1>, vector<128x128xf32>
    %select_n3A_3684 = arith.select %xor3A_3682, %select_n3A_3669, %select_n3A_3641 : vector<128x128xi1>, vector<128x128xi32>
    %slice3A_3685 = vector.extract_strided_slice %select_n3A_3683 {offsets = [0, 64], sizes = [128, 64], strides = [1, 1]} : vector<128x128xf32> to vector<128x64xf32>
    %slice3A_3686 = vector.extract_strided_slice %select_n3A_3683 {offsets = [0, 0], sizes = [128, 64], strides = [1, 1]} : vector<128x128xf32> to vector<128x64xf32>
    %concatenate3A_3687 = tpu.concatenate %slice3A_3685, %slice3A_3686 in 1 : vector<128x64xf32>, vector<128x64xf32> -> vector<128x128xf32>
    %slice3A_3688 = vector.extract_strided_slice %select_n3A_3683 {offsets = [0, 64], sizes = [128, 64], strides = [1, 1]} : vector<128x128xf32> to vector<128x64xf32>
    %slice3A_3689 = vector.extract_strided_slice %select_n3A_3683 {offsets = [0, 0], sizes = [128, 64], strides = [1, 1]} : vector<128x128xf32> to vector<128x64xf32>
    %concatenate3A_3690 = tpu.concatenate %slice3A_3688, %slice3A_3689 in 1 : vector<128x64xf32>, vector<128x64xf32> -> vector<128x128xf32>
    %iota3A_3691 = tpu.iota {dimensions = array<i32: 1>} : vector<128x128xi32>
    %and3A_3692 = arith.constant 64 : i32
    %and3A_3693 = vector.broadcast %and3A_3692 : i32 to vector<128x128xi32>
    %and3A_3694 = arith.andi %iota3A_3691, %and3A_3693 : vector<128x128xi32>
    %ne3A_3695 = arith.constant 0 : i32
    %ne3A_3696 = vector.broadcast %ne3A_3695 : i32 to vector<128x128xi32>
    %ne3A_3697 = arith.cmpi ne, %and3A_3694, %ne3A_3696 : vector<128x128xi32>
    %select_n3A_3698 = arith.select %ne3A_3697, %concatenate3A_3690, %concatenate3A_3687 : vector<128x128xi1>, vector<128x128xf32>
    %slice3A_3699 = vector.extract_strided_slice %select_n3A_3684 {offsets = [0, 64], sizes = [128, 64], strides = [1, 1]} : vector<128x128xi32> to vector<128x64xi32>
    %slice3A_3700 = vector.extract_strided_slice %select_n3A_3684 {offsets = [0, 0], sizes = [128, 64], strides = [1, 1]} : vector<128x128xi32> to vector<128x64xi32>
    %concatenate3A_3701 = tpu.concatenate %slice3A_3699, %slice3A_3700 in 1 : vector<128x64xi32>, vector<128x64xi32> -> vector<128x128xi32>
    %slice3A_3702 = vector.extract_strided_slice %select_n3A_3684 {offsets = [0, 64], sizes = [128, 64], strides = [1, 1]} : vector<128x128xi32> to vector<128x64xi32>
    %slice3A_3703 = vector.extract_strided_slice %select_n3A_3684 {offsets = [0, 0], sizes = [128, 64], strides = [1, 1]} : vector<128x128xi32> to vector<128x64xi32>
    %concatenate3A_3704 = tpu.concatenate %slice3A_3702, %slice3A_3703 in 1 : vector<128x64xi32>, vector<128x64xi32> -> vector<128x128xi32>
    %iota3A_3705 = tpu.iota {dimensions = array<i32: 1>} : vector<128x128xi32>
    %and3A_3706 = arith.constant 64 : i32
    %and3A_3707 = vector.broadcast %and3A_3706 : i32 to vector<128x128xi32>
    %and3A_3708 = arith.andi %iota3A_3705, %and3A_3707 : vector<128x128xi32>
    %ne3A_3709 = arith.constant 0 : i32
    %ne3A_3710 = vector.broadcast %ne3A_3709 : i32 to vector<128x128xi32>
    %ne3A_3711 = arith.cmpi ne, %and3A_3708, %ne3A_3710 : vector<128x128xi32>
    %select_n3A_3712 = arith.select %ne3A_3711, %concatenate3A_3704, %concatenate3A_3701 : vector<128x128xi1>, vector<128x128xi32>
    %and3A_3713 = arith.constant 64 : i32
    %and3A_3714 = vector.broadcast %and3A_3713 : i32 to vector<128x128xi32>
    %and3A_3715 = arith.andi %add3A, %and3A_3714 : vector<128x128xi32>
    %ne3A_3716 = arith.constant 0 : i32
    %ne3A_3717 = vector.broadcast %ne3A_3716 : i32 to vector<128x128xi32>
    %ne3A_3718 = arith.cmpi ne, %and3A_3715, %ne3A_3717 : vector<128x128xi32>
    %gt3A_3719 = arith.cmpf ogt, %select_n3A_3698, %select_n3A_3683 : vector<128x128xf32>
    %eq3A_3720 = arith.cmpf oeq, %select_n3A_3698, %select_n3A_3683 : vector<128x128xf32>
    %lt3A_3721 = arith.cmpi slt, %select_n3A_3712, %select_n3A_3684 : vector<128x128xi32>
    %and3A_3722 = arith.andi %eq3A_3720, %lt3A_3721 : vector<128x128xi1>
    %or3A_3723 = arith.ori %gt3A_3719, %and3A_3722 : vector<128x128xi1>
    %xor3A_3724 = arith.xori %or3A_3723, %ne3A_3718 : vector<128x128xi1>
    %xor3A_3725 = arith.xori %xor3A_3724, %ne3A_3426 : vector<128x128xi1>
    %select_n3A_3726 = arith.select %xor3A_3725, %select_n3A_3698, %select_n3A_3683 : vector<128x128xi1>, vector<128x128xf32>
    %select_n3A_3727 = arith.select %xor3A_3725, %select_n3A_3712, %select_n3A_3684 : vector<128x128xi1>, vector<128x128xi32>
    %slice3A_3728 = vector.extract_strided_slice %select_n3A_3726 {offsets = [0, 32], sizes = [128, 96], strides = [1, 1]} : vector<128x128xf32> to vector<128x96xf32>
    %slice3A_3729 = vector.extract_strided_slice %select_n3A_3726 {offsets = [0, 0], sizes = [128, 32], strides = [1, 1]} : vector<128x128xf32> to vector<128x32xf32>
    %concatenate3A_3730 = tpu.concatenate %slice3A_3728, %slice3A_3729 in 1 : vector<128x96xf32>, vector<128x32xf32> -> vector<128x128xf32>
    %slice3A_3731 = vector.extract_strided_slice %select_n3A_3726 {offsets = [0, 96], sizes = [128, 32], strides = [1, 1]} : vector<128x128xf32> to vector<128x32xf32>
    %slice3A_3732 = vector.extract_strided_slice %select_n3A_3726 {offsets = [0, 0], sizes = [128, 96], strides = [1, 1]} : vector<128x128xf32> to vector<128x96xf32>
    %concatenate3A_3733 = tpu.concatenate %slice3A_3731, %slice3A_3732 in 1 : vector<128x32xf32>, vector<128x96xf32> -> vector<128x128xf32>
    %iota3A_3734 = tpu.iota {dimensions = array<i32: 1>} : vector<128x128xi32>
    %and3A_3735 = arith.constant 32 : i32
    %and3A_3736 = vector.broadcast %and3A_3735 : i32 to vector<128x128xi32>
    %and3A_3737 = arith.andi %iota3A_3734, %and3A_3736 : vector<128x128xi32>
    %ne3A_3738 = arith.constant 0 : i32
    %ne3A_3739 = vector.broadcast %ne3A_3738 : i32 to vector<128x128xi32>
    %ne3A_3740 = arith.cmpi ne, %and3A_3737, %ne3A_3739 : vector<128x128xi32>
    %select_n3A_3741 = arith.select %ne3A_3740, %concatenate3A_3733, %concatenate3A_3730 : vector<128x128xi1>, vector<128x128xf32>
    %slice3A_3742 = vector.extract_strided_slice %select_n3A_3727 {offsets = [0, 32], sizes = [128, 96], strides = [1, 1]} : vector<128x128xi32> to vector<128x96xi32>
    %slice3A_3743 = vector.extract_strided_slice %select_n3A_3727 {offsets = [0, 0], sizes = [128, 32], strides = [1, 1]} : vector<128x128xi32> to vector<128x32xi32>
    %concatenate3A_3744 = tpu.concatenate %slice3A_3742, %slice3A_3743 in 1 : vector<128x96xi32>, vector<128x32xi32> -> vector<128x128xi32>
    %slice3A_3745 = vector.extract_strided_slice %select_n3A_3727 {offsets = [0, 96], sizes = [128, 32], strides = [1, 1]} : vector<128x128xi32> to vector<128x32xi32>
    %slice3A_3746 = vector.extract_strided_slice %select_n3A_3727 {offsets = [0, 0], sizes = [128, 96], strides = [1, 1]} : vector<128x128xi32> to vector<128x96xi32>
    %concatenate3A_3747 = tpu.concatenate %slice3A_3745, %slice3A_3746 in 1 : vector<128x32xi32>, vector<128x96xi32> -> vector<128x128xi32>
    %iota3A_3748 = tpu.iota {dimensions = array<i32: 1>} : vector<128x128xi32>
    %and3A_3749 = arith.constant 32 : i32
    %and3A_3750 = vector.broadcast %and3A_3749 : i32 to vector<128x128xi32>
    %and3A_3751 = arith.andi %iota3A_3748, %and3A_3750 : vector<128x128xi32>
    %ne3A_3752 = arith.constant 0 : i32
    %ne3A_3753 = vector.broadcast %ne3A_3752 : i32 to vector<128x128xi32>
    %ne3A_3754 = arith.cmpi ne, %and3A_3751, %ne3A_3753 : vector<128x128xi32>
    %select_n3A_3755 = arith.select %ne3A_3754, %concatenate3A_3747, %concatenate3A_3744 : vector<128x128xi1>, vector<128x128xi32>
    %and3A_3756 = arith.constant 32 : i32
    %and3A_3757 = vector.broadcast %and3A_3756 : i32 to vector<128x128xi32>
    %and3A_3758 = arith.andi %add3A, %and3A_3757 : vector<128x128xi32>
    %ne3A_3759 = arith.constant 0 : i32
    %ne3A_3760 = vector.broadcast %ne3A_3759 : i32 to vector<128x128xi32>
    %ne3A_3761 = arith.cmpi ne, %and3A_3758, %ne3A_3760 : vector<128x128xi32>
    %gt3A_3762 = arith.cmpf ogt, %select_n3A_3741, %select_n3A_3726 : vector<128x128xf32>
    %eq3A_3763 = arith.cmpf oeq, %select_n3A_3741, %select_n3A_3726 : vector<128x128xf32>
    %lt3A_3764 = arith.cmpi slt, %select_n3A_3755, %select_n3A_3727 : vector<128x128xi32>
    %and3A_3765 = arith.andi %eq3A_3763, %lt3A_3764 : vector<128x128xi1>
    %or3A_3766 = arith.ori %gt3A_3762, %and3A_3765 : vector<128x128xi1>
    %xor3A_3767 = arith.xori %or3A_3766, %ne3A_3761 : vector<128x128xi1>
    %xor3A_3768 = arith.xori %xor3A_3767, %ne3A_3426 : vector<128x128xi1>
    %select_n3A_3769 = arith.select %xor3A_3768, %select_n3A_3741, %select_n3A_3726 : vector<128x128xi1>, vector<128x128xf32>
    %select_n3A_3770 = arith.select %xor3A_3768, %select_n3A_3755, %select_n3A_3727 : vector<128x128xi1>, vector<128x128xi32>
    %slice3A_3771 = vector.extract_strided_slice %select_n3A_3769 {offsets = [0, 16], sizes = [128, 112], strides = [1, 1]} : vector<128x128xf32> to vector<128x112xf32>
    %slice3A_3772 = vector.extract_strided_slice %select_n3A_3769 {offsets = [0, 0], sizes = [128, 16], strides = [1, 1]} : vector<128x128xf32> to vector<128x16xf32>
    %concatenate3A_3773 = tpu.concatenate %slice3A_3771, %slice3A_3772 in 1 : vector<128x112xf32>, vector<128x16xf32> -> vector<128x128xf32>
    %slice3A_3774 = vector.extract_strided_slice %select_n3A_3769 {offsets = [0, 112], sizes = [128, 16], strides = [1, 1]} : vector<128x128xf32> to vector<128x16xf32>
    %slice3A_3775 = vector.extract_strided_slice %select_n3A_3769 {offsets = [0, 0], sizes = [128, 112], strides = [1, 1]} : vector<128x128xf32> to vector<128x112xf32>
    %concatenate3A_3776 = tpu.concatenate %slice3A_3774, %slice3A_3775 in 1 : vector<128x16xf32>, vector<128x112xf32> -> vector<128x128xf32>
    %iota3A_3777 = tpu.iota {dimensions = array<i32: 1>} : vector<128x128xi32>
    %and3A_3778 = arith.constant 16 : i32
    %and3A_3779 = vector.broadcast %and3A_3778 : i32 to vector<128x128xi32>
    %and3A_3780 = arith.andi %iota3A_3777, %and3A_3779 : vector<128x128xi32>
    %ne3A_3781 = arith.constant 0 : i32
    %ne3A_3782 = vector.broadcast %ne3A_3781 : i32 to vector<128x128xi32>
    %ne3A_3783 = arith.cmpi ne, %and3A_3780, %ne3A_3782 : vector<128x128xi32>
    %select_n3A_3784 = arith.select %ne3A_3783, %concatenate3A_3776, %concatenate3A_3773 : vector<128x128xi1>, vector<128x128xf32>
    %slice3A_3785 = vector.extract_strided_slice %select_n3A_3770 {offsets = [0, 16], sizes = [128, 112], strides = [1, 1]} : vector<128x128xi32> to vector<128x112xi32>
    %slice3A_3786 = vector.extract_strided_slice %select_n3A_3770 {offsets = [0, 0], sizes = [128, 16], strides = [1, 1]} : vector<128x128xi32> to vector<128x16xi32>
    %concatenate3A_3787 = tpu.concatenate %slice3A_3785, %slice3A_3786 in 1 : vector<128x112xi32>, vector<128x16xi32> -> vector<128x128xi32>
    %slice3A_3788 = vector.extract_strided_slice %select_n3A_3770 {offsets = [0, 112], sizes = [128, 16], strides = [1, 1]} : vector<128x128xi32> to vector<128x16xi32>
    %slice3A_3789 = vector.extract_strided_slice %select_n3A_3770 {offsets = [0, 0], sizes = [128, 112], strides = [1, 1]} : vector<128x128xi32> to vector<128x112xi32>
    %concatenate3A_3790 = tpu.concatenate %slice3A_3788, %slice3A_3789 in 1 : vector<128x16xi32>, vector<128x112xi32> -> vector<128x128xi32>
    %iota3A_3791 = tpu.iota {dimensions = array<i32: 1>} : vector<128x128xi32>
    %and3A_3792 = arith.constant 16 : i32
    %and3A_3793 = vector.broadcast %and3A_3792 : i32 to vector<128x128xi32>
    %and3A_3794 = arith.andi %iota3A_3791, %and3A_3793 : vector<128x128xi32>
    %ne3A_3795 = arith.constant 0 : i32
    %ne3A_3796 = vector.broadcast %ne3A_3795 : i32 to vector<128x128xi32>
    %ne3A_3797 = arith.cmpi ne, %and3A_3794, %ne3A_3796 : vector<128x128xi32>
    %select_n3A_3798 = arith.select %ne3A_3797, %concatenate3A_3790, %concatenate3A_3787 : vector<128x128xi1>, vector<128x128xi32>
    %and3A_3799 = arith.constant 16 : i32
    %and3A_3800 = vector.broadcast %and3A_3799 : i32 to vector<128x128xi32>
    %and3A_3801 = arith.andi %add3A, %and3A_3800 : vector<128x128xi32>
    %ne3A_3802 = arith.constant 0 : i32
    %ne3A_3803 = vector.broadcast %ne3A_3802 : i32 to vector<128x128xi32>
    %ne3A_3804 = arith.cmpi ne, %and3A_3801, %ne3A_3803 : vector<128x128xi32>
    %gt3A_3805 = arith.cmpf ogt, %select_n3A_3784, %select_n3A_3769 : vector<128x128xf32>
    %eq3A_3806 = arith.cmpf oeq, %select_n3A_3784, %select_n3A_3769 : vector<128x128xf32>
    %lt3A_3807 = arith.cmpi slt, %select_n3A_3798, %select_n3A_3770 : vector<128x128xi32>
    %and3A_3808 = arith.andi %eq3A_3806, %lt3A_3807 : vector<128x128xi1>
    %or3A_3809 = arith.ori %gt3A_3805, %and3A_3808 : vector<128x128xi1>
    %xor3A_3810 = arith.xori %or3A_3809, %ne3A_3804 : vector<128x128xi1>
    %xor3A_3811 = arith.xori %xor3A_3810, %ne3A_3426 : vector<128x128xi1>
    %select_n3A_3812 = arith.select %xor3A_3811, %select_n3A_3784, %select_n3A_3769 : vector<128x128xi1>, vector<128x128xf32>
    %select_n3A_3813 = arith.select %xor3A_3811, %select_n3A_3798, %select_n3A_3770 : vector<128x128xi1>, vector<128x128xi32>
    %slice3A_3814 = vector.extract_strided_slice %select_n3A_3812 {offsets = [0, 8], sizes = [128, 120], strides = [1, 1]} : vector<128x128xf32> to vector<128x120xf32>
    %slice3A_3815 = vector.extract_strided_slice %select_n3A_3812 {offsets = [0, 0], sizes = [128, 8], strides = [1, 1]} : vector<128x128xf32> to vector<128x8xf32>
    %concatenate3A_3816 = tpu.concatenate %slice3A_3814, %slice3A_3815 in 1 : vector<128x120xf32>, vector<128x8xf32> -> vector<128x128xf32>
    %slice3A_3817 = vector.extract_strided_slice %select_n3A_3812 {offsets = [0, 120], sizes = [128, 8], strides = [1, 1]} : vector<128x128xf32> to vector<128x8xf32>
    %slice3A_3818 = vector.extract_strided_slice %select_n3A_3812 {offsets = [0, 0], sizes = [128, 120], strides = [1, 1]} : vector<128x128xf32> to vector<128x120xf32>
    %concatenate3A_3819 = tpu.concatenate %slice3A_3817, %slice3A_3818 in 1 : vector<128x8xf32>, vector<128x120xf32> -> vector<128x128xf32>
    %iota3A_3820 = tpu.iota {dimensions = array<i32: 1>} : vector<128x128xi32>
    %and3A_3821 = arith.constant 8 : i32
    %and3A_3822 = vector.broadcast %and3A_3821 : i32 to vector<128x128xi32>
    %and3A_3823 = arith.andi %iota3A_3820, %and3A_3822 : vector<128x128xi32>
    %ne3A_3824 = arith.constant 0 : i32
    %ne3A_3825 = vector.broadcast %ne3A_3824 : i32 to vector<128x128xi32>
    %ne3A_3826 = arith.cmpi ne, %and3A_3823, %ne3A_3825 : vector<128x128xi32>
    %select_n3A_3827 = arith.select %ne3A_3826, %concatenate3A_3819, %concatenate3A_3816 : vector<128x128xi1>, vector<128x128xf32>
    %slice3A_3828 = vector.extract_strided_slice %select_n3A_3813 {offsets = [0, 8], sizes = [128, 120], strides = [1, 1]} : vector<128x128xi32> to vector<128x120xi32>
    %slice3A_3829 = vector.extract_strided_slice %select_n3A_3813 {offsets = [0, 0], sizes = [128, 8], strides = [1, 1]} : vector<128x128xi32> to vector<128x8xi32>
    %concatenate3A_3830 = tpu.concatenate %slice3A_3828, %slice3A_3829 in 1 : vector<128x120xi32>, vector<128x8xi32> -> vector<128x128xi32>
    %slice3A_3831 = vector.extract_strided_slice %select_n3A_3813 {offsets = [0, 120], sizes = [128, 8], strides = [1, 1]} : vector<128x128xi32> to vector<128x8xi32>
    %slice3A_3832 = vector.extract_strided_slice %select_n3A_3813 {offsets = [0, 0], sizes = [128, 120], strides = [1, 1]} : vector<128x128xi32> to vector<128x120xi32>
    %concatenate3A_3833 = tpu.concatenate %slice3A_3831, %slice3A_3832 in 1 : vector<128x8xi32>, vector<128x120xi32> -> vector<128x128xi32>
    %iota3A_3834 = tpu.iota {dimensions = array<i32: 1>} : vector<128x128xi32>
    %and3A_3835 = arith.constant 8 : i32
    %and3A_3836 = vector.broadcast %and3A_3835 : i32 to vector<128x128xi32>
    %and3A_3837 = arith.andi %iota3A_3834, %and3A_3836 : vector<128x128xi32>
    %ne3A_3838 = arith.constant 0 : i32
    %ne3A_3839 = vector.broadcast %ne3A_3838 : i32 to vector<128x128xi32>
    %ne3A_3840 = arith.cmpi ne, %and3A_3837, %ne3A_3839 : vector<128x128xi32>
    %select_n3A_3841 = arith.select %ne3A_3840, %concatenate3A_3833, %concatenate3A_3830 : vector<128x128xi1>, vector<128x128xi32>
    %and3A_3842 = arith.constant 8 : i32
    %and3A_3843 = vector.broadcast %and3A_3842 : i32 to vector<128x128xi32>
    %and3A_3844 = arith.andi %add3A, %and3A_3843 : vector<128x128xi32>
    %ne3A_3845 = arith.constant 0 : i32
    %ne3A_3846 = vector.broadcast %ne3A_3845 : i32 to vector<128x128xi32>
    %ne3A_3847 = arith.cmpi ne, %and3A_3844, %ne3A_3846 : vector<128x128xi32>
    %gt3A_3848 = arith.cmpf ogt, %select_n3A_3827, %select_n3A_3812 : vector<128x128xf32>
    %eq3A_3849 = arith.cmpf oeq, %select_n3A_3827, %select_n3A_3812 : vector<128x128xf32>
    %lt3A_3850 = arith.cmpi slt, %select_n3A_3841, %select_n3A_3813 : vector<128x128xi32>
    %and3A_3851 = arith.andi %eq3A_3849, %lt3A_3850 : vector<128x128xi1>
    %or3A_3852 = arith.ori %gt3A_3848, %and3A_3851 : vector<128x128xi1>
    %xor3A_3853 = arith.xori %or3A_3852, %ne3A_3847 : vector<128x128xi1>
    %xor3A_3854 = arith.xori %xor3A_3853, %ne3A_3426 : vector<128x128xi1>
    %select_n3A_3855 = arith.select %xor3A_3854, %select_n3A_3827, %select_n3A_3812 : vector<128x128xi1>, vector<128x128xf32>
    %select_n3A_3856 = arith.select %xor3A_3854, %select_n3A_3841, %select_n3A_3813 : vector<128x128xi1>, vector<128x128xi32>
    %slice3A_3857 = vector.extract_strided_slice %select_n3A_3855 {offsets = [0, 4], sizes = [128, 124], strides = [1, 1]} : vector<128x128xf32> to vector<128x124xf32>
    %slice3A_3858 = vector.extract_strided_slice %select_n3A_3855 {offsets = [0, 0], sizes = [128, 4], strides = [1, 1]} : vector<128x128xf32> to vector<128x4xf32>
    %concatenate3A_3859 = tpu.concatenate %slice3A_3857, %slice3A_3858 in 1 : vector<128x124xf32>, vector<128x4xf32> -> vector<128x128xf32>
    %slice3A_3860 = vector.extract_strided_slice %select_n3A_3855 {offsets = [0, 124], sizes = [128, 4], strides = [1, 1]} : vector<128x128xf32> to vector<128x4xf32>
    %slice3A_3861 = vector.extract_strided_slice %select_n3A_3855 {offsets = [0, 0], sizes = [128, 124], strides = [1, 1]} : vector<128x128xf32> to vector<128x124xf32>
    %concatenate3A_3862 = tpu.concatenate %slice3A_3860, %slice3A_3861 in 1 : vector<128x4xf32>, vector<128x124xf32> -> vector<128x128xf32>
    %iota3A_3863 = tpu.iota {dimensions = array<i32: 1>} : vector<128x128xi32>
    %and3A_3864 = arith.constant 4 : i32
    %and3A_3865 = vector.broadcast %and3A_3864 : i32 to vector<128x128xi32>
    %and3A_3866 = arith.andi %iota3A_3863, %and3A_3865 : vector<128x128xi32>
    %ne3A_3867 = arith.constant 0 : i32
    %ne3A_3868 = vector.broadcast %ne3A_3867 : i32 to vector<128x128xi32>
    %ne3A_3869 = arith.cmpi ne, %and3A_3866, %ne3A_3868 : vector<128x128xi32>
    %select_n3A_3870 = arith.select %ne3A_3869, %concatenate3A_3862, %concatenate3A_3859 : vector<128x128xi1>, vector<128x128xf32>
    %slice3A_3871 = vector.extract_strided_slice %select_n3A_3856 {offsets = [0, 4], sizes = [128, 124], strides = [1, 1]} : vector<128x128xi32> to vector<128x124xi32>
    %slice3A_3872 = vector.extract_strided_slice %select_n3A_3856 {offsets = [0, 0], sizes = [128, 4], strides = [1, 1]} : vector<128x128xi32> to vector<128x4xi32>
    %concatenate3A_3873 = tpu.concatenate %slice3A_3871, %slice3A_3872 in 1 : vector<128x124xi32>, vector<128x4xi32> -> vector<128x128xi32>
    %slice3A_3874 = vector.extract_strided_slice %select_n3A_3856 {offsets = [0, 124], sizes = [128, 4], strides = [1, 1]} : vector<128x128xi32> to vector<128x4xi32>
    %slice3A_3875 = vector.extract_strided_slice %select_n3A_3856 {offsets = [0, 0], sizes = [128, 124], strides = [1, 1]} : vector<128x128xi32> to vector<128x124xi32>
    %concatenate3A_3876 = tpu.concatenate %slice3A_3874, %slice3A_3875 in 1 : vector<128x4xi32>, vector<128x124xi32> -> vector<128x128xi32>
    %iota3A_3877 = tpu.iota {dimensions = array<i32: 1>} : vector<128x128xi32>
    %and3A_3878 = arith.constant 4 : i32
    %and3A_3879 = vector.broadcast %and3A_3878 : i32 to vector<128x128xi32>
    %and3A_3880 = arith.andi %iota3A_3877, %and3A_3879 : vector<128x128xi32>
    %ne3A_3881 = arith.constant 0 : i32
    %ne3A_3882 = vector.broadcast %ne3A_3881 : i32 to vector<128x128xi32>
    %ne3A_3883 = arith.cmpi ne, %and3A_3880, %ne3A_3882 : vector<128x128xi32>
    %select_n3A_3884 = arith.select %ne3A_3883, %concatenate3A_3876, %concatenate3A_3873 : vector<128x128xi1>, vector<128x128xi32>
    %and3A_3885 = arith.constant 4 : i32
    %and3A_3886 = vector.broadcast %and3A_3885 : i32 to vector<128x128xi32>
    %and3A_3887 = arith.andi %add3A, %and3A_3886 : vector<128x128xi32>
    %ne3A_3888 = arith.constant 0 : i32
    %ne3A_3889 = vector.broadcast %ne3A_3888 : i32 to vector<128x128xi32>
    %ne3A_3890 = arith.cmpi ne, %and3A_3887, %ne3A_3889 : vector<128x128xi32>
    %gt3A_3891 = arith.cmpf ogt, %select_n3A_3870, %select_n3A_3855 : vector<128x128xf32>
    %eq3A_3892 = arith.cmpf oeq, %select_n3A_3870, %select_n3A_3855 : vector<128x128xf32>
    %lt3A_3893 = arith.cmpi slt, %select_n3A_3884, %select_n3A_3856 : vector<128x128xi32>
    %and3A_3894 = arith.andi %eq3A_3892, %lt3A_3893 : vector<128x128xi1>
    %or3A_3895 = arith.ori %gt3A_3891, %and3A_3894 : vector<128x128xi1>
    %xor3A_3896 = arith.xori %or3A_3895, %ne3A_3890 : vector<128x128xi1>
    %xor3A_3897 = arith.xori %xor3A_3896, %ne3A_3426 : vector<128x128xi1>
    %select_n3A_3898 = arith.select %xor3A_3897, %select_n3A_3870, %select_n3A_3855 : vector<128x128xi1>, vector<128x128xf32>
    %select_n3A_3899 = arith.select %xor3A_3897, %select_n3A_3884, %select_n3A_3856 : vector<128x128xi1>, vector<128x128xi32>
    %slice3A_3900 = vector.extract_strided_slice %select_n3A_3898 {offsets = [0, 2], sizes = [128, 126], strides = [1, 1]} : vector<128x128xf32> to vector<128x126xf32>
    %slice3A_3901 = vector.extract_strided_slice %select_n3A_3898 {offsets = [0, 0], sizes = [128, 2], strides = [1, 1]} : vector<128x128xf32> to vector<128x2xf32>
    %concatenate3A_3902 = tpu.concatenate %slice3A_3900, %slice3A_3901 in 1 : vector<128x126xf32>, vector<128x2xf32> -> vector<128x128xf32>
    %slice3A_3903 = vector.extract_strided_slice %select_n3A_3898 {offsets = [0, 126], sizes = [128, 2], strides = [1, 1]} : vector<128x128xf32> to vector<128x2xf32>
    %slice3A_3904 = vector.extract_strided_slice %select_n3A_3898 {offsets = [0, 0], sizes = [128, 126], strides = [1, 1]} : vector<128x128xf32> to vector<128x126xf32>
    %concatenate3A_3905 = tpu.concatenate %slice3A_3903, %slice3A_3904 in 1 : vector<128x2xf32>, vector<128x126xf32> -> vector<128x128xf32>
    %iota3A_3906 = tpu.iota {dimensions = array<i32: 1>} : vector<128x128xi32>
    %and3A_3907 = arith.constant 2 : i32
    %and3A_3908 = vector.broadcast %and3A_3907 : i32 to vector<128x128xi32>
    %and3A_3909 = arith.andi %iota3A_3906, %and3A_3908 : vector<128x128xi32>
    %ne3A_3910 = arith.constant 0 : i32
    %ne3A_3911 = vector.broadcast %ne3A_3910 : i32 to vector<128x128xi32>
    %ne3A_3912 = arith.cmpi ne, %and3A_3909, %ne3A_3911 : vector<128x128xi32>
    %select_n3A_3913 = arith.select %ne3A_3912, %concatenate3A_3905, %concatenate3A_3902 : vector<128x128xi1>, vector<128x128xf32>
    %slice3A_3914 = vector.extract_strided_slice %select_n3A_3899 {offsets = [0, 2], sizes = [128, 126], strides = [1, 1]} : vector<128x128xi32> to vector<128x126xi32>
    %slice3A_3915 = vector.extract_strided_slice %select_n3A_3899 {offsets = [0, 0], sizes = [128, 2], strides = [1, 1]} : vector<128x128xi32> to vector<128x2xi32>
    %concatenate3A_3916 = tpu.concatenate %slice3A_3914, %slice3A_3915 in 1 : vector<128x126xi32>, vector<128x2xi32> -> vector<128x128xi32>
    %slice3A_3917 = vector.extract_strided_slice %select_n3A_3899 {offsets = [0, 126], sizes = [128, 2], strides = [1, 1]} : vector<128x128xi32> to vector<128x2xi32>
    %slice3A_3918 = vector.extract_strided_slice %select_n3A_3899 {offsets = [0, 0], sizes = [128, 126], strides = [1, 1]} : vector<128x128xi32> to vector<128x126xi32>
    %concatenate3A_3919 = tpu.concatenate %slice3A_3917, %slice3A_3918 in 1 : vector<128x2xi32>, vector<128x126xi32> -> vector<128x128xi32>
    %iota3A_3920 = tpu.iota {dimensions = array<i32: 1>} : vector<128x128xi32>
    %and3A_3921 = arith.constant 2 : i32
    %and3A_3922 = vector.broadcast %and3A_3921 : i32 to vector<128x128xi32>
    %and3A_3923 = arith.andi %iota3A_3920, %and3A_3922 : vector<128x128xi32>
    %ne3A_3924 = arith.constant 0 : i32
    %ne3A_3925 = vector.broadcast %ne3A_3924 : i32 to vector<128x128xi32>
    %ne3A_3926 = arith.cmpi ne, %and3A_3923, %ne3A_3925 : vector<128x128xi32>
    %select_n3A_3927 = arith.select %ne3A_3926, %concatenate3A_3919, %concatenate3A_3916 : vector<128x128xi1>, vector<128x128xi32>
    %and3A_3928 = arith.constant 2 : i32
    %and3A_3929 = vector.broadcast %and3A_3928 : i32 to vector<128x128xi32>
    %and3A_3930 = arith.andi %add3A, %and3A_3929 : vector<128x128xi32>
    %ne3A_3931 = arith.constant 0 : i32
    %ne3A_3932 = vector.broadcast %ne3A_3931 : i32 to vector<128x128xi32>
    %ne3A_3933 = arith.cmpi ne, %and3A_3930, %ne3A_3932 : vector<128x128xi32>
    %gt3A_3934 = arith.cmpf ogt, %select_n3A_3913, %select_n3A_3898 : vector<128x128xf32>
    %eq3A_3935 = arith.cmpf oeq, %select_n3A_3913, %select_n3A_3898 : vector<128x128xf32>
    %lt3A_3936 = arith.cmpi slt, %select_n3A_3927, %select_n3A_3899 : vector<128x128xi32>
    %and3A_3937 = arith.andi %eq3A_3935, %lt3A_3936 : vector<128x128xi1>
    %or3A_3938 = arith.ori %gt3A_3934, %and3A_3937 : vector<128x128xi1>
    %xor3A_3939 = arith.xori %or3A_3938, %ne3A_3933 : vector<128x128xi1>
    %xor3A_3940 = arith.xori %xor3A_3939, %ne3A_3426 : vector<128x128xi1>
    %select_n3A_3941 = arith.select %xor3A_3940, %select_n3A_3913, %select_n3A_3898 : vector<128x128xi1>, vector<128x128xf32>
    %select_n3A_3942 = arith.select %xor3A_3940, %select_n3A_3927, %select_n3A_3899 : vector<128x128xi1>, vector<128x128xi32>
    %slice3A_3943 = vector.extract_strided_slice %select_n3A_3941 {offsets = [0, 1], sizes = [128, 127], strides = [1, 1]} : vector<128x128xf32> to vector<128x127xf32>
    %slice3A_3944 = vector.extract_strided_slice %select_n3A_3941 {offsets = [0, 0], sizes = [128, 1], strides = [1, 1]} : vector<128x128xf32> to vector<128x1xf32>
    %concatenate3A_3945 = tpu.concatenate %slice3A_3943, %slice3A_3944 in 1 : vector<128x127xf32>, vector<128x1xf32> -> vector<128x128xf32>
    %slice3A_3946 = vector.extract_strided_slice %select_n3A_3941 {offsets = [0, 127], sizes = [128, 1], strides = [1, 1]} : vector<128x128xf32> to vector<128x1xf32>
    %slice3A_3947 = vector.extract_strided_slice %select_n3A_3941 {offsets = [0, 0], sizes = [128, 127], strides = [1, 1]} : vector<128x128xf32> to vector<128x127xf32>
    %concatenate3A_3948 = tpu.concatenate %slice3A_3946, %slice3A_3947 in 1 : vector<128x1xf32>, vector<128x127xf32> -> vector<128x128xf32>
    %iota3A_3949 = tpu.iota {dimensions = array<i32: 1>} : vector<128x128xi32>
    %and3A_3950 = arith.constant 1 : i32
    %and3A_3951 = vector.broadcast %and3A_3950 : i32 to vector<128x128xi32>
    %and3A_3952 = arith.andi %iota3A_3949, %and3A_3951 : vector<128x128xi32>
    %ne3A_3953 = arith.constant 0 : i32
    %ne3A_3954 = vector.broadcast %ne3A_3953 : i32 to vector<128x128xi32>
    %ne3A_3955 = arith.cmpi ne, %and3A_3952, %ne3A_3954 : vector<128x128xi32>
    %select_n3A_3956 = arith.select %ne3A_3955, %concatenate3A_3948, %concatenate3A_3945 : vector<128x128xi1>, vector<128x128xf32>
    %slice3A_3957 = vector.extract_strided_slice %select_n3A_3942 {offsets = [0, 1], sizes = [128, 127], strides = [1, 1]} : vector<128x128xi32> to vector<128x127xi32>
    %slice3A_3958 = vector.extract_strided_slice %select_n3A_3942 {offsets = [0, 0], sizes = [128, 1], strides = [1, 1]} : vector<128x128xi32> to vector<128x1xi32>
    %concatenate3A_3959 = tpu.concatenate %slice3A_3957, %slice3A_3958 in 1 : vector<128x127xi32>, vector<128x1xi32> -> vector<128x128xi32>
    %slice3A_3960 = vector.extract_strided_slice %select_n3A_3942 {offsets = [0, 127], sizes = [128, 1], strides = [1, 1]} : vector<128x128xi32> to vector<128x1xi32>
    %slice3A_3961 = vector.extract_strided_slice %select_n3A_3942 {offsets = [0, 0], sizes = [128, 127], strides = [1, 1]} : vector<128x128xi32> to vector<128x127xi32>
    %concatenate3A_3962 = tpu.concatenate %slice3A_3960, %slice3A_3961 in 1 : vector<128x1xi32>, vector<128x127xi32> -> vector<128x128xi32>
    %iota3A_3963 = tpu.iota {dimensions = array<i32: 1>} : vector<128x128xi32>
    %and3A_3964 = arith.constant 1 : i32
    %and3A_3965 = vector.broadcast %and3A_3964 : i32 to vector<128x128xi32>
    %and3A_3966 = arith.andi %iota3A_3963, %and3A_3965 : vector<128x128xi32>
    %ne3A_3967 = arith.constant 0 : i32
    %ne3A_3968 = vector.broadcast %ne3A_3967 : i32 to vector<128x128xi32>
    %ne3A_3969 = arith.cmpi ne, %and3A_3966, %ne3A_3968 : vector<128x128xi32>
    %select_n3A_3970 = arith.select %ne3A_3969, %concatenate3A_3962, %concatenate3A_3959 : vector<128x128xi1>, vector<128x128xi32>
    %and3A_3971 = arith.constant 1 : i32
    %and3A_3972 = vector.broadcast %and3A_3971 : i32 to vector<128x128xi32>
    %and3A_3973 = arith.andi %add3A, %and3A_3972 : vector<128x128xi32>
    %ne3A_3974 = arith.constant 0 : i32
    %ne3A_3975 = vector.broadcast %ne3A_3974 : i32 to vector<128x128xi32>
    %ne3A_3976 = arith.cmpi ne, %and3A_3973, %ne3A_3975 : vector<128x128xi32>
    %gt3A_3977 = arith.cmpf ogt, %select_n3A_3956, %select_n3A_3941 : vector<128x128xf32>
    %eq3A_3978 = arith.cmpf oeq, %select_n3A_3956, %select_n3A_3941 : vector<128x128xf32>
    %lt3A_3979 = arith.cmpi slt, %select_n3A_3970, %select_n3A_3942 : vector<128x128xi32>
    %and3A_3980 = arith.andi %eq3A_3978, %lt3A_3979 : vector<128x128xi1>
    %or3A_3981 = arith.ori %gt3A_3977, %and3A_3980 : vector<128x128xi1>
    %xor3A_3982 = arith.xori %or3A_3981, %ne3A_3976 : vector<128x128xi1>
    %xor3A_3983 = arith.xori %xor3A_3982, %ne3A_3426 : vector<128x128xi1>
    %select_n3A_3984 = arith.select %xor3A_3983, %select_n3A_3956, %select_n3A_3941 : vector<128x128xi1>, vector<128x128xf32>
    %select_n3A_3985 = arith.select %xor3A_3983, %select_n3A_3970, %select_n3A_3942 : vector<128x128xi1>, vector<128x128xi32>
    %and3A_3986 = arith.constant 16384 : i32
    %and3A_3987 = vector.broadcast %and3A_3986 : i32 to vector<128x128xi32>
    %and3A_3988 = arith.andi %add3A, %and3A_3987 : vector<128x128xi32>
    %ne3A_3989 = arith.constant 0 : i32
    %ne3A_3990 = vector.broadcast %ne3A_3989 : i32 to vector<128x128xi32>
    %ne3A_3991 = arith.cmpi ne, %and3A_3988, %ne3A_3990 : vector<128x128xi32>
    %slice3A_3992 = vector.extract_strided_slice %select_n3A_3984 {offsets = [64, 0], sizes = [64, 128], strides = [1, 1]} : vector<128x128xf32> to vector<64x128xf32>
    %slice3A_3993 = vector.extract_strided_slice %select_n3A_3984 {offsets = [0, 0], sizes = [64, 128], strides = [1, 1]} : vector<128x128xf32> to vector<64x128xf32>
    %concatenate3A_3994 = tpu.concatenate %slice3A_3992, %slice3A_3993 in 0 : vector<64x128xf32>, vector<64x128xf32> -> vector<128x128xf32>
    %slice3A_3995 = vector.extract_strided_slice %select_n3A_3984 {offsets = [64, 0], sizes = [64, 128], strides = [1, 1]} : vector<128x128xf32> to vector<64x128xf32>
    %slice3A_3996 = vector.extract_strided_slice %select_n3A_3984 {offsets = [0, 0], sizes = [64, 128], strides = [1, 1]} : vector<128x128xf32> to vector<64x128xf32>
    %concatenate3A_3997 = tpu.concatenate %slice3A_3995, %slice3A_3996 in 0 : vector<64x128xf32>, vector<64x128xf32> -> vector<128x128xf32>
    %iota3A_3998 = tpu.iota {dimensions = array<i32: 0>} : vector<128x128xi32>
    %and3A_3999 = arith.constant 64 : i32
    %and3A_4000 = vector.broadcast %and3A_3999 : i32 to vector<128x128xi32>
    %and3A_4001 = arith.andi %iota3A_3998, %and3A_4000 : vector<128x128xi32>
    %ne3A_4002 = arith.constant 0 : i32
    %ne3A_4003 = vector.broadcast %ne3A_4002 : i32 to vector<128x128xi32>
    %ne3A_4004 = arith.cmpi ne, %and3A_4001, %ne3A_4003 : vector<128x128xi32>
    %select_n3A_4005 = arith.select %ne3A_4004, %concatenate3A_3997, %concatenate3A_3994 : vector<128x128xi1>, vector<128x128xf32>
    %slice3A_4006 = vector.extract_strided_slice %select_n3A_3985 {offsets = [64, 0], sizes = [64, 128], strides = [1, 1]} : vector<128x128xi32> to vector<64x128xi32>
    %slice3A_4007 = vector.extract_strided_slice %select_n3A_3985 {offsets = [0, 0], sizes = [64, 128], strides = [1, 1]} : vector<128x128xi32> to vector<64x128xi32>
    %concatenate3A_4008 = tpu.concatenate %slice3A_4006, %slice3A_4007 in 0 : vector<64x128xi32>, vector<64x128xi32> -> vector<128x128xi32>
    %slice3A_4009 = vector.extract_strided_slice %select_n3A_3985 {offsets = [64, 0], sizes = [64, 128], strides = [1, 1]} : vector<128x128xi32> to vector<64x128xi32>
    %slice3A_4010 = vector.extract_strided_slice %select_n3A_3985 {offsets = [0, 0], sizes = [64, 128], strides = [1, 1]} : vector<128x128xi32> to vector<64x128xi32>
    %concatenate3A_4011 = tpu.concatenate %slice3A_4009, %slice3A_4010 in 0 : vector<64x128xi32>, vector<64x128xi32> -> vector<128x128xi32>
    %iota3A_4012 = tpu.iota {dimensions = array<i32: 0>} : vector<128x128xi32>
    %and3A_4013 = arith.constant 64 : i32
    %and3A_4014 = vector.broadcast %and3A_4013 : i32 to vector<128x128xi32>
    %and3A_4015 = arith.andi %iota3A_4012, %and3A_4014 : vector<128x128xi32>
    %ne3A_4016 = arith.constant 0 : i32
    %ne3A_4017 = vector.broadcast %ne3A_4016 : i32 to vector<128x128xi32>
    %ne3A_4018 = arith.cmpi ne, %and3A_4015, %ne3A_4017 : vector<128x128xi32>
    %select_n3A_4019 = arith.select %ne3A_4018, %concatenate3A_4011, %concatenate3A_4008 : vector<128x128xi1>, vector<128x128xi32>
    %and3A_4020 = arith.constant 8192 : i32
    %and3A_4021 = vector.broadcast %and3A_4020 : i32 to vector<128x128xi32>
    %and3A_4022 = arith.andi %add3A, %and3A_4021 : vector<128x128xi32>
    %ne3A_4023 = arith.constant 0 : i32
    %ne3A_4024 = vector.broadcast %ne3A_4023 : i32 to vector<128x128xi32>
    %ne3A_4025 = arith.cmpi ne, %and3A_4022, %ne3A_4024 : vector<128x128xi32>
    %gt3A_4026 = arith.cmpf ogt, %select_n3A_4005, %select_n3A_3984 : vector<128x128xf32>
    %eq3A_4027 = arith.cmpf oeq, %select_n3A_4005, %select_n3A_3984 : vector<128x128xf32>
    %lt3A_4028 = arith.cmpi slt, %select_n3A_4019, %select_n3A_3985 : vector<128x128xi32>
    %and3A_4029 = arith.andi %eq3A_4027, %lt3A_4028 : vector<128x128xi1>
    %or3A_4030 = arith.ori %gt3A_4026, %and3A_4029 : vector<128x128xi1>
    %xor3A_4031 = arith.xori %or3A_4030, %ne3A_4025 : vector<128x128xi1>
    %xor3A_4032 = arith.xori %xor3A_4031, %ne3A_3991 : vector<128x128xi1>
    %select_n3A_4033 = arith.select %xor3A_4032, %select_n3A_4005, %select_n3A_3984 : vector<128x128xi1>, vector<128x128xf32>
    %select_n3A_4034 = arith.select %xor3A_4032, %select_n3A_4019, %select_n3A_3985 : vector<128x128xi1>, vector<128x128xi32>
    %slice3A_4035 = vector.extract_strided_slice %select_n3A_4033 {offsets = [32, 0], sizes = [96, 128], strides = [1, 1]} : vector<128x128xf32> to vector<96x128xf32>
    %slice3A_4036 = vector.extract_strided_slice %select_n3A_4033 {offsets = [0, 0], sizes = [32, 128], strides = [1, 1]} : vector<128x128xf32> to vector<32x128xf32>
    %concatenate3A_4037 = tpu.concatenate %slice3A_4035, %slice3A_4036 in 0 : vector<96x128xf32>, vector<32x128xf32> -> vector<128x128xf32>
    %slice3A_4038 = vector.extract_strided_slice %select_n3A_4033 {offsets = [96, 0], sizes = [32, 128], strides = [1, 1]} : vector<128x128xf32> to vector<32x128xf32>
    %slice3A_4039 = vector.extract_strided_slice %select_n3A_4033 {offsets = [0, 0], sizes = [96, 128], strides = [1, 1]} : vector<128x128xf32> to vector<96x128xf32>
    %concatenate3A_4040 = tpu.concatenate %slice3A_4038, %slice3A_4039 in 0 : vector<32x128xf32>, vector<96x128xf32> -> vector<128x128xf32>
    %iota3A_4041 = tpu.iota {dimensions = array<i32: 0>} : vector<128x128xi32>
    %and3A_4042 = arith.constant 32 : i32
    %and3A_4043 = vector.broadcast %and3A_4042 : i32 to vector<128x128xi32>
    %and3A_4044 = arith.andi %iota3A_4041, %and3A_4043 : vector<128x128xi32>
    %ne3A_4045 = arith.constant 0 : i32
    %ne3A_4046 = vector.broadcast %ne3A_4045 : i32 to vector<128x128xi32>
    %ne3A_4047 = arith.cmpi ne, %and3A_4044, %ne3A_4046 : vector<128x128xi32>
    %select_n3A_4048 = arith.select %ne3A_4047, %concatenate3A_4040, %concatenate3A_4037 : vector<128x128xi1>, vector<128x128xf32>
    %slice3A_4049 = vector.extract_strided_slice %select_n3A_4034 {offsets = [32, 0], sizes = [96, 128], strides = [1, 1]} : vector<128x128xi32> to vector<96x128xi32>
    %slice3A_4050 = vector.extract_strided_slice %select_n3A_4034 {offsets = [0, 0], sizes = [32, 128], strides = [1, 1]} : vector<128x128xi32> to vector<32x128xi32>
    %concatenate3A_4051 = tpu.concatenate %slice3A_4049, %slice3A_4050 in 0 : vector<96x128xi32>, vector<32x128xi32> -> vector<128x128xi32>
    %slice3A_4052 = vector.extract_strided_slice %select_n3A_4034 {offsets = [96, 0], sizes = [32, 128], strides = [1, 1]} : vector<128x128xi32> to vector<32x128xi32>
    %slice3A_4053 = vector.extract_strided_slice %select_n3A_4034 {offsets = [0, 0], sizes = [96, 128], strides = [1, 1]} : vector<128x128xi32> to vector<96x128xi32>
    %concatenate3A_4054 = tpu.concatenate %slice3A_4052, %slice3A_4053 in 0 : vector<32x128xi32>, vector<96x128xi32> -> vector<128x128xi32>
    %iota3A_4055 = tpu.iota {dimensions = array<i32: 0>} : vector<128x128xi32>
    %and3A_4056 = arith.constant 32 : i32
    %and3A_4057 = vector.broadcast %and3A_4056 : i32 to vector<128x128xi32>
    %and3A_4058 = arith.andi %iota3A_4055, %and3A_4057 : vector<128x128xi32>
    %ne3A_4059 = arith.constant 0 : i32
    %ne3A_4060 = vector.broadcast %ne3A_4059 : i32 to vector<128x128xi32>
    %ne3A_4061 = arith.cmpi ne, %and3A_4058, %ne3A_4060 : vector<128x128xi32>
    %select_n3A_4062 = arith.select %ne3A_4061, %concatenate3A_4054, %concatenate3A_4051 : vector<128x128xi1>, vector<128x128xi32>
    %and3A_4063 = arith.constant 4096 : i32
    %and3A_4064 = vector.broadcast %and3A_4063 : i32 to vector<128x128xi32>
    %and3A_4065 = arith.andi %add3A, %and3A_4064 : vector<128x128xi32>
    %ne3A_4066 = arith.constant 0 : i32
    %ne3A_4067 = vector.broadcast %ne3A_4066 : i32 to vector<128x128xi32>
    %ne3A_4068 = arith.cmpi ne, %and3A_4065, %ne3A_4067 : vector<128x128xi32>
    %gt3A_4069 = arith.cmpf ogt, %select_n3A_4048, %select_n3A_4033 : vector<128x128xf32>
    %eq3A_4070 = arith.cmpf oeq, %select_n3A_4048, %select_n3A_4033 : vector<128x128xf32>
    %lt3A_4071 = arith.cmpi slt, %select_n3A_4062, %select_n3A_4034 : vector<128x128xi32>
    %and3A_4072 = arith.andi %eq3A_4070, %lt3A_4071 : vector<128x128xi1>
    %or3A_4073 = arith.ori %gt3A_4069, %and3A_4072 : vector<128x128xi1>
    %xor3A_4074 = arith.xori %or3A_4073, %ne3A_4068 : vector<128x128xi1>
    %xor3A_4075 = arith.xori %xor3A_4074, %ne3A_3991 : vector<128x128xi1>
    %select_n3A_4076 = arith.select %xor3A_4075, %select_n3A_4048, %select_n3A_4033 : vector<128x128xi1>, vector<128x128xf32>
    %select_n3A_4077 = arith.select %xor3A_4075, %select_n3A_4062, %select_n3A_4034 : vector<128x128xi1>, vector<128x128xi32>
    %slice3A_4078 = vector.extract_strided_slice %select_n3A_4076 {offsets = [16, 0], sizes = [112, 128], strides = [1, 1]} : vector<128x128xf32> to vector<112x128xf32>
    %slice3A_4079 = vector.extract_strided_slice %select_n3A_4076 {offsets = [0, 0], sizes = [16, 128], strides = [1, 1]} : vector<128x128xf32> to vector<16x128xf32>
    %concatenate3A_4080 = tpu.concatenate %slice3A_4078, %slice3A_4079 in 0 : vector<112x128xf32>, vector<16x128xf32> -> vector<128x128xf32>
    %slice3A_4081 = vector.extract_strided_slice %select_n3A_4076 {offsets = [112, 0], sizes = [16, 128], strides = [1, 1]} : vector<128x128xf32> to vector<16x128xf32>
    %slice3A_4082 = vector.extract_strided_slice %select_n3A_4076 {offsets = [0, 0], sizes = [112, 128], strides = [1, 1]} : vector<128x128xf32> to vector<112x128xf32>
    %concatenate3A_4083 = tpu.concatenate %slice3A_4081, %slice3A_4082 in 0 : vector<16x128xf32>, vector<112x128xf32> -> vector<128x128xf32>
    %iota3A_4084 = tpu.iota {dimensions = array<i32: 0>} : vector<128x128xi32>
    %and3A_4085 = arith.constant 16 : i32
    %and3A_4086 = vector.broadcast %and3A_4085 : i32 to vector<128x128xi32>
    %and3A_4087 = arith.andi %iota3A_4084, %and3A_4086 : vector<128x128xi32>
    %ne3A_4088 = arith.constant 0 : i32
    %ne3A_4089 = vector.broadcast %ne3A_4088 : i32 to vector<128x128xi32>
    %ne3A_4090 = arith.cmpi ne, %and3A_4087, %ne3A_4089 : vector<128x128xi32>
    %select_n3A_4091 = arith.select %ne3A_4090, %concatenate3A_4083, %concatenate3A_4080 : vector<128x128xi1>, vector<128x128xf32>
    %slice3A_4092 = vector.extract_strided_slice %select_n3A_4077 {offsets = [16, 0], sizes = [112, 128], strides = [1, 1]} : vector<128x128xi32> to vector<112x128xi32>
    %slice3A_4093 = vector.extract_strided_slice %select_n3A_4077 {offsets = [0, 0], sizes = [16, 128], strides = [1, 1]} : vector<128x128xi32> to vector<16x128xi32>
    %concatenate3A_4094 = tpu.concatenate %slice3A_4092, %slice3A_4093 in 0 : vector<112x128xi32>, vector<16x128xi32> -> vector<128x128xi32>
    %slice3A_4095 = vector.extract_strided_slice %select_n3A_4077 {offsets = [112, 0], sizes = [16, 128], strides = [1, 1]} : vector<128x128xi32> to vector<16x128xi32>
    %slice3A_4096 = vector.extract_strided_slice %select_n3A_4077 {offsets = [0, 0], sizes = [112, 128], strides = [1, 1]} : vector<128x128xi32> to vector<112x128xi32>
    %concatenate3A_4097 = tpu.concatenate %slice3A_4095, %slice3A_4096 in 0 : vector<16x128xi32>, vector<112x128xi32> -> vector<128x128xi32>
    %iota3A_4098 = tpu.iota {dimensions = array<i32: 0>} : vector<128x128xi32>
    %and3A_4099 = arith.constant 16 : i32
    %and3A_4100 = vector.broadcast %and3A_4099 : i32 to vector<128x128xi32>
    %and3A_4101 = arith.andi %iota3A_4098, %and3A_4100 : vector<128x128xi32>
    %ne3A_4102 = arith.constant 0 : i32
    %ne3A_4103 = vector.broadcast %ne3A_4102 : i32 to vector<128x128xi32>
    %ne3A_4104 = arith.cmpi ne, %and3A_4101, %ne3A_4103 : vector<128x128xi32>
    %select_n3A_4105 = arith.select %ne3A_4104, %concatenate3A_4097, %concatenate3A_4094 : vector<128x128xi1>, vector<128x128xi32>
    %and3A_4106 = arith.constant 2048 : i32
    %and3A_4107 = vector.broadcast %and3A_4106 : i32 to vector<128x128xi32>
    %and3A_4108 = arith.andi %add3A, %and3A_4107 : vector<128x128xi32>
    %ne3A_4109 = arith.constant 0 : i32
    %ne3A_4110 = vector.broadcast %ne3A_4109 : i32 to vector<128x128xi32>
    %ne3A_4111 = arith.cmpi ne, %and3A_4108, %ne3A_4110 : vector<128x128xi32>
    %gt3A_4112 = arith.cmpf ogt, %select_n3A_4091, %select_n3A_4076 : vector<128x128xf32>
    %eq3A_4113 = arith.cmpf oeq, %select_n3A_4091, %select_n3A_4076 : vector<128x128xf32>
    %lt3A_4114 = arith.cmpi slt, %select_n3A_4105, %select_n3A_4077 : vector<128x128xi32>
    %and3A_4115 = arith.andi %eq3A_4113, %lt3A_4114 : vector<128x128xi1>
    %or3A_4116 = arith.ori %gt3A_4112, %and3A_4115 : vector<128x128xi1>
    %xor3A_4117 = arith.xori %or3A_4116, %ne3A_4111 : vector<128x128xi1>
    %xor3A_4118 = arith.xori %xor3A_4117, %ne3A_3991 : vector<128x128xi1>
    %select_n3A_4119 = arith.select %xor3A_4118, %select_n3A_4091, %select_n3A_4076 : vector<128x128xi1>, vector<128x128xf32>
    %select_n3A_4120 = arith.select %xor3A_4118, %select_n3A_4105, %select_n3A_4077 : vector<128x128xi1>, vector<128x128xi32>
    %slice3A_4121 = vector.extract_strided_slice %select_n3A_4119 {offsets = [8, 0], sizes = [120, 128], strides = [1, 1]} : vector<128x128xf32> to vector<120x128xf32>
    %slice3A_4122 = vector.extract_strided_slice %select_n3A_4119 {offsets = [0, 0], sizes = [8, 128], strides = [1, 1]} : vector<128x128xf32> to vector<8x128xf32>
    %concatenate3A_4123 = tpu.concatenate %slice3A_4121, %slice3A_4122 in 0 : vector<120x128xf32>, vector<8x128xf32> -> vector<128x128xf32>
    %slice3A_4124 = vector.extract_strided_slice %select_n3A_4119 {offsets = [120, 0], sizes = [8, 128], strides = [1, 1]} : vector<128x128xf32> to vector<8x128xf32>
    %slice3A_4125 = vector.extract_strided_slice %select_n3A_4119 {offsets = [0, 0], sizes = [120, 128], strides = [1, 1]} : vector<128x128xf32> to vector<120x128xf32>
    %concatenate3A_4126 = tpu.concatenate %slice3A_4124, %slice3A_4125 in 0 : vector<8x128xf32>, vector<120x128xf32> -> vector<128x128xf32>
    %iota3A_4127 = tpu.iota {dimensions = array<i32: 0>} : vector<128x128xi32>
    %and3A_4128 = arith.constant 8 : i32
    %and3A_4129 = vector.broadcast %and3A_4128 : i32 to vector<128x128xi32>
    %and3A_4130 = arith.andi %iota3A_4127, %and3A_4129 : vector<128x128xi32>
    %ne3A_4131 = arith.constant 0 : i32
    %ne3A_4132 = vector.broadcast %ne3A_4131 : i32 to vector<128x128xi32>
    %ne3A_4133 = arith.cmpi ne, %and3A_4130, %ne3A_4132 : vector<128x128xi32>
    %select_n3A_4134 = arith.select %ne3A_4133, %concatenate3A_4126, %concatenate3A_4123 : vector<128x128xi1>, vector<128x128xf32>
    %slice3A_4135 = vector.extract_strided_slice %select_n3A_4120 {offsets = [8, 0], sizes = [120, 128], strides = [1, 1]} : vector<128x128xi32> to vector<120x128xi32>
    %slice3A_4136 = vector.extract_strided_slice %select_n3A_4120 {offsets = [0, 0], sizes = [8, 128], strides = [1, 1]} : vector<128x128xi32> to vector<8x128xi32>
    %concatenate3A_4137 = tpu.concatenate %slice3A_4135, %slice3A_4136 in 0 : vector<120x128xi32>, vector<8x128xi32> -> vector<128x128xi32>
    %slice3A_4138 = vector.extract_strided_slice %select_n3A_4120 {offsets = [120, 0], sizes = [8, 128], strides = [1, 1]} : vector<128x128xi32> to vector<8x128xi32>
    %slice3A_4139 = vector.extract_strided_slice %select_n3A_4120 {offsets = [0, 0], sizes = [120, 128], strides = [1, 1]} : vector<128x128xi32> to vector<120x128xi32>
    %concatenate3A_4140 = tpu.concatenate %slice3A_4138, %slice3A_4139 in 0 : vector<8x128xi32>, vector<120x128xi32> -> vector<128x128xi32>
    %iota3A_4141 = tpu.iota {dimensions = array<i32: 0>} : vector<128x128xi32>
    %and3A_4142 = arith.constant 8 : i32
    %and3A_4143 = vector.broadcast %and3A_4142 : i32 to vector<128x128xi32>
    %and3A_4144 = arith.andi %iota3A_4141, %and3A_4143 : vector<128x128xi32>
    %ne3A_4145 = arith.constant 0 : i32
    %ne3A_4146 = vector.broadcast %ne3A_4145 : i32 to vector<128x128xi32>
    %ne3A_4147 = arith.cmpi ne, %and3A_4144, %ne3A_4146 : vector<128x128xi32>
    %select_n3A_4148 = arith.select %ne3A_4147, %concatenate3A_4140, %concatenate3A_4137 : vector<128x128xi1>, vector<128x128xi32>
    %and3A_4149 = arith.constant 1024 : i32
    %and3A_4150 = vector.broadcast %and3A_4149 : i32 to vector<128x128xi32>
    %and3A_4151 = arith.andi %add3A, %and3A_4150 : vector<128x128xi32>
    %ne3A_4152 = arith.constant 0 : i32
    %ne3A_4153 = vector.broadcast %ne3A_4152 : i32 to vector<128x128xi32>
    %ne3A_4154 = arith.cmpi ne, %and3A_4151, %ne3A_4153 : vector<128x128xi32>
    %gt3A_4155 = arith.cmpf ogt, %select_n3A_4134, %select_n3A_4119 : vector<128x128xf32>
    %eq3A_4156 = arith.cmpf oeq, %select_n3A_4134, %select_n3A_4119 : vector<128x128xf32>
    %lt3A_4157 = arith.cmpi slt, %select_n3A_4148, %select_n3A_4120 : vector<128x128xi32>
    %and3A_4158 = arith.andi %eq3A_4156, %lt3A_4157 : vector<128x128xi1>
    %or3A_4159 = arith.ori %gt3A_4155, %and3A_4158 : vector<128x128xi1>
    %xor3A_4160 = arith.xori %or3A_4159, %ne3A_4154 : vector<128x128xi1>
    %xor3A_4161 = arith.xori %xor3A_4160, %ne3A_3991 : vector<128x128xi1>
    %select_n3A_4162 = arith.select %xor3A_4161, %select_n3A_4134, %select_n3A_4119 : vector<128x128xi1>, vector<128x128xf32>
    %select_n3A_4163 = arith.select %xor3A_4161, %select_n3A_4148, %select_n3A_4120 : vector<128x128xi1>, vector<128x128xi32>
    %slice3A_4164 = vector.extract_strided_slice %select_n3A_4162 {offsets = [4, 0], sizes = [124, 128], strides = [1, 1]} : vector<128x128xf32> to vector<124x128xf32>
    %slice3A_4165 = vector.extract_strided_slice %select_n3A_4162 {offsets = [0, 0], sizes = [4, 128], strides = [1, 1]} : vector<128x128xf32> to vector<4x128xf32>
    %concatenate3A_4166 = tpu.concatenate %slice3A_4164, %slice3A_4165 in 0 : vector<124x128xf32>, vector<4x128xf32> -> vector<128x128xf32>
    %slice3A_4167 = vector.extract_strided_slice %select_n3A_4162 {offsets = [124, 0], sizes = [4, 128], strides = [1, 1]} : vector<128x128xf32> to vector<4x128xf32>
    %slice3A_4168 = vector.extract_strided_slice %select_n3A_4162 {offsets = [0, 0], sizes = [124, 128], strides = [1, 1]} : vector<128x128xf32> to vector<124x128xf32>
    %concatenate3A_4169 = tpu.concatenate %slice3A_4167, %slice3A_4168 in 0 : vector<4x128xf32>, vector<124x128xf32> -> vector<128x128xf32>
    %iota3A_4170 = tpu.iota {dimensions = array<i32: 0>} : vector<128x128xi32>
    %and3A_4171 = arith.constant 4 : i32
    %and3A_4172 = vector.broadcast %and3A_4171 : i32 to vector<128x128xi32>
    %and3A_4173 = arith.andi %iota3A_4170, %and3A_4172 : vector<128x128xi32>
    %ne3A_4174 = arith.constant 0 : i32
    %ne3A_4175 = vector.broadcast %ne3A_4174 : i32 to vector<128x128xi32>
    %ne3A_4176 = arith.cmpi ne, %and3A_4173, %ne3A_4175 : vector<128x128xi32>
    %select_n3A_4177 = arith.select %ne3A_4176, %concatenate3A_4169, %concatenate3A_4166 : vector<128x128xi1>, vector<128x128xf32>
    %slice3A_4178 = vector.extract_strided_slice %select_n3A_4163 {offsets = [4, 0], sizes = [124, 128], strides = [1, 1]} : vector<128x128xi32> to vector<124x128xi32>
    %slice3A_4179 = vector.extract_strided_slice %select_n3A_4163 {offsets = [0, 0], sizes = [4, 128], strides = [1, 1]} : vector<128x128xi32> to vector<4x128xi32>
    %concatenate3A_4180 = tpu.concatenate %slice3A_4178, %slice3A_4179 in 0 : vector<124x128xi32>, vector<4x128xi32> -> vector<128x128xi32>
    %slice3A_4181 = vector.extract_strided_slice %select_n3A_4163 {offsets = [124, 0], sizes = [4, 128], strides = [1, 1]} : vector<128x128xi32> to vector<4x128xi32>
    %slice3A_4182 = vector.extract_strided_slice %select_n3A_4163 {offsets = [0, 0], sizes = [124, 128], strides = [1, 1]} : vector<128x128xi32> to vector<124x128xi32>
    %concatenate3A_4183 = tpu.concatenate %slice3A_4181, %slice3A_4182 in 0 : vector<4x128xi32>, vector<124x128xi32> -> vector<128x128xi32>
    %iota3A_4184 = tpu.iota {dimensions = array<i32: 0>} : vector<128x128xi32>
    %and3A_4185 = arith.constant 4 : i32
    %and3A_4186 = vector.broadcast %and3A_4185 : i32 to vector<128x128xi32>
    %and3A_4187 = arith.andi %iota3A_4184, %and3A_4186 : vector<128x128xi32>
    %ne3A_4188 = arith.constant 0 : i32
    %ne3A_4189 = vector.broadcast %ne3A_4188 : i32 to vector<128x128xi32>
    %ne3A_4190 = arith.cmpi ne, %and3A_4187, %ne3A_4189 : vector<128x128xi32>
    %select_n3A_4191 = arith.select %ne3A_4190, %concatenate3A_4183, %concatenate3A_4180 : vector<128x128xi1>, vector<128x128xi32>
    %and3A_4192 = arith.constant 512 : i32
    %and3A_4193 = vector.broadcast %and3A_4192 : i32 to vector<128x128xi32>
    %and3A_4194 = arith.andi %add3A, %and3A_4193 : vector<128x128xi32>
    %ne3A_4195 = arith.constant 0 : i32
    %ne3A_4196 = vector.broadcast %ne3A_4195 : i32 to vector<128x128xi32>
    %ne3A_4197 = arith.cmpi ne, %and3A_4194, %ne3A_4196 : vector<128x128xi32>
    %gt3A_4198 = arith.cmpf ogt, %select_n3A_4177, %select_n3A_4162 : vector<128x128xf32>
    %eq3A_4199 = arith.cmpf oeq, %select_n3A_4177, %select_n3A_4162 : vector<128x128xf32>
    %lt3A_4200 = arith.cmpi slt, %select_n3A_4191, %select_n3A_4163 : vector<128x128xi32>
    %and3A_4201 = arith.andi %eq3A_4199, %lt3A_4200 : vector<128x128xi1>
    %or3A_4202 = arith.ori %gt3A_4198, %and3A_4201 : vector<128x128xi1>
    %xor3A_4203 = arith.xori %or3A_4202, %ne3A_4197 : vector<128x128xi1>
    %xor3A_4204 = arith.xori %xor3A_4203, %ne3A_3991 : vector<128x128xi1>
    %select_n3A_4205 = arith.select %xor3A_4204, %select_n3A_4177, %select_n3A_4162 : vector<128x128xi1>, vector<128x128xf32>
    %select_n3A_4206 = arith.select %xor3A_4204, %select_n3A_4191, %select_n3A_4163 : vector<128x128xi1>, vector<128x128xi32>
    %slice3A_4207 = vector.extract_strided_slice %select_n3A_4205 {offsets = [2, 0], sizes = [126, 128], strides = [1, 1]} : vector<128x128xf32> to vector<126x128xf32>
    %slice3A_4208 = vector.extract_strided_slice %select_n3A_4205 {offsets = [0, 0], sizes = [2, 128], strides = [1, 1]} : vector<128x128xf32> to vector<2x128xf32>
    %concatenate3A_4209 = tpu.concatenate %slice3A_4207, %slice3A_4208 in 0 : vector<126x128xf32>, vector<2x128xf32> -> vector<128x128xf32>
    %slice3A_4210 = vector.extract_strided_slice %select_n3A_4205 {offsets = [126, 0], sizes = [2, 128], strides = [1, 1]} : vector<128x128xf32> to vector<2x128xf32>
    %slice3A_4211 = vector.extract_strided_slice %select_n3A_4205 {offsets = [0, 0], sizes = [126, 128], strides = [1, 1]} : vector<128x128xf32> to vector<126x128xf32>
    %concatenate3A_4212 = tpu.concatenate %slice3A_4210, %slice3A_4211 in 0 : vector<2x128xf32>, vector<126x128xf32> -> vector<128x128xf32>
    %iota3A_4213 = tpu.iota {dimensions = array<i32: 0>} : vector<128x128xi32>
    %and3A_4214 = arith.constant 2 : i32
    %and3A_4215 = vector.broadcast %and3A_4214 : i32 to vector<128x128xi32>
    %and3A_4216 = arith.andi %iota3A_4213, %and3A_4215 : vector<128x128xi32>
    %ne3A_4217 = arith.constant 0 : i32
    %ne3A_4218 = vector.broadcast %ne3A_4217 : i32 to vector<128x128xi32>
    %ne3A_4219 = arith.cmpi ne, %and3A_4216, %ne3A_4218 : vector<128x128xi32>
    %select_n3A_4220 = arith.select %ne3A_4219, %concatenate3A_4212, %concatenate3A_4209 : vector<128x128xi1>, vector<128x128xf32>
    %slice3A_4221 = vector.extract_strided_slice %select_n3A_4206 {offsets = [2, 0], sizes = [126, 128], strides = [1, 1]} : vector<128x128xi32> to vector<126x128xi32>
    %slice3A_4222 = vector.extract_strided_slice %select_n3A_4206 {offsets = [0, 0], sizes = [2, 128], strides = [1, 1]} : vector<128x128xi32> to vector<2x128xi32>
    %concatenate3A_4223 = tpu.concatenate %slice3A_4221, %slice3A_4222 in 0 : vector<126x128xi32>, vector<2x128xi32> -> vector<128x128xi32>
    %slice3A_4224 = vector.extract_strided_slice %select_n3A_4206 {offsets = [126, 0], sizes = [2, 128], strides = [1, 1]} : vector<128x128xi32> to vector<2x128xi32>
    %slice3A_4225 = vector.extract_strided_slice %select_n3A_4206 {offsets = [0, 0], sizes = [126, 128], strides = [1, 1]} : vector<128x128xi32> to vector<126x128xi32>
    %concatenate3A_4226 = tpu.concatenate %slice3A_4224, %slice3A_4225 in 0 : vector<2x128xi32>, vector<126x128xi32> -> vector<128x128xi32>
    %iota3A_4227 = tpu.iota {dimensions = array<i32: 0>} : vector<128x128xi32>
    %and3A_4228 = arith.constant 2 : i32
    %and3A_4229 = vector.broadcast %and3A_4228 : i32 to vector<128x128xi32>
    %and3A_4230 = arith.andi %iota3A_4227, %and3A_4229 : vector<128x128xi32>
    %ne3A_4231 = arith.constant 0 : i32
    %ne3A_4232 = vector.broadcast %ne3A_4231 : i32 to vector<128x128xi32>
    %ne3A_4233 = arith.cmpi ne, %and3A_4230, %ne3A_4232 : vector<128x128xi32>
    %select_n3A_4234 = arith.select %ne3A_4233, %concatenate3A_4226, %concatenate3A_4223 : vector<128x128xi1>, vector<128x128xi32>
    %and3A_4235 = arith.constant 256 : i32
    %and3A_4236 = vector.broadcast %and3A_4235 : i32 to vector<128x128xi32>
    %and3A_4237 = arith.andi %add3A, %and3A_4236 : vector<128x128xi32>
    %ne3A_4238 = arith.constant 0 : i32
    %ne3A_4239 = vector.broadcast %ne3A_4238 : i32 to vector<128x128xi32>
    %ne3A_4240 = arith.cmpi ne, %and3A_4237, %ne3A_4239 : vector<128x128xi32>
    %gt3A_4241 = arith.cmpf ogt, %select_n3A_4220, %select_n3A_4205 : vector<128x128xf32>
    %eq3A_4242 = arith.cmpf oeq, %select_n3A_4220, %select_n3A_4205 : vector<128x128xf32>
    %lt3A_4243 = arith.cmpi slt, %select_n3A_4234, %select_n3A_4206 : vector<128x128xi32>
    %and3A_4244 = arith.andi %eq3A_4242, %lt3A_4243 : vector<128x128xi1>
    %or3A_4245 = arith.ori %gt3A_4241, %and3A_4244 : vector<128x128xi1>
    %xor3A_4246 = arith.xori %or3A_4245, %ne3A_4240 : vector<128x128xi1>
    %xor3A_4247 = arith.xori %xor3A_4246, %ne3A_3991 : vector<128x128xi1>
    %select_n3A_4248 = arith.select %xor3A_4247, %select_n3A_4220, %select_n3A_4205 : vector<128x128xi1>, vector<128x128xf32>
    %select_n3A_4249 = arith.select %xor3A_4247, %select_n3A_4234, %select_n3A_4206 : vector<128x128xi1>, vector<128x128xi32>
    %slice3A_4250 = vector.extract_strided_slice %select_n3A_4248 {offsets = [1, 0], sizes = [127, 128], strides = [1, 1]} : vector<128x128xf32> to vector<127x128xf32>
    %slice3A_4251 = vector.extract_strided_slice %select_n3A_4248 {offsets = [0, 0], sizes = [1, 128], strides = [1, 1]} : vector<128x128xf32> to vector<1x128xf32>
    %concatenate3A_4252 = tpu.concatenate %slice3A_4250, %slice3A_4251 in 0 : vector<127x128xf32>, vector<1x128xf32> -> vector<128x128xf32>
    %slice3A_4253 = vector.extract_strided_slice %select_n3A_4248 {offsets = [127, 0], sizes = [1, 128], strides = [1, 1]} : vector<128x128xf32> to vector<1x128xf32>
    %slice3A_4254 = vector.extract_strided_slice %select_n3A_4248 {offsets = [0, 0], sizes = [127, 128], strides = [1, 1]} : vector<128x128xf32> to vector<127x128xf32>
    %concatenate3A_4255 = tpu.concatenate %slice3A_4253, %slice3A_4254 in 0 : vector<1x128xf32>, vector<127x128xf32> -> vector<128x128xf32>
    %iota3A_4256 = tpu.iota {dimensions = array<i32: 0>} : vector<128x128xi32>
    %and3A_4257 = arith.constant 1 : i32
    %and3A_4258 = vector.broadcast %and3A_4257 : i32 to vector<128x128xi32>
    %and3A_4259 = arith.andi %iota3A_4256, %and3A_4258 : vector<128x128xi32>
    %ne3A_4260 = arith.constant 0 : i32
    %ne3A_4261 = vector.broadcast %ne3A_4260 : i32 to vector<128x128xi32>
    %ne3A_4262 = arith.cmpi ne, %and3A_4259, %ne3A_4261 : vector<128x128xi32>
    %select_n3A_4263 = arith.select %ne3A_4262, %concatenate3A_4255, %concatenate3A_4252 : vector<128x128xi1>, vector<128x128xf32>
    %slice3A_4264 = vector.extract_strided_slice %select_n3A_4249 {offsets = [1, 0], sizes = [127, 128], strides = [1, 1]} : vector<128x128xi32> to vector<127x128xi32>
    %slice3A_4265 = vector.extract_strided_slice %select_n3A_4249 {offsets = [0, 0], sizes = [1, 128], strides = [1, 1]} : vector<128x128xi32> to vector<1x128xi32>
    %concatenate3A_4266 = tpu.concatenate %slice3A_4264, %slice3A_4265 in 0 : vector<127x128xi32>, vector<1x128xi32> -> vector<128x128xi32>
    %slice3A_4267 = vector.extract_strided_slice %select_n3A_4249 {offsets = [127, 0], sizes = [1, 128], strides = [1, 1]} : vector<128x128xi32> to vector<1x128xi32>
    %slice3A_4268 = vector.extract_strided_slice %select_n3A_4249 {offsets = [0, 0], sizes = [127, 128], strides = [1, 1]} : vector<128x128xi32> to vector<127x128xi32>
    %concatenate3A_4269 = tpu.concatenate %slice3A_4267, %slice3A_4268 in 0 : vector<1x128xi32>, vector<127x128xi32> -> vector<128x128xi32>
    %iota3A_4270 = tpu.iota {dimensions = array<i32: 0>} : vector<128x128xi32>
    %and3A_4271 = arith.constant 1 : i32
    %and3A_4272 = vector.broadcast %and3A_4271 : i32 to vector<128x128xi32>
    %and3A_4273 = arith.andi %iota3A_4270, %and3A_4272 : vector<128x128xi32>
    %ne3A_4274 = arith.constant 0 : i32
    %ne3A_4275 = vector.broadcast %ne3A_4274 : i32 to vector<128x128xi32>
    %ne3A_4276 = arith.cmpi ne, %and3A_4273, %ne3A_4275 : vector<128x128xi32>
    %select_n3A_4277 = arith.select %ne3A_4276, %concatenate3A_4269, %concatenate3A_4266 : vector<128x128xi1>, vector<128x128xi32>
    %and3A_4278 = arith.constant 128 : i32
    %and3A_4279 = vector.broadcast %and3A_4278 : i32 to vector<128x128xi32>
    %and3A_4280 = arith.andi %add3A, %and3A_4279 : vector<128x128xi32>
    %ne3A_4281 = arith.constant 0 : i32
    %ne3A_4282 = vector.broadcast %ne3A_4281 : i32 to vector<128x128xi32>
    %ne3A_4283 = arith.cmpi ne, %and3A_4280, %ne3A_4282 : vector<128x128xi32>
    %gt3A_4284 = arith.cmpf ogt, %select_n3A_4263, %select_n3A_4248 : vector<128x128xf32>
    %eq3A_4285 = arith.cmpf oeq, %select_n3A_4263, %select_n3A_4248 : vector<128x128xf32>
    %lt3A_4286 = arith.cmpi slt, %select_n3A_4277, %select_n3A_4249 : vector<128x128xi32>
    %and3A_4287 = arith.andi %eq3A_4285, %lt3A_4286 : vector<128x128xi1>
    %or3A_4288 = arith.ori %gt3A_4284, %and3A_4287 : vector<128x128xi1>
    %xor3A_4289 = arith.xori %or3A_4288, %ne3A_4283 : vector<128x128xi1>
    %xor3A_4290 = arith.xori %xor3A_4289, %ne3A_3991 : vector<128x128xi1>
    %select_n3A_4291 = arith.select %xor3A_4290, %select_n3A_4263, %select_n3A_4248 : vector<128x128xi1>, vector<128x128xf32>
    %select_n3A_4292 = arith.select %xor3A_4290, %select_n3A_4277, %select_n3A_4249 : vector<128x128xi1>, vector<128x128xi32>
    %slice3A_4293 = vector.extract_strided_slice %select_n3A_4291 {offsets = [0, 64], sizes = [128, 64], strides = [1, 1]} : vector<128x128xf32> to vector<128x64xf32>
    %slice3A_4294 = vector.extract_strided_slice %select_n3A_4291 {offsets = [0, 0], sizes = [128, 64], strides = [1, 1]} : vector<128x128xf32> to vector<128x64xf32>
    %concatenate3A_4295 = tpu.concatenate %slice3A_4293, %slice3A_4294 in 1 : vector<128x64xf32>, vector<128x64xf32> -> vector<128x128xf32>
    %slice3A_4296 = vector.extract_strided_slice %select_n3A_4291 {offsets = [0, 64], sizes = [128, 64], strides = [1, 1]} : vector<128x128xf32> to vector<128x64xf32>
    %slice3A_4297 = vector.extract_strided_slice %select_n3A_4291 {offsets = [0, 0], sizes = [128, 64], strides = [1, 1]} : vector<128x128xf32> to vector<128x64xf32>
    %concatenate3A_4298 = tpu.concatenate %slice3A_4296, %slice3A_4297 in 1 : vector<128x64xf32>, vector<128x64xf32> -> vector<128x128xf32>
    %iota3A_4299 = tpu.iota {dimensions = array<i32: 1>} : vector<128x128xi32>
    %and3A_4300 = arith.constant 64 : i32
    %and3A_4301 = vector.broadcast %and3A_4300 : i32 to vector<128x128xi32>
    %and3A_4302 = arith.andi %iota3A_4299, %and3A_4301 : vector<128x128xi32>
    %ne3A_4303 = arith.constant 0 : i32
    %ne3A_4304 = vector.broadcast %ne3A_4303 : i32 to vector<128x128xi32>
    %ne3A_4305 = arith.cmpi ne, %and3A_4302, %ne3A_4304 : vector<128x128xi32>
    %select_n3A_4306 = arith.select %ne3A_4305, %concatenate3A_4298, %concatenate3A_4295 : vector<128x128xi1>, vector<128x128xf32>
    %slice3A_4307 = vector.extract_strided_slice %select_n3A_4292 {offsets = [0, 64], sizes = [128, 64], strides = [1, 1]} : vector<128x128xi32> to vector<128x64xi32>
    %slice3A_4308 = vector.extract_strided_slice %select_n3A_4292 {offsets = [0, 0], sizes = [128, 64], strides = [1, 1]} : vector<128x128xi32> to vector<128x64xi32>
    %concatenate3A_4309 = tpu.concatenate %slice3A_4307, %slice3A_4308 in 1 : vector<128x64xi32>, vector<128x64xi32> -> vector<128x128xi32>
    %slice3A_4310 = vector.extract_strided_slice %select_n3A_4292 {offsets = [0, 64], sizes = [128, 64], strides = [1, 1]} : vector<128x128xi32> to vector<128x64xi32>
    %slice3A_4311 = vector.extract_strided_slice %select_n3A_4292 {offsets = [0, 0], sizes = [128, 64], strides = [1, 1]} : vector<128x128xi32> to vector<128x64xi32>
    %concatenate3A_4312 = tpu.concatenate %slice3A_4310, %slice3A_4311 in 1 : vector<128x64xi32>, vector<128x64xi32> -> vector<128x128xi32>
    %iota3A_4313 = tpu.iota {dimensions = array<i32: 1>} : vector<128x128xi32>
    %and3A_4314 = arith.constant 64 : i32
    %and3A_4315 = vector.broadcast %and3A_4314 : i32 to vector<128x128xi32>
    %and3A_4316 = arith.andi %iota3A_4313, %and3A_4315 : vector<128x128xi32>
    %ne3A_4317 = arith.constant 0 : i32
    %ne3A_4318 = vector.broadcast %ne3A_4317 : i32 to vector<128x128xi32>
    %ne3A_4319 = arith.cmpi ne, %and3A_4316, %ne3A_4318 : vector<128x128xi32>
    %select_n3A_4320 = arith.select %ne3A_4319, %concatenate3A_4312, %concatenate3A_4309 : vector<128x128xi1>, vector<128x128xi32>
    %and3A_4321 = arith.constant 64 : i32
    %and3A_4322 = vector.broadcast %and3A_4321 : i32 to vector<128x128xi32>
    %and3A_4323 = arith.andi %add3A, %and3A_4322 : vector<128x128xi32>
    %ne3A_4324 = arith.constant 0 : i32
    %ne3A_4325 = vector.broadcast %ne3A_4324 : i32 to vector<128x128xi32>
    %ne3A_4326 = arith.cmpi ne, %and3A_4323, %ne3A_4325 : vector<128x128xi32>
    %gt3A_4327 = arith.cmpf ogt, %select_n3A_4306, %select_n3A_4291 : vector<128x128xf32>
    %eq3A_4328 = arith.cmpf oeq, %select_n3A_4306, %select_n3A_4291 : vector<128x128xf32>
    %lt3A_4329 = arith.cmpi slt, %select_n3A_4320, %select_n3A_4292 : vector<128x128xi32>
    %and3A_4330 = arith.andi %eq3A_4328, %lt3A_4329 : vector<128x128xi1>
    %or3A_4331 = arith.ori %gt3A_4327, %and3A_4330 : vector<128x128xi1>
    %xor3A_4332 = arith.xori %or3A_4331, %ne3A_4326 : vector<128x128xi1>
    %xor3A_4333 = arith.xori %xor3A_4332, %ne3A_3991 : vector<128x128xi1>
    %select_n3A_4334 = arith.select %xor3A_4333, %select_n3A_4306, %select_n3A_4291 : vector<128x128xi1>, vector<128x128xf32>
    %select_n3A_4335 = arith.select %xor3A_4333, %select_n3A_4320, %select_n3A_4292 : vector<128x128xi1>, vector<128x128xi32>
    %slice3A_4336 = vector.extract_strided_slice %select_n3A_4334 {offsets = [0, 32], sizes = [128, 96], strides = [1, 1]} : vector<128x128xf32> to vector<128x96xf32>
    %slice3A_4337 = vector.extract_strided_slice %select_n3A_4334 {offsets = [0, 0], sizes = [128, 32], strides = [1, 1]} : vector<128x128xf32> to vector<128x32xf32>
    %concatenate3A_4338 = tpu.concatenate %slice3A_4336, %slice3A_4337 in 1 : vector<128x96xf32>, vector<128x32xf32> -> vector<128x128xf32>
    %slice3A_4339 = vector.extract_strided_slice %select_n3A_4334 {offsets = [0, 96], sizes = [128, 32], strides = [1, 1]} : vector<128x128xf32> to vector<128x32xf32>
    %slice3A_4340 = vector.extract_strided_slice %select_n3A_4334 {offsets = [0, 0], sizes = [128, 96], strides = [1, 1]} : vector<128x128xf32> to vector<128x96xf32>
    %concatenate3A_4341 = tpu.concatenate %slice3A_4339, %slice3A_4340 in 1 : vector<128x32xf32>, vector<128x96xf32> -> vector<128x128xf32>
    %iota3A_4342 = tpu.iota {dimensions = array<i32: 1>} : vector<128x128xi32>
    %and3A_4343 = arith.constant 32 : i32
    %and3A_4344 = vector.broadcast %and3A_4343 : i32 to vector<128x128xi32>
    %and3A_4345 = arith.andi %iota3A_4342, %and3A_4344 : vector<128x128xi32>
    %ne3A_4346 = arith.constant 0 : i32
    %ne3A_4347 = vector.broadcast %ne3A_4346 : i32 to vector<128x128xi32>
    %ne3A_4348 = arith.cmpi ne, %and3A_4345, %ne3A_4347 : vector<128x128xi32>
    %select_n3A_4349 = arith.select %ne3A_4348, %concatenate3A_4341, %concatenate3A_4338 : vector<128x128xi1>, vector<128x128xf32>
    %slice3A_4350 = vector.extract_strided_slice %select_n3A_4335 {offsets = [0, 32], sizes = [128, 96], strides = [1, 1]} : vector<128x128xi32> to vector<128x96xi32>
    %slice3A_4351 = vector.extract_strided_slice %select_n3A_4335 {offsets = [0, 0], sizes = [128, 32], strides = [1, 1]} : vector<128x128xi32> to vector<128x32xi32>
    %concatenate3A_4352 = tpu.concatenate %slice3A_4350, %slice3A_4351 in 1 : vector<128x96xi32>, vector<128x32xi32> -> vector<128x128xi32>
    %slice3A_4353 = vector.extract_strided_slice %select_n3A_4335 {offsets = [0, 96], sizes = [128, 32], strides = [1, 1]} : vector<128x128xi32> to vector<128x32xi32>
    %slice3A_4354 = vector.extract_strided_slice %select_n3A_4335 {offsets = [0, 0], sizes = [128, 96], strides = [1, 1]} : vector<128x128xi32> to vector<128x96xi32>
    %concatenate3A_4355 = tpu.concatenate %slice3A_4353, %slice3A_4354 in 1 : vector<128x32xi32>, vector<128x96xi32> -> vector<128x128xi32>
    %iota3A_4356 = tpu.iota {dimensions = array<i32: 1>} : vector<128x128xi32>
    %and3A_4357 = arith.constant 32 : i32
    %and3A_4358 = vector.broadcast %and3A_4357 : i32 to vector<128x128xi32>
    %and3A_4359 = arith.andi %iota3A_4356, %and3A_4358 : vector<128x128xi32>
    %ne3A_4360 = arith.constant 0 : i32
    %ne3A_4361 = vector.broadcast %ne3A_4360 : i32 to vector<128x128xi32>
    %ne3A_4362 = arith.cmpi ne, %and3A_4359, %ne3A_4361 : vector<128x128xi32>
    %select_n3A_4363 = arith.select %ne3A_4362, %concatenate3A_4355, %concatenate3A_4352 : vector<128x128xi1>, vector<128x128xi32>
    %and3A_4364 = arith.constant 32 : i32
    %and3A_4365 = vector.broadcast %and3A_4364 : i32 to vector<128x128xi32>
    %and3A_4366 = arith.andi %add3A, %and3A_4365 : vector<128x128xi32>
    %ne3A_4367 = arith.constant 0 : i32
    %ne3A_4368 = vector.broadcast %ne3A_4367 : i32 to vector<128x128xi32>
    %ne3A_4369 = arith.cmpi ne, %and3A_4366, %ne3A_4368 : vector<128x128xi32>
    %gt3A_4370 = arith.cmpf ogt, %select_n3A_4349, %select_n3A_4334 : vector<128x128xf32>
    %eq3A_4371 = arith.cmpf oeq, %select_n3A_4349, %select_n3A_4334 : vector<128x128xf32>
    %lt3A_4372 = arith.cmpi slt, %select_n3A_4363, %select_n3A_4335 : vector<128x128xi32>
    %and3A_4373 = arith.andi %eq3A_4371, %lt3A_4372 : vector<128x128xi1>
    %or3A_4374 = arith.ori %gt3A_4370, %and3A_4373 : vector<128x128xi1>
    %xor3A_4375 = arith.xori %or3A_4374, %ne3A_4369 : vector<128x128xi1>
    %xor3A_4376 = arith.xori %xor3A_4375, %ne3A_3991 : vector<128x128xi1>
    %select_n3A_4377 = arith.select %xor3A_4376, %select_n3A_4349, %select_n3A_4334 : vector<128x128xi1>, vector<128x128xf32>
    %select_n3A_4378 = arith.select %xor3A_4376, %select_n3A_4363, %select_n3A_4335 : vector<128x128xi1>, vector<128x128xi32>
    %slice3A_4379 = vector.extract_strided_slice %select_n3A_4377 {offsets = [0, 16], sizes = [128, 112], strides = [1, 1]} : vector<128x128xf32> to vector<128x112xf32>
    %slice3A_4380 = vector.extract_strided_slice %select_n3A_4377 {offsets = [0, 0], sizes = [128, 16], strides = [1, 1]} : vector<128x128xf32> to vector<128x16xf32>
    %concatenate3A_4381 = tpu.concatenate %slice3A_4379, %slice3A_4380 in 1 : vector<128x112xf32>, vector<128x16xf32> -> vector<128x128xf32>
    %slice3A_4382 = vector.extract_strided_slice %select_n3A_4377 {offsets = [0, 112], sizes = [128, 16], strides = [1, 1]} : vector<128x128xf32> to vector<128x16xf32>
    %slice3A_4383 = vector.extract_strided_slice %select_n3A_4377 {offsets = [0, 0], sizes = [128, 112], strides = [1, 1]} : vector<128x128xf32> to vector<128x112xf32>
    %concatenate3A_4384 = tpu.concatenate %slice3A_4382, %slice3A_4383 in 1 : vector<128x16xf32>, vector<128x112xf32> -> vector<128x128xf32>
    %iota3A_4385 = tpu.iota {dimensions = array<i32: 1>} : vector<128x128xi32>
    %and3A_4386 = arith.constant 16 : i32
    %and3A_4387 = vector.broadcast %and3A_4386 : i32 to vector<128x128xi32>
    %and3A_4388 = arith.andi %iota3A_4385, %and3A_4387 : vector<128x128xi32>
    %ne3A_4389 = arith.constant 0 : i32
    %ne3A_4390 = vector.broadcast %ne3A_4389 : i32 to vector<128x128xi32>
    %ne3A_4391 = arith.cmpi ne, %and3A_4388, %ne3A_4390 : vector<128x128xi32>
    %select_n3A_4392 = arith.select %ne3A_4391, %concatenate3A_4384, %concatenate3A_4381 : vector<128x128xi1>, vector<128x128xf32>
    %slice3A_4393 = vector.extract_strided_slice %select_n3A_4378 {offsets = [0, 16], sizes = [128, 112], strides = [1, 1]} : vector<128x128xi32> to vector<128x112xi32>
    %slice3A_4394 = vector.extract_strided_slice %select_n3A_4378 {offsets = [0, 0], sizes = [128, 16], strides = [1, 1]} : vector<128x128xi32> to vector<128x16xi32>
    %concatenate3A_4395 = tpu.concatenate %slice3A_4393, %slice3A_4394 in 1 : vector<128x112xi32>, vector<128x16xi32> -> vector<128x128xi32>
    %slice3A_4396 = vector.extract_strided_slice %select_n3A_4378 {offsets = [0, 112], sizes = [128, 16], strides = [1, 1]} : vector<128x128xi32> to vector<128x16xi32>
    %slice3A_4397 = vector.extract_strided_slice %select_n3A_4378 {offsets = [0, 0], sizes = [128, 112], strides = [1, 1]} : vector<128x128xi32> to vector<128x112xi32>
    %concatenate3A_4398 = tpu.concatenate %slice3A_4396, %slice3A_4397 in 1 : vector<128x16xi32>, vector<128x112xi32> -> vector<128x128xi32>
    %iota3A_4399 = tpu.iota {dimensions = array<i32: 1>} : vector<128x128xi32>
    %and3A_4400 = arith.constant 16 : i32
    %and3A_4401 = vector.broadcast %and3A_4400 : i32 to vector<128x128xi32>
    %and3A_4402 = arith.andi %iota3A_4399, %and3A_4401 : vector<128x128xi32>
    %ne3A_4403 = arith.constant 0 : i32
    %ne3A_4404 = vector.broadcast %ne3A_4403 : i32 to vector<128x128xi32>
    %ne3A_4405 = arith.cmpi ne, %and3A_4402, %ne3A_4404 : vector<128x128xi32>
    %select_n3A_4406 = arith.select %ne3A_4405, %concatenate3A_4398, %concatenate3A_4395 : vector<128x128xi1>, vector<128x128xi32>
    %and3A_4407 = arith.constant 16 : i32
    %and3A_4408 = vector.broadcast %and3A_4407 : i32 to vector<128x128xi32>
    %and3A_4409 = arith.andi %add3A, %and3A_4408 : vector<128x128xi32>
    %ne3A_4410 = arith.constant 0 : i32
    %ne3A_4411 = vector.broadcast %ne3A_4410 : i32 to vector<128x128xi32>
    %ne3A_4412 = arith.cmpi ne, %and3A_4409, %ne3A_4411 : vector<128x128xi32>
    %gt3A_4413 = arith.cmpf ogt, %select_n3A_4392, %select_n3A_4377 : vector<128x128xf32>
    %eq3A_4414 = arith.cmpf oeq, %select_n3A_4392, %select_n3A_4377 : vector<128x128xf32>
    %lt3A_4415 = arith.cmpi slt, %select_n3A_4406, %select_n3A_4378 : vector<128x128xi32>
    %and3A_4416 = arith.andi %eq3A_4414, %lt3A_4415 : vector<128x128xi1>
    %or3A_4417 = arith.ori %gt3A_4413, %and3A_4416 : vector<128x128xi1>
    %xor3A_4418 = arith.xori %or3A_4417, %ne3A_4412 : vector<128x128xi1>
    %xor3A_4419 = arith.xori %xor3A_4418, %ne3A_3991 : vector<128x128xi1>
    %select_n3A_4420 = arith.select %xor3A_4419, %select_n3A_4392, %select_n3A_4377 : vector<128x128xi1>, vector<128x128xf32>
    %select_n3A_4421 = arith.select %xor3A_4419, %select_n3A_4406, %select_n3A_4378 : vector<128x128xi1>, vector<128x128xi32>
    %slice3A_4422 = vector.extract_strided_slice %select_n3A_4420 {offsets = [0, 8], sizes = [128, 120], strides = [1, 1]} : vector<128x128xf32> to vector<128x120xf32>
    %slice3A_4423 = vector.extract_strided_slice %select_n3A_4420 {offsets = [0, 0], sizes = [128, 8], strides = [1, 1]} : vector<128x128xf32> to vector<128x8xf32>
    %concatenate3A_4424 = tpu.concatenate %slice3A_4422, %slice3A_4423 in 1 : vector<128x120xf32>, vector<128x8xf32> -> vector<128x128xf32>
    %slice3A_4425 = vector.extract_strided_slice %select_n3A_4420 {offsets = [0, 120], sizes = [128, 8], strides = [1, 1]} : vector<128x128xf32> to vector<128x8xf32>
    %slice3A_4426 = vector.extract_strided_slice %select_n3A_4420 {offsets = [0, 0], sizes = [128, 120], strides = [1, 1]} : vector<128x128xf32> to vector<128x120xf32>
    %concatenate3A_4427 = tpu.concatenate %slice3A_4425, %slice3A_4426 in 1 : vector<128x8xf32>, vector<128x120xf32> -> vector<128x128xf32>
    %iota3A_4428 = tpu.iota {dimensions = array<i32: 1>} : vector<128x128xi32>
    %and3A_4429 = arith.constant 8 : i32
    %and3A_4430 = vector.broadcast %and3A_4429 : i32 to vector<128x128xi32>
    %and3A_4431 = arith.andi %iota3A_4428, %and3A_4430 : vector<128x128xi32>
    %ne3A_4432 = arith.constant 0 : i32
    %ne3A_4433 = vector.broadcast %ne3A_4432 : i32 to vector<128x128xi32>
    %ne3A_4434 = arith.cmpi ne, %and3A_4431, %ne3A_4433 : vector<128x128xi32>
    %select_n3A_4435 = arith.select %ne3A_4434, %concatenate3A_4427, %concatenate3A_4424 : vector<128x128xi1>, vector<128x128xf32>
    %slice3A_4436 = vector.extract_strided_slice %select_n3A_4421 {offsets = [0, 8], sizes = [128, 120], strides = [1, 1]} : vector<128x128xi32> to vector<128x120xi32>
    %slice3A_4437 = vector.extract_strided_slice %select_n3A_4421 {offsets = [0, 0], sizes = [128, 8], strides = [1, 1]} : vector<128x128xi32> to vector<128x8xi32>
    %concatenate3A_4438 = tpu.concatenate %slice3A_4436, %slice3A_4437 in 1 : vector<128x120xi32>, vector<128x8xi32> -> vector<128x128xi32>
    %slice3A_4439 = vector.extract_strided_slice %select_n3A_4421 {offsets = [0, 120], sizes = [128, 8], strides = [1, 1]} : vector<128x128xi32> to vector<128x8xi32>
    %slice3A_4440 = vector.extract_strided_slice %select_n3A_4421 {offsets = [0, 0], sizes = [128, 120], strides = [1, 1]} : vector<128x128xi32> to vector<128x120xi32>
    %concatenate3A_4441 = tpu.concatenate %slice3A_4439, %slice3A_4440 in 1 : vector<128x8xi32>, vector<128x120xi32> -> vector<128x128xi32>
    %iota3A_4442 = tpu.iota {dimensions = array<i32: 1>} : vector<128x128xi32>
    %and3A_4443 = arith.constant 8 : i32
    %and3A_4444 = vector.broadcast %and3A_4443 : i32 to vector<128x128xi32>
    %and3A_4445 = arith.andi %iota3A_4442, %and3A_4444 : vector<128x128xi32>
    %ne3A_4446 = arith.constant 0 : i32
    %ne3A_4447 = vector.broadcast %ne3A_4446 : i32 to vector<128x128xi32>
    %ne3A_4448 = arith.cmpi ne, %and3A_4445, %ne3A_4447 : vector<128x128xi32>
    %select_n3A_4449 = arith.select %ne3A_4448, %concatenate3A_4441, %concatenate3A_4438 : vector<128x128xi1>, vector<128x128xi32>
    %and3A_4450 = arith.constant 8 : i32
    %and3A_4451 = vector.broadcast %and3A_4450 : i32 to vector<128x128xi32>
    %and3A_4452 = arith.andi %add3A, %and3A_4451 : vector<128x128xi32>
    %ne3A_4453 = arith.constant 0 : i32
    %ne3A_4454 = vector.broadcast %ne3A_4453 : i32 to vector<128x128xi32>
    %ne3A_4455 = arith.cmpi ne, %and3A_4452, %ne3A_4454 : vector<128x128xi32>
    %gt3A_4456 = arith.cmpf ogt, %select_n3A_4435, %select_n3A_4420 : vector<128x128xf32>
    %eq3A_4457 = arith.cmpf oeq, %select_n3A_4435, %select_n3A_4420 : vector<128x128xf32>
    %lt3A_4458 = arith.cmpi slt, %select_n3A_4449, %select_n3A_4421 : vector<128x128xi32>
    %and3A_4459 = arith.andi %eq3A_4457, %lt3A_4458 : vector<128x128xi1>
    %or3A_4460 = arith.ori %gt3A_4456, %and3A_4459 : vector<128x128xi1>
    %xor3A_4461 = arith.xori %or3A_4460, %ne3A_4455 : vector<128x128xi1>
    %xor3A_4462 = arith.xori %xor3A_4461, %ne3A_3991 : vector<128x128xi1>
    %select_n3A_4463 = arith.select %xor3A_4462, %select_n3A_4435, %select_n3A_4420 : vector<128x128xi1>, vector<128x128xf32>
    %select_n3A_4464 = arith.select %xor3A_4462, %select_n3A_4449, %select_n3A_4421 : vector<128x128xi1>, vector<128x128xi32>
    %slice3A_4465 = vector.extract_strided_slice %select_n3A_4463 {offsets = [0, 4], sizes = [128, 124], strides = [1, 1]} : vector<128x128xf32> to vector<128x124xf32>
    %slice3A_4466 = vector.extract_strided_slice %select_n3A_4463 {offsets = [0, 0], sizes = [128, 4], strides = [1, 1]} : vector<128x128xf32> to vector<128x4xf32>
    %concatenate3A_4467 = tpu.concatenate %slice3A_4465, %slice3A_4466 in 1 : vector<128x124xf32>, vector<128x4xf32> -> vector<128x128xf32>
    %slice3A_4468 = vector.extract_strided_slice %select_n3A_4463 {offsets = [0, 124], sizes = [128, 4], strides = [1, 1]} : vector<128x128xf32> to vector<128x4xf32>
    %slice3A_4469 = vector.extract_strided_slice %select_n3A_4463 {offsets = [0, 0], sizes = [128, 124], strides = [1, 1]} : vector<128x128xf32> to vector<128x124xf32>
    %concatenate3A_4470 = tpu.concatenate %slice3A_4468, %slice3A_4469 in 1 : vector<128x4xf32>, vector<128x124xf32> -> vector<128x128xf32>
    %iota3A_4471 = tpu.iota {dimensions = array<i32: 1>} : vector<128x128xi32>
    %and3A_4472 = arith.constant 4 : i32
    %and3A_4473 = vector.broadcast %and3A_4472 : i32 to vector<128x128xi32>
    %and3A_4474 = arith.andi %iota3A_4471, %and3A_4473 : vector<128x128xi32>
    %ne3A_4475 = arith.constant 0 : i32
    %ne3A_4476 = vector.broadcast %ne3A_4475 : i32 to vector<128x128xi32>
    %ne3A_4477 = arith.cmpi ne, %and3A_4474, %ne3A_4476 : vector<128x128xi32>
    %select_n3A_4478 = arith.select %ne3A_4477, %concatenate3A_4470, %concatenate3A_4467 : vector<128x128xi1>, vector<128x128xf32>
    %slice3A_4479 = vector.extract_strided_slice %select_n3A_4464 {offsets = [0, 4], sizes = [128, 124], strides = [1, 1]} : vector<128x128xi32> to vector<128x124xi32>
    %slice3A_4480 = vector.extract_strided_slice %select_n3A_4464 {offsets = [0, 0], sizes = [128, 4], strides = [1, 1]} : vector<128x128xi32> to vector<128x4xi32>
    %concatenate3A_4481 = tpu.concatenate %slice3A_4479, %slice3A_4480 in 1 : vector<128x124xi32>, vector<128x4xi32> -> vector<128x128xi32>
    %slice3A_4482 = vector.extract_strided_slice %select_n3A_4464 {offsets = [0, 124], sizes = [128, 4], strides = [1, 1]} : vector<128x128xi32> to vector<128x4xi32>
    %slice3A_4483 = vector.extract_strided_slice %select_n3A_4464 {offsets = [0, 0], sizes = [128, 124], strides = [1, 1]} : vector<128x128xi32> to vector<128x124xi32>
    %concatenate3A_4484 = tpu.concatenate %slice3A_4482, %slice3A_4483 in 1 : vector<128x4xi32>, vector<128x124xi32> -> vector<128x128xi32>
    %iota3A_4485 = tpu.iota {dimensions = array<i32: 1>} : vector<128x128xi32>
    %and3A_4486 = arith.constant 4 : i32
    %and3A_4487 = vector.broadcast %and3A_4486 : i32 to vector<128x128xi32>
    %and3A_4488 = arith.andi %iota3A_4485, %and3A_4487 : vector<128x128xi32>
    %ne3A_4489 = arith.constant 0 : i32
    %ne3A_4490 = vector.broadcast %ne3A_4489 : i32 to vector<128x128xi32>
    %ne3A_4491 = arith.cmpi ne, %and3A_4488, %ne3A_4490 : vector<128x128xi32>
    %select_n3A_4492 = arith.select %ne3A_4491, %concatenate3A_4484, %concatenate3A_4481 : vector<128x128xi1>, vector<128x128xi32>
    %and3A_4493 = arith.constant 4 : i32
    %and3A_4494 = vector.broadcast %and3A_4493 : i32 to vector<128x128xi32>
    %and3A_4495 = arith.andi %add3A, %and3A_4494 : vector<128x128xi32>
    %ne3A_4496 = arith.constant 0 : i32
    %ne3A_4497 = vector.broadcast %ne3A_4496 : i32 to vector<128x128xi32>
    %ne3A_4498 = arith.cmpi ne, %and3A_4495, %ne3A_4497 : vector<128x128xi32>
    %gt3A_4499 = arith.cmpf ogt, %select_n3A_4478, %select_n3A_4463 : vector<128x128xf32>
    %eq3A_4500 = arith.cmpf oeq, %select_n3A_4478, %select_n3A_4463 : vector<128x128xf32>
    %lt3A_4501 = arith.cmpi slt, %select_n3A_4492, %select_n3A_4464 : vector<128x128xi32>
    %and3A_4502 = arith.andi %eq3A_4500, %lt3A_4501 : vector<128x128xi1>
    %or3A_4503 = arith.ori %gt3A_4499, %and3A_4502 : vector<128x128xi1>
    %xor3A_4504 = arith.xori %or3A_4503, %ne3A_4498 : vector<128x128xi1>
    %xor3A_4505 = arith.xori %xor3A_4504, %ne3A_3991 : vector<128x128xi1>
    %select_n3A_4506 = arith.select %xor3A_4505, %select_n3A_4478, %select_n3A_4463 : vector<128x128xi1>, vector<128x128xf32>
    %select_n3A_4507 = arith.select %xor3A_4505, %select_n3A_4492, %select_n3A_4464 : vector<128x128xi1>, vector<128x128xi32>
    %slice3A_4508 = vector.extract_strided_slice %select_n3A_4506 {offsets = [0, 2], sizes = [128, 126], strides = [1, 1]} : vector<128x128xf32> to vector<128x126xf32>
    %slice3A_4509 = vector.extract_strided_slice %select_n3A_4506 {offsets = [0, 0], sizes = [128, 2], strides = [1, 1]} : vector<128x128xf32> to vector<128x2xf32>
    %concatenate3A_4510 = tpu.concatenate %slice3A_4508, %slice3A_4509 in 1 : vector<128x126xf32>, vector<128x2xf32> -> vector<128x128xf32>
    %slice3A_4511 = vector.extract_strided_slice %select_n3A_4506 {offsets = [0, 126], sizes = [128, 2], strides = [1, 1]} : vector<128x128xf32> to vector<128x2xf32>
    %slice3A_4512 = vector.extract_strided_slice %select_n3A_4506 {offsets = [0, 0], sizes = [128, 126], strides = [1, 1]} : vector<128x128xf32> to vector<128x126xf32>
    %concatenate3A_4513 = tpu.concatenate %slice3A_4511, %slice3A_4512 in 1 : vector<128x2xf32>, vector<128x126xf32> -> vector<128x128xf32>
    %iota3A_4514 = tpu.iota {dimensions = array<i32: 1>} : vector<128x128xi32>
    %and3A_4515 = arith.constant 2 : i32
    %and3A_4516 = vector.broadcast %and3A_4515 : i32 to vector<128x128xi32>
    %and3A_4517 = arith.andi %iota3A_4514, %and3A_4516 : vector<128x128xi32>
    %ne3A_4518 = arith.constant 0 : i32
    %ne3A_4519 = vector.broadcast %ne3A_4518 : i32 to vector<128x128xi32>
    %ne3A_4520 = arith.cmpi ne, %and3A_4517, %ne3A_4519 : vector<128x128xi32>
    %select_n3A_4521 = arith.select %ne3A_4520, %concatenate3A_4513, %concatenate3A_4510 : vector<128x128xi1>, vector<128x128xf32>
    %slice3A_4522 = vector.extract_strided_slice %select_n3A_4507 {offsets = [0, 2], sizes = [128, 126], strides = [1, 1]} : vector<128x128xi32> to vector<128x126xi32>
    %slice3A_4523 = vector.extract_strided_slice %select_n3A_4507 {offsets = [0, 0], sizes = [128, 2], strides = [1, 1]} : vector<128x128xi32> to vector<128x2xi32>
    %concatenate3A_4524 = tpu.concatenate %slice3A_4522, %slice3A_4523 in 1 : vector<128x126xi32>, vector<128x2xi32> -> vector<128x128xi32>
    %slice3A_4525 = vector.extract_strided_slice %select_n3A_4507 {offsets = [0, 126], sizes = [128, 2], strides = [1, 1]} : vector<128x128xi32> to vector<128x2xi32>
    %slice3A_4526 = vector.extract_strided_slice %select_n3A_4507 {offsets = [0, 0], sizes = [128, 126], strides = [1, 1]} : vector<128x128xi32> to vector<128x126xi32>
    %concatenate3A_4527 = tpu.concatenate %slice3A_4525, %slice3A_4526 in 1 : vector<128x2xi32>, vector<128x126xi32> -> vector<128x128xi32>
    %iota3A_4528 = tpu.iota {dimensions = array<i32: 1>} : vector<128x128xi32>
    %and3A_4529 = arith.constant 2 : i32
    %and3A_4530 = vector.broadcast %and3A_4529 : i32 to vector<128x128xi32>
    %and3A_4531 = arith.andi %iota3A_4528, %and3A_4530 : vector<128x128xi32>
    %ne3A_4532 = arith.constant 0 : i32
    %ne3A_4533 = vector.broadcast %ne3A_4532 : i32 to vector<128x128xi32>
    %ne3A_4534 = arith.cmpi ne, %and3A_4531, %ne3A_4533 : vector<128x128xi32>
    %select_n3A_4535 = arith.select %ne3A_4534, %concatenate3A_4527, %concatenate3A_4524 : vector<128x128xi1>, vector<128x128xi32>
    %and3A_4536 = arith.constant 2 : i32
    %and3A_4537 = vector.broadcast %and3A_4536 : i32 to vector<128x128xi32>
    %and3A_4538 = arith.andi %add3A, %and3A_4537 : vector<128x128xi32>
    %ne3A_4539 = arith.constant 0 : i32
    %ne3A_4540 = vector.broadcast %ne3A_4539 : i32 to vector<128x128xi32>
    %ne3A_4541 = arith.cmpi ne, %and3A_4538, %ne3A_4540 : vector<128x128xi32>
    %gt3A_4542 = arith.cmpf ogt, %select_n3A_4521, %select_n3A_4506 : vector<128x128xf32>
    %eq3A_4543 = arith.cmpf oeq, %select_n3A_4521, %select_n3A_4506 : vector<128x128xf32>
    %lt3A_4544 = arith.cmpi slt, %select_n3A_4535, %select_n3A_4507 : vector<128x128xi32>
    %and3A_4545 = arith.andi %eq3A_4543, %lt3A_4544 : vector<128x128xi1>
    %or3A_4546 = arith.ori %gt3A_4542, %and3A_4545 : vector<128x128xi1>
    %xor3A_4547 = arith.xori %or3A_4546, %ne3A_4541 : vector<128x128xi1>
    %xor3A_4548 = arith.xori %xor3A_4547, %ne3A_3991 : vector<128x128xi1>
    %select_n3A_4549 = arith.select %xor3A_4548, %select_n3A_4521, %select_n3A_4506 : vector<128x128xi1>, vector<128x128xf32>
    %select_n3A_4550 = arith.select %xor3A_4548, %select_n3A_4535, %select_n3A_4507 : vector<128x128xi1>, vector<128x128xi32>
    %slice3A_4551 = vector.extract_strided_slice %select_n3A_4549 {offsets = [0, 1], sizes = [128, 127], strides = [1, 1]} : vector<128x128xf32> to vector<128x127xf32>
    %slice3A_4552 = vector.extract_strided_slice %select_n3A_4549 {offsets = [0, 0], sizes = [128, 1], strides = [1, 1]} : vector<128x128xf32> to vector<128x1xf32>
    %concatenate3A_4553 = tpu.concatenate %slice3A_4551, %slice3A_4552 in 1 : vector<128x127xf32>, vector<128x1xf32> -> vector<128x128xf32>
    %slice3A_4554 = vector.extract_strided_slice %select_n3A_4549 {offsets = [0, 127], sizes = [128, 1], strides = [1, 1]} : vector<128x128xf32> to vector<128x1xf32>
    %slice3A_4555 = vector.extract_strided_slice %select_n3A_4549 {offsets = [0, 0], sizes = [128, 127], strides = [1, 1]} : vector<128x128xf32> to vector<128x127xf32>
    %concatenate3A_4556 = tpu.concatenate %slice3A_4554, %slice3A_4555 in 1 : vector<128x1xf32>, vector<128x127xf32> -> vector<128x128xf32>
    %iota3A_4557 = tpu.iota {dimensions = array<i32: 1>} : vector<128x128xi32>
    %and3A_4558 = arith.constant 1 : i32
    %and3A_4559 = vector.broadcast %and3A_4558 : i32 to vector<128x128xi32>
    %and3A_4560 = arith.andi %iota3A_4557, %and3A_4559 : vector<128x128xi32>
    %ne3A_4561 = arith.constant 0 : i32
    %ne3A_4562 = vector.broadcast %ne3A_4561 : i32 to vector<128x128xi32>
    %ne3A_4563 = arith.cmpi ne, %and3A_4560, %ne3A_4562 : vector<128x128xi32>
    %select_n3A_4564 = arith.select %ne3A_4563, %concatenate3A_4556, %concatenate3A_4553 : vector<128x128xi1>, vector<128x128xf32>
    %slice3A_4565 = vector.extract_strided_slice %select_n3A_4550 {offsets = [0, 1], sizes = [128, 127], strides = [1, 1]} : vector<128x128xi32> to vector<128x127xi32>
    %slice3A_4566 = vector.extract_strided_slice %select_n3A_4550 {offsets = [0, 0], sizes = [128, 1], strides = [1, 1]} : vector<128x128xi32> to vector<128x1xi32>
    %concatenate3A_4567 = tpu.concatenate %slice3A_4565, %slice3A_4566 in 1 : vector<128x127xi32>, vector<128x1xi32> -> vector<128x128xi32>
    %slice3A_4568 = vector.extract_strided_slice %select_n3A_4550 {offsets = [0, 127], sizes = [128, 1], strides = [1, 1]} : vector<128x128xi32> to vector<128x1xi32>
    %slice3A_4569 = vector.extract_strided_slice %select_n3A_4550 {offsets = [0, 0], sizes = [128, 127], strides = [1, 1]} : vector<128x128xi32> to vector<128x127xi32>
    %concatenate3A_4570 = tpu.concatenate %slice3A_4568, %slice3A_4569 in 1 : vector<128x1xi32>, vector<128x127xi32> -> vector<128x128xi32>
    %iota3A_4571 = tpu.iota {dimensions = array<i32: 1>} : vector<128x128xi32>
    %and3A_4572 = arith.constant 1 : i32
    %and3A_4573 = vector.broadcast %and3A_4572 : i32 to vector<128x128xi32>
    %and3A_4574 = arith.andi %iota3A_4571, %and3A_4573 : vector<128x128xi32>
    %ne3A_4575 = arith.constant 0 : i32
    %ne3A_4576 = vector.broadcast %ne3A_4575 : i32 to vector<128x128xi32>
    %ne3A_4577 = arith.cmpi ne, %and3A_4574, %ne3A_4576 : vector<128x128xi32>
    %select_n3A_4578 = arith.select %ne3A_4577, %concatenate3A_4570, %concatenate3A_4567 : vector<128x128xi1>, vector<128x128xi32>
    %and3A_4579 = arith.constant 1 : i32
    %and3A_4580 = vector.broadcast %and3A_4579 : i32 to vector<128x128xi32>
    %and3A_4581 = arith.andi %add3A, %and3A_4580 : vector<128x128xi32>
    %ne3A_4582 = arith.constant 0 : i32
    %ne3A_4583 = vector.broadcast %ne3A_4582 : i32 to vector<128x128xi32>
    %ne3A_4584 = arith.cmpi ne, %and3A_4581, %ne3A_4583 : vector<128x128xi32>
    %gt3A_4585 = arith.cmpf ogt, %select_n3A_4564, %select_n3A_4549 : vector<128x128xf32>
    %eq3A_4586 = arith.cmpf oeq, %select_n3A_4564, %select_n3A_4549 : vector<128x128xf32>
    %lt3A_4587 = arith.cmpi slt, %select_n3A_4578, %select_n3A_4550 : vector<128x128xi32>
    %and3A_4588 = arith.andi %eq3A_4586, %lt3A_4587 : vector<128x128xi1>
    %or3A_4589 = arith.ori %gt3A_4585, %and3A_4588 : vector<128x128xi1>
    %xor3A_4590 = arith.xori %or3A_4589, %ne3A_4584 : vector<128x128xi1>
    %xor3A_4591 = arith.xori %xor3A_4590, %ne3A_3991 : vector<128x128xi1>
    %select_n3A_4592 = arith.select %xor3A_4591, %select_n3A_4578, %select_n3A_4550 : vector<128x128xi1>, vector<128x128xi32>
    %swap3A = arith.constant 0 : index
    %swap3A_4593 = arith.constant 0 : index
    %swap3A_4594 = vector.load %arg1[%swap3A, %swap3A_4593] : memref<128x128xi32, #tpu.memory_space<vmem>>, vector<128x128xi32>
    tpu.vector_store %arg1[%swap3A, %swap3A_4593], %select_n3A_4592 {strides = array<i32>} : memref<128x128xi32, #tpu.memory_space<vmem>>, vector<128x128xi32>,
    return
  }
}

</mosaic_0001>

<sc_bundles>
// kernel: kernel.10.cloned.1.call-start
scs
__scs_entry_jumppad:
0x0: {  	(pc) =	sbr.rel $0x88, $3  }
0x1: {  	(tag) =	ssettag $0x0;
	lr =	simm.s32 $0x1  }
0x2: {  	[smem:$0x3F9F] =	sst lr;
	_ =	strace $0xD0000000  }
0x3: {  	_ = 	snop  }
0x4: {  	_ = 	snop  }
0x5: {  	_ = 	snop  }
0x6: {  	_ = 	snop  }
0x7: {  	_ = 	snop  }
__scs_overlays_trampoline_lowered:
0x8: {  	[smem:$0x3FAE] =	sst s0  }
0x9: {  	[smem:$0x3FAF] =	sst s1  }
0xa: {  	[smem:$0x3FB0] =	sst s2  }
0xb: {  	[smem:$0x3FB1] =	sst s3  }
0xc: {  	[smem:$0x3FB2] =	sst s4  }
0xd: {  	[smem:$0x3FB3] =	sst s5  }
0xe: {  	[smem:$0x3FB4] =	sst s6  }
0xf: {  	[smem:$0x3FB5] =	sst s7  }
0x10: {  	[smem:$0x3FB6] =	sst s8  }
0x11: {  	[smem:$0x3FB7] =	sst s9;
	s0 =	simm.s32 @!p0 $0x0  }
0x12: {  	s1 =	sld [smem:$0x3F9D];
	s0 =	simm.s32 @p0 $0x1  }
0x13: {  	[smem:$0x3FB8] =	sst s0;
	s0 =	simm.s32 @!p1 $0x0  }
0x14: {  	s2 =	sld [smem:$0x3F9C];
	s0 =	simm.s32 @p1 $0x1  }
0x15: {  	[smem:$0x3FB9] =	sst s0;
	s0 =	simm.s32 @!p2 $0x0  }
0x16: {  	s3 =	sld [smem:$0x3FDB];
	s0 =	simm.s32 @p2 $0x1  }
0x17: {  	s4 =	simm.s32 $0x1BF5;
	[smem:$0x3FBB] =	sst s0  }
0x18: {  	s0 =	sld [smem:$0x3F9E];
	_ =	swait.ge [sflag:s4], $0x0  }
0x19: {  	s7 =	sld [smem:$0x3F9F]  }
0x1a: {  	s8 =	sadd.s32 $0xFFFFE003, lr  }
0x1b: {  	s9 =	sadd.s32 $0xFFFFFEF7, lr;
	s5 =	simm.s32 $0xFFFFFFFF;
	p2 =	slt.u32 s8, $0xFFFFF086  }
0x1c: {  	p1 =	slt.u32 s9, $0xF7A;
	s5 =	simm.s32 @!p2 $0x0  }
0x1d: {  	s5 =	simm.s32 @p1 $0x1;
	p0 =	seq.s32 s7, s2  }
0x1e: {  	s7 =	smul.u32 @!p0 $0xF7A, s2;
	p2 =	seq.s32 @!p0 s5, $0x0  }
0x1f: {  	s9 =	smul.u32 $0xF7A, s1;
	s8 =	simm.s32 @!p0 $0x1BF5;
	p2 =	por !p2, p0  }
0x20: {  	[sflag:s8] =	ssyncset.s32 @!p0 $0xFFFFF086;
	s6 =	sadd.s32 @!p0 s3, s7;
	s7 =	simm.s32 @!p0 $0x108  }
0x21: {  	s3 =	sadd.s32 s3, s9;
	s6 =	sadd.s32 @!p0 $0x88, s6;
	s7 =	simm.s32 @p2 $0x1082  }
0x22: {  	[simem:s7], [sflag:s8] =	dma.local @!p0 [hbm:s6], $0xF7A  }
0x23: {  	s9 =	sor.u32 $0xD0000000, s2;
	s6 =	simm.s32 $0x108;
	_ =	swait.ge @!p0 [sflag:s8], $0x0  }
0x24: {  	s3 =	sadd.s32 $0x88, s3;
	s6 =	simm.s32 @!p1 $0x1082;
	[sflag:s4] =	ssyncset.s32 $0xFFFFF086  }
0x25: {  	[simem:s6], [sflag:s4] =	dma.local [hbm:s3], $0xF7A  }
0x26: {  	[smem:$0x3F9F] =	sst s1;
	(tag) =	ssettag s2;
	_ =	strace s9  }
0x27: {  	s1 =	sld [smem:$0x3FAF]  }
0x28: {  	s2 =	sld [smem:$0x3FB0]  }
0x29: {  	s4 =	sld [smem:$0x3FB2]  }
0x2a: {  	p0 =	seq.s32 s5, $0x0;
	s5 =	sld [smem:$0x3FB3]  }
0x2b: {  	s6 =	sld [smem:$0x3FB4]  }
0x2c: {  	s7 =	sld [smem:$0x3FB5]  }
0x2d: {  	s3 =	simm.s32 $0x108;
	s8 =	sld [smem:$0x3FB6]  }
0x2e: {  	s3 =	simm.s32 @!p0 $0x1082;
	s9 =	sld [smem:$0x3FB7]  }
0x2f: {  	lr =	sadd.s32 s0, s3;
	s0 =	sld [smem:$0x3FAE]  }
0x30: {  	s3 =	sld [smem:$0x3FB1]  }
0x31: {  	[smem:$0x3FBA] =	sst s10  }
0x32: {  	s10 =	sld [smem:$0x3FB8];
	_ =	sdelay $0x3  }
0x33: {  	p0 =	seq.s32 s10, $0x1;
	s10 =	sld [smem:$0x3FBA];
	_ =	sdelay $0x3  }
0x34: {  	[smem:$0x3FBA] =	sst s10  }
0x35: {  	s10 =	sld [smem:$0x3FB9];
	_ =	sdelay $0x3  }
0x36: {  	p1 =	seq.s32 s10, $0x1;
	s10 =	sld [smem:$0x3FBA];
	_ =	sdelay $0x3  }
0x37: {  	[smem:$0x3FBA] =	sst s10  }
0x38: {  	s10 =	sld [smem:$0x3FBB]  }
0x39: {  	_ = 	snop;
	(pc) =	sbr.ind lr, $3  }
0x3a: {  	_ = 	snop  }
0x3b: {  	_ = 	snop  }
0x3c: {  	p2 =	seq.s32 s10, $0x1;
	s10 =	sld [smem:$0x3FBA]  }
0x3d: {  	_ =	shalt  }
0x3e: {  	_ =	shalt  }
0x3f: {  	_ =	shalt  }
0x40: {  	_ =	shalt  }
0x41: {  	_ =	shalt  }
0x42: {  	_ =	shalt  }
0x43: {  	_ =	shalt  }
0x44: {  	_ =	shalt  }
0x45: {  	_ =	shalt  }
0x46: {  	_ =	shalt  }
0x47: {  	_ =	shalt  }
0x48: {  	_ =	shalt  }
0x49: {  	_ =	shalt  }
0x4a: {  	_ =	shalt  }
0x4b: {  	_ =	shalt  }
0x4c: {  	_ =	shalt  }
0x4d: {  	_ =	shalt  }
0x4e: {  	_ =	shalt  }
0x4f: {  	_ =	shalt  }
0x50: {  	_ =	shalt  }
0x51: {  	_ =	shalt  }
0x52: {  	_ =	shalt  }
0x53: {  	_ =	shalt  }
0x54: {  	_ =	shalt  }
0x55: {  	_ =	shalt  }
0x56: {  	_ =	shalt  }
0x57: {  	_ =	shalt  }
0x58: {  	_ =	shalt  }
0x59: {  	_ =	shalt  }
0x5a: {  	_ =	shalt  }
0x5b: {  	_ =	shalt  }
0x5c: {  	_ =	shalt  }
0x5d: {  	_ =	shalt  }
0x5e: {  	_ =	shalt  }
0x5f: {  	_ =	shalt  }
0x60: {  	_ =	shalt  }
0x61: {  	_ =	shalt  }
0x62: {  	_ =	shalt  }
0x63: {  	_ =	shalt  }
0x64: {  	_ =	shalt  }
0x65: {  	_ =	shalt  }
0x66: {  	_ =	shalt  }
0x67: {  	_ =	shalt  }
0x68: {  	_ =	shalt  }
0x69: {  	_ =	shalt  }
0x6a: {  	_ =	shalt  }
0x6b: {  	_ =	shalt  }
0x6c: {  	_ =	shalt  }
0x6d: {  	_ =	shalt  }
0x6e: {  	_ =	shalt  }
0x6f: {  	_ =	shalt  }
0x70: {  	_ =	shalt  }
0x71: {  	_ =	shalt  }
0x72: {  	_ =	shalt  }
0x73: {  	_ =	shalt  }
0x74: {  	_ =	shalt  }
0x75: {  	_ =	shalt  }
0x76: {  	_ =	shalt  }
0x77: {  	_ =	shalt  }
0x78: {  	_ =	shalt  }
0x79: {  	_ =	shalt  }
0x7a: {  	_ =	shalt  }
0x7b: {  	_ =	shalt  }
0x7c: {  	_ =	shalt  }
0x7d: {  	_ =	shalt  }
0x7e: {  	_ =	shalt  }
0x7f: {  	_ =	shalt  }
0x80: {  	_ =	shalt  }
0x81: {  	_ =	shalt  }
0x82: {  	_ =	shalt  }
0x83: {  	_ =	shalt  }
0x84: {  	_ =	shalt  }
0x85: {  	_ =	shalt  }
0x86: {  	_ =	shalt  }
0x87: {  	_ =	shalt  }
.Lfunc_end0:
.L_simem_size_0:
called_computation.1_lowered:
.L_overlay_start_0:
0x88: {  	s2 =	sld [smem:$0x3FD9]  }
0x89: {  	s3 =	sld [smem:$0x3FFE];
	_ =	sdelay $0x1  }
0x8a: {  	s1 =	srdreg.scid  }
0x8b: {  	s0 =	sand.u32 $0x1, s1  }
0x8c: {  	s16 =	sshll.u32 s0, $0xA;
	s2 =	sadd.s32 s3, s2  }
0x8d: {  	s2 =	sadd.s32 s2, s16  }
0x8e: {  	[smem:$0x3FC6] =	sst s2  }
0x8f: {  	_ = 	snop  }
0x90: {  	(tm) =	ssettm $0x1  }
0x91: {  	s17 =	sld [smem:$0x3FFB];
	_ =	sdelay $0x3  }
0x92: {  	_ =	strace s17  }
0x93: {  	s2 =	sld [smem:$0x3FFC];
	_ =	sdelay $0x3  }
0x94: {  	_ =	strace s2  }
0x95: {  	s2 =	sld [smem:$0x3FFD];
	_ =	sdelay $0x3  }
0x96: {  	_ =	strace s2  }
0x97: {  	_ =	strace $0x8FFFFFFF  }
0x98: {  	s18 =	sld [smem:$0x3FDB];
	_ =	sdelay $0x1  }
0x99: {  	s19 =	simm.s32 $_scs_section_size  }
0x9a: {  	s4 =	simm.s32 $_size__tile_overlayer_lowered;
	s5 =	simm.s32 $_tile_overlayer_lowered  }
0x9b: {  	s22 =	simm.s32 $0x1BFF;
	s21 =	sshll.u32 s5, $0x1;
	s2 =	sadd.s32 s19, s18  }
0x9c: {  	s6 =	simm.s32 $0x0;
	s20 =	sshll.u32 s4, $0x1;
	s4 =	sadd.s32 s21, s2  }
0x9d: {  	[timem:s6], [sflag:s22] =	dma.local [hbm:s4], s20  }
0x9e: {  	_ =	swait.ge [sflag:s22], s20  }
0x9f: {  	s3 =	ssub.s32 $0x0, s20;
	[sflag:s22] =	ssyncset.done $0x0  }
0xa0: {  	[sflag:s22] =	ssyncadd.s32 s3;
	_ =	sdelay $0x1  }
0xa1: {  	s23 =	simm.s32 $0x1B8B  }
0xa2: {  	_ =	swait.ge [sflag:s23], $0x1  }
0xa3: {  	[sflag:s23] =	ssyncset.done $0x0  }
0xa4: {  	s25 =	simm.s32 $0x1B8E;
	s24 =	sld [smem:$0x3FFE];
	[sflag:s23] =	ssyncadd.s32 $0xFFFFFFFF  }
0xa5: {  	s26 =	simm.s32 $execute0_lowered;
	[smem:$0x3FD2] =	sst s25  }
0xa6: {  	s4 =	sshll.u32 s26, $0x1;
	_ =	strace $0x80000049;
	[dreg:$0x1] =	wrdreg $0xFFFFFFFF  }
0xa7: {  	s28 =	simm.s32 $_size_execute0_lowered;
	s2 =	sadd.s32 s2, s4;
	[dreg:$0x0] =	wrdreg $0x0  }
0xa8: {  	s4 =	sshll.u32 s28, $0x1;
	[dreg:$0x2] =	wrdreg s2  }
0xa9: {  	[dreg:$0x3] =	wrdreg s4  }
0xaa: {  	[dreg:$0x4] =	wrdreg $0xC0  }
0xab: {  	_ =	task [dreg:s6], $0x5FFFF  }
0xac: {  	[dreg:$0x1] =	wrdreg $0xFFFFFFFF  }
0xad: {  	[dreg:$0x0] =	wrdreg $0x60  }
0xae: {  	[dreg:$0x2] =	wrdreg s24  }
0xaf: {  	[dreg:$0x3] =	wrdreg $0x7B200  }
0xb0: {  	[dreg:$0x4] =	wrdreg $0x9  }
0xb1: {  	_ =	task.clear_ibuf [dreg:s6], $0x5FFFF;
	_ =	strace $0x90000049  }
0xb2: {  	s29 =	simm.s32 $0x9;
	_ =	strace $0x8000004B  }
0xb3: {  	_ =	swait.ge [sflag:s29], $0x1  }
0xb4: {  	[sflag:s29] =	ssyncadd.s32 $0xFFFFFFFF  }
0xb5: {  	_ =	strace $0x9000004B  }
0xb6: {  	_ =	sfence  }
0xb7: {  	s30 =	sld [smem:$0x0];
	_ =	sdelay $0x2  }
0xb8: {  	s31 =	sshll.u32 s1, $0xD;
	s1 =	sshrl.u32 s1, $0x2  }
0xb9: {  	s3 =	sand.u32 $0x4000, s31;
	s1 =	sadd.s32 s1, s30  }
0xba: {  	s0 =	sor.u32 s3, s0;
	s1 =	sshll.u32 s1, $0x11  }
0xbb: {  	s0 =	sor.u32 s1, s0  }
0xbc: {  	s0 =	sadd.s32 $0x8F2B, s0  }
0xbd: {  	[sflag:s0] =	ssyncadd.remote.s32 $0x1  }
0xbe: {  	_ =	sfence.sel $0xFFFF  }
0xbf: {  	[dreg:$0x0] =	wrdreg $0xFFFFFFFF;
	(pc) =	sbr.abs _section_cstart, $3  }
0xc0: {  	[dreg:$0x1] =	wrdreg $0xFFFFFFFF  }
0xc1: {  	_ =	task.clear_ibuf [dreg:s6], $0x2FFFF;
	_ =	strace $0x9FFFFFFF  }
0xc2: {  	(tm) =	ssettm $0x7FFFFFFF  }
0xc3: {  	_ =	shalt  }
tec
execute0_lowered:
.L_overlay_start_1:
0x0: {  	(tag) =	ssettag $0x1  }
0x1: {  	s5 =	rddreg [dreg:$0x0]  }
0x2: {  	s2 =	rddreg [dreg:$0x1]  }
0x3: {  	s0 =	rddreg [dreg:$0x2];
	s3 =	simm.s32 $0x0;
	s1 =	stileid.u32  }
0x4: {  	s4 =	srdreg.scid;
	s14 =	simm.s32 $0x50;
	s15 =	simm.s32 $0x4E20  }
0x5: {  	s16 =	simm.s32 $0x1;
	s17 =	simm.s32 $0x0;
	[smem:$0x7FF] =	sst s3  }
0x6: {  	s6 =	smul.u32 $0x16800, s1;
	s7 =	sand.u32 $0x1, s4;
	s4 =	sadd.s32 $0x13C00, s5  }
0x7: {  	s31 =	sshll.u32 s1, $0x6;
	_ =	strace $0x8000004A;
	s8 =	smul.u32 $0x168000, s7  }
0x8: {  	s10 =	sshll.u32 s7, $0x4;
	s7 =	ssub.s32 $0x2, s7;
	s9 =	sshrl.u32 s6, $0x3  }
0x9: {  	s10 =	sor.u32 s1, s10;
	s11 =	sshrl.u32 s7, $0x1;
	s13 =	sadd.s32 s6, s2  }
0xa: {  	s8 =	sadd.s32 s6, s8;
	s10 =	smul.u32 $0x4E2, s10;
	s9 =	sadd.s32 s9, s5  }
0xb: {  	s11 =	ssub.s32 s7, s11;
	s7 =	sor.u32 $0x1C02, s31;
	s8 =	sshrl.u32 s8, $0x3  }
0xc: {  	s6 =	sadd.s32 $0x3FC00, s9;
	s12 =	sadd.s32 s8, s5;
	s5 =	sadd.s32 s5, s10  }
0xd: {  	s10 =	smax.u32 s11, $0x1;
	s11 =	sshrl.u32 s13, $0x3;
	s13 =	simm.s32 $0x2710  }
0xe: {  	s8 =	sadd.s32 $0x9E00, s5;
	s9 =	sadd.s32 $0xBAE00, s12;
	s12 =	simm.s32 $0x2  }
.LBB2_1:
0xf: {  	[spmem:s11], [sflag:s7] =	dma.local [hbm:s6], $0x2D00  }
0x10: {  	_ =	swait.ge [sflag:s12], $0x2D00  }
0x11: {  	[sflag:s12] =	ssyncset.done $0x0  }
0x12: {  	[sflag:s12] =	ssyncadd.s32 $0xFFFFD300  }
0x13: {  	[tilespmem:s3], [sflag:$0x2] =	stream.linear.gather [hbm4b:s8+s3], $0x2710, $0x38;
	[tilespmem:$0x1E320] =	vst v63  }
0x14: {  	_ =	swait.ge [sflag:s12], $0x2710  }
0x15: {  	[sflag:s12] =	ssyncset.done $0x0  }
0x16: {  	[sflag:s12] =	ssyncadd.s32 $0xFFFFD8F0  }
0x17: {  	[tilespmem:s13], [sflag:$0x2] =	stream.linear.gather [hbm4b:s5+s3], $0x2710, $0x38;
	[tilespmem:$0x1E320] =	vst v63  }
0x18: {  	_ =	swait.ge [sflag:s12], $0x2710  }
0x19: {  	[sflag:s12] =	ssyncset.done $0x0  }
0x1a: {  	[sflag:s12] =	ssyncadd.s32 $0xFFFFD8F0  }
0x1b: {  	s18 =	simm.s32 $0x2710;
	[bflag:$0x0] =	sbarrier.arrive $0xFFFF  }
0x1c: {  	[tilespmem:s15], [sflag:$0x1] =	stream.indirect.gather [hbm4b:s4+s14], $0x90, s18, s14, $0xb8;
	[tilespmem:$0x1E320] =	vst v63  }
0x1d: {  	_ =	swait.ge [sflag:s16], $0x2D00  }
0x1e: {  	[sflag:s16] =	ssyncset.done $0x0  }
0x1f: {  	s31 =	simm.s32 $0x0;
	[sflag:s16] =	ssyncadd.s32 $0xFFFFD300  }
0x20: {  	[spmem:s2] =	stream.indirect.scatter.add.f32 [tilespmem:s15], [sflag:$0x2], $0x90, s31, s14, $0xb8;
	[tilespmem:$0x1E320] =	vst v63  }
0x21: {  	_ =	swait.ge [sflag:s12], $0x2D00  }
0x22: {  	s19 =	simm.s32 $0x280;
	s18 =	simm.s32 $0x50;
	[sflag:s12] =	ssyncset.done $0x0  }
.LBB2_2:
0x23: {  	s20 =	sadd.s32 $0x2710, s18  }
0x24: {  	[sflag:s12] =	ssyncadd.s32 $0xFFFFD300;
	s21 =	smov.u32 s19;
	s22 =	sadd.s32 $0x140, s19  }
0x25: {  	[tilespmem:s15], [sflag:$0x1] =	stream.indirect.gather [hbm4b:s4+s14], $0x90, s20, s14, $0xb8;
	[tilespmem:$0x1E320] =	vst v63  }
0x26: {  	p0 =	sne.s32 s19, $0x9B00;
	_ =	swait.ge [sflag:s16], $0x2D00  }
.Ltmp0:
0x27: {  	[sflag:s16] =	ssyncset.done $0x0;
	(pc) =	sbr.rel @p0 .LBB2_2-.Ltmp0, $4  }
0x28: {  	[sflag:s16] =	ssyncadd.s32 $0xFFFFD300  }
0x29: {  	[spmem:s2] =	stream.indirect.scatter.add.f32 [tilespmem:s15], [sflag:$0x2], $0x90, s18, s14, $0xb8;
	[tilespmem:$0x1E320] =	vst v63  }
0x2a: {  	_ =	swait.ge [sflag:s12], $0x2D00  }
0x2b: {  	s19 =	smov.u32 s22;
	s18 =	sshra.s32 s21, $0x2;
	[sflag:s12] =	ssyncset.done $0x0  }
0x2c: {  	s19 =	sadd.s32 $0x2710, s18;
	[sflag:s12] =	ssyncadd.s32 $0xFFFFD300  }
0x2d: {  	[tilespmem:s15], [sflag:$0x1] =	stream.indirect.gather [hbm4b:s4+s14], $0x90, s19, s14, $0xb8;
	[tilespmem:$0x1E320] =	vst v63  }
0x2e: {  	_ =	swait.ge [sflag:s16], $0x2D00  }
0x2f: {  	[sflag:s16] =	ssyncset.done $0x0  }
0x30: {  	[sflag:s16] =	ssyncadd.s32 $0xFFFFD300  }
0x31: {  	[spmem:s2] =	stream.indirect.scatter.add.f32 [tilespmem:s15], [sflag:$0x2], $0x90, s18, s14, $0xb8;
	[tilespmem:$0x1E320] =	vst v63  }
0x32: {  	_ =	swait.ge [sflag:s12], $0x2D00  }
0x33: {  	s17 =	sadd.s32 $0x1, s17;
	[sflag:s12] =	ssyncset.done $0x0  }
0x34: {  	p0 =	sne.s32 s17, s10;
	[sflag:s12] =	ssyncadd.s32 $0xFFFFD300  }
.Ltmp1:
0x35: {  	[bflag:$0x0] =	sbarrier.arrive $0xFFFF;
	(pc) =	sbr.rel @p0 .LBB2_1-.Ltmp1, $4  }
0x36: {  	[hbm:s9], [sflag:s7] =	dma.local [spmem:s11], $0x2D00  }
0x37: {  	_ =	swait.ge [sflag:s12], $0x2D00  }
0x38: {  	[sflag:s12] =	ssyncset.done $0x0  }
0x39: {  	[sflag:s12] =	ssyncadd.s32 $0xFFFFD300  }
0x3a: {  	_ =	sfence.sel $0x180000  }
0x3b: {  	[bflag:$0x0] =	sbarrier.arrive $0xFFFF  }
0x3c: {  	p0 =	sne.s32 s1, $0x0;
	_ =	strace $0x9000004A  }
0x3d: {  	s0 =	sadd.s32 @!p0 $0x100000, s0;
	[bflag:$0x2] =	sbarrier.arrive $0xFFFF  }
0x3e: {  	[sflag:s0] =	ssyncadd.tile.s32 @!p0 $0x1;
	_ =	shalt  }
.Lfunc_end2:
_tile_overlayer_lowered:
.L_overlay_start_2:
0x3f: {  	(tag) =	ssettag $0x2  }
0x40: {  	s0 =	rddreg [dreg:$0x0];
	s2 =	stileid.u32  }
0x41: {  	s1 =	rddreg [dreg:$0x1];
	p0 =	sne.s32 s2, $0x0  }
0x42: {  	s3 =	rddreg [dreg:$0x2];
	[bflag:$0x3] =	sbarrier.arrive $0xFFFF;
	s2 =	simm.s32 @!p0 $0x1C02  }
0x43: {  	[timem:s3], [sflag:s2] =	dma.local @!p0 [hbm:s0], s1  }
0x44: {  	s0 =	simm.s32 @!p0 $0x2  }
0x45: {  	_ =	swait.ge @!p0 [sflag:s0], s1  }
0x46: {  	s1 =	ssub.s32 @!p0 $0x0, s1;
	[sflag:s0] =	ssyncset.done @!p0 $0x0  }
0x47: {  	[sflag:s0] =	ssyncadd.s32 @!p0 s1  }
0x48: {  	[bflag:$0x3] =	sbarrier.arrive $0xFFFF  }
0x49: {  	_ =	shalt  }

// kernel: kernel.7.cloned.1.call-start
scs
__scs_entry_jumppad:
0x0: {  	(pc) =	sbr.rel $0x88, $3  }
0x1: {  	(tag) =	ssettag $0x0;
	lr =	simm.s32 $0x1  }
0x2: {  	[smem:$0x3F9F] =	sst lr;
	_ =	strace $0xD0000000  }
0x3: {  	_ = 	snop  }
0x4: {  	_ = 	snop  }
0x5: {  	_ = 	snop  }
0x6: {  	_ = 	snop  }
0x7: {  	_ = 	snop  }
__scs_overlays_trampoline_lowered:
0x8: {  	[smem:$0x3FAE] =	sst s0  }
0x9: {  	[smem:$0x3FAF] =	sst s1  }
0xa: {  	[smem:$0x3FB0] =	sst s2  }
0xb: {  	[smem:$0x3FB1] =	sst s3  }
0xc: {  	[smem:$0x3FB2] =	sst s4  }
0xd: {  	[smem:$0x3FB3] =	sst s5  }
0xe: {  	[smem:$0x3FB4] =	sst s6  }
0xf: {  	[smem:$0x3FB5] =	sst s7  }
0x10: {  	[smem:$0x3FB6] =	sst s8  }
0x11: {  	[smem:$0x3FB7] =	sst s9;
	s0 =	simm.s32 @!p0 $0x0  }
0x12: {  	s1 =	sld [smem:$0x3F9D];
	s0 =	simm.s32 @p0 $0x1  }
0x13: {  	[smem:$0x3FB8] =	sst s0;
	s0 =	simm.s32 @!p1 $0x0  }
0x14: {  	s2 =	sld [smem:$0x3F9C];
	s0 =	simm.s32 @p1 $0x1  }
0x15: {  	[smem:$0x3FB9] =	sst s0;
	s0 =	simm.s32 @!p2 $0x0  }
0x16: {  	s3 =	sld [smem:$0x3FDB];
	s0 =	simm.s32 @p2 $0x1  }
0x17: {  	s4 =	simm.s32 $0x1BF5;
	[smem:$0x3FBB] =	sst s0  }
0x18: {  	s0 =	sld [smem:$0x3F9E];
	_ =	swait.ge [sflag:s4], $0x0  }
0x19: {  	s7 =	sld [smem:$0x3F9F]  }
0x1a: {  	s8 =	sadd.s32 $0xFFFFE003, lr  }
0x1b: {  	s9 =	sadd.s32 $0xFFFFFEF7, lr;
	s5 =	simm.s32 $0xFFFFFFFF;
	p2 =	slt.u32 s8, $0xFFFFF086  }
0x1c: {  	p1 =	slt.u32 s9, $0xF7A;
	s5 =	simm.s32 @!p2 $0x0  }
0x1d: {  	s5 =	simm.s32 @p1 $0x1;
	p0 =	seq.s32 s7, s2  }
0x1e: {  	s7 =	smul.u32 @!p0 $0xF7A, s2;
	p2 =	seq.s32 @!p0 s5, $0x0  }
0x1f: {  	s9 =	smul.u32 $0xF7A, s1;
	s8 =	simm.s32 @!p0 $0x1BF5;
	p2 =	por !p2, p0  }
0x20: {  	[sflag:s8] =	ssyncset.s32 @!p0 $0xFFFFF086;
	s6 =	sadd.s32 @!p0 s3, s7;
	s7 =	simm.s32 @!p0 $0x108  }
0x21: {  	s3 =	sadd.s32 s3, s9;
	s6 =	sadd.s32 @!p0 $0x88, s6;
	s7 =	simm.s32 @p2 $0x1082  }
0x22: {  	[simem:s7], [sflag:s8] =	dma.local @!p0 [hbm:s6], $0xF7A  }
0x23: {  	s9 =	sor.u32 $0xD0000000, s2;
	s6 =	simm.s32 $0x108;
	_ =	swait.ge @!p0 [sflag:s8], $0x0  }
0x24: {  	s3 =	sadd.s32 $0x88, s3;
	s6 =	simm.s32 @!p1 $0x1082;
	[sflag:s4] =	ssyncset.s32 $0xFFFFF086  }
0x25: {  	[simem:s6], [sflag:s4] =	dma.local [hbm:s3], $0xF7A  }
0x26: {  	[smem:$0x3F9F] =	sst s1;
	(tag) =	ssettag s2;
	_ =	strace s9  }
0x27: {  	s1 =	sld [smem:$0x3FAF]  }
0x28: {  	s2 =	sld [smem:$0x3FB0]  }
0x29: {  	s4 =	sld [smem:$0x3FB2]  }
0x2a: {  	p0 =	seq.s32 s5, $0x0;
	s5 =	sld [smem:$0x3FB3]  }
0x2b: {  	s6 =	sld [smem:$0x3FB4]  }
0x2c: {  	s7 =	sld [smem:$0x3FB5]  }
0x2d: {  	s3 =	simm.s32 $0x108;
	s8 =	sld [smem:$0x3FB6]  }
0x2e: {  	s3 =	simm.s32 @!p0 $0x1082;
	s9 =	sld [smem:$0x3FB7]  }
0x2f: {  	lr =	sadd.s32 s0, s3;
	s0 =	sld [smem:$0x3FAE]  }
0x30: {  	s3 =	sld [smem:$0x3FB1]  }
0x31: {  	[smem:$0x3FBA] =	sst s10  }
0x32: {  	s10 =	sld [smem:$0x3FB8];
	_ =	sdelay $0x3  }
0x33: {  	p0 =	seq.s32 s10, $0x1;
	s10 =	sld [smem:$0x3FBA];
	_ =	sdelay $0x3  }
0x34: {  	[smem:$0x3FBA] =	sst s10  }
0x35: {  	s10 =	sld [smem:$0x3FB9];
	_ =	sdelay $0x3  }
0x36: {  	p1 =	seq.s32 s10, $0x1;
	s10 =	sld [smem:$0x3FBA];
	_ =	sdelay $0x3  }
0x37: {  	[smem:$0x3FBA] =	sst s10  }
0x38: {  	s10 =	sld [smem:$0x3FBB]  }
0x39: {  	_ = 	snop;
	(pc) =	sbr.ind lr, $3  }
0x3a: {  	_ = 	snop  }
0x3b: {  	_ = 	snop  }
0x3c: {  	p2 =	seq.s32 s10, $0x1;
	s10 =	sld [smem:$0x3FBA]  }
0x3d: {  	_ =	shalt  }
0x3e: {  	_ =	shalt  }
0x3f: {  	_ =	shalt  }
0x40: {  	_ =	shalt  }
0x41: {  	_ =	shalt  }
0x42: {  	_ =	shalt  }
0x43: {  	_ =	shalt  }
0x44: {  	_ =	shalt  }
0x45: {  	_ =	shalt  }
0x46: {  	_ =	shalt  }
0x47: {  	_ =	shalt  }
0x48: {  	_ =	shalt  }
0x49: {  	_ =	shalt  }
0x4a: {  	_ =	shalt  }
0x4b: {  	_ =	shalt  }
0x4c: {  	_ =	shalt  }
0x4d: {  	_ =	shalt  }
0x4e: {  	_ =	shalt  }
0x4f: {  	_ =	shalt  }
0x50: {  	_ =	shalt  }
0x51: {  	_ =	shalt  }
0x52: {  	_ =	shalt  }
0x53: {  	_ =	shalt  }
0x54: {  	_ =	shalt  }
0x55: {  	_ =	shalt  }
0x56: {  	_ =	shalt  }
0x57: {  	_ =	shalt  }
0x58: {  	_ =	shalt  }
0x59: {  	_ =	shalt  }
0x5a: {  	_ =	shalt  }
0x5b: {  	_ =	shalt  }
0x5c: {  	_ =	shalt  }
0x5d: {  	_ =	shalt  }
0x5e: {  	_ =	shalt  }
0x5f: {  	_ =	shalt  }
0x60: {  	_ =	shalt  }
0x61: {  	_ =	shalt  }
0x62: {  	_ =	shalt  }
0x63: {  	_ =	shalt  }
0x64: {  	_ =	shalt  }
0x65: {  	_ =	shalt  }
0x66: {  	_ =	shalt  }
0x67: {  	_ =	shalt  }
0x68: {  	_ =	shalt  }
0x69: {  	_ =	shalt  }
0x6a: {  	_ =	shalt  }
0x6b: {  	_ =	shalt  }
0x6c: {  	_ =	shalt  }
0x6d: {  	_ =	shalt  }
0x6e: {  	_ =	shalt  }
0x6f: {  	_ =	shalt  }
0x70: {  	_ =	shalt  }
0x71: {  	_ =	shalt  }
0x72: {  	_ =	shalt  }
0x73: {  	_ =	shalt  }
0x74: {  	_ =	shalt  }
0x75: {  	_ =	shalt  }
0x76: {  	_ =	shalt  }
0x77: {  	_ =	shalt  }
0x78: {  	_ =	shalt  }
0x79: {  	_ =	shalt  }
0x7a: {  	_ =	shalt  }
0x7b: {  	_ =	shalt  }
0x7c: {  	_ =	shalt  }
0x7d: {  	_ =	shalt  }
0x7e: {  	_ =	shalt  }
0x7f: {  	_ =	shalt  }
0x80: {  	_ =	shalt  }
0x81: {  	_ =	shalt  }
0x82: {  	_ =	shalt  }
0x83: {  	_ =	shalt  }
0x84: {  	_ =	shalt  }
0x85: {  	_ =	shalt  }
0x86: {  	_ =	shalt  }
0x87: {  	_ =	shalt  }
.Lfunc_end0:
.L_simem_size_0:
called_computation_lowered:
.L_overlay_start_0:
0x88: {  	s2 =	sld [smem:$0x3FD9]  }
0x89: {  	s3 =	sld [smem:$0x3FFE];
	_ =	sdelay $0x1  }
0x8a: {  	s1 =	srdreg.scid  }
0x8b: {  	s0 =	sand.u32 $0x1, s1  }
0x8c: {  	s16 =	sshll.u32 s0, $0xA;
	s2 =	sadd.s32 s3, s2  }
0x8d: {  	s2 =	sadd.s32 s2, s16  }
0x8e: {  	[smem:$0x3FC6] =	sst s2  }
0x8f: {  	_ = 	snop  }
0x90: {  	(tm) =	ssettm $0x1  }
0x91: {  	s17 =	sld [smem:$0x3FFB];
	_ =	sdelay $0x3  }
0x92: {  	_ =	strace s17  }
0x93: {  	s2 =	sld [smem:$0x3FFC];
	_ =	sdelay $0x3  }
0x94: {  	_ =	strace s2  }
0x95: {  	s2 =	sld [smem:$0x3FFD];
	_ =	sdelay $0x3  }
0x96: {  	_ =	strace s2  }
0x97: {  	_ =	strace $0x8FFFFFFF  }
0x98: {  	s18 =	sld [smem:$0x3FDB];
	_ =	sdelay $0x1  }
0x99: {  	s19 =	simm.s32 $_scs_section_size  }
0x9a: {  	s4 =	simm.s32 $_size__tile_overlayer_lowered;
	s5 =	simm.s32 $_tile_overlayer_lowered  }
0x9b: {  	s22 =	simm.s32 $0x1BFF;
	s21 =	sshll.u32 s5, $0x1;
	s2 =	sadd.s32 s19, s18  }
0x9c: {  	s6 =	simm.s32 $0x0;
	s20 =	sshll.u32 s4, $0x1;
	s4 =	sadd.s32 s21, s2  }
0x9d: {  	[timem:s6], [sflag:s22] =	dma.local [hbm:s4], s20  }
0x9e: {  	_ =	swait.ge [sflag:s22], s20  }
0x9f: {  	s3 =	ssub.s32 $0x0, s20;
	[sflag:s22] =	ssyncset.done $0x0  }
0xa0: {  	[sflag:s22] =	ssyncadd.s32 s3;
	_ =	sdelay $0x1  }
0xa1: {  	s23 =	simm.s32 $0x1B8B  }
0xa2: {  	_ =	swait.ge [sflag:s23], $0x1  }
0xa3: {  	[sflag:s23] =	ssyncset.done $0x0  }
0xa4: {  	s25 =	simm.s32 $0x1B8E;
	s24 =	sld [smem:$0x3FFE];
	[sflag:s23] =	ssyncadd.s32 $0xFFFFFFFF  }
0xa5: {  	s26 =	simm.s32 $execute0_lowered;
	[smem:$0x3FD2] =	sst s25  }
0xa6: {  	s4 =	sshll.u32 s26, $0x1;
	_ =	strace $0x80000046;
	[dreg:$0x1] =	wrdreg $0xFFFFFFFF  }
0xa7: {  	s28 =	simm.s32 $_size_execute0_lowered;
	s2 =	sadd.s32 s2, s4;
	[dreg:$0x0] =	wrdreg $0x0  }
0xa8: {  	s4 =	sshll.u32 s28, $0x1;
	[dreg:$0x2] =	wrdreg s2  }
0xa9: {  	[dreg:$0x3] =	wrdreg s4  }
0xaa: {  	[dreg:$0x4] =	wrdreg $0xC0  }
0xab: {  	_ =	task [dreg:s6], $0x5FFFF  }
0xac: {  	[dreg:$0x1] =	wrdreg $0xFFFFFFFF  }
0xad: {  	[dreg:$0x0] =	wrdreg $0x60  }
0xae: {  	[dreg:$0x2] =	wrdreg s24  }
0xaf: {  	[dreg:$0x3] =	wrdreg $0x7B200  }
0xb0: {  	[dreg:$0x4] =	wrdreg $0x9  }
0xb1: {  	_ =	task.clear_ibuf [dreg:s6], $0x5FFFF;
	_ =	strace $0x90000046  }
0xb2: {  	s29 =	simm.s32 $0x9;
	_ =	strace $0x80000048  }
0xb3: {  	_ =	swait.ge [sflag:s29], $0x1  }
0xb4: {  	[sflag:s29] =	ssyncadd.s32 $0xFFFFFFFF  }
0xb5: {  	_ =	strace $0x90000048  }
0xb6: {  	_ =	sfence  }
0xb7: {  	s30 =	sld [smem:$0x0];
	_ =	sdelay $0x2  }
0xb8: {  	s31 =	sshll.u32 s1, $0xD;
	s1 =	sshrl.u32 s1, $0x2  }
0xb9: {  	s3 =	sand.u32 $0x4000, s31;
	s1 =	sadd.s32 s1, s30  }
0xba: {  	s0 =	sor.u32 s3, s0;
	s1 =	sshll.u32 s1, $0x11  }
0xbb: {  	s0 =	sor.u32 s1, s0  }
0xbc: {  	s0 =	sadd.s32 $0x8F2B, s0  }
0xbd: {  	[sflag:s0] =	ssyncadd.remote.s32 $0x1  }
0xbe: {  	_ =	sfence.sel $0xFFFF  }
0xbf: {  	[dreg:$0x0] =	wrdreg $0xFFFFFFFF;
	(pc) =	sbr.abs _section_cstart, $3  }
0xc0: {  	[dreg:$0x1] =	wrdreg $0xFFFFFFFF  }
0xc1: {  	_ =	task.clear_ibuf [dreg:s6], $0x2FFFF;
	_ =	strace $0x9FFFFFFF  }
0xc2: {  	(tm) =	ssettm $0x7FFFFFFF  }
0xc3: {  	_ =	shalt  }
tec
execute0_lowered:
.L_overlay_start_1:
0x0: {  	(tag) =	ssettag $0x1  }
0x1: {  	s5 =	rddreg [dreg:$0x0]  }
0x2: {  	s2 =	rddreg [dreg:$0x1]  }
0x3: {  	s0 =	rddreg [dreg:$0x2];
	s3 =	simm.s32 $0x0;
	s1 =	stileid.u32  }
0x4: {  	s4 =	srdreg.scid;
	s14 =	simm.s32 $0x50;
	s15 =	simm.s32 $0x4E20  }
0x5: {  	s16 =	simm.s32 $0x1;
	s17 =	simm.s32 $0x0;
	[smem:$0x7FF] =	sst s3  }
0x6: {  	s6 =	smul.u32 $0x16800, s1;
	s7 =	sand.u32 $0x1, s4;
	s4 =	sadd.s32 $0x13C00, s5  }
0x7: {  	s31 =	sshll.u32 s1, $0x6;
	_ =	strace $0x80000047;
	s8 =	smul.u32 $0x168000, s7  }
0x8: {  	s10 =	sshll.u32 s7, $0x4;
	s7 =	ssub.s32 $0x2, s7;
	s9 =	sshrl.u32 s6, $0x3  }
0x9: {  	s10 =	sor.u32 s1, s10;
	s11 =	sshrl.u32 s7, $0x1;
	s13 =	sadd.s32 s6, s2  }
0xa: {  	s8 =	sadd.s32 s6, s8;
	s10 =	smul.u32 $0x4E2, s10;
	s9 =	sadd.s32 s9, s5  }
0xb: {  	s11 =	ssub.s32 s7, s11;
	s7 =	sor.u32 $0x1C02, s31;
	s8 =	sshrl.u32 s8, $0x3  }
0xc: {  	s6 =	sadd.s32 $0x3FC00, s9;
	s12 =	sadd.s32 s8, s5;
	s5 =	sadd.s32 s5, s10  }
0xd: {  	s10 =	smax.u32 s11, $0x1;
	s11 =	sshrl.u32 s13, $0x3;
	s13 =	simm.s32 $0x2710  }
0xe: {  	s8 =	sadd.s32 $0x9E00, s5;
	s9 =	sadd.s32 $0x6CC00, s12;
	s12 =	simm.s32 $0x2  }
.LBB2_1:
0xf: {  	[spmem:s11], [sflag:s7] =	dma.local [hbm:s6], $0x2D00  }
0x10: {  	_ =	swait.ge [sflag:s12], $0x2D00  }
0x11: {  	[sflag:s12] =	ssyncset.done $0x0  }
0x12: {  	[sflag:s12] =	ssyncadd.s32 $0xFFFFD300  }
0x13: {  	[tilespmem:s3], [sflag:$0x2] =	stream.linear.gather [hbm4b:s8+s3], $0x2710, $0x38;
	[tilespmem:$0x1E320] =	vst v63  }
0x14: {  	_ =	swait.ge [sflag:s12], $0x2710  }
0x15: {  	[sflag:s12] =	ssyncset.done $0x0  }
0x16: {  	[sflag:s12] =	ssyncadd.s32 $0xFFFFD8F0  }
0x17: {  	[tilespmem:s13], [sflag:$0x2] =	stream.linear.gather [hbm4b:s5+s3], $0x2710, $0x38;
	[tilespmem:$0x1E320] =	vst v63  }
0x18: {  	_ =	swait.ge [sflag:s12], $0x2710  }
0x19: {  	[sflag:s12] =	ssyncset.done $0x0  }
0x1a: {  	[sflag:s12] =	ssyncadd.s32 $0xFFFFD8F0  }
0x1b: {  	s18 =	simm.s32 $0x2710;
	[bflag:$0x0] =	sbarrier.arrive $0xFFFF  }
0x1c: {  	[tilespmem:s15], [sflag:$0x1] =	stream.indirect.gather [hbm4b:s4+s14], $0x90, s18, s14, $0xb8;
	[tilespmem:$0x1E320] =	vst v63  }
0x1d: {  	_ =	swait.ge [sflag:s16], $0x2D00  }
0x1e: {  	[sflag:s16] =	ssyncset.done $0x0  }
0x1f: {  	s31 =	simm.s32 $0x0;
	[sflag:s16] =	ssyncadd.s32 $0xFFFFD300  }
0x20: {  	[spmem:s2] =	stream.indirect.scatter.add.f32 [tilespmem:s15], [sflag:$0x2], $0x90, s31, s14, $0xb8;
	[tilespmem:$0x1E320] =	vst v63  }
0x21: {  	_ =	swait.ge [sflag:s12], $0x2D00  }
0x22: {  	s19 =	simm.s32 $0x280;
	s18 =	simm.s32 $0x50;
	[sflag:s12] =	ssyncset.done $0x0  }
.LBB2_2:
0x23: {  	s20 =	sadd.s32 $0x2710, s18  }
0x24: {  	[sflag:s12] =	ssyncadd.s32 $0xFFFFD300;
	s21 =	smov.u32 s19;
	s22 =	sadd.s32 $0x140, s19  }
0x25: {  	[tilespmem:s15], [sflag:$0x1] =	stream.indirect.gather [hbm4b:s4+s14], $0x90, s20, s14, $0xb8;
	[tilespmem:$0x1E320] =	vst v63  }
0x26: {  	p0 =	sne.s32 s19, $0x9B00;
	_ =	swait.ge [sflag:s16], $0x2D00  }
.Ltmp0:
0x27: {  	[sflag:s16] =	ssyncset.done $0x0;
	(pc) =	sbr.rel @p0 .LBB2_2-.Ltmp0, $4  }
0x28: {  	[sflag:s16] =	ssyncadd.s32 $0xFFFFD300  }
0x29: {  	[spmem:s2] =	stream.indirect.scatter.add.f32 [tilespmem:s15], [sflag:$0x2], $0x90, s18, s14, $0xb8;
	[tilespmem:$0x1E320] =	vst v63  }
0x2a: {  	_ =	swait.ge [sflag:s12], $0x2D00  }
0x2b: {  	s19 =	smov.u32 s22;
	s18 =	sshra.s32 s21, $0x2;
	[sflag:s12] =	ssyncset.done $0x0  }
0x2c: {  	s19 =	sadd.s32 $0x2710, s18;
	[sflag:s12] =	ssyncadd.s32 $0xFFFFD300  }
0x2d: {  	[tilespmem:s15], [sflag:$0x1] =	stream.indirect.gather [hbm4b:s4+s14], $0x90, s19, s14, $0xb8;
	[tilespmem:$0x1E320] =	vst v63  }
0x2e: {  	_ =	swait.ge [sflag:s16], $0x2D00  }
0x2f: {  	[sflag:s16] =	ssyncset.done $0x0  }
0x30: {  	[sflag:s16] =	ssyncadd.s32 $0xFFFFD300  }
0x31: {  	[spmem:s2] =	stream.indirect.scatter.add.f32 [tilespmem:s15], [sflag:$0x2], $0x90, s18, s14, $0xb8;
	[tilespmem:$0x1E320] =	vst v63  }
0x32: {  	_ =	swait.ge [sflag:s12], $0x2D00  }
0x33: {  	s17 =	sadd.s32 $0x1, s17;
	[sflag:s12] =	ssyncset.done $0x0  }
0x34: {  	p0 =	sne.s32 s17, s10;
	[sflag:s12] =	ssyncadd.s32 $0xFFFFD300  }
.Ltmp1:
0x35: {  	[bflag:$0x0] =	sbarrier.arrive $0xFFFF;
	(pc) =	sbr.rel @p0 .LBB2_1-.Ltmp1, $4  }
0x36: {  	[hbm:s9], [sflag:s7] =	dma.local [spmem:s11], $0x2D00  }
0x37: {  	_ =	swait.ge [sflag:s12], $0x2D00  }
0x38: {  	[sflag:s12] =	ssyncset.done $0x0  }
0x39: {  	[sflag:s12] =	ssyncadd.s32 $0xFFFFD300  }
0x3a: {  	_ =	sfence.sel $0x180000  }
0x3b: {  	[bflag:$0x0] =	sbarrier.arrive $0xFFFF  }
0x3c: {  	p0 =	sne.s32 s1, $0x0;
	_ =	strace $0x90000047  }
0x3d: {  	s0 =	sadd.s32 @!p0 $0x100000, s0;
	[bflag:$0x2] =	sbarrier.arrive $0xFFFF  }
0x3e: {  	[sflag:s0] =	ssyncadd.tile.s32 @!p0 $0x1;
	_ =	shalt  }
.Lfunc_end2:
_tile_overlayer_lowered:
.L_overlay_start_2:
0x3f: {  	(tag) =	ssettag $0x2  }
0x40: {  	s0 =	rddreg [dreg:$0x0];
	s2 =	stileid.u32  }
0x41: {  	s1 =	rddreg [dreg:$0x1];
	p0 =	sne.s32 s2, $0x0  }
0x42: {  	s3 =	rddreg [dreg:$0x2];
	[bflag:$0x3] =	sbarrier.arrive $0xFFFF;
	s2 =	simm.s32 @!p0 $0x1C02  }
0x43: {  	[timem:s3], [sflag:s2] =	dma.local @!p0 [hbm:s0], s1  }
0x44: {  	s0 =	simm.s32 @!p0 $0x2  }
0x45: {  	_ =	swait.ge @!p0 [sflag:s0], s1  }
0x46: {  	s1 =	ssub.s32 @!p0 $0x0, s1;
	[sflag:s0] =	ssyncset.done @!p0 $0x0  }
0x47: {  	[sflag:s0] =	ssyncadd.s32 @!p0 s1  }
0x48: {  	[bflag:$0x3] =	sbarrier.arrive $0xFFFF  }
0x49: {  	_ =	shalt  }

</sc_bundles>
